<compile_context>
chip_gen: v7x
topology: tpu7x:2x2x1
jax: 0.10.2.dev20260603
libtpu: 0.0.44.dev20260713+nightly
codegen_flags: <defaults>
</compile_context>

<pallas_src>
import functools

import jax
import jax.numpy as jnp
from jax import lax
from jax.experimental import pallas as pl
from jax.experimental.pallas import tpu as pltpu
from jax.experimental.pallas import tpu_sc as plsc

_NUM_BLUEPRINTS = 100000
_NULL_IDX = _NUM_BLUEPRINTS
_D = 64
_NC = 2
_NS = 16
_NW = _NC * _NS
_BATCH = 4096
_SLOTS = 26
_BPW = _BATCH // _NW


@functools.partial(
    pl.kernel,
    out_type=jax.ShapeDtypeStruct((_SLOTS, _D, _BATCH), jnp.float32),
    mesh=plsc.VectorSubcoreMesh(core_axis_name="c", subcore_axis_name="s"),
    scratch_types=[
        pltpu.VMEM((_SLOTS, _BPW), jnp.int32),
        pltpu.VMEM((2, _BPW, _D), jnp.float32),
        pltpu.VMEM((2, _D, _BPW), jnp.float32),
        pltpu.SemaphoreType.DMA,
        pltpu.SemaphoreType.DMA,
        pltpu.SemaphoreType.DMA,
    ],
    compiler_params=pltpu.CompilerParams(use_tc_tiling_on_sc=False,
                                         needs_layout_passes=False),
)
def _sc_gather(idx_hbm, table_hbm, out_hbm, idx_v, g_v, gt_v, gsem, ssem0,
               ssem1):
    wid = lax.axis_index("s") * _NC + lax.axis_index("c")
    b0 = wid * _BPW

    pltpu.sync_copy(idx_hbm.at[:, pl.ds(b0, _BPW)], idx_v)

    def _remap(j, carry):
        for i in range(_BPW // 16):
            v = idx_v[j, pl.ds(i * 16, 16)]
            u = jnp.minimum(plsc.bitcast(v, jnp.uint32), jnp.uint32(_NULL_IDX))
            idx_v[j, pl.ds(i * 16, 16)] = plsc.bitcast(u, jnp.int32)
        return carry

    lax.fori_loop(0, _SLOTS, _remap, 0)

    iota16 = lax.iota(jnp.int32, 16)
    diag = [(iota16 + k) & 15 for k in range(16)]
    ssems = (ssem0, ssem1)

    def _fire_gather(s, p):
        pltpu.async_copy(table_hbm.at[idx_v.at[s]], g_v.at[p], gsem)

    def _wait_gather(s, p):
        pltpu.make_async_copy(table_hbm.at[idx_v.at[s]], g_v.at[p],
                              gsem).wait()

    def _fire_store(s, p):
        pltpu.async_copy(gt_v.at[p], out_hbm.at[s, :, pl.ds(b0, _BPW)],
                         ssems[p])

    def _wait_store(s, p):
        pltpu.make_async_copy(gt_v.at[p], out_hbm.at[s, :, pl.ds(b0, _BPW)],
                              ssems[p]).wait()

    def _transpose(p):
        def _tb(t, c2):
            b0 = t * 16
            rowv = iota16 + b0
            for d0 in range(0, _D, 16):
                loaded = []
                for k in range(16):
                    colv = diag[k] + d0
                    loaded.append(
                        (colv, plsc.load_gather(g_v.at[p], [rowv, colv])))
                for colv, v in loaded:
                    plsc.store_scatter(gt_v.at[p], [colv, rowv], v)
            return c2

        lax.fori_loop(0, _BPW // 16, _tb, 0)

    _fire_gather(0, 0)

    def _pipe(t, carry):
        for u in range(2):
            s = 2 * t + u
            p = u
            _wait_gather(s, p)

            @pl.when(s + 1 < _SLOTS)
            def _():
                _fire_gather(s + 1, 1 - p)

            @pl.when(s >= 2)
            def _():
                _wait_store(s - 2, p)

            _transpose(p)
            _fire_store(s, p)
        return carry

    lax.fori_loop(0, _SLOTS // 2, _pipe, 0)
    _wait_store(_SLOTS - 2, 0)
    _wait_store(_SLOTS - 1, 1)


def kernel(blueprint_indices, table):
    idx_t = blueprint_indices.T.astype(jnp.int32)
    p = _sc_gather(idx_t, table)
    return lax.transpose(p, (2, 0, 1))

# --- scband reference (transcript-rebuilt; emitter-appended) ---
"""Pipeline reference for scband-blueprint-embedding-75986561401426 (READ-ONLY COPY).

The authoritative reference and input builder live on the scoring server;
editing this copy changes nothing except your own understanding.
"""

import jax, jax.numpy as jnp
import numpy as np

NUM_BLUEPRINTS = 100000
EMBED_DIM = 64
NULL_IDX = NUM_BLUEPRINTS  # -1 maps to the extra null row at index num_blueprints


def setup_inputs(seed: int = 0) -> dict:
    key = jax.random.key(seed)
    k_idx, k_tab = jax.random.split(key)
    blueprint_indices = jax.random.randint(k_idx, (4096, 26), 0, NUM_BLUEPRINTS, dtype=jnp.int64) if jax.config.jax_enable_x64 else jax.random.randint(k_idx, (4096, 26), 0, NUM_BLUEPRINTS).astype(jnp.int32)
    # embedding table sized (num_blueprints + 1, embed_dim), init N(0, 0.02)
    table = jax.random.normal(k_tab, (NUM_BLUEPRINTS + 1, EMBED_DIM), dtype=jnp.float32) * 0.02
    return {"blueprint_indices": blueprint_indices, "table": table}


def reference(blueprint_indices, table):
    # -1 (inactive slot) -> trainable null embedding at row NULL_IDX
    safe_idx = jnp.where(blueprint_indices == -1, NULL_IDX, blueprint_indices)
    return jnp.take(table, safe_idx, axis=0)

if __name__ == "__main__":
    import jax
    _d = setup_inputs()
    print(jax.jit(kernel)(*tuple(_d.values())))

</pallas_src>

<mosaic_0001>
#map = affine_map<(d0, d1) -> (0, 0)>
#map1 = affine_map<(d0, d1) -> (0, 0, 0)>
module attributes {stable_mosaic.version = 14 : i64} {
  func.func @_sc_gather(%arg0: i32, %arg1: i32, %arg2: memref<26x4096xi32, #tpu.memory_space<hbm>>, %arg3: memref<100001x64xf32, #tpu.memory_space<hbm>>, %arg4: memref<26x64x4096xf32, #tpu.memory_space<hbm>>, %arg5: memref<26x128xi32, #tpu.memory_space<vmem>>, %arg6: memref<2x128x64xf32, #tpu.memory_space<vmem>>, %arg7: memref<2x64x128xf32, #tpu.memory_space<vmem>>, %arg8: memref<!tpu.dma_semaphore, #tpu.memory_space<semaphore_mem>>, %arg9: memref<!tpu.dma_semaphore, #tpu.memory_space<semaphore_mem>>, %arg10: memref<!tpu.dma_semaphore, #tpu.memory_space<semaphore_mem>>) attributes {dimension_semantics = [#tpu.dimension_semantics<core_parallel>, #tpu.dimension_semantics<subcore_parallel>], iteration_bounds = array<i64: 2, 16>, scalar_prefetch = 0 : i64, scratch_operands = 6 : i64, tpu.core_type = #tpu.core_type<sc_vector_subcore>, window_params = [{transform_indices = #map}, {transform_indices = #map}, {transform_indices = #map1}]} {
    %mul3A = arith.constant 2 : i32
    %mul3A_0 = arith.muli %arg1, %mul3A : i32
    %add3A = arith.addi %mul3A_0, %arg0 : i32
    %mul3A_1 = arith.constant 128 : i32
    %mul3A_2 = arith.muli %add3A, %mul3A_1 : i32
    "tpu.region"() ({
      %run_scoped3A = tpu.sem_alloc : memref<!tpu.dma_semaphore, #tpu.memory_space<semaphore_mem>>
      %dma_start3A_151 = arith.constant 0 : i32
      %dma_start3A_152 = tpu.memref_slice %arg2[%dma_start3A_151, %mul3A_2] : memref<26x4096xi32, #tpu.memory_space<hbm>> -> memref<26x128xi32, #tpu.memory_space<hbm>>
      %dma_start3A_153 = arith.constant 0 : i32
      %dma_start3A_154 = tpu.memref_slice %arg2[%dma_start3A_153, %mul3A_2] : memref<26x4096xi32, #tpu.memory_space<hbm>> -> memref<26x128xi32, #tpu.memory_space<hbm>>
      tpu.enqueue_dma source(%dma_start3A_154 : memref<26x128xi32, #tpu.memory_space<hbm>>) target(%arg5 : memref<26x128xi32, #tpu.memory_space<vmem>>) target_semaphore(%run_scoped3A : memref<!tpu.dma_semaphore, #tpu.memory_space<semaphore_mem>>)
      %dma_wait3A_155 = arith.constant 0 : i32
      %dma_wait3A_156 = tpu.memref_slice %arg2[%dma_wait3A_155, %mul3A_2] : memref<26x4096xi32, #tpu.memory_space<hbm>> -> memref<26x128xi32, #tpu.memory_space<hbm>>
      %dma_wait3A_157 = arith.constant 0 : i32
      %dma_wait3A_158 = tpu.memref_slice %arg2[%dma_wait3A_157, %mul3A_2] : memref<26x4096xi32, #tpu.memory_space<hbm>> -> memref<26x128xi32, #tpu.memory_space<hbm>>
      tpu.wait_dma2 semaphore(%run_scoped3A : memref<!tpu.dma_semaphore, #tpu.memory_space<semaphore_mem>>) src(%dma_wait3A_158 : memref<26x128xi32, #tpu.memory_space<hbm>>) dst(%arg5 : memref<26x128xi32, #tpu.memory_space<vmem>>)
      tpu.yield
    }) : () -> ()
    %scan3A = arith.constant 0 : i32
    %scan3A_3 = arith.constant 0 : i32
    %scan3A_4 = arith.constant 26 : i32
    %scan3A_5 = arith.addi %scan3A_3, %scan3A_4 : i32
    %scan3A_6 = arith.constant 1 : i32
    scf.for %scan3A_151 = %scan3A_3 to %scan3A_5 step %scan3A_6  : i32 {
      %get3A = arith.index_cast %scan3A_151 : i32 to index
      %get3A_152 = arith.constant 0 : index
      %get3A_153 = tpu.vector_load %arg5[%get3A, %get3A_152] {strides = array<i32>} : memref<26x128xi32, #tpu.memory_space<vmem>>, vector<16xi32>,
      %bitcast3A = vector.bitcast %get3A_153 : vector<16xi32> to vector<16xi32>
      %min3A = arith.constant 100000 : i32
      %min3A_154 = vector.broadcast %min3A : i32 to vector<16xi32>
      %min3A_155 = arith.minui %bitcast3A, %min3A_154 : vector<16xi32>
      %bitcast3A_156 = vector.bitcast %min3A_155 : vector<16xi32> to vector<16xi32>
      %swap3A = arith.index_cast %scan3A_151 : i32 to index
      %swap3A_157 = arith.constant 0 : index
      %swap3A_158 = tpu.vector_load %arg5[%swap3A, %swap3A_157] {strides = array<i32>} : memref<26x128xi32, #tpu.memory_space<vmem>>, vector<16xi32>,
      tpu.vector_store %arg5[%swap3A, %swap3A_157], %bitcast3A_156 {strides = array<i32>} : memref<26x128xi32, #tpu.memory_space<vmem>>, vector<16xi32>,
      %get3A_159 = arith.index_cast %scan3A_151 : i32 to index
      %get3A_160 = arith.constant 16 : index
      %get3A_161 = tpu.vector_load %arg5[%get3A_159, %get3A_160] {strides = array<i32>} : memref<26x128xi32, #tpu.memory_space<vmem>>, vector<16xi32>,
      %bitcast3A_162 = vector.bitcast %get3A_161 : vector<16xi32> to vector<16xi32>
      %min3A_163 = arith.constant 100000 : i32
      %min3A_164 = vector.broadcast %min3A_163 : i32 to vector<16xi32>
      %min3A_165 = arith.minui %bitcast3A_162, %min3A_164 : vector<16xi32>
      %bitcast3A_166 = vector.bitcast %min3A_165 : vector<16xi32> to vector<16xi32>
      %swap3A_167 = arith.index_cast %scan3A_151 : i32 to index
      %swap3A_168 = arith.constant 16 : index
      %swap3A_169 = tpu.vector_load %arg5[%swap3A_167, %swap3A_168] {strides = array<i32>} : memref<26x128xi32, #tpu.memory_space<vmem>>, vector<16xi32>,
      tpu.vector_store %arg5[%swap3A_167, %swap3A_168], %bitcast3A_166 {strides = array<i32>} : memref<26x128xi32, #tpu.memory_space<vmem>>, vector<16xi32>,
      %get3A_170 = arith.index_cast %scan3A_151 : i32 to index
      %get3A_171 = arith.constant 32 : index
      %get3A_172 = tpu.vector_load %arg5[%get3A_170, %get3A_171] {strides = array<i32>} : memref<26x128xi32, #tpu.memory_space<vmem>>, vector<16xi32>,
      %bitcast3A_173 = vector.bitcast %get3A_172 : vector<16xi32> to vector<16xi32>
      %min3A_174 = arith.constant 100000 : i32
      %min3A_175 = vector.broadcast %min3A_174 : i32 to vector<16xi32>
      %min3A_176 = arith.minui %bitcast3A_173, %min3A_175 : vector<16xi32>
      %bitcast3A_177 = vector.bitcast %min3A_176 : vector<16xi32> to vector<16xi32>
      %swap3A_178 = arith.index_cast %scan3A_151 : i32 to index
      %swap3A_179 = arith.constant 32 : index
      %swap3A_180 = tpu.vector_load %arg5[%swap3A_178, %swap3A_179] {strides = array<i32>} : memref<26x128xi32, #tpu.memory_space<vmem>>, vector<16xi32>,
      tpu.vector_store %arg5[%swap3A_178, %swap3A_179], %bitcast3A_177 {strides = array<i32>} : memref<26x128xi32, #tpu.memory_space<vmem>>, vector<16xi32>,
      %get3A_181 = arith.index_cast %scan3A_151 : i32 to index
      %get3A_182 = arith.constant 48 : index
      %get3A_183 = tpu.vector_load %arg5[%get3A_181, %get3A_182] {strides = array<i32>} : memref<26x128xi32, #tpu.memory_space<vmem>>, vector<16xi32>,
      %bitcast3A_184 = vector.bitcast %get3A_183 : vector<16xi32> to vector<16xi32>
      %min3A_185 = arith.constant 100000 : i32
      %min3A_186 = vector.broadcast %min3A_185 : i32 to vector<16xi32>
      %min3A_187 = arith.minui %bitcast3A_184, %min3A_186 : vector<16xi32>
      %bitcast3A_188 = vector.bitcast %min3A_187 : vector<16xi32> to vector<16xi32>
      %swap3A_189 = arith.index_cast %scan3A_151 : i32 to index
      %swap3A_190 = arith.constant 48 : index
      %swap3A_191 = tpu.vector_load %arg5[%swap3A_189, %swap3A_190] {strides = array<i32>} : memref<26x128xi32, #tpu.memory_space<vmem>>, vector<16xi32>,
      tpu.vector_store %arg5[%swap3A_189, %swap3A_190], %bitcast3A_188 {strides = array<i32>} : memref<26x128xi32, #tpu.memory_space<vmem>>, vector<16xi32>,
      %get3A_192 = arith.index_cast %scan3A_151 : i32 to index
      %get3A_193 = arith.constant 64 : index
      %get3A_194 = tpu.vector_load %arg5[%get3A_192, %get3A_193] {strides = array<i32>} : memref<26x128xi32, #tpu.memory_space<vmem>>, vector<16xi32>,
      %bitcast3A_195 = vector.bitcast %get3A_194 : vector<16xi32> to vector<16xi32>
      %min3A_196 = arith.constant 100000 : i32
      %min3A_197 = vector.broadcast %min3A_196 : i32 to vector<16xi32>
      %min3A_198 = arith.minui %bitcast3A_195, %min3A_197 : vector<16xi32>
      %bitcast3A_199 = vector.bitcast %min3A_198 : vector<16xi32> to vector<16xi32>
      %swap3A_200 = arith.index_cast %scan3A_151 : i32 to index
      %swap3A_201 = arith.constant 64 : index
      %swap3A_202 = tpu.vector_load %arg5[%swap3A_200, %swap3A_201] {strides = array<i32>} : memref<26x128xi32, #tpu.memory_space<vmem>>, vector<16xi32>,
      tpu.vector_store %arg5[%swap3A_200, %swap3A_201], %bitcast3A_199 {strides = array<i32>} : memref<26x128xi32, #tpu.memory_space<vmem>>, vector<16xi32>,
      %get3A_203 = arith.index_cast %scan3A_151 : i32 to index
      %get3A_204 = arith.constant 80 : index
      %get3A_205 = tpu.vector_load %arg5[%get3A_203, %get3A_204] {strides = array<i32>} : memref<26x128xi32, #tpu.memory_space<vmem>>, vector<16xi32>,
      %bitcast3A_206 = vector.bitcast %get3A_205 : vector<16xi32> to vector<16xi32>
      %min3A_207 = arith.constant 100000 : i32
      %min3A_208 = vector.broadcast %min3A_207 : i32 to vector<16xi32>
      %min3A_209 = arith.minui %bitcast3A_206, %min3A_208 : vector<16xi32>
      %bitcast3A_210 = vector.bitcast %min3A_209 : vector<16xi32> to vector<16xi32>
      %swap3A_211 = arith.index_cast %scan3A_151 : i32 to index
      %swap3A_212 = arith.constant 80 : index
      %swap3A_213 = tpu.vector_load %arg5[%swap3A_211, %swap3A_212] {strides = array<i32>} : memref<26x128xi32, #tpu.memory_space<vmem>>, vector<16xi32>,
      tpu.vector_store %arg5[%swap3A_211, %swap3A_212], %bitcast3A_210 {strides = array<i32>} : memref<26x128xi32, #tpu.memory_space<vmem>>, vector<16xi32>,
      %get3A_214 = arith.index_cast %scan3A_151 : i32 to index
      %get3A_215 = arith.constant 96 : index
      %get3A_216 = tpu.vector_load %arg5[%get3A_214, %get3A_215] {strides = array<i32>} : memref<26x128xi32, #tpu.memory_space<vmem>>, vector<16xi32>,
      %bitcast3A_217 = vector.bitcast %get3A_216 : vector<16xi32> to vector<16xi32>
      %min3A_218 = arith.constant 100000 : i32
      %min3A_219 = vector.broadcast %min3A_218 : i32 to vector<16xi32>
      %min3A_220 = arith.minui %bitcast3A_217, %min3A_219 : vector<16xi32>
      %bitcast3A_221 = vector.bitcast %min3A_220 : vector<16xi32> to vector<16xi32>
      %swap3A_222 = arith.index_cast %scan3A_151 : i32 to index
      %swap3A_223 = arith.constant 96 : index
      %swap3A_224 = tpu.vector_load %arg5[%swap3A_222, %swap3A_223] {strides = array<i32>} : memref<26x128xi32, #tpu.memory_space<vmem>>, vector<16xi32>,
      tpu.vector_store %arg5[%swap3A_222, %swap3A_223], %bitcast3A_221 {strides = array<i32>} : memref<26x128xi32, #tpu.memory_space<vmem>>, vector<16xi32>,
      %get3A_225 = arith.index_cast %scan3A_151 : i32 to index
      %get3A_226 = arith.constant 112 : index
      %get3A_227 = tpu.vector_load %arg5[%get3A_225, %get3A_226] {strides = array<i32>} : memref<26x128xi32, #tpu.memory_space<vmem>>, vector<16xi32>,
      %bitcast3A_228 = vector.bitcast %get3A_227 : vector<16xi32> to vector<16xi32>
      %min3A_229 = arith.constant 100000 : i32
      %min3A_230 = vector.broadcast %min3A_229 : i32 to vector<16xi32>
      %min3A_231 = arith.minui %bitcast3A_228, %min3A_230 : vector<16xi32>
      %bitcast3A_232 = vector.bitcast %min3A_231 : vector<16xi32> to vector<16xi32>
      %swap3A_233 = arith.index_cast %scan3A_151 : i32 to index
      %swap3A_234 = arith.constant 112 : index
      %swap3A_235 = tpu.vector_load %arg5[%swap3A_233, %swap3A_234] {strides = array<i32>} : memref<26x128xi32, #tpu.memory_space<vmem>>, vector<16xi32>,
      tpu.vector_store %arg5[%swap3A_233, %swap3A_234], %bitcast3A_232 {strides = array<i32>} : memref<26x128xi32, #tpu.memory_space<vmem>>, vector<16xi32>,
    }
    %scan3A_7 = arith.constant 26 : i32
    %iota3A = tpu.iota {dimensions = array<i32: 0>} : vector<16xi32>
    %add3A_8 = arith.constant 0 : i32
    %add3A_9 = vector.broadcast %add3A_8 : i32 to vector<16xi32>
    %add3A_10 = arith.addi %iota3A, %add3A_9 : vector<16xi32>
    %and3A = arith.constant 15 : i32
    %and3A_11 = vector.broadcast %and3A : i32 to vector<16xi32>
    %and3A_12 = arith.andi %add3A_10, %and3A_11 : vector<16xi32>
    %add3A_13 = arith.constant 1 : i32
    %add3A_14 = vector.broadcast %add3A_13 : i32 to vector<16xi32>
    %add3A_15 = arith.addi %iota3A, %add3A_14 : vector<16xi32>
    %and3A_16 = arith.constant 15 : i32
    %and3A_17 = vector.broadcast %and3A_16 : i32 to vector<16xi32>
    %and3A_18 = arith.andi %add3A_15, %and3A_17 : vector<16xi32>
    %add3A_19 = arith.constant 2 : i32
    %add3A_20 = vector.broadcast %add3A_19 : i32 to vector<16xi32>
    %add3A_21 = arith.addi %iota3A, %add3A_20 : vector<16xi32>
    %and3A_22 = arith.constant 15 : i32
    %and3A_23 = vector.broadcast %and3A_22 : i32 to vector<16xi32>
    %and3A_24 = arith.andi %add3A_21, %and3A_23 : vector<16xi32>
    %add3A_25 = arith.constant 3 : i32
    %add3A_26 = vector.broadcast %add3A_25 : i32 to vector<16xi32>
    %add3A_27 = arith.addi %iota3A, %add3A_26 : vector<16xi32>
    %and3A_28 = arith.constant 15 : i32
    %and3A_29 = vector.broadcast %and3A_28 : i32 to vector<16xi32>
    %and3A_30 = arith.andi %add3A_27, %and3A_29 : vector<16xi32>
    %add3A_31 = arith.constant 4 : i32
    %add3A_32 = vector.broadcast %add3A_31 : i32 to vector<16xi32>
    %add3A_33 = arith.addi %iota3A, %add3A_32 : vector<16xi32>
    %and3A_34 = arith.constant 15 : i32
    %and3A_35 = vector.broadcast %and3A_34 : i32 to vector<16xi32>
    %and3A_36 = arith.andi %add3A_33, %and3A_35 : vector<16xi32>
    %add3A_37 = arith.constant 5 : i32
    %add3A_38 = vector.broadcast %add3A_37 : i32 to vector<16xi32>
    %add3A_39 = arith.addi %iota3A, %add3A_38 : vector<16xi32>
    %and3A_40 = arith.constant 15 : i32
    %and3A_41 = vector.broadcast %and3A_40 : i32 to vector<16xi32>
    %and3A_42 = arith.andi %add3A_39, %and3A_41 : vector<16xi32>
    %add3A_43 = arith.constant 6 : i32
    %add3A_44 = vector.broadcast %add3A_43 : i32 to vector<16xi32>
    %add3A_45 = arith.addi %iota3A, %add3A_44 : vector<16xi32>
    %and3A_46 = arith.constant 15 : i32
    %and3A_47 = vector.broadcast %and3A_46 : i32 to vector<16xi32>
    %and3A_48 = arith.andi %add3A_45, %and3A_47 : vector<16xi32>
    %add3A_49 = arith.constant 7 : i32
    %add3A_50 = vector.broadcast %add3A_49 : i32 to vector<16xi32>
    %add3A_51 = arith.addi %iota3A, %add3A_50 : vector<16xi32>
    %and3A_52 = arith.constant 15 : i32
    %and3A_53 = vector.broadcast %and3A_52 : i32 to vector<16xi32>
    %and3A_54 = arith.andi %add3A_51, %and3A_53 : vector<16xi32>
    %add3A_55 = arith.constant 8 : i32
    %add3A_56 = vector.broadcast %add3A_55 : i32 to vector<16xi32>
    %add3A_57 = arith.addi %iota3A, %add3A_56 : vector<16xi32>
    %and3A_58 = arith.constant 15 : i32
    %and3A_59 = vector.broadcast %and3A_58 : i32 to vector<16xi32>
    %and3A_60 = arith.andi %add3A_57, %and3A_59 : vector<16xi32>
    %add3A_61 = arith.constant 9 : i32
    %add3A_62 = vector.broadcast %add3A_61 : i32 to vector<16xi32>
    %add3A_63 = arith.addi %iota3A, %add3A_62 : vector<16xi32>
    %and3A_64 = arith.constant 15 : i32
    %and3A_65 = vector.broadcast %and3A_64 : i32 to vector<16xi32>
    %and3A_66 = arith.andi %add3A_63, %and3A_65 : vector<16xi32>
    %add3A_67 = arith.constant 10 : i32
    %add3A_68 = vector.broadcast %add3A_67 : i32 to vector<16xi32>
    %add3A_69 = arith.addi %iota3A, %add3A_68 : vector<16xi32>
    %and3A_70 = arith.constant 15 : i32
    %and3A_71 = vector.broadcast %and3A_70 : i32 to vector<16xi32>
    %and3A_72 = arith.andi %add3A_69, %and3A_71 : vector<16xi32>
    %add3A_73 = arith.constant 11 : i32
    %add3A_74 = vector.broadcast %add3A_73 : i32 to vector<16xi32>
    %add3A_75 = arith.addi %iota3A, %add3A_74 : vector<16xi32>
    %and3A_76 = arith.constant 15 : i32
    %and3A_77 = vector.broadcast %and3A_76 : i32 to vector<16xi32>
    %and3A_78 = arith.andi %add3A_75, %and3A_77 : vector<16xi32>
    %add3A_79 = arith.constant 12 : i32
    %add3A_80 = vector.broadcast %add3A_79 : i32 to vector<16xi32>
    %add3A_81 = arith.addi %iota3A, %add3A_80 : vector<16xi32>
    %and3A_82 = arith.constant 15 : i32
    %and3A_83 = vector.broadcast %and3A_82 : i32 to vector<16xi32>
    %and3A_84 = arith.andi %add3A_81, %and3A_83 : vector<16xi32>
    %add3A_85 = arith.constant 13 : i32
    %add3A_86 = vector.broadcast %add3A_85 : i32 to vector<16xi32>
    %add3A_87 = arith.addi %iota3A, %add3A_86 : vector<16xi32>
    %and3A_88 = arith.constant 15 : i32
    %and3A_89 = vector.broadcast %and3A_88 : i32 to vector<16xi32>
    %and3A_90 = arith.andi %add3A_87, %and3A_89 : vector<16xi32>
    %add3A_91 = arith.constant 14 : i32
    %add3A_92 = vector.broadcast %add3A_91 : i32 to vector<16xi32>
    %add3A_93 = arith.addi %iota3A, %add3A_92 : vector<16xi32>
    %and3A_94 = arith.constant 15 : i32
    %and3A_95 = vector.broadcast %and3A_94 : i32 to vector<16xi32>
    %and3A_96 = arith.andi %add3A_93, %and3A_95 : vector<16xi32>
    %add3A_97 = arith.constant 15 : i32
    %add3A_98 = vector.broadcast %add3A_97 : i32 to vector<16xi32>
    %add3A_99 = arith.addi %iota3A, %add3A_98 : vector<16xi32>
    %and3A_100 = arith.constant 15 : i32
    %and3A_101 = vector.broadcast %and3A_100 : i32 to vector<16xi32>
    %and3A_102 = arith.andi %add3A_99, %and3A_101 : vector<16xi32>
    %dma_start3A = arith.constant 0 : i32
    %dma_start3A_103 = arith.constant 0 : i32
    %dma_start3A_104 = arith.constant 0 : i32
    %dma_start3A_105 = arith.constant 0 : i32
    %dma_start3A_106 = tpu.memref_slice %arg6[%dma_start3A_103, %dma_start3A_104, %dma_start3A_105] : memref<2x128x64xf32, #tpu.memory_space<vmem>> -> memref<1x128x64xf32, #tpu.memory_space<vmem>>
    %dma_start3A_107 = tpu.memref_squeeze %dma_start3A_106 : memref<1x128x64xf32, #tpu.memory_space<vmem>> -> memref<128x64xf32, #tpu.memory_space<vmem>>
    %dma_start3A_108 = arith.constant 0 : i32
    %dma_start3A_109 = tpu.memref_slice %arg5[%dma_start3A, %dma_start3A_108] : memref<26x128xi32, #tpu.memory_space<vmem>> -> memref<1x128xi32, #tpu.memory_space<vmem>>
    %dma_start3A_110 = tpu.memref_squeeze %dma_start3A_109 : memref<1x128xi32, #tpu.memory_space<vmem>> -> memref<128xi32, #tpu.memory_space<vmem>>
    %dma_start3A_111 = arith.constant 0 : i32
    %dma_start3A_112 = arith.constant 0 : i32
    %dma_start3A_113 = tpu.memref_slice %arg3[%dma_start3A_111, %dma_start3A_112] : memref<100001x64xf32, #tpu.memory_space<hbm>> -> memref<100001x64xf32, #tpu.memory_space<hbm>>
    tpu.enqueue_indirect_dma source(%dma_start3A_113 : memref<100001x64xf32, #tpu.memory_space<hbm>>) target(%dma_start3A_107 : memref<128x64xf32, #tpu.memory_space<vmem>>) offsets(%dma_start3A_110 : memref<128xi32, #tpu.memory_space<vmem>>) semaphore(%arg8 : memref<!tpu.dma_semaphore, #tpu.memory_space<semaphore_mem>>)
    %scan3A_114 = arith.constant 0 : i32
    %scan3A_115 = arith.constant 0 : i32
    %scan3A_116 = arith.constant 13 : i32
    %scan3A_117 = arith.addi %scan3A_115, %scan3A_116 : i32
    %scan3A_118 = arith.constant 1 : i32
    scf.for %scan3A_151 = %scan3A_115 to %scan3A_117 step %scan3A_118  : i32 {
      %mul3A_152 = arith.constant 2 : i32
      %mul3A_153 = arith.muli %mul3A_152, %scan3A_151 : i32
      %add3A_154 = arith.constant 0 : i32
      %add3A_155 = arith.addi %mul3A_153, %add3A_154 : i32
      %dma_wait3A_156 = arith.constant 0 : i32
      %dma_wait3A_157 = arith.constant 0 : i32
      %dma_wait3A_158 = arith.constant 0 : i32
      %dma_wait3A_159 = tpu.memref_slice %arg6[%dma_wait3A_156, %dma_wait3A_157, %dma_wait3A_158] : memref<2x128x64xf32, #tpu.memory_space<vmem>> -> memref<1x128x64xf32, #tpu.memory_space<vmem>>
      %dma_wait3A_160 = tpu.memref_squeeze %dma_wait3A_159 : memref<1x128x64xf32, #tpu.memory_space<vmem>> -> memref<128x64xf32, #tpu.memory_space<vmem>>
      %dma_wait3A_161 = arith.constant 0 : i32
      %dma_wait3A_162 = tpu.memref_slice %arg5[%add3A_155, %dma_wait3A_161] : memref<26x128xi32, #tpu.memory_space<vmem>> -> memref<1x128xi32, #tpu.memory_space<vmem>>
      %dma_wait3A_163 = tpu.memref_squeeze %dma_wait3A_162 : memref<1x128xi32, #tpu.memory_space<vmem>> -> memref<128xi32, #tpu.memory_space<vmem>>
      %dma_wait3A_164 = arith.constant 0 : i32
      %dma_wait3A_165 = arith.constant 0 : i32
      %dma_wait3A_166 = tpu.memref_slice %arg3[%dma_wait3A_164, %dma_wait3A_165] : memref<100001x64xf32, #tpu.memory_space<hbm>> -> memref<100001x64xf32, #tpu.memory_space<hbm>>
      tpu.wait_indirect_dma semaphore(%arg8 : memref<!tpu.dma_semaphore, #tpu.memory_space<semaphore_mem>>) src(%dma_wait3A_166 : memref<100001x64xf32, #tpu.memory_space<hbm>>) dst(%dma_wait3A_160 : memref<128x64xf32, #tpu.memory_space<vmem>>)
      %add3A_167 = arith.constant 1 : i32
      %add3A_168 = arith.addi %add3A_155, %add3A_167 : i32
      %lt3A = arith.constant 26 : i32
      %lt3A_169 = arith.cmpi slt, %add3A_168, %lt3A : i32
      %convert_element_type3A = arith.extui %lt3A_169 : i1 to i32
      %cond3A = arith.constant 0 : i32
      %cond3A_170 = arith.cmpi ne, %convert_element_type3A, %cond3A : i32
      scf.if %cond3A_170 {
        %add3A_244 = arith.constant 1 : i32
        %add3A_245 = arith.addi %add3A_155, %add3A_244 : i32
        %dma_start3A_246 = arith.constant 1 : i32
        %dma_start3A_247 = arith.constant 0 : i32
        %dma_start3A_248 = arith.constant 0 : i32
        %dma_start3A_249 = tpu.memref_slice %arg6[%dma_start3A_246, %dma_start3A_247, %dma_start3A_248] : memref<2x128x64xf32, #tpu.memory_space<vmem>> -> memref<1x128x64xf32, #tpu.memory_space<vmem>>
        %dma_start3A_250 = tpu.memref_squeeze %dma_start3A_249 : memref<1x128x64xf32, #tpu.memory_space<vmem>> -> memref<128x64xf32, #tpu.memory_space<vmem>>
        %dma_start3A_251 = arith.constant 0 : i32
        %dma_start3A_252 = tpu.memref_slice %arg5[%add3A_245, %dma_start3A_251] : memref<26x128xi32, #tpu.memory_space<vmem>> -> memref<1x128xi32, #tpu.memory_space<vmem>>
        %dma_start3A_253 = tpu.memref_squeeze %dma_start3A_252 : memref<1x128xi32, #tpu.memory_space<vmem>> -> memref<128xi32, #tpu.memory_space<vmem>>
        %dma_start3A_254 = arith.constant 0 : i32
        %dma_start3A_255 = arith.constant 0 : i32
        %dma_start3A_256 = tpu.memref_slice %arg3[%dma_start3A_254, %dma_start3A_255] : memref<100001x64xf32, #tpu.memory_space<hbm>> -> memref<100001x64xf32, #tpu.memory_space<hbm>>
        tpu.enqueue_indirect_dma source(%dma_start3A_256 : memref<100001x64xf32, #tpu.memory_space<hbm>>) target(%dma_start3A_250 : memref<128x64xf32, #tpu.memory_space<vmem>>) offsets(%dma_start3A_253 : memref<128xi32, #tpu.memory_space<vmem>>) semaphore(%arg8 : memref<!tpu.dma_semaphore, #tpu.memory_space<semaphore_mem>>)
      } else {
      }
      %ge3A = arith.constant 2 : i32
      %ge3A_171 = arith.cmpi sge, %add3A_155, %ge3A : i32
      %convert_element_type3A_172 = arith.extui %ge3A_171 : i1 to i32
      %cond3A_173 = arith.constant 0 : i32
      %cond3A_174 = arith.cmpi ne, %convert_element_type3A_172, %cond3A_173 : i32
      scf.if %cond3A_174 {
        %sub3A = arith.constant 2 : i32
        %sub3A_244 = arith.subi %add3A_155, %sub3A : i32
        %dma_wait3A_245 = arith.constant 0 : i32
        %dma_wait3A_246 = arith.constant 0 : i32
        %dma_wait3A_247 = arith.constant 0 : i32
        %dma_wait3A_248 = tpu.memref_slice %arg7[%dma_wait3A_245, %dma_wait3A_246, %dma_wait3A_247] : memref<2x64x128xf32, #tpu.memory_space<vmem>> -> memref<1x64x128xf32, #tpu.memory_space<vmem>>
        %dma_wait3A_249 = tpu.memref_squeeze %dma_wait3A_248 : memref<1x64x128xf32, #tpu.memory_space<vmem>> -> memref<64x128xf32, #tpu.memory_space<vmem>>
        %dma_wait3A_250 = arith.constant 0 : i32
        %dma_wait3A_251 = tpu.memref_slice %arg4[%sub3A_244, %dma_wait3A_250, %mul3A_2] : memref<26x64x4096xf32, #tpu.memory_space<hbm>> -> memref<1x64x128xf32, #tpu.memory_space<hbm>>
        %dma_wait3A_252 = tpu.memref_squeeze %dma_wait3A_251 : memref<1x64x128xf32, #tpu.memory_space<hbm>> -> memref<64x128xf32, #tpu.memory_space<hbm>>
        %dma_wait3A_253 = arith.constant 0 : i32
        %dma_wait3A_254 = tpu.memref_slice %arg4[%sub3A_244, %dma_wait3A_253, %mul3A_2] : memref<26x64x4096xf32, #tpu.memory_space<hbm>> -> memref<1x64x128xf32, #tpu.memory_space<hbm>>
        %dma_wait3A_255 = tpu.memref_squeeze %dma_wait3A_254 : memref<1x64x128xf32, #tpu.memory_space<hbm>> -> memref<64x128xf32, #tpu.memory_space<hbm>>
        %dma_wait3A_256 = arith.constant 0 : i32
        %dma_wait3A_257 = arith.constant 0 : i32
        %dma_wait3A_258 = tpu.memref_slice %arg7[%dma_wait3A_245, %dma_wait3A_256, %dma_wait3A_257] : memref<2x64x128xf32, #tpu.memory_space<vmem>> -> memref<1x64x128xf32, #tpu.memory_space<vmem>>
        %dma_wait3A_259 = tpu.memref_squeeze %dma_wait3A_258 : memref<1x64x128xf32, #tpu.memory_space<vmem>> -> memref<64x128xf32, #tpu.memory_space<vmem>>
        tpu.wait_dma2 semaphore(%arg9 : memref<!tpu.dma_semaphore, #tpu.memory_space<semaphore_mem>>) src(%dma_wait3A_259 : memref<64x128xf32, #tpu.memory_space<vmem>>) dst(%dma_wait3A_255 : memref<64x128xf32, #tpu.memory_space<hbm>>)
      } else {
      }
      %scan3A_175 = arith.constant 0 : i32
      %scan3A_176 = arith.constant 0 : i32
      %scan3A_177 = arith.constant 8 : i32
      %scan3A_178 = arith.addi %scan3A_176, %scan3A_177 : i32
      %scan3A_179 = arith.constant 1 : i32
      scf.for %scan3A_244 = %scan3A_176 to %scan3A_178 step %scan3A_179  : i32 {
        %mul3A_245 = arith.constant 16 : i32
        %mul3A_246 = arith.muli %scan3A_244, %mul3A_245 : i32
        %add3A_247 = vector.broadcast %mul3A_246 : i32 to vector<16xi32>
        %add3A_248 = arith.addi %iota3A, %add3A_247 : vector<16xi32>
        %add3A_249 = arith.constant 0 : i32
        %add3A_250 = vector.broadcast %add3A_249 : i32 to vector<16xi32>
        %add3A_251 = arith.addi %and3A_12, %add3A_250 : vector<16xi32>
        %gather3A = arith.constant 0 : i32
        %gather3A_252 = arith.constant 0 : i32
        %gather3A_253 = arith.constant 0 : i32
        %gather3A_254 = tpu.memref_slice %arg6[%gather3A, %gather3A_252, %gather3A_253] : memref<2x128x64xf32, #tpu.memory_space<vmem>> -> memref<1x128x64xf32, #tpu.memory_space<vmem>>
        %gather3A_255 = tpu.memref_squeeze %gather3A_254 : memref<1x128x64xf32, #tpu.memory_space<vmem>> -> memref<128x64xf32, #tpu.memory_space<vmem>>
        %gather3A_256 = tpu.vector_load_idx %gather3A_255[%add3A_248, %add3A_251] : memref<128x64xf32, #tpu.memory_space<vmem>>[vector<16xi32>, vector<16xi32>], vector<16xf32>,
        %add3A_257 = arith.constant 0 : i32
        %add3A_258 = vector.broadcast %add3A_257 : i32 to vector<16xi32>
        %add3A_259 = arith.addi %and3A_18, %add3A_258 : vector<16xi32>
        %gather3A_260 = arith.constant 0 : i32
        %gather3A_261 = arith.constant 0 : i32
        %gather3A_262 = arith.constant 0 : i32
        %gather3A_263 = tpu.memref_slice %arg6[%gather3A_260, %gather3A_261, %gather3A_262] : memref<2x128x64xf32, #tpu.memory_space<vmem>> -> memref<1x128x64xf32, #tpu.memory_space<vmem>>
        %gather3A_264 = tpu.memref_squeeze %gather3A_263 : memref<1x128x64xf32, #tpu.memory_space<vmem>> -> memref<128x64xf32, #tpu.memory_space<vmem>>
        %gather3A_265 = tpu.vector_load_idx %gather3A_264[%add3A_248, %add3A_259] : memref<128x64xf32, #tpu.memory_space<vmem>>[vector<16xi32>, vector<16xi32>], vector<16xf32>,
        %add3A_266 = arith.constant 0 : i32
        %add3A_267 = vector.broadcast %add3A_266 : i32 to vector<16xi32>
        %add3A_268 = arith.addi %and3A_24, %add3A_267 : vector<16xi32>
        %gather3A_269 = arith.constant 0 : i32
        %gather3A_270 = arith.constant 0 : i32
        %gather3A_271 = arith.constant 0 : i32
        %gather3A_272 = tpu.memref_slice %arg6[%gather3A_269, %gather3A_270, %gather3A_271] : memref<2x128x64xf32, #tpu.memory_space<vmem>> -> memref<1x128x64xf32, #tpu.memory_space<vmem>>
        %gather3A_273 = tpu.memref_squeeze %gather3A_272 : memref<1x128x64xf32, #tpu.memory_space<vmem>> -> memref<128x64xf32, #tpu.memory_space<vmem>>
        %gather3A_274 = tpu.vector_load_idx %gather3A_273[%add3A_248, %add3A_268] : memref<128x64xf32, #tpu.memory_space<vmem>>[vector<16xi32>, vector<16xi32>], vector<16xf32>,
        %add3A_275 = arith.constant 0 : i32
        %add3A_276 = vector.broadcast %add3A_275 : i32 to vector<16xi32>
        %add3A_277 = arith.addi %and3A_30, %add3A_276 : vector<16xi32>
        %gather3A_278 = arith.constant 0 : i32
        %gather3A_279 = arith.constant 0 : i32
        %gather3A_280 = arith.constant 0 : i32
        %gather3A_281 = tpu.memref_slice %arg6[%gather3A_278, %gather3A_279, %gather3A_280] : memref<2x128x64xf32, #tpu.memory_space<vmem>> -> memref<1x128x64xf32, #tpu.memory_space<vmem>>
        %gather3A_282 = tpu.memref_squeeze %gather3A_281 : memref<1x128x64xf32, #tpu.memory_space<vmem>> -> memref<128x64xf32, #tpu.memory_space<vmem>>
        %gather3A_283 = tpu.vector_load_idx %gather3A_282[%add3A_248, %add3A_277] : memref<128x64xf32, #tpu.memory_space<vmem>>[vector<16xi32>, vector<16xi32>], vector<16xf32>,
        %add3A_284 = arith.constant 0 : i32
        %add3A_285 = vector.broadcast %add3A_284 : i32 to vector<16xi32>
        %add3A_286 = arith.addi %and3A_36, %add3A_285 : vector<16xi32>
        %gather3A_287 = arith.constant 0 : i32
        %gather3A_288 = arith.constant 0 : i32
        %gather3A_289 = arith.constant 0 : i32
        %gather3A_290 = tpu.memref_slice %arg6[%gather3A_287, %gather3A_288, %gather3A_289] : memref<2x128x64xf32, #tpu.memory_space<vmem>> -> memref<1x128x64xf32, #tpu.memory_space<vmem>>
        %gather3A_291 = tpu.memref_squeeze %gather3A_290 : memref<1x128x64xf32, #tpu.memory_space<vmem>> -> memref<128x64xf32, #tpu.memory_space<vmem>>
        %gather3A_292 = tpu.vector_load_idx %gather3A_291[%add3A_248, %add3A_286] : memref<128x64xf32, #tpu.memory_space<vmem>>[vector<16xi32>, vector<16xi32>], vector<16xf32>,
        %add3A_293 = arith.constant 0 : i32
        %add3A_294 = vector.broadcast %add3A_293 : i32 to vector<16xi32>
        %add3A_295 = arith.addi %and3A_42, %add3A_294 : vector<16xi32>
        %gather3A_296 = arith.constant 0 : i32
        %gather3A_297 = arith.constant 0 : i32
        %gather3A_298 = arith.constant 0 : i32
        %gather3A_299 = tpu.memref_slice %arg6[%gather3A_296, %gather3A_297, %gather3A_298] : memref<2x128x64xf32, #tpu.memory_space<vmem>> -> memref<1x128x64xf32, #tpu.memory_space<vmem>>
        %gather3A_300 = tpu.memref_squeeze %gather3A_299 : memref<1x128x64xf32, #tpu.memory_space<vmem>> -> memref<128x64xf32, #tpu.memory_space<vmem>>
        %gather3A_301 = tpu.vector_load_idx %gather3A_300[%add3A_248, %add3A_295] : memref<128x64xf32, #tpu.memory_space<vmem>>[vector<16xi32>, vector<16xi32>], vector<16xf32>,
        %add3A_302 = arith.constant 0 : i32
        %add3A_303 = vector.broadcast %add3A_302 : i32 to vector<16xi32>
        %add3A_304 = arith.addi %and3A_48, %add3A_303 : vector<16xi32>
        %gather3A_305 = arith.constant 0 : i32
        %gather3A_306 = arith.constant 0 : i32
        %gather3A_307 = arith.constant 0 : i32
        %gather3A_308 = tpu.memref_slice %arg6[%gather3A_305, %gather3A_306, %gather3A_307] : memref<2x128x64xf32, #tpu.memory_space<vmem>> -> memref<1x128x64xf32, #tpu.memory_space<vmem>>
        %gather3A_309 = tpu.memref_squeeze %gather3A_308 : memref<1x128x64xf32, #tpu.memory_space<vmem>> -> memref<128x64xf32, #tpu.memory_space<vmem>>
        %gather3A_310 = tpu.vector_load_idx %gather3A_309[%add3A_248, %add3A_304] : memref<128x64xf32, #tpu.memory_space<vmem>>[vector<16xi32>, vector<16xi32>], vector<16xf32>,
        %add3A_311 = arith.constant 0 : i32
        %add3A_312 = vector.broadcast %add3A_311 : i32 to vector<16xi32>
        %add3A_313 = arith.addi %and3A_54, %add3A_312 : vector<16xi32>
        %gather3A_314 = arith.constant 0 : i32
        %gather3A_315 = arith.constant 0 : i32
        %gather3A_316 = arith.constant 0 : i32
        %gather3A_317 = tpu.memref_slice %arg6[%gather3A_314, %gather3A_315, %gather3A_316] : memref<2x128x64xf32, #tpu.memory_space<vmem>> -> memref<1x128x64xf32, #tpu.memory_space<vmem>>
        %gather3A_318 = tpu.memref_squeeze %gather3A_317 : memref<1x128x64xf32, #tpu.memory_space<vmem>> -> memref<128x64xf32, #tpu.memory_space<vmem>>
        %gather3A_319 = tpu.vector_load_idx %gather3A_318[%add3A_248, %add3A_313] : memref<128x64xf32, #tpu.memory_space<vmem>>[vector<16xi32>, vector<16xi32>], vector<16xf32>,
        %add3A_320 = arith.constant 0 : i32
        %add3A_321 = vector.broadcast %add3A_320 : i32 to vector<16xi32>
        %add3A_322 = arith.addi %and3A_60, %add3A_321 : vector<16xi32>
        %gather3A_323 = arith.constant 0 : i32
        %gather3A_324 = arith.constant 0 : i32
        %gather3A_325 = arith.constant 0 : i32
        %gather3A_326 = tpu.memref_slice %arg6[%gather3A_323, %gather3A_324, %gather3A_325] : memref<2x128x64xf32, #tpu.memory_space<vmem>> -> memref<1x128x64xf32, #tpu.memory_space<vmem>>
        %gather3A_327 = tpu.memref_squeeze %gather3A_326 : memref<1x128x64xf32, #tpu.memory_space<vmem>> -> memref<128x64xf32, #tpu.memory_space<vmem>>
        %gather3A_328 = tpu.vector_load_idx %gather3A_327[%add3A_248, %add3A_322] : memref<128x64xf32, #tpu.memory_space<vmem>>[vector<16xi32>, vector<16xi32>], vector<16xf32>,
        %add3A_329 = arith.constant 0 : i32
        %add3A_330 = vector.broadcast %add3A_329 : i32 to vector<16xi32>
        %add3A_331 = arith.addi %and3A_66, %add3A_330 : vector<16xi32>
        %gather3A_332 = arith.constant 0 : i32
        %gather3A_333 = arith.constant 0 : i32
        %gather3A_334 = arith.constant 0 : i32
        %gather3A_335 = tpu.memref_slice %arg6[%gather3A_332, %gather3A_333, %gather3A_334] : memref<2x128x64xf32, #tpu.memory_space<vmem>> -> memref<1x128x64xf32, #tpu.memory_space<vmem>>
        %gather3A_336 = tpu.memref_squeeze %gather3A_335 : memref<1x128x64xf32, #tpu.memory_space<vmem>> -> memref<128x64xf32, #tpu.memory_space<vmem>>
        %gather3A_337 = tpu.vector_load_idx %gather3A_336[%add3A_248, %add3A_331] : memref<128x64xf32, #tpu.memory_space<vmem>>[vector<16xi32>, vector<16xi32>], vector<16xf32>,
        %add3A_338 = arith.constant 0 : i32
        %add3A_339 = vector.broadcast %add3A_338 : i32 to vector<16xi32>
        %add3A_340 = arith.addi %and3A_72, %add3A_339 : vector<16xi32>
        %gather3A_341 = arith.constant 0 : i32
        %gather3A_342 = arith.constant 0 : i32
        %gather3A_343 = arith.constant 0 : i32
        %gather3A_344 = tpu.memref_slice %arg6[%gather3A_341, %gather3A_342, %gather3A_343] : memref<2x128x64xf32, #tpu.memory_space<vmem>> -> memref<1x128x64xf32, #tpu.memory_space<vmem>>
        %gather3A_345 = tpu.memref_squeeze %gather3A_344 : memref<1x128x64xf32, #tpu.memory_space<vmem>> -> memref<128x64xf32, #tpu.memory_space<vmem>>
        %gather3A_346 = tpu.vector_load_idx %gather3A_345[%add3A_248, %add3A_340] : memref<128x64xf32, #tpu.memory_space<vmem>>[vector<16xi32>, vector<16xi32>], vector<16xf32>,
        %add3A_347 = arith.constant 0 : i32
        %add3A_348 = vector.broadcast %add3A_347 : i32 to vector<16xi32>
        %add3A_349 = arith.addi %and3A_78, %add3A_348 : vector<16xi32>
        %gather3A_350 = arith.constant 0 : i32
        %gather3A_351 = arith.constant 0 : i32
        %gather3A_352 = arith.constant 0 : i32
        %gather3A_353 = tpu.memref_slice %arg6[%gather3A_350, %gather3A_351, %gather3A_352] : memref<2x128x64xf32, #tpu.memory_space<vmem>> -> memref<1x128x64xf32, #tpu.memory_space<vmem>>
        %gather3A_354 = tpu.memref_squeeze %gather3A_353 : memref<1x128x64xf32, #tpu.memory_space<vmem>> -> memref<128x64xf32, #tpu.memory_space<vmem>>
        %gather3A_355 = tpu.vector_load_idx %gather3A_354[%add3A_248, %add3A_349] : memref<128x64xf32, #tpu.memory_space<vmem>>[vector<16xi32>, vector<16xi32>], vector<16xf32>,
        %add3A_356 = arith.constant 0 : i32
        %add3A_357 = vector.broadcast %add3A_356 : i32 to vector<16xi32>
        %add3A_358 = arith.addi %and3A_84, %add3A_357 : vector<16xi32>
        %gather3A_359 = arith.constant 0 : i32
        %gather3A_360 = arith.constant 0 : i32
        %gather3A_361 = arith.constant 0 : i32
        %gather3A_362 = tpu.memref_slice %arg6[%gather3A_359, %gather3A_360, %gather3A_361] : memref<2x128x64xf32, #tpu.memory_space<vmem>> -> memref<1x128x64xf32, #tpu.memory_space<vmem>>
        %gather3A_363 = tpu.memref_squeeze %gather3A_362 : memref<1x128x64xf32, #tpu.memory_space<vmem>> -> memref<128x64xf32, #tpu.memory_space<vmem>>
        %gather3A_364 = tpu.vector_load_idx %gather3A_363[%add3A_248, %add3A_358] : memref<128x64xf32, #tpu.memory_space<vmem>>[vector<16xi32>, vector<16xi32>], vector<16xf32>,
        %add3A_365 = arith.constant 0 : i32
        %add3A_366 = vector.broadcast %add3A_365 : i32 to vector<16xi32>
        %add3A_367 = arith.addi %and3A_90, %add3A_366 : vector<16xi32>
        %gather3A_368 = arith.constant 0 : i32
        %gather3A_369 = arith.constant 0 : i32
        %gather3A_370 = arith.constant 0 : i32
        %gather3A_371 = tpu.memref_slice %arg6[%gather3A_368, %gather3A_369, %gather3A_370] : memref<2x128x64xf32, #tpu.memory_space<vmem>> -> memref<1x128x64xf32, #tpu.memory_space<vmem>>
        %gather3A_372 = tpu.memref_squeeze %gather3A_371 : memref<1x128x64xf32, #tpu.memory_space<vmem>> -> memref<128x64xf32, #tpu.memory_space<vmem>>
        %gather3A_373 = tpu.vector_load_idx %gather3A_372[%add3A_248, %add3A_367] : memref<128x64xf32, #tpu.memory_space<vmem>>[vector<16xi32>, vector<16xi32>], vector<16xf32>,
        %add3A_374 = arith.constant 0 : i32
        %add3A_375 = vector.broadcast %add3A_374 : i32 to vector<16xi32>
        %add3A_376 = arith.addi %and3A_96, %add3A_375 : vector<16xi32>
        %gather3A_377 = arith.constant 0 : i32
        %gather3A_378 = arith.constant 0 : i32
        %gather3A_379 = arith.constant 0 : i32
        %gather3A_380 = tpu.memref_slice %arg6[%gather3A_377, %gather3A_378, %gather3A_379] : memref<2x128x64xf32, #tpu.memory_space<vmem>> -> memref<1x128x64xf32, #tpu.memory_space<vmem>>
        %gather3A_381 = tpu.memref_squeeze %gather3A_380 : memref<1x128x64xf32, #tpu.memory_space<vmem>> -> memref<128x64xf32, #tpu.memory_space<vmem>>
        %gather3A_382 = tpu.vector_load_idx %gather3A_381[%add3A_248, %add3A_376] : memref<128x64xf32, #tpu.memory_space<vmem>>[vector<16xi32>, vector<16xi32>], vector<16xf32>,
        %add3A_383 = arith.constant 0 : i32
        %add3A_384 = vector.broadcast %add3A_383 : i32 to vector<16xi32>
        %add3A_385 = arith.addi %and3A_102, %add3A_384 : vector<16xi32>
        %gather3A_386 = arith.constant 0 : i32
        %gather3A_387 = arith.constant 0 : i32
        %gather3A_388 = arith.constant 0 : i32
        %gather3A_389 = tpu.memref_slice %arg6[%gather3A_386, %gather3A_387, %gather3A_388] : memref<2x128x64xf32, #tpu.memory_space<vmem>> -> memref<1x128x64xf32, #tpu.memory_space<vmem>>
        %gather3A_390 = tpu.memref_squeeze %gather3A_389 : memref<1x128x64xf32, #tpu.memory_space<vmem>> -> memref<128x64xf32, #tpu.memory_space<vmem>>
        %gather3A_391 = tpu.vector_load_idx %gather3A_390[%add3A_248, %add3A_385] : memref<128x64xf32, #tpu.memory_space<vmem>>[vector<16xi32>, vector<16xi32>], vector<16xf32>,
        %scatter3A = arith.constant 0 : i32
        %scatter3A_392 = arith.constant 0 : i32
        %scatter3A_393 = arith.constant 0 : i32
        %scatter3A_394 = tpu.memref_slice %arg7[%scatter3A, %scatter3A_392, %scatter3A_393] : memref<2x64x128xf32, #tpu.memory_space<vmem>> -> memref<1x64x128xf32, #tpu.memory_space<vmem>>
        %scatter3A_395 = tpu.memref_squeeze %scatter3A_394 : memref<1x64x128xf32, #tpu.memory_space<vmem>> -> memref<64x128xf32, #tpu.memory_space<vmem>>
        tpu.vector_store_idx %scatter3A_395[%add3A_251, %add3A_248], %gather3A_256 : memref<64x128xf32, #tpu.memory_space<vmem>>[vector<16xi32>, vector<16xi32>], vector<16xf32>,
        %scatter3A_396 = arith.constant 0 : i32
        %scatter3A_397 = arith.constant 0 : i32
        %scatter3A_398 = arith.constant 0 : i32
        %scatter3A_399 = tpu.memref_slice %arg7[%scatter3A_396, %scatter3A_397, %scatter3A_398] : memref<2x64x128xf32, #tpu.memory_space<vmem>> -> memref<1x64x128xf32, #tpu.memory_space<vmem>>
        %scatter3A_400 = tpu.memref_squeeze %scatter3A_399 : memref<1x64x128xf32, #tpu.memory_space<vmem>> -> memref<64x128xf32, #tpu.memory_space<vmem>>
        tpu.vector_store_idx %scatter3A_400[%add3A_259, %add3A_248], %gather3A_265 : memref<64x128xf32, #tpu.memory_space<vmem>>[vector<16xi32>, vector<16xi32>], vector<16xf32>,
        %scatter3A_401 = arith.constant 0 : i32
        %scatter3A_402 = arith.constant 0 : i32
        %scatter3A_403 = arith.constant 0 : i32
        %scatter3A_404 = tpu.memref_slice %arg7[%scatter3A_401, %scatter3A_402, %scatter3A_403] : memref<2x64x128xf32, #tpu.memory_space<vmem>> -> memref<1x64x128xf32, #tpu.memory_space<vmem>>
        %scatter3A_405 = tpu.memref_squeeze %scatter3A_404 : memref<1x64x128xf32, #tpu.memory_space<vmem>> -> memref<64x128xf32, #tpu.memory_space<vmem>>
        tpu.vector_store_idx %scatter3A_405[%add3A_268, %add3A_248], %gather3A_274 : memref<64x128xf32, #tpu.memory_space<vmem>>[vector<16xi32>, vector<16xi32>], vector<16xf32>,
        %scatter3A_406 = arith.constant 0 : i32
        %scatter3A_407 = arith.constant 0 : i32
        %scatter3A_408 = arith.constant 0 : i32
        %scatter3A_409 = tpu.memref_slice %arg7[%scatter3A_406, %scatter3A_407, %scatter3A_408] : memref<2x64x128xf32, #tpu.memory_space<vmem>> -> memref<1x64x128xf32, #tpu.memory_space<vmem>>
        %scatter3A_410 = tpu.memref_squeeze %scatter3A_409 : memref<1x64x128xf32, #tpu.memory_space<vmem>> -> memref<64x128xf32, #tpu.memory_space<vmem>>
        tpu.vector_store_idx %scatter3A_410[%add3A_277, %add3A_248], %gather3A_283 : memref<64x128xf32, #tpu.memory_space<vmem>>[vector<16xi32>, vector<16xi32>], vector<16xf32>,
        %scatter3A_411 = arith.constant 0 : i32
        %scatter3A_412 = arith.constant 0 : i32
        %scatter3A_413 = arith.constant 0 : i32
        %scatter3A_414 = tpu.memref_slice %arg7[%scatter3A_411, %scatter3A_412, %scatter3A_413] : memref<2x64x128xf32, #tpu.memory_space<vmem>> -> memref<1x64x128xf32, #tpu.memory_space<vmem>>
        %scatter3A_415 = tpu.memref_squeeze %scatter3A_414 : memref<1x64x128xf32, #tpu.memory_space<vmem>> -> memref<64x128xf32, #tpu.memory_space<vmem>>
        tpu.vector_store_idx %scatter3A_415[%add3A_286, %add3A_248], %gather3A_292 : memref<64x128xf32, #tpu.memory_space<vmem>>[vector<16xi32>, vector<16xi32>], vector<16xf32>,
        %scatter3A_416 = arith.constant 0 : i32
        %scatter3A_417 = arith.constant 0 : i32
        %scatter3A_418 = arith.constant 0 : i32
        %scatter3A_419 = tpu.memref_slice %arg7[%scatter3A_416, %scatter3A_417, %scatter3A_418] : memref<2x64x128xf32, #tpu.memory_space<vmem>> -> memref<1x64x128xf32, #tpu.memory_space<vmem>>
        %scatter3A_420 = tpu.memref_squeeze %scatter3A_419 : memref<1x64x128xf32, #tpu.memory_space<vmem>> -> memref<64x128xf32, #tpu.memory_space<vmem>>
        tpu.vector_store_idx %scatter3A_420[%add3A_295, %add3A_248], %gather3A_301 : memref<64x128xf32, #tpu.memory_space<vmem>>[vector<16xi32>, vector<16xi32>], vector<16xf32>,
        %scatter3A_421 = arith.constant 0 : i32
        %scatter3A_422 = arith.constant 0 : i32
        %scatter3A_423 = arith.constant 0 : i32
        %scatter3A_424 = tpu.memref_slice %arg7[%scatter3A_421, %scatter3A_422, %scatter3A_423] : memref<2x64x128xf32, #tpu.memory_space<vmem>> -> memref<1x64x128xf32, #tpu.memory_space<vmem>>
        %scatter3A_425 = tpu.memref_squeeze %scatter3A_424 : memref<1x64x128xf32, #tpu.memory_space<vmem>> -> memref<64x128xf32, #tpu.memory_space<vmem>>
        tpu.vector_store_idx %scatter3A_425[%add3A_304, %add3A_248], %gather3A_310 : memref<64x128xf32, #tpu.memory_space<vmem>>[vector<16xi32>, vector<16xi32>], vector<16xf32>,
        %scatter3A_426 = arith.constant 0 : i32
        %scatter3A_427 = arith.constant 0 : i32
        %scatter3A_428 = arith.constant 0 : i32
        %scatter3A_429 = tpu.memref_slice %arg7[%scatter3A_426, %scatter3A_427, %scatter3A_428] : memref<2x64x128xf32, #tpu.memory_space<vmem>> -> memref<1x64x128xf32, #tpu.memory_space<vmem>>
        %scatter3A_430 = tpu.memref_squeeze %scatter3A_429 : memref<1x64x128xf32, #tpu.memory_space<vmem>> -> memref<64x128xf32, #tpu.memory_space<vmem>>
        tpu.vector_store_idx %scatter3A_430[%add3A_313, %add3A_248], %gather3A_319 : memref<64x128xf32, #tpu.memory_space<vmem>>[vector<16xi32>, vector<16xi32>], vector<16xf32>,
        %scatter3A_431 = arith.constant 0 : i32
        %scatter3A_432 = arith.constant 0 : i32
        %scatter3A_433 = arith.constant 0 : i32
        %scatter3A_434 = tpu.memref_slice %arg7[%scatter3A_431, %scatter3A_432, %scatter3A_433] : memref<2x64x128xf32, #tpu.memory_space<vmem>> -> memref<1x64x128xf32, #tpu.memory_space<vmem>>
        %scatter3A_435 = tpu.memref_squeeze %scatter3A_434 : memref<1x64x128xf32, #tpu.memory_space<vmem>> -> memref<64x128xf32, #tpu.memory_space<vmem>>
        tpu.vector_store_idx %scatter3A_435[%add3A_322, %add3A_248], %gather3A_328 : memref<64x128xf32, #tpu.memory_space<vmem>>[vector<16xi32>, vector<16xi32>], vector<16xf32>,
        %scatter3A_436 = arith.constant 0 : i32
        %scatter3A_437 = arith.constant 0 : i32
        %scatter3A_438 = arith.constant 0 : i32
        %scatter3A_439 = tpu.memref_slice %arg7[%scatter3A_436, %scatter3A_437, %scatter3A_438] : memref<2x64x128xf32, #tpu.memory_space<vmem>> -> memref<1x64x128xf32, #tpu.memory_space<vmem>>
        %scatter3A_440 = tpu.memref_squeeze %scatter3A_439 : memref<1x64x128xf32, #tpu.memory_space<vmem>> -> memref<64x128xf32, #tpu.memory_space<vmem>>
        tpu.vector_store_idx %scatter3A_440[%add3A_331, %add3A_248], %gather3A_337 : memref<64x128xf32, #tpu.memory_space<vmem>>[vector<16xi32>, vector<16xi32>], vector<16xf32>,
        %scatter3A_441 = arith.constant 0 : i32
        %scatter3A_442 = arith.constant 0 : i32
        %scatter3A_443 = arith.constant 0 : i32
        %scatter3A_444 = tpu.memref_slice %arg7[%scatter3A_441, %scatter3A_442, %scatter3A_443] : memref<2x64x128xf32, #tpu.memory_space<vmem>> -> memref<1x64x128xf32, #tpu.memory_space<vmem>>
        %scatter3A_445 = tpu.memref_squeeze %scatter3A_444 : memref<1x64x128xf32, #tpu.memory_space<vmem>> -> memref<64x128xf32, #tpu.memory_space<vmem>>
        tpu.vector_store_idx %scatter3A_445[%add3A_340, %add3A_248], %gather3A_346 : memref<64x128xf32, #tpu.memory_space<vmem>>[vector<16xi32>, vector<16xi32>], vector<16xf32>,
        %scatter3A_446 = arith.constant 0 : i32
        %scatter3A_447 = arith.constant 0 : i32
        %scatter3A_448 = arith.constant 0 : i32
        %scatter3A_449 = tpu.memref_slice %arg7[%scatter3A_446, %scatter3A_447, %scatter3A_448] : memref<2x64x128xf32, #tpu.memory_space<vmem>> -> memref<1x64x128xf32, #tpu.memory_space<vmem>>
        %scatter3A_450 = tpu.memref_squeeze %scatter3A_449 : memref<1x64x128xf32, #tpu.memory_space<vmem>> -> memref<64x128xf32, #tpu.memory_space<vmem>>
        tpu.vector_store_idx %scatter3A_450[%add3A_349, %add3A_248], %gather3A_355 : memref<64x128xf32, #tpu.memory_space<vmem>>[vector<16xi32>, vector<16xi32>], vector<16xf32>,
        %scatter3A_451 = arith.constant 0 : i32
        %scatter3A_452 = arith.constant 0 : i32
        %scatter3A_453 = arith.constant 0 : i32
        %scatter3A_454 = tpu.memref_slice %arg7[%scatter3A_451, %scatter3A_452, %scatter3A_453] : memref<2x64x128xf32, #tpu.memory_space<vmem>> -> memref<1x64x128xf32, #tpu.memory_space<vmem>>
        %scatter3A_455 = tpu.memref_squeeze %scatter3A_454 : memref<1x64x128xf32, #tpu.memory_space<vmem>> -> memref<64x128xf32, #tpu.memory_space<vmem>>
        tpu.vector_store_idx %scatter3A_455[%add3A_358, %add3A_248], %gather3A_364 : memref<64x128xf32, #tpu.memory_space<vmem>>[vector<16xi32>, vector<16xi32>], vector<16xf32>,
        %scatter3A_456 = arith.constant 0 : i32
        %scatter3A_457 = arith.constant 0 : i32
        %scatter3A_458 = arith.constant 0 : i32
        %scatter3A_459 = tpu.memref_slice %arg7[%scatter3A_456, %scatter3A_457, %scatter3A_458] : memref<2x64x128xf32, #tpu.memory_space<vmem>> -> memref<1x64x128xf32, #tpu.memory_space<vmem>>
        %scatter3A_460 = tpu.memref_squeeze %scatter3A_459 : memref<1x64x128xf32, #tpu.memory_space<vmem>> -> memref<64x128xf32, #tpu.memory_space<vmem>>
        tpu.vector_store_idx %scatter3A_460[%add3A_367, %add3A_248], %gather3A_373 : memref<64x128xf32, #tpu.memory_space<vmem>>[vector<16xi32>, vector<16xi32>], vector<16xf32>,
        %scatter3A_461 = arith.constant 0 : i32
        %scatter3A_462 = arith.constant 0 : i32
        %scatter3A_463 = arith.constant 0 : i32
        %scatter3A_464 = tpu.memref_slice %arg7[%scatter3A_461, %scatter3A_462, %scatter3A_463] : memref<2x64x128xf32, #tpu.memory_space<vmem>> -> memref<1x64x128xf32, #tpu.memory_space<vmem>>
        %scatter3A_465 = tpu.memref_squeeze %scatter3A_464 : memref<1x64x128xf32, #tpu.memory_space<vmem>> -> memref<64x128xf32, #tpu.memory_space<vmem>>
        tpu.vector_store_idx %scatter3A_465[%add3A_376, %add3A_248], %gather3A_382 : memref<64x128xf32, #tpu.memory_space<vmem>>[vector<16xi32>, vector<16xi32>], vector<16xf32>,
        %scatter3A_466 = arith.constant 0 : i32
        %scatter3A_467 = arith.constant 0 : i32
        %scatter3A_468 = arith.constant 0 : i32
        %scatter3A_469 = tpu.memref_slice %arg7[%scatter3A_466, %scatter3A_467, %scatter3A_468] : memref<2x64x128xf32, #tpu.memory_space<vmem>> -> memref<1x64x128xf32, #tpu.memory_space<vmem>>
        %scatter3A_470 = tpu.memref_squeeze %scatter3A_469 : memref<1x64x128xf32, #tpu.memory_space<vmem>> -> memref<64x128xf32, #tpu.memory_space<vmem>>
        tpu.vector_store_idx %scatter3A_470[%add3A_385, %add3A_248], %gather3A_391 : memref<64x128xf32, #tpu.memory_space<vmem>>[vector<16xi32>, vector<16xi32>], vector<16xf32>,
        %add3A_471 = arith.constant 16 : i32
        %add3A_472 = vector.broadcast %add3A_471 : i32 to vector<16xi32>
        %add3A_473 = arith.addi %and3A_12, %add3A_472 : vector<16xi32>
        %gather3A_474 = arith.constant 0 : i32
        %gather3A_475 = arith.constant 0 : i32
        %gather3A_476 = arith.constant 0 : i32
        %gather3A_477 = tpu.memref_slice %arg6[%gather3A_474, %gather3A_475, %gather3A_476] : memref<2x128x64xf32, #tpu.memory_space<vmem>> -> memref<1x128x64xf32, #tpu.memory_space<vmem>>
        %gather3A_478 = tpu.memref_squeeze %gather3A_477 : memref<1x128x64xf32, #tpu.memory_space<vmem>> -> memref<128x64xf32, #tpu.memory_space<vmem>>
        %gather3A_479 = tpu.vector_load_idx %gather3A_478[%add3A_248, %add3A_473] : memref<128x64xf32, #tpu.memory_space<vmem>>[vector<16xi32>, vector<16xi32>], vector<16xf32>,
        %add3A_480 = arith.constant 16 : i32
        %add3A_481 = vector.broadcast %add3A_480 : i32 to vector<16xi32>
        %add3A_482 = arith.addi %and3A_18, %add3A_481 : vector<16xi32>
        %gather3A_483 = arith.constant 0 : i32
        %gather3A_484 = arith.constant 0 : i32
        %gather3A_485 = arith.constant 0 : i32
        %gather3A_486 = tpu.memref_slice %arg6[%gather3A_483, %gather3A_484, %gather3A_485] : memref<2x128x64xf32, #tpu.memory_space<vmem>> -> memref<1x128x64xf32, #tpu.memory_space<vmem>>
        %gather3A_487 = tpu.memref_squeeze %gather3A_486 : memref<1x128x64xf32, #tpu.memory_space<vmem>> -> memref<128x64xf32, #tpu.memory_space<vmem>>
        %gather3A_488 = tpu.vector_load_idx %gather3A_487[%add3A_248, %add3A_482] : memref<128x64xf32, #tpu.memory_space<vmem>>[vector<16xi32>, vector<16xi32>], vector<16xf32>,
        %add3A_489 = arith.constant 16 : i32
        %add3A_490 = vector.broadcast %add3A_489 : i32 to vector<16xi32>
        %add3A_491 = arith.addi %and3A_24, %add3A_490 : vector<16xi32>
        %gather3A_492 = arith.constant 0 : i32
        %gather3A_493 = arith.constant 0 : i32
        %gather3A_494 = arith.constant 0 : i32
        %gather3A_495 = tpu.memref_slice %arg6[%gather3A_492, %gather3A_493, %gather3A_494] : memref<2x128x64xf32, #tpu.memory_space<vmem>> -> memref<1x128x64xf32, #tpu.memory_space<vmem>>
        %gather3A_496 = tpu.memref_squeeze %gather3A_495 : memref<1x128x64xf32, #tpu.memory_space<vmem>> -> memref<128x64xf32, #tpu.memory_space<vmem>>
        %gather3A_497 = tpu.vector_load_idx %gather3A_496[%add3A_248, %add3A_491] : memref<128x64xf32, #tpu.memory_space<vmem>>[vector<16xi32>, vector<16xi32>], vector<16xf32>,
        %add3A_498 = arith.constant 16 : i32
        %add3A_499 = vector.broadcast %add3A_498 : i32 to vector<16xi32>
        %add3A_500 = arith.addi %and3A_30, %add3A_499 : vector<16xi32>
        %gather3A_501 = arith.constant 0 : i32
        %gather3A_502 = arith.constant 0 : i32
        %gather3A_503 = arith.constant 0 : i32
        %gather3A_504 = tpu.memref_slice %arg6[%gather3A_501, %gather3A_502, %gather3A_503] : memref<2x128x64xf32, #tpu.memory_space<vmem>> -> memref<1x128x64xf32, #tpu.memory_space<vmem>>
        %gather3A_505 = tpu.memref_squeeze %gather3A_504 : memref<1x128x64xf32, #tpu.memory_space<vmem>> -> memref<128x64xf32, #tpu.memory_space<vmem>>
        %gather3A_506 = tpu.vector_load_idx %gather3A_505[%add3A_248, %add3A_500] : memref<128x64xf32, #tpu.memory_space<vmem>>[vector<16xi32>, vector<16xi32>], vector<16xf32>,
        %add3A_507 = arith.constant 16 : i32
        %add3A_508 = vector.broadcast %add3A_507 : i32 to vector<16xi32>
        %add3A_509 = arith.addi %and3A_36, %add3A_508 : vector<16xi32>
        %gather3A_510 = arith.constant 0 : i32
        %gather3A_511 = arith.constant 0 : i32
        %gather3A_512 = arith.constant 0 : i32
        %gather3A_513 = tpu.memref_slice %arg6[%gather3A_510, %gather3A_511, %gather3A_512] : memref<2x128x64xf32, #tpu.memory_space<vmem>> -> memref<1x128x64xf32, #tpu.memory_space<vmem>>
        %gather3A_514 = tpu.memref_squeeze %gather3A_513 : memref<1x128x64xf32, #tpu.memory_space<vmem>> -> memref<128x64xf32, #tpu.memory_space<vmem>>
        %gather3A_515 = tpu.vector_load_idx %gather3A_514[%add3A_248, %add3A_509] : memref<128x64xf32, #tpu.memory_space<vmem>>[vector<16xi32>, vector<16xi32>], vector<16xf32>,
        %add3A_516 = arith.constant 16 : i32
        %add3A_517 = vector.broadcast %add3A_516 : i32 to vector<16xi32>
        %add3A_518 = arith.addi %and3A_42, %add3A_517 : vector<16xi32>
        %gather3A_519 = arith.constant 0 : i32
        %gather3A_520 = arith.constant 0 : i32
        %gather3A_521 = arith.constant 0 : i32
        %gather3A_522 = tpu.memref_slice %arg6[%gather3A_519, %gather3A_520, %gather3A_521] : memref<2x128x64xf32, #tpu.memory_space<vmem>> -> memref<1x128x64xf32, #tpu.memory_space<vmem>>
        %gather3A_523 = tpu.memref_squeeze %gather3A_522 : memref<1x128x64xf32, #tpu.memory_space<vmem>> -> memref<128x64xf32, #tpu.memory_space<vmem>>
        %gather3A_524 = tpu.vector_load_idx %gather3A_523[%add3A_248, %add3A_518] : memref<128x64xf32, #tpu.memory_space<vmem>>[vector<16xi32>, vector<16xi32>], vector<16xf32>,
        %add3A_525 = arith.constant 16 : i32
        %add3A_526 = vector.broadcast %add3A_525 : i32 to vector<16xi32>
        %add3A_527 = arith.addi %and3A_48, %add3A_526 : vector<16xi32>
        %gather3A_528 = arith.constant 0 : i32
        %gather3A_529 = arith.constant 0 : i32
        %gather3A_530 = arith.constant 0 : i32
        %gather3A_531 = tpu.memref_slice %arg6[%gather3A_528, %gather3A_529, %gather3A_530] : memref<2x128x64xf32, #tpu.memory_space<vmem>> -> memref<1x128x64xf32, #tpu.memory_space<vmem>>
        %gather3A_532 = tpu.memref_squeeze %gather3A_531 : memref<1x128x64xf32, #tpu.memory_space<vmem>> -> memref<128x64xf32, #tpu.memory_space<vmem>>
        %gather3A_533 = tpu.vector_load_idx %gather3A_532[%add3A_248, %add3A_527] : memref<128x64xf32, #tpu.memory_space<vmem>>[vector<16xi32>, vector<16xi32>], vector<16xf32>,
        %add3A_534 = arith.constant 16 : i32
        %add3A_535 = vector.broadcast %add3A_534 : i32 to vector<16xi32>
        %add3A_536 = arith.addi %and3A_54, %add3A_535 : vector<16xi32>
        %gather3A_537 = arith.constant 0 : i32
        %gather3A_538 = arith.constant 0 : i32
        %gather3A_539 = arith.constant 0 : i32
        %gather3A_540 = tpu.memref_slice %arg6[%gather3A_537, %gather3A_538, %gather3A_539] : memref<2x128x64xf32, #tpu.memory_space<vmem>> -> memref<1x128x64xf32, #tpu.memory_space<vmem>>
        %gather3A_541 = tpu.memref_squeeze %gather3A_540 : memref<1x128x64xf32, #tpu.memory_space<vmem>> -> memref<128x64xf32, #tpu.memory_space<vmem>>
        %gather3A_542 = tpu.vector_load_idx %gather3A_541[%add3A_248, %add3A_536] : memref<128x64xf32, #tpu.memory_space<vmem>>[vector<16xi32>, vector<16xi32>], vector<16xf32>,
        %add3A_543 = arith.constant 16 : i32
        %add3A_544 = vector.broadcast %add3A_543 : i32 to vector<16xi32>
        %add3A_545 = arith.addi %and3A_60, %add3A_544 : vector<16xi32>
        %gather3A_546 = arith.constant 0 : i32
        %gather3A_547 = arith.constant 0 : i32
        %gather3A_548 = arith.constant 0 : i32
        %gather3A_549 = tpu.memref_slice %arg6[%gather3A_546, %gather3A_547, %gather3A_548] : memref<2x128x64xf32, #tpu.memory_space<vmem>> -> memref<1x128x64xf32, #tpu.memory_space<vmem>>
        %gather3A_550 = tpu.memref_squeeze %gather3A_549 : memref<1x128x64xf32, #tpu.memory_space<vmem>> -> memref<128x64xf32, #tpu.memory_space<vmem>>
        %gather3A_551 = tpu.vector_load_idx %gather3A_550[%add3A_248, %add3A_545] : memref<128x64xf32, #tpu.memory_space<vmem>>[vector<16xi32>, vector<16xi32>], vector<16xf32>,
        %add3A_552 = arith.constant 16 : i32
        %add3A_553 = vector.broadcast %add3A_552 : i32 to vector<16xi32>
        %add3A_554 = arith.addi %and3A_66, %add3A_553 : vector<16xi32>
        %gather3A_555 = arith.constant 0 : i32
        %gather3A_556 = arith.constant 0 : i32
        %gather3A_557 = arith.constant 0 : i32
        %gather3A_558 = tpu.memref_slice %arg6[%gather3A_555, %gather3A_556, %gather3A_557] : memref<2x128x64xf32, #tpu.memory_space<vmem>> -> memref<1x128x64xf32, #tpu.memory_space<vmem>>
        %gather3A_559 = tpu.memref_squeeze %gather3A_558 : memref<1x128x64xf32, #tpu.memory_space<vmem>> -> memref<128x64xf32, #tpu.memory_space<vmem>>
        %gather3A_560 = tpu.vector_load_idx %gather3A_559[%add3A_248, %add3A_554] : memref<128x64xf32, #tpu.memory_space<vmem>>[vector<16xi32>, vector<16xi32>], vector<16xf32>,
        %add3A_561 = arith.constant 16 : i32
        %add3A_562 = vector.broadcast %add3A_561 : i32 to vector<16xi32>
        %add3A_563 = arith.addi %and3A_72, %add3A_562 : vector<16xi32>
        %gather3A_564 = arith.constant 0 : i32
        %gather3A_565 = arith.constant 0 : i32
        %gather3A_566 = arith.constant 0 : i32
        %gather3A_567 = tpu.memref_slice %arg6[%gather3A_564, %gather3A_565, %gather3A_566] : memref<2x128x64xf32, #tpu.memory_space<vmem>> -> memref<1x128x64xf32, #tpu.memory_space<vmem>>
        %gather3A_568 = tpu.memref_squeeze %gather3A_567 : memref<1x128x64xf32, #tpu.memory_space<vmem>> -> memref<128x64xf32, #tpu.memory_space<vmem>>
        %gather3A_569 = tpu.vector_load_idx %gather3A_568[%add3A_248, %add3A_563] : memref<128x64xf32, #tpu.memory_space<vmem>>[vector<16xi32>, vector<16xi32>], vector<16xf32>,
        %add3A_570 = arith.constant 16 : i32
        %add3A_571 = vector.broadcast %add3A_570 : i32 to vector<16xi32>
        %add3A_572 = arith.addi %and3A_78, %add3A_571 : vector<16xi32>
        %gather3A_573 = arith.constant 0 : i32
        %gather3A_574 = arith.constant 0 : i32
        %gather3A_575 = arith.constant 0 : i32
        %gather3A_576 = tpu.memref_slice %arg6[%gather3A_573, %gather3A_574, %gather3A_575] : memref<2x128x64xf32, #tpu.memory_space<vmem>> -> memref<1x128x64xf32, #tpu.memory_space<vmem>>
        %gather3A_577 = tpu.memref_squeeze %gather3A_576 : memref<1x128x64xf32, #tpu.memory_space<vmem>> -> memref<128x64xf32, #tpu.memory_space<vmem>>
        %gather3A_578 = tpu.vector_load_idx %gather3A_577[%add3A_248, %add3A_572] : memref<128x64xf32, #tpu.memory_space<vmem>>[vector<16xi32>, vector<16xi32>], vector<16xf32>,
        %add3A_579 = arith.constant 16 : i32
        %add3A_580 = vector.broadcast %add3A_579 : i32 to vector<16xi32>
        %add3A_581 = arith.addi %and3A_84, %add3A_580 : vector<16xi32>
        %gather3A_582 = arith.constant 0 : i32
        %gather3A_583 = arith.constant 0 : i32
        %gather3A_584 = arith.constant 0 : i32
        %gather3A_585 = tpu.memref_slice %arg6[%gather3A_582, %gather3A_583, %gather3A_584] : memref<2x128x64xf32, #tpu.memory_space<vmem>> -> memref<1x128x64xf32, #tpu.memory_space<vmem>>
        %gather3A_586 = tpu.memref_squeeze %gather3A_585 : memref<1x128x64xf32, #tpu.memory_space<vmem>> -> memref<128x64xf32, #tpu.memory_space<vmem>>
        %gather3A_587 = tpu.vector_load_idx %gather3A_586[%add3A_248, %add3A_581] : memref<128x64xf32, #tpu.memory_space<vmem>>[vector<16xi32>, vector<16xi32>], vector<16xf32>,
        %add3A_588 = arith.constant 16 : i32
        %add3A_589 = vector.broadcast %add3A_588 : i32 to vector<16xi32>
        %add3A_590 = arith.addi %and3A_90, %add3A_589 : vector<16xi32>
        %gather3A_591 = arith.constant 0 : i32
        %gather3A_592 = arith.constant 0 : i32
        %gather3A_593 = arith.constant 0 : i32
        %gather3A_594 = tpu.memref_slice %arg6[%gather3A_591, %gather3A_592, %gather3A_593] : memref<2x128x64xf32, #tpu.memory_space<vmem>> -> memref<1x128x64xf32, #tpu.memory_space<vmem>>
        %gather3A_595 = tpu.memref_squeeze %gather3A_594 : memref<1x128x64xf32, #tpu.memory_space<vmem>> -> memref<128x64xf32, #tpu.memory_space<vmem>>
        %gather3A_596 = tpu.vector_load_idx %gather3A_595[%add3A_248, %add3A_590] : memref<128x64xf32, #tpu.memory_space<vmem>>[vector<16xi32>, vector<16xi32>], vector<16xf32>,
        %add3A_597 = arith.constant 16 : i32
        %add3A_598 = vector.broadcast %add3A_597 : i32 to vector<16xi32>
        %add3A_599 = arith.addi %and3A_96, %add3A_598 : vector<16xi32>
        %gather3A_600 = arith.constant 0 : i32
        %gather3A_601 = arith.constant 0 : i32
        %gather3A_602 = arith.constant 0 : i32
        %gather3A_603 = tpu.memref_slice %arg6[%gather3A_600, %gather3A_601, %gather3A_602] : memref<2x128x64xf32, #tpu.memory_space<vmem>> -> memref<1x128x64xf32, #tpu.memory_space<vmem>>
        %gather3A_604 = tpu.memref_squeeze %gather3A_603 : memref<1x128x64xf32, #tpu.memory_space<vmem>> -> memref<128x64xf32, #tpu.memory_space<vmem>>
        %gather3A_605 = tpu.vector_load_idx %gather3A_604[%add3A_248, %add3A_599] : memref<128x64xf32, #tpu.memory_space<vmem>>[vector<16xi32>, vector<16xi32>], vector<16xf32>,
        %add3A_606 = arith.constant 16 : i32
        %add3A_607 = vector.broadcast %add3A_606 : i32 to vector<16xi32>
        %add3A_608 = arith.addi %and3A_102, %add3A_607 : vector<16xi32>
        %gather3A_609 = arith.constant 0 : i32
        %gather3A_610 = arith.constant 0 : i32
        %gather3A_611 = arith.constant 0 : i32
        %gather3A_612 = tpu.memref_slice %arg6[%gather3A_609, %gather3A_610, %gather3A_611] : memref<2x128x64xf32, #tpu.memory_space<vmem>> -> memref<1x128x64xf32, #tpu.memory_space<vmem>>
        %gather3A_613 = tpu.memref_squeeze %gather3A_612 : memref<1x128x64xf32, #tpu.memory_space<vmem>> -> memref<128x64xf32, #tpu.memory_space<vmem>>
        %gather3A_614 = tpu.vector_load_idx %gather3A_613[%add3A_248, %add3A_608] : memref<128x64xf32, #tpu.memory_space<vmem>>[vector<16xi32>, vector<16xi32>], vector<16xf32>,
        %scatter3A_615 = arith.constant 0 : i32
        %scatter3A_616 = arith.constant 0 : i32
        %scatter3A_617 = arith.constant 0 : i32
        %scatter3A_618 = tpu.memref_slice %arg7[%scatter3A_615, %scatter3A_616, %scatter3A_617] : memref<2x64x128xf32, #tpu.memory_space<vmem>> -> memref<1x64x128xf32, #tpu.memory_space<vmem>>
        %scatter3A_619 = tpu.memref_squeeze %scatter3A_618 : memref<1x64x128xf32, #tpu.memory_space<vmem>> -> memref<64x128xf32, #tpu.memory_space<vmem>>
        tpu.vector_store_idx %scatter3A_619[%add3A_473, %add3A_248], %gather3A_479 : memref<64x128xf32, #tpu.memory_space<vmem>>[vector<16xi32>, vector<16xi32>], vector<16xf32>,
        %scatter3A_620 = arith.constant 0 : i32
        %scatter3A_621 = arith.constant 0 : i32
        %scatter3A_622 = arith.constant 0 : i32
        %scatter3A_623 = tpu.memref_slice %arg7[%scatter3A_620, %scatter3A_621, %scatter3A_622] : memref<2x64x128xf32, #tpu.memory_space<vmem>> -> memref<1x64x128xf32, #tpu.memory_space<vmem>>
        %scatter3A_624 = tpu.memref_squeeze %scatter3A_623 : memref<1x64x128xf32, #tpu.memory_space<vmem>> -> memref<64x128xf32, #tpu.memory_space<vmem>>
        tpu.vector_store_idx %scatter3A_624[%add3A_482, %add3A_248], %gather3A_488 : memref<64x128xf32, #tpu.memory_space<vmem>>[vector<16xi32>, vector<16xi32>], vector<16xf32>,
        %scatter3A_625 = arith.constant 0 : i32
        %scatter3A_626 = arith.constant 0 : i32
        %scatter3A_627 = arith.constant 0 : i32
        %scatter3A_628 = tpu.memref_slice %arg7[%scatter3A_625, %scatter3A_626, %scatter3A_627] : memref<2x64x128xf32, #tpu.memory_space<vmem>> -> memref<1x64x128xf32, #tpu.memory_space<vmem>>
        %scatter3A_629 = tpu.memref_squeeze %scatter3A_628 : memref<1x64x128xf32, #tpu.memory_space<vmem>> -> memref<64x128xf32, #tpu.memory_space<vmem>>
        tpu.vector_store_idx %scatter3A_629[%add3A_491, %add3A_248], %gather3A_497 : memref<64x128xf32, #tpu.memory_space<vmem>>[vector<16xi32>, vector<16xi32>], vector<16xf32>,
        %scatter3A_630 = arith.constant 0 : i32
        %scatter3A_631 = arith.constant 0 : i32
        %scatter3A_632 = arith.constant 0 : i32
        %scatter3A_633 = tpu.memref_slice %arg7[%scatter3A_630, %scatter3A_631, %scatter3A_632] : memref<2x64x128xf32, #tpu.memory_space<vmem>> -> memref<1x64x128xf32, #tpu.memory_space<vmem>>
        %scatter3A_634 = tpu.memref_squeeze %scatter3A_633 : memref<1x64x128xf32, #tpu.memory_space<vmem>> -> memref<64x128xf32, #tpu.memory_space<vmem>>
        tpu.vector_store_idx %scatter3A_634[%add3A_500, %add3A_248], %gather3A_506 : memref<64x128xf32, #tpu.memory_space<vmem>>[vector<16xi32>, vector<16xi32>], vector<16xf32>,
        %scatter3A_635 = arith.constant 0 : i32
        %scatter3A_636 = arith.constant 0 : i32
        %scatter3A_637 = arith.constant 0 : i32
        %scatter3A_638 = tpu.memref_slice %arg7[%scatter3A_635, %scatter3A_636, %scatter3A_637] : memref<2x64x128xf32, #tpu.memory_space<vmem>> -> memref<1x64x128xf32, #tpu.memory_space<vmem>>
        %scatter3A_639 = tpu.memref_squeeze %scatter3A_638 : memref<1x64x128xf32, #tpu.memory_space<vmem>> -> memref<64x128xf32, #tpu.memory_space<vmem>>
        tpu.vector_store_idx %scatter3A_639[%add3A_509, %add3A_248], %gather3A_515 : memref<64x128xf32, #tpu.memory_space<vmem>>[vector<16xi32>, vector<16xi32>], vector<16xf32>,
        %scatter3A_640 = arith.constant 0 : i32
        %scatter3A_641 = arith.constant 0 : i32
        %scatter3A_642 = arith.constant 0 : i32
        %scatter3A_643 = tpu.memref_slice %arg7[%scatter3A_640, %scatter3A_641, %scatter3A_642] : memref<2x64x128xf32, #tpu.memory_space<vmem>> -> memref<1x64x128xf32, #tpu.memory_space<vmem>>
        %scatter3A_644 = tpu.memref_squeeze %scatter3A_643 : memref<1x64x128xf32, #tpu.memory_space<vmem>> -> memref<64x128xf32, #tpu.memory_space<vmem>>
        tpu.vector_store_idx %scatter3A_644[%add3A_518, %add3A_248], %gather3A_524 : memref<64x128xf32, #tpu.memory_space<vmem>>[vector<16xi32>, vector<16xi32>], vector<16xf32>,
        %scatter3A_645 = arith.constant 0 : i32
        %scatter3A_646 = arith.constant 0 : i32
        %scatter3A_647 = arith.constant 0 : i32
        %scatter3A_648 = tpu.memref_slice %arg7[%scatter3A_645, %scatter3A_646, %scatter3A_647] : memref<2x64x128xf32, #tpu.memory_space<vmem>> -> memref<1x64x128xf32, #tpu.memory_space<vmem>>
        %scatter3A_649 = tpu.memref_squeeze %scatter3A_648 : memref<1x64x128xf32, #tpu.memory_space<vmem>> -> memref<64x128xf32, #tpu.memory_space<vmem>>
        tpu.vector_store_idx %scatter3A_649[%add3A_527, %add3A_248], %gather3A_533 : memref<64x128xf32, #tpu.memory_space<vmem>>[vector<16xi32>, vector<16xi32>], vector<16xf32>,
        %scatter3A_650 = arith.constant 0 : i32
        %scatter3A_651 = arith.constant 0 : i32
        %scatter3A_652 = arith.constant 0 : i32
        %scatter3A_653 = tpu.memref_slice %arg7[%scatter3A_650, %scatter3A_651, %scatter3A_652] : memref<2x64x128xf32, #tpu.memory_space<vmem>> -> memref<1x64x128xf32, #tpu.memory_space<vmem>>
        %scatter3A_654 = tpu.memref_squeeze %scatter3A_653 : memref<1x64x128xf32, #tpu.memory_space<vmem>> -> memref<64x128xf32, #tpu.memory_space<vmem>>
        tpu.vector_store_idx %scatter3A_654[%add3A_536, %add3A_248], %gather3A_542 : memref<64x128xf32, #tpu.memory_space<vmem>>[vector<16xi32>, vector<16xi32>], vector<16xf32>,
        %scatter3A_655 = arith.constant 0 : i32
        %scatter3A_656 = arith.constant 0 : i32
        %scatter3A_657 = arith.constant 0 : i32
        %scatter3A_658 = tpu.memref_slice %arg7[%scatter3A_655, %scatter3A_656, %scatter3A_657] : memref<2x64x128xf32, #tpu.memory_space<vmem>> -> memref<1x64x128xf32, #tpu.memory_space<vmem>>
        %scatter3A_659 = tpu.memref_squeeze %scatter3A_658 : memref<1x64x128xf32, #tpu.memory_space<vmem>> -> memref<64x128xf32, #tpu.memory_space<vmem>>
        tpu.vector_store_idx %scatter3A_659[%add3A_545, %add3A_248], %gather3A_551 : memref<64x128xf32, #tpu.memory_space<vmem>>[vector<16xi32>, vector<16xi32>], vector<16xf32>,
        %scatter3A_660 = arith.constant 0 : i32
        %scatter3A_661 = arith.constant 0 : i32
        %scatter3A_662 = arith.constant 0 : i32
        %scatter3A_663 = tpu.memref_slice %arg7[%scatter3A_660, %scatter3A_661, %scatter3A_662] : memref<2x64x128xf32, #tpu.memory_space<vmem>> -> memref<1x64x128xf32, #tpu.memory_space<vmem>>
        %scatter3A_664 = tpu.memref_squeeze %scatter3A_663 : memref<1x64x128xf32, #tpu.memory_space<vmem>> -> memref<64x128xf32, #tpu.memory_space<vmem>>
        tpu.vector_store_idx %scatter3A_664[%add3A_554, %add3A_248], %gather3A_560 : memref<64x128xf32, #tpu.memory_space<vmem>>[vector<16xi32>, vector<16xi32>], vector<16xf32>,
        %scatter3A_665 = arith.constant 0 : i32
        %scatter3A_666 = arith.constant 0 : i32
        %scatter3A_667 = arith.constant 0 : i32
        %scatter3A_668 = tpu.memref_slice %arg7[%scatter3A_665, %scatter3A_666, %scatter3A_667] : memref<2x64x128xf32, #tpu.memory_space<vmem>> -> memref<1x64x128xf32, #tpu.memory_space<vmem>>
        %scatter3A_669 = tpu.memref_squeeze %scatter3A_668 : memref<1x64x128xf32, #tpu.memory_space<vmem>> -> memref<64x128xf32, #tpu.memory_space<vmem>>
        tpu.vector_store_idx %scatter3A_669[%add3A_563, %add3A_248], %gather3A_569 : memref<64x128xf32, #tpu.memory_space<vmem>>[vector<16xi32>, vector<16xi32>], vector<16xf32>,
        %scatter3A_670 = arith.constant 0 : i32
        %scatter3A_671 = arith.constant 0 : i32
        %scatter3A_672 = arith.constant 0 : i32
        %scatter3A_673 = tpu.memref_slice %arg7[%scatter3A_670, %scatter3A_671, %scatter3A_672] : memref<2x64x128xf32, #tpu.memory_space<vmem>> -> memref<1x64x128xf32, #tpu.memory_space<vmem>>
        %scatter3A_674 = tpu.memref_squeeze %scatter3A_673 : memref<1x64x128xf32, #tpu.memory_space<vmem>> -> memref<64x128xf32, #tpu.memory_space<vmem>>
        tpu.vector_store_idx %scatter3A_674[%add3A_572, %add3A_248], %gather3A_578 : memref<64x128xf32, #tpu.memory_space<vmem>>[vector<16xi32>, vector<16xi32>], vector<16xf32>,
        %scatter3A_675 = arith.constant 0 : i32
        %scatter3A_676 = arith.constant 0 : i32
        %scatter3A_677 = arith.constant 0 : i32
        %scatter3A_678 = tpu.memref_slice %arg7[%scatter3A_675, %scatter3A_676, %scatter3A_677] : memref<2x64x128xf32, #tpu.memory_space<vmem>> -> memref<1x64x128xf32, #tpu.memory_space<vmem>>
        %scatter3A_679 = tpu.memref_squeeze %scatter3A_678 : memref<1x64x128xf32, #tpu.memory_space<vmem>> -> memref<64x128xf32, #tpu.memory_space<vmem>>
        tpu.vector_store_idx %scatter3A_679[%add3A_581, %add3A_248], %gather3A_587 : memref<64x128xf32, #tpu.memory_space<vmem>>[vector<16xi32>, vector<16xi32>], vector<16xf32>,
        %scatter3A_680 = arith.constant 0 : i32
        %scatter3A_681 = arith.constant 0 : i32
        %scatter3A_682 = arith.constant 0 : i32
        %scatter3A_683 = tpu.memref_slice %arg7[%scatter3A_680, %scatter3A_681, %scatter3A_682] : memref<2x64x128xf32, #tpu.memory_space<vmem>> -> memref<1x64x128xf32, #tpu.memory_space<vmem>>
        %scatter3A_684 = tpu.memref_squeeze %scatter3A_683 : memref<1x64x128xf32, #tpu.memory_space<vmem>> -> memref<64x128xf32, #tpu.memory_space<vmem>>
        tpu.vector_store_idx %scatter3A_684[%add3A_590, %add3A_248], %gather3A_596 : memref<64x128xf32, #tpu.memory_space<vmem>>[vector<16xi32>, vector<16xi32>], vector<16xf32>,
        %scatter3A_685 = arith.constant 0 : i32
        %scatter3A_686 = arith.constant 0 : i32
        %scatter3A_687 = arith.constant 0 : i32
        %scatter3A_688 = tpu.memref_slice %arg7[%scatter3A_685, %scatter3A_686, %scatter3A_687] : memref<2x64x128xf32, #tpu.memory_space<vmem>> -> memref<1x64x128xf32, #tpu.memory_space<vmem>>
        %scatter3A_689 = tpu.memref_squeeze %scatter3A_688 : memref<1x64x128xf32, #tpu.memory_space<vmem>> -> memref<64x128xf32, #tpu.memory_space<vmem>>
        tpu.vector_store_idx %scatter3A_689[%add3A_599, %add3A_248], %gather3A_605 : memref<64x128xf32, #tpu.memory_space<vmem>>[vector<16xi32>, vector<16xi32>], vector<16xf32>,
        %scatter3A_690 = arith.constant 0 : i32
        %scatter3A_691 = arith.constant 0 : i32
        %scatter3A_692 = arith.constant 0 : i32
        %scatter3A_693 = tpu.memref_slice %arg7[%scatter3A_690, %scatter3A_691, %scatter3A_692] : memref<2x64x128xf32, #tpu.memory_space<vmem>> -> memref<1x64x128xf32, #tpu.memory_space<vmem>>
        %scatter3A_694 = tpu.memref_squeeze %scatter3A_693 : memref<1x64x128xf32, #tpu.memory_space<vmem>> -> memref<64x128xf32, #tpu.memory_space<vmem>>
        tpu.vector_store_idx %scatter3A_694[%add3A_608, %add3A_248], %gather3A_614 : memref<64x128xf32, #tpu.memory_space<vmem>>[vector<16xi32>, vector<16xi32>], vector<16xf32>,
        %add3A_695 = arith.constant 32 : i32
        %add3A_696 = vector.broadcast %add3A_695 : i32 to vector<16xi32>
        %add3A_697 = arith.addi %and3A_12, %add3A_696 : vector<16xi32>
        %gather3A_698 = arith.constant 0 : i32
        %gather3A_699 = arith.constant 0 : i32
        %gather3A_700 = arith.constant 0 : i32
        %gather3A_701 = tpu.memref_slice %arg6[%gather3A_698, %gather3A_699, %gather3A_700] : memref<2x128x64xf32, #tpu.memory_space<vmem>> -> memref<1x128x64xf32, #tpu.memory_space<vmem>>
        %gather3A_702 = tpu.memref_squeeze %gather3A_701 : memref<1x128x64xf32, #tpu.memory_space<vmem>> -> memref<128x64xf32, #tpu.memory_space<vmem>>
        %gather3A_703 = tpu.vector_load_idx %gather3A_702[%add3A_248, %add3A_697] : memref<128x64xf32, #tpu.memory_space<vmem>>[vector<16xi32>, vector<16xi32>], vector<16xf32>,
        %add3A_704 = arith.constant 32 : i32
        %add3A_705 = vector.broadcast %add3A_704 : i32 to vector<16xi32>
        %add3A_706 = arith.addi %and3A_18, %add3A_705 : vector<16xi32>
        %gather3A_707 = arith.constant 0 : i32
        %gather3A_708 = arith.constant 0 : i32
        %gather3A_709 = arith.constant 0 : i32
        %gather3A_710 = tpu.memref_slice %arg6[%gather3A_707, %gather3A_708, %gather3A_709] : memref<2x128x64xf32, #tpu.memory_space<vmem>> -> memref<1x128x64xf32, #tpu.memory_space<vmem>>
        %gather3A_711 = tpu.memref_squeeze %gather3A_710 : memref<1x128x64xf32, #tpu.memory_space<vmem>> -> memref<128x64xf32, #tpu.memory_space<vmem>>
        %gather3A_712 = tpu.vector_load_idx %gather3A_711[%add3A_248, %add3A_706] : memref<128x64xf32, #tpu.memory_space<vmem>>[vector<16xi32>, vector<16xi32>], vector<16xf32>,
        %add3A_713 = arith.constant 32 : i32
        %add3A_714 = vector.broadcast %add3A_713 : i32 to vector<16xi32>
        %add3A_715 = arith.addi %and3A_24, %add3A_714 : vector<16xi32>
        %gather3A_716 = arith.constant 0 : i32
        %gather3A_717 = arith.constant 0 : i32
        %gather3A_718 = arith.constant 0 : i32
        %gather3A_719 = tpu.memref_slice %arg6[%gather3A_716, %gather3A_717, %gather3A_718] : memref<2x128x64xf32, #tpu.memory_space<vmem>> -> memref<1x128x64xf32, #tpu.memory_space<vmem>>
        %gather3A_720 = tpu.memref_squeeze %gather3A_719 : memref<1x128x64xf32, #tpu.memory_space<vmem>> -> memref<128x64xf32, #tpu.memory_space<vmem>>
        %gather3A_721 = tpu.vector_load_idx %gather3A_720[%add3A_248, %add3A_715] : memref<128x64xf32, #tpu.memory_space<vmem>>[vector<16xi32>, vector<16xi32>], vector<16xf32>,
        %add3A_722 = arith.constant 32 : i32
        %add3A_723 = vector.broadcast %add3A_722 : i32 to vector<16xi32>
        %add3A_724 = arith.addi %and3A_30, %add3A_723 : vector<16xi32>
        %gather3A_725 = arith.constant 0 : i32
        %gather3A_726 = arith.constant 0 : i32
        %gather3A_727 = arith.constant 0 : i32
        %gather3A_728 = tpu.memref_slice %arg6[%gather3A_725, %gather3A_726, %gather3A_727] : memref<2x128x64xf32, #tpu.memory_space<vmem>> -> memref<1x128x64xf32, #tpu.memory_space<vmem>>
        %gather3A_729 = tpu.memref_squeeze %gather3A_728 : memref<1x128x64xf32, #tpu.memory_space<vmem>> -> memref<128x64xf32, #tpu.memory_space<vmem>>
        %gather3A_730 = tpu.vector_load_idx %gather3A_729[%add3A_248, %add3A_724] : memref<128x64xf32, #tpu.memory_space<vmem>>[vector<16xi32>, vector<16xi32>], vector<16xf32>,
        %add3A_731 = arith.constant 32 : i32
        %add3A_732 = vector.broadcast %add3A_731 : i32 to vector<16xi32>
        %add3A_733 = arith.addi %and3A_36, %add3A_732 : vector<16xi32>
        %gather3A_734 = arith.constant 0 : i32
        %gather3A_735 = arith.constant 0 : i32
        %gather3A_736 = arith.constant 0 : i32
        %gather3A_737 = tpu.memref_slice %arg6[%gather3A_734, %gather3A_735, %gather3A_736] : memref<2x128x64xf32, #tpu.memory_space<vmem>> -> memref<1x128x64xf32, #tpu.memory_space<vmem>>
        %gather3A_738 = tpu.memref_squeeze %gather3A_737 : memref<1x128x64xf32, #tpu.memory_space<vmem>> -> memref<128x64xf32, #tpu.memory_space<vmem>>
        %gather3A_739 = tpu.vector_load_idx %gather3A_738[%add3A_248, %add3A_733] : memref<128x64xf32, #tpu.memory_space<vmem>>[vector<16xi32>, vector<16xi32>], vector<16xf32>,
        %add3A_740 = arith.constant 32 : i32
        %add3A_741 = vector.broadcast %add3A_740 : i32 to vector<16xi32>
        %add3A_742 = arith.addi %and3A_42, %add3A_741 : vector<16xi32>
        %gather3A_743 = arith.constant 0 : i32
        %gather3A_744 = arith.constant 0 : i32
        %gather3A_745 = arith.constant 0 : i32
        %gather3A_746 = tpu.memref_slice %arg6[%gather3A_743, %gather3A_744, %gather3A_745] : memref<2x128x64xf32, #tpu.memory_space<vmem>> -> memref<1x128x64xf32, #tpu.memory_space<vmem>>
        %gather3A_747 = tpu.memref_squeeze %gather3A_746 : memref<1x128x64xf32, #tpu.memory_space<vmem>> -> memref<128x64xf32, #tpu.memory_space<vmem>>
        %gather3A_748 = tpu.vector_load_idx %gather3A_747[%add3A_248, %add3A_742] : memref<128x64xf32, #tpu.memory_space<vmem>>[vector<16xi32>, vector<16xi32>], vector<16xf32>,
        %add3A_749 = arith.constant 32 : i32
        %add3A_750 = vector.broadcast %add3A_749 : i32 to vector<16xi32>
        %add3A_751 = arith.addi %and3A_48, %add3A_750 : vector<16xi32>
        %gather3A_752 = arith.constant 0 : i32
        %gather3A_753 = arith.constant 0 : i32
        %gather3A_754 = arith.constant 0 : i32
        %gather3A_755 = tpu.memref_slice %arg6[%gather3A_752, %gather3A_753, %gather3A_754] : memref<2x128x64xf32, #tpu.memory_space<vmem>> -> memref<1x128x64xf32, #tpu.memory_space<vmem>>
        %gather3A_756 = tpu.memref_squeeze %gather3A_755 : memref<1x128x64xf32, #tpu.memory_space<vmem>> -> memref<128x64xf32, #tpu.memory_space<vmem>>
        %gather3A_757 = tpu.vector_load_idx %gather3A_756[%add3A_248, %add3A_751] : memref<128x64xf32, #tpu.memory_space<vmem>>[vector<16xi32>, vector<16xi32>], vector<16xf32>,
        %add3A_758 = arith.constant 32 : i32
        %add3A_759 = vector.broadcast %add3A_758 : i32 to vector<16xi32>
        %add3A_760 = arith.addi %and3A_54, %add3A_759 : vector<16xi32>
        %gather3A_761 = arith.constant 0 : i32
        %gather3A_762 = arith.constant 0 : i32
        %gather3A_763 = arith.constant 0 : i32
        %gather3A_764 = tpu.memref_slice %arg6[%gather3A_761, %gather3A_762, %gather3A_763] : memref<2x128x64xf32, #tpu.memory_space<vmem>> -> memref<1x128x64xf32, #tpu.memory_space<vmem>>
        %gather3A_765 = tpu.memref_squeeze %gather3A_764 : memref<1x128x64xf32, #tpu.memory_space<vmem>> -> memref<128x64xf32, #tpu.memory_space<vmem>>
        %gather3A_766 = tpu.vector_load_idx %gather3A_765[%add3A_248, %add3A_760] : memref<128x64xf32, #tpu.memory_space<vmem>>[vector<16xi32>, vector<16xi32>], vector<16xf32>,
        %add3A_767 = arith.constant 32 : i32
        %add3A_768 = vector.broadcast %add3A_767 : i32 to vector<16xi32>
        %add3A_769 = arith.addi %and3A_60, %add3A_768 : vector<16xi32>
        %gather3A_770 = arith.constant 0 : i32
        %gather3A_771 = arith.constant 0 : i32
        %gather3A_772 = arith.constant 0 : i32
        %gather3A_773 = tpu.memref_slice %arg6[%gather3A_770, %gather3A_771, %gather3A_772] : memref<2x128x64xf32, #tpu.memory_space<vmem>> -> memref<1x128x64xf32, #tpu.memory_space<vmem>>
        %gather3A_774 = tpu.memref_squeeze %gather3A_773 : memref<1x128x64xf32, #tpu.memory_space<vmem>> -> memref<128x64xf32, #tpu.memory_space<vmem>>
        %gather3A_775 = tpu.vector_load_idx %gather3A_774[%add3A_248, %add3A_769] : memref<128x64xf32, #tpu.memory_space<vmem>>[vector<16xi32>, vector<16xi32>], vector<16xf32>,
        %add3A_776 = arith.constant 32 : i32
        %add3A_777 = vector.broadcast %add3A_776 : i32 to vector<16xi32>
        %add3A_778 = arith.addi %and3A_66, %add3A_777 : vector<16xi32>
        %gather3A_779 = arith.constant 0 : i32
        %gather3A_780 = arith.constant 0 : i32
        %gather3A_781 = arith.constant 0 : i32
        %gather3A_782 = tpu.memref_slice %arg6[%gather3A_779, %gather3A_780, %gather3A_781] : memref<2x128x64xf32, #tpu.memory_space<vmem>> -> memref<1x128x64xf32, #tpu.memory_space<vmem>>
        %gather3A_783 = tpu.memref_squeeze %gather3A_782 : memref<1x128x64xf32, #tpu.memory_space<vmem>> -> memref<128x64xf32, #tpu.memory_space<vmem>>
        %gather3A_784 = tpu.vector_load_idx %gather3A_783[%add3A_248, %add3A_778] : memref<128x64xf32, #tpu.memory_space<vmem>>[vector<16xi32>, vector<16xi32>], vector<16xf32>,
        %add3A_785 = arith.constant 32 : i32
        %add3A_786 = vector.broadcast %add3A_785 : i32 to vector<16xi32>
        %add3A_787 = arith.addi %and3A_72, %add3A_786 : vector<16xi32>
        %gather3A_788 = arith.constant 0 : i32
        %gather3A_789 = arith.constant 0 : i32
        %gather3A_790 = arith.constant 0 : i32
        %gather3A_791 = tpu.memref_slice %arg6[%gather3A_788, %gather3A_789, %gather3A_790] : memref<2x128x64xf32, #tpu.memory_space<vmem>> -> memref<1x128x64xf32, #tpu.memory_space<vmem>>
        %gather3A_792 = tpu.memref_squeeze %gather3A_791 : memref<1x128x64xf32, #tpu.memory_space<vmem>> -> memref<128x64xf32, #tpu.memory_space<vmem>>
        %gather3A_793 = tpu.vector_load_idx %gather3A_792[%add3A_248, %add3A_787] : memref<128x64xf32, #tpu.memory_space<vmem>>[vector<16xi32>, vector<16xi32>], vector<16xf32>,
        %add3A_794 = arith.constant 32 : i32
        %add3A_795 = vector.broadcast %add3A_794 : i32 to vector<16xi32>
        %add3A_796 = arith.addi %and3A_78, %add3A_795 : vector<16xi32>
        %gather3A_797 = arith.constant 0 : i32
        %gather3A_798 = arith.constant 0 : i32
        %gather3A_799 = arith.constant 0 : i32
        %gather3A_800 = tpu.memref_slice %arg6[%gather3A_797, %gather3A_798, %gather3A_799] : memref<2x128x64xf32, #tpu.memory_space<vmem>> -> memref<1x128x64xf32, #tpu.memory_space<vmem>>
        %gather3A_801 = tpu.memref_squeeze %gather3A_800 : memref<1x128x64xf32, #tpu.memory_space<vmem>> -> memref<128x64xf32, #tpu.memory_space<vmem>>
        %gather3A_802 = tpu.vector_load_idx %gather3A_801[%add3A_248, %add3A_796] : memref<128x64xf32, #tpu.memory_space<vmem>>[vector<16xi32>, vector<16xi32>], vector<16xf32>,
        %add3A_803 = arith.constant 32 : i32
        %add3A_804 = vector.broadcast %add3A_803 : i32 to vector<16xi32>
        %add3A_805 = arith.addi %and3A_84, %add3A_804 : vector<16xi32>
        %gather3A_806 = arith.constant 0 : i32
        %gather3A_807 = arith.constant 0 : i32
        %gather3A_808 = arith.constant 0 : i32
        %gather3A_809 = tpu.memref_slice %arg6[%gather3A_806, %gather3A_807, %gather3A_808] : memref<2x128x64xf32, #tpu.memory_space<vmem>> -> memref<1x128x64xf32, #tpu.memory_space<vmem>>
        %gather3A_810 = tpu.memref_squeeze %gather3A_809 : memref<1x128x64xf32, #tpu.memory_space<vmem>> -> memref<128x64xf32, #tpu.memory_space<vmem>>
        %gather3A_811 = tpu.vector_load_idx %gather3A_810[%add3A_248, %add3A_805] : memref<128x64xf32, #tpu.memory_space<vmem>>[vector<16xi32>, vector<16xi32>], vector<16xf32>,
        %add3A_812 = arith.constant 32 : i32
        %add3A_813 = vector.broadcast %add3A_812 : i32 to vector<16xi32>
        %add3A_814 = arith.addi %and3A_90, %add3A_813 : vector<16xi32>
        %gather3A_815 = arith.constant 0 : i32
        %gather3A_816 = arith.constant 0 : i32
        %gather3A_817 = arith.constant 0 : i32
        %gather3A_818 = tpu.memref_slice %arg6[%gather3A_815, %gather3A_816, %gather3A_817] : memref<2x128x64xf32, #tpu.memory_space<vmem>> -> memref<1x128x64xf32, #tpu.memory_space<vmem>>
        %gather3A_819 = tpu.memref_squeeze %gather3A_818 : memref<1x128x64xf32, #tpu.memory_space<vmem>> -> memref<128x64xf32, #tpu.memory_space<vmem>>
        %gather3A_820 = tpu.vector_load_idx %gather3A_819[%add3A_248, %add3A_814] : memref<128x64xf32, #tpu.memory_space<vmem>>[vector<16xi32>, vector<16xi32>], vector<16xf32>,
        %add3A_821 = arith.constant 32 : i32
        %add3A_822 = vector.broadcast %add3A_821 : i32 to vector<16xi32>
        %add3A_823 = arith.addi %and3A_96, %add3A_822 : vector<16xi32>
        %gather3A_824 = arith.constant 0 : i32
        %gather3A_825 = arith.constant 0 : i32
        %gather3A_826 = arith.constant 0 : i32
        %gather3A_827 = tpu.memref_slice %arg6[%gather3A_824, %gather3A_825, %gather3A_826] : memref<2x128x64xf32, #tpu.memory_space<vmem>> -> memref<1x128x64xf32, #tpu.memory_space<vmem>>
        %gather3A_828 = tpu.memref_squeeze %gather3A_827 : memref<1x128x64xf32, #tpu.memory_space<vmem>> -> memref<128x64xf32, #tpu.memory_space<vmem>>
        %gather3A_829 = tpu.vector_load_idx %gather3A_828[%add3A_248, %add3A_823] : memref<128x64xf32, #tpu.memory_space<vmem>>[vector<16xi32>, vector<16xi32>], vector<16xf32>,
        %add3A_830 = arith.constant 32 : i32
        %add3A_831 = vector.broadcast %add3A_830 : i32 to vector<16xi32>
        %add3A_832 = arith.addi %and3A_102, %add3A_831 : vector<16xi32>
        %gather3A_833 = arith.constant 0 : i32
        %gather3A_834 = arith.constant 0 : i32
        %gather3A_835 = arith.constant 0 : i32
        %gather3A_836 = tpu.memref_slice %arg6[%gather3A_833, %gather3A_834, %gather3A_835] : memref<2x128x64xf32, #tpu.memory_space<vmem>> -> memref<1x128x64xf32, #tpu.memory_space<vmem>>
        %gather3A_837 = tpu.memref_squeeze %gather3A_836 : memref<1x128x64xf32, #tpu.memory_space<vmem>> -> memref<128x64xf32, #tpu.memory_space<vmem>>
        %gather3A_838 = tpu.vector_load_idx %gather3A_837[%add3A_248, %add3A_832] : memref<128x64xf32, #tpu.memory_space<vmem>>[vector<16xi32>, vector<16xi32>], vector<16xf32>,
        %scatter3A_839 = arith.constant 0 : i32
        %scatter3A_840 = arith.constant 0 : i32
        %scatter3A_841 = arith.constant 0 : i32
        %scatter3A_842 = tpu.memref_slice %arg7[%scatter3A_839, %scatter3A_840, %scatter3A_841] : memref<2x64x128xf32, #tpu.memory_space<vmem>> -> memref<1x64x128xf32, #tpu.memory_space<vmem>>
        %scatter3A_843 = tpu.memref_squeeze %scatter3A_842 : memref<1x64x128xf32, #tpu.memory_space<vmem>> -> memref<64x128xf32, #tpu.memory_space<vmem>>
        tpu.vector_store_idx %scatter3A_843[%add3A_697, %add3A_248], %gather3A_703 : memref<64x128xf32, #tpu.memory_space<vmem>>[vector<16xi32>, vector<16xi32>], vector<16xf32>,
        %scatter3A_844 = arith.constant 0 : i32
        %scatter3A_845 = arith.constant 0 : i32
        %scatter3A_846 = arith.constant 0 : i32
        %scatter3A_847 = tpu.memref_slice %arg7[%scatter3A_844, %scatter3A_845, %scatter3A_846] : memref<2x64x128xf32, #tpu.memory_space<vmem>> -> memref<1x64x128xf32, #tpu.memory_space<vmem>>
        %scatter3A_848 = tpu.memref_squeeze %scatter3A_847 : memref<1x64x128xf32, #tpu.memory_space<vmem>> -> memref<64x128xf32, #tpu.memory_space<vmem>>
        tpu.vector_store_idx %scatter3A_848[%add3A_706, %add3A_248], %gather3A_712 : memref<64x128xf32, #tpu.memory_space<vmem>>[vector<16xi32>, vector<16xi32>], vector<16xf32>,
        %scatter3A_849 = arith.constant 0 : i32
        %scatter3A_850 = arith.constant 0 : i32
        %scatter3A_851 = arith.constant 0 : i32
        %scatter3A_852 = tpu.memref_slice %arg7[%scatter3A_849, %scatter3A_850, %scatter3A_851] : memref<2x64x128xf32, #tpu.memory_space<vmem>> -> memref<1x64x128xf32, #tpu.memory_space<vmem>>
        %scatter3A_853 = tpu.memref_squeeze %scatter3A_852 : memref<1x64x128xf32, #tpu.memory_space<vmem>> -> memref<64x128xf32, #tpu.memory_space<vmem>>
        tpu.vector_store_idx %scatter3A_853[%add3A_715, %add3A_248], %gather3A_721 : memref<64x128xf32, #tpu.memory_space<vmem>>[vector<16xi32>, vector<16xi32>], vector<16xf32>,
        %scatter3A_854 = arith.constant 0 : i32
        %scatter3A_855 = arith.constant 0 : i32
        %scatter3A_856 = arith.constant 0 : i32
        %scatter3A_857 = tpu.memref_slice %arg7[%scatter3A_854, %scatter3A_855, %scatter3A_856] : memref<2x64x128xf32, #tpu.memory_space<vmem>> -> memref<1x64x128xf32, #tpu.memory_space<vmem>>
        %scatter3A_858 = tpu.memref_squeeze %scatter3A_857 : memref<1x64x128xf32, #tpu.memory_space<vmem>> -> memref<64x128xf32, #tpu.memory_space<vmem>>
        tpu.vector_store_idx %scatter3A_858[%add3A_724, %add3A_248], %gather3A_730 : memref<64x128xf32, #tpu.memory_space<vmem>>[vector<16xi32>, vector<16xi32>], vector<16xf32>,
        %scatter3A_859 = arith.constant 0 : i32
        %scatter3A_860 = arith.constant 0 : i32
        %scatter3A_861 = arith.constant 0 : i32
        %scatter3A_862 = tpu.memref_slice %arg7[%scatter3A_859, %scatter3A_860, %scatter3A_861] : memref<2x64x128xf32, #tpu.memory_space<vmem>> -> memref<1x64x128xf32, #tpu.memory_space<vmem>>
        %scatter3A_863 = tpu.memref_squeeze %scatter3A_862 : memref<1x64x128xf32, #tpu.memory_space<vmem>> -> memref<64x128xf32, #tpu.memory_space<vmem>>
        tpu.vector_store_idx %scatter3A_863[%add3A_733, %add3A_248], %gather3A_739 : memref<64x128xf32, #tpu.memory_space<vmem>>[vector<16xi32>, vector<16xi32>], vector<16xf32>,
        %scatter3A_864 = arith.constant 0 : i32
        %scatter3A_865 = arith.constant 0 : i32
        %scatter3A_866 = arith.constant 0 : i32
        %scatter3A_867 = tpu.memref_slice %arg7[%scatter3A_864, %scatter3A_865, %scatter3A_866] : memref<2x64x128xf32, #tpu.memory_space<vmem>> -> memref<1x64x128xf32, #tpu.memory_space<vmem>>
        %scatter3A_868 = tpu.memref_squeeze %scatter3A_867 : memref<1x64x128xf32, #tpu.memory_space<vmem>> -> memref<64x128xf32, #tpu.memory_space<vmem>>
        tpu.vector_store_idx %scatter3A_868[%add3A_742, %add3A_248], %gather3A_748 : memref<64x128xf32, #tpu.memory_space<vmem>>[vector<16xi32>, vector<16xi32>], vector<16xf32>,
        %scatter3A_869 = arith.constant 0 : i32
        %scatter3A_870 = arith.constant 0 : i32
        %scatter3A_871 = arith.constant 0 : i32
        %scatter3A_872 = tpu.memref_slice %arg7[%scatter3A_869, %scatter3A_870, %scatter3A_871] : memref<2x64x128xf32, #tpu.memory_space<vmem>> -> memref<1x64x128xf32, #tpu.memory_space<vmem>>
        %scatter3A_873 = tpu.memref_squeeze %scatter3A_872 : memref<1x64x128xf32, #tpu.memory_space<vmem>> -> memref<64x128xf32, #tpu.memory_space<vmem>>
        tpu.vector_store_idx %scatter3A_873[%add3A_751, %add3A_248], %gather3A_757 : memref<64x128xf32, #tpu.memory_space<vmem>>[vector<16xi32>, vector<16xi32>], vector<16xf32>,
        %scatter3A_874 = arith.constant 0 : i32
        %scatter3A_875 = arith.constant 0 : i32
        %scatter3A_876 = arith.constant 0 : i32
        %scatter3A_877 = tpu.memref_slice %arg7[%scatter3A_874, %scatter3A_875, %scatter3A_876] : memref<2x64x128xf32, #tpu.memory_space<vmem>> -> memref<1x64x128xf32, #tpu.memory_space<vmem>>
        %scatter3A_878 = tpu.memref_squeeze %scatter3A_877 : memref<1x64x128xf32, #tpu.memory_space<vmem>> -> memref<64x128xf32, #tpu.memory_space<vmem>>
        tpu.vector_store_idx %scatter3A_878[%add3A_760, %add3A_248], %gather3A_766 : memref<64x128xf32, #tpu.memory_space<vmem>>[vector<16xi32>, vector<16xi32>], vector<16xf32>,
        %scatter3A_879 = arith.constant 0 : i32
        %scatter3A_880 = arith.constant 0 : i32
        %scatter3A_881 = arith.constant 0 : i32
        %scatter3A_882 = tpu.memref_slice %arg7[%scatter3A_879, %scatter3A_880, %scatter3A_881] : memref<2x64x128xf32, #tpu.memory_space<vmem>> -> memref<1x64x128xf32, #tpu.memory_space<vmem>>
        %scatter3A_883 = tpu.memref_squeeze %scatter3A_882 : memref<1x64x128xf32, #tpu.memory_space<vmem>> -> memref<64x128xf32, #tpu.memory_space<vmem>>
        tpu.vector_store_idx %scatter3A_883[%add3A_769, %add3A_248], %gather3A_775 : memref<64x128xf32, #tpu.memory_space<vmem>>[vector<16xi32>, vector<16xi32>], vector<16xf32>,
        %scatter3A_884 = arith.constant 0 : i32
        %scatter3A_885 = arith.constant 0 : i32
        %scatter3A_886 = arith.constant 0 : i32
        %scatter3A_887 = tpu.memref_slice %arg7[%scatter3A_884, %scatter3A_885, %scatter3A_886] : memref<2x64x128xf32, #tpu.memory_space<vmem>> -> memref<1x64x128xf32, #tpu.memory_space<vmem>>
        %scatter3A_888 = tpu.memref_squeeze %scatter3A_887 : memref<1x64x128xf32, #tpu.memory_space<vmem>> -> memref<64x128xf32, #tpu.memory_space<vmem>>
        tpu.vector_store_idx %scatter3A_888[%add3A_778, %add3A_248], %gather3A_784 : memref<64x128xf32, #tpu.memory_space<vmem>>[vector<16xi32>, vector<16xi32>], vector<16xf32>,
        %scatter3A_889 = arith.constant 0 : i32
        %scatter3A_890 = arith.constant 0 : i32
        %scatter3A_891 = arith.constant 0 : i32
        %scatter3A_892 = tpu.memref_slice %arg7[%scatter3A_889, %scatter3A_890, %scatter3A_891] : memref<2x64x128xf32, #tpu.memory_space<vmem>> -> memref<1x64x128xf32, #tpu.memory_space<vmem>>
        %scatter3A_893 = tpu.memref_squeeze %scatter3A_892 : memref<1x64x128xf32, #tpu.memory_space<vmem>> -> memref<64x128xf32, #tpu.memory_space<vmem>>
        tpu.vector_store_idx %scatter3A_893[%add3A_787, %add3A_248], %gather3A_793 : memref<64x128xf32, #tpu.memory_space<vmem>>[vector<16xi32>, vector<16xi32>], vector<16xf32>,
        %scatter3A_894 = arith.constant 0 : i32
        %scatter3A_895 = arith.constant 0 : i32
        %scatter3A_896 = arith.constant 0 : i32
        %scatter3A_897 = tpu.memref_slice %arg7[%scatter3A_894, %scatter3A_895, %scatter3A_896] : memref<2x64x128xf32, #tpu.memory_space<vmem>> -> memref<1x64x128xf32, #tpu.memory_space<vmem>>
        %scatter3A_898 = tpu.memref_squeeze %scatter3A_897 : memref<1x64x128xf32, #tpu.memory_space<vmem>> -> memref<64x128xf32, #tpu.memory_space<vmem>>
        tpu.vector_store_idx %scatter3A_898[%add3A_796, %add3A_248], %gather3A_802 : memref<64x128xf32, #tpu.memory_space<vmem>>[vector<16xi32>, vector<16xi32>], vector<16xf32>,
        %scatter3A_899 = arith.constant 0 : i32
        %scatter3A_900 = arith.constant 0 : i32
        %scatter3A_901 = arith.constant 0 : i32
        %scatter3A_902 = tpu.memref_slice %arg7[%scatter3A_899, %scatter3A_900, %scatter3A_901] : memref<2x64x128xf32, #tpu.memory_space<vmem>> -> memref<1x64x128xf32, #tpu.memory_space<vmem>>
        %scatter3A_903 = tpu.memref_squeeze %scatter3A_902 : memref<1x64x128xf32, #tpu.memory_space<vmem>> -> memref<64x128xf32, #tpu.memory_space<vmem>>
        tpu.vector_store_idx %scatter3A_903[%add3A_805, %add3A_248], %gather3A_811 : memref<64x128xf32, #tpu.memory_space<vmem>>[vector<16xi32>, vector<16xi32>], vector<16xf32>,
        %scatter3A_904 = arith.constant 0 : i32
        %scatter3A_905 = arith.constant 0 : i32
        %scatter3A_906 = arith.constant 0 : i32
        %scatter3A_907 = tpu.memref_slice %arg7[%scatter3A_904, %scatter3A_905, %scatter3A_906] : memref<2x64x128xf32, #tpu.memory_space<vmem>> -> memref<1x64x128xf32, #tpu.memory_space<vmem>>
        %scatter3A_908 = tpu.memref_squeeze %scatter3A_907 : memref<1x64x128xf32, #tpu.memory_space<vmem>> -> memref<64x128xf32, #tpu.memory_space<vmem>>
        tpu.vector_store_idx %scatter3A_908[%add3A_814, %add3A_248], %gather3A_820 : memref<64x128xf32, #tpu.memory_space<vmem>>[vector<16xi32>, vector<16xi32>], vector<16xf32>,
        %scatter3A_909 = arith.constant 0 : i32
        %scatter3A_910 = arith.constant 0 : i32
        %scatter3A_911 = arith.constant 0 : i32
        %scatter3A_912 = tpu.memref_slice %arg7[%scatter3A_909, %scatter3A_910, %scatter3A_911] : memref<2x64x128xf32, #tpu.memory_space<vmem>> -> memref<1x64x128xf32, #tpu.memory_space<vmem>>
        %scatter3A_913 = tpu.memref_squeeze %scatter3A_912 : memref<1x64x128xf32, #tpu.memory_space<vmem>> -> memref<64x128xf32, #tpu.memory_space<vmem>>
        tpu.vector_store_idx %scatter3A_913[%add3A_823, %add3A_248], %gather3A_829 : memref<64x128xf32, #tpu.memory_space<vmem>>[vector<16xi32>, vector<16xi32>], vector<16xf32>,
        %scatter3A_914 = arith.constant 0 : i32
        %scatter3A_915 = arith.constant 0 : i32
        %scatter3A_916 = arith.constant 0 : i32
        %scatter3A_917 = tpu.memref_slice %arg7[%scatter3A_914, %scatter3A_915, %scatter3A_916] : memref<2x64x128xf32, #tpu.memory_space<vmem>> -> memref<1x64x128xf32, #tpu.memory_space<vmem>>
        %scatter3A_918 = tpu.memref_squeeze %scatter3A_917 : memref<1x64x128xf32, #tpu.memory_space<vmem>> -> memref<64x128xf32, #tpu.memory_space<vmem>>
        tpu.vector_store_idx %scatter3A_918[%add3A_832, %add3A_248], %gather3A_838 : memref<64x128xf32, #tpu.memory_space<vmem>>[vector<16xi32>, vector<16xi32>], vector<16xf32>,
        %add3A_919 = arith.constant 48 : i32
        %add3A_920 = vector.broadcast %add3A_919 : i32 to vector<16xi32>
        %add3A_921 = arith.addi %and3A_12, %add3A_920 : vector<16xi32>
        %gather3A_922 = arith.constant 0 : i32
        %gather3A_923 = arith.constant 0 : i32
        %gather3A_924 = arith.constant 0 : i32
        %gather3A_925 = tpu.memref_slice %arg6[%gather3A_922, %gather3A_923, %gather3A_924] : memref<2x128x64xf32, #tpu.memory_space<vmem>> -> memref<1x128x64xf32, #tpu.memory_space<vmem>>
        %gather3A_926 = tpu.memref_squeeze %gather3A_925 : memref<1x128x64xf32, #tpu.memory_space<vmem>> -> memref<128x64xf32, #tpu.memory_space<vmem>>
        %gather3A_927 = tpu.vector_load_idx %gather3A_926[%add3A_248, %add3A_921] : memref<128x64xf32, #tpu.memory_space<vmem>>[vector<16xi32>, vector<16xi32>], vector<16xf32>,
        %add3A_928 = arith.constant 48 : i32
        %add3A_929 = vector.broadcast %add3A_928 : i32 to vector<16xi32>
        %add3A_930 = arith.addi %and3A_18, %add3A_929 : vector<16xi32>
        %gather3A_931 = arith.constant 0 : i32
        %gather3A_932 = arith.constant 0 : i32
        %gather3A_933 = arith.constant 0 : i32
        %gather3A_934 = tpu.memref_slice %arg6[%gather3A_931, %gather3A_932, %gather3A_933] : memref<2x128x64xf32, #tpu.memory_space<vmem>> -> memref<1x128x64xf32, #tpu.memory_space<vmem>>
        %gather3A_935 = tpu.memref_squeeze %gather3A_934 : memref<1x128x64xf32, #tpu.memory_space<vmem>> -> memref<128x64xf32, #tpu.memory_space<vmem>>
        %gather3A_936 = tpu.vector_load_idx %gather3A_935[%add3A_248, %add3A_930] : memref<128x64xf32, #tpu.memory_space<vmem>>[vector<16xi32>, vector<16xi32>], vector<16xf32>,
        %add3A_937 = arith.constant 48 : i32
        %add3A_938 = vector.broadcast %add3A_937 : i32 to vector<16xi32>
        %add3A_939 = arith.addi %and3A_24, %add3A_938 : vector<16xi32>
        %gather3A_940 = arith.constant 0 : i32
        %gather3A_941 = arith.constant 0 : i32
        %gather3A_942 = arith.constant 0 : i32
        %gather3A_943 = tpu.memref_slice %arg6[%gather3A_940, %gather3A_941, %gather3A_942] : memref<2x128x64xf32, #tpu.memory_space<vmem>> -> memref<1x128x64xf32, #tpu.memory_space<vmem>>
        %gather3A_944 = tpu.memref_squeeze %gather3A_943 : memref<1x128x64xf32, #tpu.memory_space<vmem>> -> memref<128x64xf32, #tpu.memory_space<vmem>>
        %gather3A_945 = tpu.vector_load_idx %gather3A_944[%add3A_248, %add3A_939] : memref<128x64xf32, #tpu.memory_space<vmem>>[vector<16xi32>, vector<16xi32>], vector<16xf32>,
        %add3A_946 = arith.constant 48 : i32
        %add3A_947 = vector.broadcast %add3A_946 : i32 to vector<16xi32>
        %add3A_948 = arith.addi %and3A_30, %add3A_947 : vector<16xi32>
        %gather3A_949 = arith.constant 0 : i32
        %gather3A_950 = arith.constant 0 : i32
        %gather3A_951 = arith.constant 0 : i32
        %gather3A_952 = tpu.memref_slice %arg6[%gather3A_949, %gather3A_950, %gather3A_951] : memref<2x128x64xf32, #tpu.memory_space<vmem>> -> memref<1x128x64xf32, #tpu.memory_space<vmem>>
        %gather3A_953 = tpu.memref_squeeze %gather3A_952 : memref<1x128x64xf32, #tpu.memory_space<vmem>> -> memref<128x64xf32, #tpu.memory_space<vmem>>
        %gather3A_954 = tpu.vector_load_idx %gather3A_953[%add3A_248, %add3A_948] : memref<128x64xf32, #tpu.memory_space<vmem>>[vector<16xi32>, vector<16xi32>], vector<16xf32>,
        %add3A_955 = arith.constant 48 : i32
        %add3A_956 = vector.broadcast %add3A_955 : i32 to vector<16xi32>
        %add3A_957 = arith.addi %and3A_36, %add3A_956 : vector<16xi32>
        %gather3A_958 = arith.constant 0 : i32
        %gather3A_959 = arith.constant 0 : i32
        %gather3A_960 = arith.constant 0 : i32
        %gather3A_961 = tpu.memref_slice %arg6[%gather3A_958, %gather3A_959, %gather3A_960] : memref<2x128x64xf32, #tpu.memory_space<vmem>> -> memref<1x128x64xf32, #tpu.memory_space<vmem>>
        %gather3A_962 = tpu.memref_squeeze %gather3A_961 : memref<1x128x64xf32, #tpu.memory_space<vmem>> -> memref<128x64xf32, #tpu.memory_space<vmem>>
        %gather3A_963 = tpu.vector_load_idx %gather3A_962[%add3A_248, %add3A_957] : memref<128x64xf32, #tpu.memory_space<vmem>>[vector<16xi32>, vector<16xi32>], vector<16xf32>,
        %add3A_964 = arith.constant 48 : i32
        %add3A_965 = vector.broadcast %add3A_964 : i32 to vector<16xi32>
        %add3A_966 = arith.addi %and3A_42, %add3A_965 : vector<16xi32>
        %gather3A_967 = arith.constant 0 : i32
        %gather3A_968 = arith.constant 0 : i32
        %gather3A_969 = arith.constant 0 : i32
        %gather3A_970 = tpu.memref_slice %arg6[%gather3A_967, %gather3A_968, %gather3A_969] : memref<2x128x64xf32, #tpu.memory_space<vmem>> -> memref<1x128x64xf32, #tpu.memory_space<vmem>>
        %gather3A_971 = tpu.memref_squeeze %gather3A_970 : memref<1x128x64xf32, #tpu.memory_space<vmem>> -> memref<128x64xf32, #tpu.memory_space<vmem>>
        %gather3A_972 = tpu.vector_load_idx %gather3A_971[%add3A_248, %add3A_966] : memref<128x64xf32, #tpu.memory_space<vmem>>[vector<16xi32>, vector<16xi32>], vector<16xf32>,
        %add3A_973 = arith.constant 48 : i32
        %add3A_974 = vector.broadcast %add3A_973 : i32 to vector<16xi32>
        %add3A_975 = arith.addi %and3A_48, %add3A_974 : vector<16xi32>
        %gather3A_976 = arith.constant 0 : i32
        %gather3A_977 = arith.constant 0 : i32
        %gather3A_978 = arith.constant 0 : i32
        %gather3A_979 = tpu.memref_slice %arg6[%gather3A_976, %gather3A_977, %gather3A_978] : memref<2x128x64xf32, #tpu.memory_space<vmem>> -> memref<1x128x64xf32, #tpu.memory_space<vmem>>
        %gather3A_980 = tpu.memref_squeeze %gather3A_979 : memref<1x128x64xf32, #tpu.memory_space<vmem>> -> memref<128x64xf32, #tpu.memory_space<vmem>>
        %gather3A_981 = tpu.vector_load_idx %gather3A_980[%add3A_248, %add3A_975] : memref<128x64xf32, #tpu.memory_space<vmem>>[vector<16xi32>, vector<16xi32>], vector<16xf32>,
        %add3A_982 = arith.constant 48 : i32
        %add3A_983 = vector.broadcast %add3A_982 : i32 to vector<16xi32>
        %add3A_984 = arith.addi %and3A_54, %add3A_983 : vector<16xi32>
        %gather3A_985 = arith.constant 0 : i32
        %gather3A_986 = arith.constant 0 : i32
        %gather3A_987 = arith.constant 0 : i32
        %gather3A_988 = tpu.memref_slice %arg6[%gather3A_985, %gather3A_986, %gather3A_987] : memref<2x128x64xf32, #tpu.memory_space<vmem>> -> memref<1x128x64xf32, #tpu.memory_space<vmem>>
        %gather3A_989 = tpu.memref_squeeze %gather3A_988 : memref<1x128x64xf32, #tpu.memory_space<vmem>> -> memref<128x64xf32, #tpu.memory_space<vmem>>
        %gather3A_990 = tpu.vector_load_idx %gather3A_989[%add3A_248, %add3A_984] : memref<128x64xf32, #tpu.memory_space<vmem>>[vector<16xi32>, vector<16xi32>], vector<16xf32>,
        %add3A_991 = arith.constant 48 : i32
        %add3A_992 = vector.broadcast %add3A_991 : i32 to vector<16xi32>
        %add3A_993 = arith.addi %and3A_60, %add3A_992 : vector<16xi32>
        %gather3A_994 = arith.constant 0 : i32
        %gather3A_995 = arith.constant 0 : i32
        %gather3A_996 = arith.constant 0 : i32
        %gather3A_997 = tpu.memref_slice %arg6[%gather3A_994, %gather3A_995, %gather3A_996] : memref<2x128x64xf32, #tpu.memory_space<vmem>> -> memref<1x128x64xf32, #tpu.memory_space<vmem>>
        %gather3A_998 = tpu.memref_squeeze %gather3A_997 : memref<1x128x64xf32, #tpu.memory_space<vmem>> -> memref<128x64xf32, #tpu.memory_space<vmem>>
        %gather3A_999 = tpu.vector_load_idx %gather3A_998[%add3A_248, %add3A_993] : memref<128x64xf32, #tpu.memory_space<vmem>>[vector<16xi32>, vector<16xi32>], vector<16xf32>,
        %add3A_1000 = arith.constant 48 : i32
        %add3A_1001 = vector.broadcast %add3A_1000 : i32 to vector<16xi32>
        %add3A_1002 = arith.addi %and3A_66, %add3A_1001 : vector<16xi32>
        %gather3A_1003 = arith.constant 0 : i32
        %gather3A_1004 = arith.constant 0 : i32
        %gather3A_1005 = arith.constant 0 : i32
        %gather3A_1006 = tpu.memref_slice %arg6[%gather3A_1003, %gather3A_1004, %gather3A_1005] : memref<2x128x64xf32, #tpu.memory_space<vmem>> -> memref<1x128x64xf32, #tpu.memory_space<vmem>>
        %gather3A_1007 = tpu.memref_squeeze %gather3A_1006 : memref<1x128x64xf32, #tpu.memory_space<vmem>> -> memref<128x64xf32, #tpu.memory_space<vmem>>
        %gather3A_1008 = tpu.vector_load_idx %gather3A_1007[%add3A_248, %add3A_1002] : memref<128x64xf32, #tpu.memory_space<vmem>>[vector<16xi32>, vector<16xi32>], vector<16xf32>,
        %add3A_1009 = arith.constant 48 : i32
        %add3A_1010 = vector.broadcast %add3A_1009 : i32 to vector<16xi32>
        %add3A_1011 = arith.addi %and3A_72, %add3A_1010 : vector<16xi32>
        %gather3A_1012 = arith.constant 0 : i32
        %gather3A_1013 = arith.constant 0 : i32
        %gather3A_1014 = arith.constant 0 : i32
        %gather3A_1015 = tpu.memref_slice %arg6[%gather3A_1012, %gather3A_1013, %gather3A_1014] : memref<2x128x64xf32, #tpu.memory_space<vmem>> -> memref<1x128x64xf32, #tpu.memory_space<vmem>>
        %gather3A_1016 = tpu.memref_squeeze %gather3A_1015 : memref<1x128x64xf32, #tpu.memory_space<vmem>> -> memref<128x64xf32, #tpu.memory_space<vmem>>
        %gather3A_1017 = tpu.vector_load_idx %gather3A_1016[%add3A_248, %add3A_1011] : memref<128x64xf32, #tpu.memory_space<vmem>>[vector<16xi32>, vector<16xi32>], vector<16xf32>,
        %add3A_1018 = arith.constant 48 : i32
        %add3A_1019 = vector.broadcast %add3A_1018 : i32 to vector<16xi32>
        %add3A_1020 = arith.addi %and3A_78, %add3A_1019 : vector<16xi32>
        %gather3A_1021 = arith.constant 0 : i32
        %gather3A_1022 = arith.constant 0 : i32
        %gather3A_1023 = arith.constant 0 : i32
        %gather3A_1024 = tpu.memref_slice %arg6[%gather3A_1021, %gather3A_1022, %gather3A_1023] : memref<2x128x64xf32, #tpu.memory_space<vmem>> -> memref<1x128x64xf32, #tpu.memory_space<vmem>>
        %gather3A_1025 = tpu.memref_squeeze %gather3A_1024 : memref<1x128x64xf32, #tpu.memory_space<vmem>> -> memref<128x64xf32, #tpu.memory_space<vmem>>
        %gather3A_1026 = tpu.vector_load_idx %gather3A_1025[%add3A_248, %add3A_1020] : memref<128x64xf32, #tpu.memory_space<vmem>>[vector<16xi32>, vector<16xi32>], vector<16xf32>,
        %add3A_1027 = arith.constant 48 : i32
        %add3A_1028 = vector.broadcast %add3A_1027 : i32 to vector<16xi32>
        %add3A_1029 = arith.addi %and3A_84, %add3A_1028 : vector<16xi32>
        %gather3A_1030 = arith.constant 0 : i32
        %gather3A_1031 = arith.constant 0 : i32
        %gather3A_1032 = arith.constant 0 : i32
        %gather3A_1033 = tpu.memref_slice %arg6[%gather3A_1030, %gather3A_1031, %gather3A_1032] : memref<2x128x64xf32, #tpu.memory_space<vmem>> -> memref<1x128x64xf32, #tpu.memory_space<vmem>>
        %gather3A_1034 = tpu.memref_squeeze %gather3A_1033 : memref<1x128x64xf32, #tpu.memory_space<vmem>> -> memref<128x64xf32, #tpu.memory_space<vmem>>
        %gather3A_1035 = tpu.vector_load_idx %gather3A_1034[%add3A_248, %add3A_1029] : memref<128x64xf32, #tpu.memory_space<vmem>>[vector<16xi32>, vector<16xi32>], vector<16xf32>,
        %add3A_1036 = arith.constant 48 : i32
        %add3A_1037 = vector.broadcast %add3A_1036 : i32 to vector<16xi32>
        %add3A_1038 = arith.addi %and3A_90, %add3A_1037 : vector<16xi32>
        %gather3A_1039 = arith.constant 0 : i32
        %gather3A_1040 = arith.constant 0 : i32
        %gather3A_1041 = arith.constant 0 : i32
        %gather3A_1042 = tpu.memref_slice %arg6[%gather3A_1039, %gather3A_1040, %gather3A_1041] : memref<2x128x64xf32, #tpu.memory_space<vmem>> -> memref<1x128x64xf32, #tpu.memory_space<vmem>>
        %gather3A_1043 = tpu.memref_squeeze %gather3A_1042 : memref<1x128x64xf32, #tpu.memory_space<vmem>> -> memref<128x64xf32, #tpu.memory_space<vmem>>
        %gather3A_1044 = tpu.vector_load_idx %gather3A_1043[%add3A_248, %add3A_1038] : memref<128x64xf32, #tpu.memory_space<vmem>>[vector<16xi32>, vector<16xi32>], vector<16xf32>,
        %add3A_1045 = arith.constant 48 : i32
        %add3A_1046 = vector.broadcast %add3A_1045 : i32 to vector<16xi32>
        %add3A_1047 = arith.addi %and3A_96, %add3A_1046 : vector<16xi32>
        %gather3A_1048 = arith.constant 0 : i32
        %gather3A_1049 = arith.constant 0 : i32
        %gather3A_1050 = arith.constant 0 : i32
        %gather3A_1051 = tpu.memref_slice %arg6[%gather3A_1048, %gather3A_1049, %gather3A_1050] : memref<2x128x64xf32, #tpu.memory_space<vmem>> -> memref<1x128x64xf32, #tpu.memory_space<vmem>>
        %gather3A_1052 = tpu.memref_squeeze %gather3A_1051 : memref<1x128x64xf32, #tpu.memory_space<vmem>> -> memref<128x64xf32, #tpu.memory_space<vmem>>
        %gather3A_1053 = tpu.vector_load_idx %gather3A_1052[%add3A_248, %add3A_1047] : memref<128x64xf32, #tpu.memory_space<vmem>>[vector<16xi32>, vector<16xi32>], vector<16xf32>,
        %add3A_1054 = arith.constant 48 : i32
        %add3A_1055 = vector.broadcast %add3A_1054 : i32 to vector<16xi32>
        %add3A_1056 = arith.addi %and3A_102, %add3A_1055 : vector<16xi32>
        %gather3A_1057 = arith.constant 0 : i32
        %gather3A_1058 = arith.constant 0 : i32
        %gather3A_1059 = arith.constant 0 : i32
        %gather3A_1060 = tpu.memref_slice %arg6[%gather3A_1057, %gather3A_1058, %gather3A_1059] : memref<2x128x64xf32, #tpu.memory_space<vmem>> -> memref<1x128x64xf32, #tpu.memory_space<vmem>>
        %gather3A_1061 = tpu.memref_squeeze %gather3A_1060 : memref<1x128x64xf32, #tpu.memory_space<vmem>> -> memref<128x64xf32, #tpu.memory_space<vmem>>
        %gather3A_1062 = tpu.vector_load_idx %gather3A_1061[%add3A_248, %add3A_1056] : memref<128x64xf32, #tpu.memory_space<vmem>>[vector<16xi32>, vector<16xi32>], vector<16xf32>,
        %scatter3A_1063 = arith.constant 0 : i32
        %scatter3A_1064 = arith.constant 0 : i32
        %scatter3A_1065 = arith.constant 0 : i32
        %scatter3A_1066 = tpu.memref_slice %arg7[%scatter3A_1063, %scatter3A_1064, %scatter3A_1065] : memref<2x64x128xf32, #tpu.memory_space<vmem>> -> memref<1x64x128xf32, #tpu.memory_space<vmem>>
        %scatter3A_1067 = tpu.memref_squeeze %scatter3A_1066 : memref<1x64x128xf32, #tpu.memory_space<vmem>> -> memref<64x128xf32, #tpu.memory_space<vmem>>
        tpu.vector_store_idx %scatter3A_1067[%add3A_921, %add3A_248], %gather3A_927 : memref<64x128xf32, #tpu.memory_space<vmem>>[vector<16xi32>, vector<16xi32>], vector<16xf32>,
        %scatter3A_1068 = arith.constant 0 : i32
        %scatter3A_1069 = arith.constant 0 : i32
        %scatter3A_1070 = arith.constant 0 : i32
        %scatter3A_1071 = tpu.memref_slice %arg7[%scatter3A_1068, %scatter3A_1069, %scatter3A_1070] : memref<2x64x128xf32, #tpu.memory_space<vmem>> -> memref<1x64x128xf32, #tpu.memory_space<vmem>>
        %scatter3A_1072 = tpu.memref_squeeze %scatter3A_1071 : memref<1x64x128xf32, #tpu.memory_space<vmem>> -> memref<64x128xf32, #tpu.memory_space<vmem>>
        tpu.vector_store_idx %scatter3A_1072[%add3A_930, %add3A_248], %gather3A_936 : memref<64x128xf32, #tpu.memory_space<vmem>>[vector<16xi32>, vector<16xi32>], vector<16xf32>,
        %scatter3A_1073 = arith.constant 0 : i32
        %scatter3A_1074 = arith.constant 0 : i32
        %scatter3A_1075 = arith.constant 0 : i32
        %scatter3A_1076 = tpu.memref_slice %arg7[%scatter3A_1073, %scatter3A_1074, %scatter3A_1075] : memref<2x64x128xf32, #tpu.memory_space<vmem>> -> memref<1x64x128xf32, #tpu.memory_space<vmem>>
        %scatter3A_1077 = tpu.memref_squeeze %scatter3A_1076 : memref<1x64x128xf32, #tpu.memory_space<vmem>> -> memref<64x128xf32, #tpu.memory_space<vmem>>
        tpu.vector_store_idx %scatter3A_1077[%add3A_939, %add3A_248], %gather3A_945 : memref<64x128xf32, #tpu.memory_space<vmem>>[vector<16xi32>, vector<16xi32>], vector<16xf32>,
        %scatter3A_1078 = arith.constant 0 : i32
        %scatter3A_1079 = arith.constant 0 : i32
        %scatter3A_1080 = arith.constant 0 : i32
        %scatter3A_1081 = tpu.memref_slice %arg7[%scatter3A_1078, %scatter3A_1079, %scatter3A_1080] : memref<2x64x128xf32, #tpu.memory_space<vmem>> -> memref<1x64x128xf32, #tpu.memory_space<vmem>>
        %scatter3A_1082 = tpu.memref_squeeze %scatter3A_1081 : memref<1x64x128xf32, #tpu.memory_space<vmem>> -> memref<64x128xf32, #tpu.memory_space<vmem>>
        tpu.vector_store_idx %scatter3A_1082[%add3A_948, %add3A_248], %gather3A_954 : memref<64x128xf32, #tpu.memory_space<vmem>>[vector<16xi32>, vector<16xi32>], vector<16xf32>,
        %scatter3A_1083 = arith.constant 0 : i32
        %scatter3A_1084 = arith.constant 0 : i32
        %scatter3A_1085 = arith.constant 0 : i32
        %scatter3A_1086 = tpu.memref_slice %arg7[%scatter3A_1083, %scatter3A_1084, %scatter3A_1085] : memref<2x64x128xf32, #tpu.memory_space<vmem>> -> memref<1x64x128xf32, #tpu.memory_space<vmem>>
        %scatter3A_1087 = tpu.memref_squeeze %scatter3A_1086 : memref<1x64x128xf32, #tpu.memory_space<vmem>> -> memref<64x128xf32, #tpu.memory_space<vmem>>
        tpu.vector_store_idx %scatter3A_1087[%add3A_957, %add3A_248], %gather3A_963 : memref<64x128xf32, #tpu.memory_space<vmem>>[vector<16xi32>, vector<16xi32>], vector<16xf32>,
        %scatter3A_1088 = arith.constant 0 : i32
        %scatter3A_1089 = arith.constant 0 : i32
        %scatter3A_1090 = arith.constant 0 : i32
        %scatter3A_1091 = tpu.memref_slice %arg7[%scatter3A_1088, %scatter3A_1089, %scatter3A_1090] : memref<2x64x128xf32, #tpu.memory_space<vmem>> -> memref<1x64x128xf32, #tpu.memory_space<vmem>>
        %scatter3A_1092 = tpu.memref_squeeze %scatter3A_1091 : memref<1x64x128xf32, #tpu.memory_space<vmem>> -> memref<64x128xf32, #tpu.memory_space<vmem>>
        tpu.vector_store_idx %scatter3A_1092[%add3A_966, %add3A_248], %gather3A_972 : memref<64x128xf32, #tpu.memory_space<vmem>>[vector<16xi32>, vector<16xi32>], vector<16xf32>,
        %scatter3A_1093 = arith.constant 0 : i32
        %scatter3A_1094 = arith.constant 0 : i32
        %scatter3A_1095 = arith.constant 0 : i32
        %scatter3A_1096 = tpu.memref_slice %arg7[%scatter3A_1093, %scatter3A_1094, %scatter3A_1095] : memref<2x64x128xf32, #tpu.memory_space<vmem>> -> memref<1x64x128xf32, #tpu.memory_space<vmem>>
        %scatter3A_1097 = tpu.memref_squeeze %scatter3A_1096 : memref<1x64x128xf32, #tpu.memory_space<vmem>> -> memref<64x128xf32, #tpu.memory_space<vmem>>
        tpu.vector_store_idx %scatter3A_1097[%add3A_975, %add3A_248], %gather3A_981 : memref<64x128xf32, #tpu.memory_space<vmem>>[vector<16xi32>, vector<16xi32>], vector<16xf32>,
        %scatter3A_1098 = arith.constant 0 : i32
        %scatter3A_1099 = arith.constant 0 : i32
        %scatter3A_1100 = arith.constant 0 : i32
        %scatter3A_1101 = tpu.memref_slice %arg7[%scatter3A_1098, %scatter3A_1099, %scatter3A_1100] : memref<2x64x128xf32, #tpu.memory_space<vmem>> -> memref<1x64x128xf32, #tpu.memory_space<vmem>>
        %scatter3A_1102 = tpu.memref_squeeze %scatter3A_1101 : memref<1x64x128xf32, #tpu.memory_space<vmem>> -> memref<64x128xf32, #tpu.memory_space<vmem>>
        tpu.vector_store_idx %scatter3A_1102[%add3A_984, %add3A_248], %gather3A_990 : memref<64x128xf32, #tpu.memory_space<vmem>>[vector<16xi32>, vector<16xi32>], vector<16xf32>,
        %scatter3A_1103 = arith.constant 0 : i32
        %scatter3A_1104 = arith.constant 0 : i32
        %scatter3A_1105 = arith.constant 0 : i32
        %scatter3A_1106 = tpu.memref_slice %arg7[%scatter3A_1103, %scatter3A_1104, %scatter3A_1105] : memref<2x64x128xf32, #tpu.memory_space<vmem>> -> memref<1x64x128xf32, #tpu.memory_space<vmem>>
        %scatter3A_1107 = tpu.memref_squeeze %scatter3A_1106 : memref<1x64x128xf32, #tpu.memory_space<vmem>> -> memref<64x128xf32, #tpu.memory_space<vmem>>
        tpu.vector_store_idx %scatter3A_1107[%add3A_993, %add3A_248], %gather3A_999 : memref<64x128xf32, #tpu.memory_space<vmem>>[vector<16xi32>, vector<16xi32>], vector<16xf32>,
        %scatter3A_1108 = arith.constant 0 : i32
        %scatter3A_1109 = arith.constant 0 : i32
        %scatter3A_1110 = arith.constant 0 : i32
        %scatter3A_1111 = tpu.memref_slice %arg7[%scatter3A_1108, %scatter3A_1109, %scatter3A_1110] : memref<2x64x128xf32, #tpu.memory_space<vmem>> -> memref<1x64x128xf32, #tpu.memory_space<vmem>>
        %scatter3A_1112 = tpu.memref_squeeze %scatter3A_1111 : memref<1x64x128xf32, #tpu.memory_space<vmem>> -> memref<64x128xf32, #tpu.memory_space<vmem>>
        tpu.vector_store_idx %scatter3A_1112[%add3A_1002, %add3A_248], %gather3A_1008 : memref<64x128xf32, #tpu.memory_space<vmem>>[vector<16xi32>, vector<16xi32>], vector<16xf32>,
        %scatter3A_1113 = arith.constant 0 : i32
        %scatter3A_1114 = arith.constant 0 : i32
        %scatter3A_1115 = arith.constant 0 : i32
        %scatter3A_1116 = tpu.memref_slice %arg7[%scatter3A_1113, %scatter3A_1114, %scatter3A_1115] : memref<2x64x128xf32, #tpu.memory_space<vmem>> -> memref<1x64x128xf32, #tpu.memory_space<vmem>>
        %scatter3A_1117 = tpu.memref_squeeze %scatter3A_1116 : memref<1x64x128xf32, #tpu.memory_space<vmem>> -> memref<64x128xf32, #tpu.memory_space<vmem>>
        tpu.vector_store_idx %scatter3A_1117[%add3A_1011, %add3A_248], %gather3A_1017 : memref<64x128xf32, #tpu.memory_space<vmem>>[vector<16xi32>, vector<16xi32>], vector<16xf32>,
        %scatter3A_1118 = arith.constant 0 : i32
        %scatter3A_1119 = arith.constant 0 : i32
        %scatter3A_1120 = arith.constant 0 : i32
        %scatter3A_1121 = tpu.memref_slice %arg7[%scatter3A_1118, %scatter3A_1119, %scatter3A_1120] : memref<2x64x128xf32, #tpu.memory_space<vmem>> -> memref<1x64x128xf32, #tpu.memory_space<vmem>>
        %scatter3A_1122 = tpu.memref_squeeze %scatter3A_1121 : memref<1x64x128xf32, #tpu.memory_space<vmem>> -> memref<64x128xf32, #tpu.memory_space<vmem>>
        tpu.vector_store_idx %scatter3A_1122[%add3A_1020, %add3A_248], %gather3A_1026 : memref<64x128xf32, #tpu.memory_space<vmem>>[vector<16xi32>, vector<16xi32>], vector<16xf32>,
        %scatter3A_1123 = arith.constant 0 : i32
        %scatter3A_1124 = arith.constant 0 : i32
        %scatter3A_1125 = arith.constant 0 : i32
        %scatter3A_1126 = tpu.memref_slice %arg7[%scatter3A_1123, %scatter3A_1124, %scatter3A_1125] : memref<2x64x128xf32, #tpu.memory_space<vmem>> -> memref<1x64x128xf32, #tpu.memory_space<vmem>>
        %scatter3A_1127 = tpu.memref_squeeze %scatter3A_1126 : memref<1x64x128xf32, #tpu.memory_space<vmem>> -> memref<64x128xf32, #tpu.memory_space<vmem>>
        tpu.vector_store_idx %scatter3A_1127[%add3A_1029, %add3A_248], %gather3A_1035 : memref<64x128xf32, #tpu.memory_space<vmem>>[vector<16xi32>, vector<16xi32>], vector<16xf32>,
        %scatter3A_1128 = arith.constant 0 : i32
        %scatter3A_1129 = arith.constant 0 : i32
        %scatter3A_1130 = arith.constant 0 : i32
        %scatter3A_1131 = tpu.memref_slice %arg7[%scatter3A_1128, %scatter3A_1129, %scatter3A_1130] : memref<2x64x128xf32, #tpu.memory_space<vmem>> -> memref<1x64x128xf32, #tpu.memory_space<vmem>>
        %scatter3A_1132 = tpu.memref_squeeze %scatter3A_1131 : memref<1x64x128xf32, #tpu.memory_space<vmem>> -> memref<64x128xf32, #tpu.memory_space<vmem>>
        tpu.vector_store_idx %scatter3A_1132[%add3A_1038, %add3A_248], %gather3A_1044 : memref<64x128xf32, #tpu.memory_space<vmem>>[vector<16xi32>, vector<16xi32>], vector<16xf32>,
        %scatter3A_1133 = arith.constant 0 : i32
        %scatter3A_1134 = arith.constant 0 : i32
        %scatter3A_1135 = arith.constant 0 : i32
        %scatter3A_1136 = tpu.memref_slice %arg7[%scatter3A_1133, %scatter3A_1134, %scatter3A_1135] : memref<2x64x128xf32, #tpu.memory_space<vmem>> -> memref<1x64x128xf32, #tpu.memory_space<vmem>>
        %scatter3A_1137 = tpu.memref_squeeze %scatter3A_1136 : memref<1x64x128xf32, #tpu.memory_space<vmem>> -> memref<64x128xf32, #tpu.memory_space<vmem>>
        tpu.vector_store_idx %scatter3A_1137[%add3A_1047, %add3A_248], %gather3A_1053 : memref<64x128xf32, #tpu.memory_space<vmem>>[vector<16xi32>, vector<16xi32>], vector<16xf32>,
        %scatter3A_1138 = arith.constant 0 : i32
        %scatter3A_1139 = arith.constant 0 : i32
        %scatter3A_1140 = arith.constant 0 : i32
        %scatter3A_1141 = tpu.memref_slice %arg7[%scatter3A_1138, %scatter3A_1139, %scatter3A_1140] : memref<2x64x128xf32, #tpu.memory_space<vmem>> -> memref<1x64x128xf32, #tpu.memory_space<vmem>>
        %scatter3A_1142 = tpu.memref_squeeze %scatter3A_1141 : memref<1x64x128xf32, #tpu.memory_space<vmem>> -> memref<64x128xf32, #tpu.memory_space<vmem>>
        tpu.vector_store_idx %scatter3A_1142[%add3A_1056, %add3A_248], %gather3A_1062 : memref<64x128xf32, #tpu.memory_space<vmem>>[vector<16xi32>, vector<16xi32>], vector<16xf32>,
      }
      %scan3A_180 = arith.constant 8 : i32
      %dma_start3A_181 = arith.constant 0 : i32
      %dma_start3A_182 = arith.constant 0 : i32
      %dma_start3A_183 = arith.constant 0 : i32
      %dma_start3A_184 = tpu.memref_slice %arg7[%dma_start3A_181, %dma_start3A_182, %dma_start3A_183] : memref<2x64x128xf32, #tpu.memory_space<vmem>> -> memref<1x64x128xf32, #tpu.memory_space<vmem>>
      %dma_start3A_185 = tpu.memref_squeeze %dma_start3A_184 : memref<1x64x128xf32, #tpu.memory_space<vmem>> -> memref<64x128xf32, #tpu.memory_space<vmem>>
      %dma_start3A_186 = arith.constant 0 : i32
      %dma_start3A_187 = tpu.memref_slice %arg4[%add3A_155, %dma_start3A_186, %mul3A_2] : memref<26x64x4096xf32, #tpu.memory_space<hbm>> -> memref<1x64x128xf32, #tpu.memory_space<hbm>>
      %dma_start3A_188 = tpu.memref_squeeze %dma_start3A_187 : memref<1x64x128xf32, #tpu.memory_space<hbm>> -> memref<64x128xf32, #tpu.memory_space<hbm>>
      %dma_start3A_189 = arith.constant 0 : i32
      %dma_start3A_190 = tpu.memref_slice %arg4[%add3A_155, %dma_start3A_189, %mul3A_2] : memref<26x64x4096xf32, #tpu.memory_space<hbm>> -> memref<1x64x128xf32, #tpu.memory_space<hbm>>
      %dma_start3A_191 = tpu.memref_squeeze %dma_start3A_190 : memref<1x64x128xf32, #tpu.memory_space<hbm>> -> memref<64x128xf32, #tpu.memory_space<hbm>>
      %dma_start3A_192 = arith.constant 0 : i32
      %dma_start3A_193 = arith.constant 0 : i32
      %dma_start3A_194 = tpu.memref_slice %arg7[%dma_start3A_181, %dma_start3A_192, %dma_start3A_193] : memref<2x64x128xf32, #tpu.memory_space<vmem>> -> memref<1x64x128xf32, #tpu.memory_space<vmem>>
      %dma_start3A_195 = tpu.memref_squeeze %dma_start3A_194 : memref<1x64x128xf32, #tpu.memory_space<vmem>> -> memref<64x128xf32, #tpu.memory_space<vmem>>
      tpu.enqueue_dma source(%dma_start3A_195 : memref<64x128xf32, #tpu.memory_space<vmem>>) target(%dma_start3A_191 : memref<64x128xf32, #tpu.memory_space<hbm>>) target_semaphore(%arg9 : memref<!tpu.dma_semaphore, #tpu.memory_space<semaphore_mem>>)
      %mul3A_196 = arith.constant 2 : i32
      %mul3A_197 = arith.muli %mul3A_196, %scan3A_151 : i32
      %add3A_198 = arith.constant 1 : i32
      %add3A_199 = arith.addi %mul3A_197, %add3A_198 : i32
      %dma_wait3A_200 = arith.constant 1 : i32
      %dma_wait3A_201 = arith.constant 0 : i32
      %dma_wait3A_202 = arith.constant 0 : i32
      %dma_wait3A_203 = tpu.memref_slice %arg6[%dma_wait3A_200, %dma_wait3A_201, %dma_wait3A_202] : memref<2x128x64xf32, #tpu.memory_space<vmem>> -> memref<1x128x64xf32, #tpu.memory_space<vmem>>
      %dma_wait3A_204 = tpu.memref_squeeze %dma_wait3A_203 : memref<1x128x64xf32, #tpu.memory_space<vmem>> -> memref<128x64xf32, #tpu.memory_space<vmem>>
      %dma_wait3A_205 = arith.constant 0 : i32
      %dma_wait3A_206 = tpu.memref_slice %arg5[%add3A_199, %dma_wait3A_205] : memref<26x128xi32, #tpu.memory_space<vmem>> -> memref<1x128xi32, #tpu.memory_space<vmem>>
      %dma_wait3A_207 = tpu.memref_squeeze %dma_wait3A_206 : memref<1x128xi32, #tpu.memory_space<vmem>> -> memref<128xi32, #tpu.memory_space<vmem>>
      %dma_wait3A_208 = arith.constant 0 : i32
      %dma_wait3A_209 = arith.constant 0 : i32
      %dma_wait3A_210 = tpu.memref_slice %arg3[%dma_wait3A_208, %dma_wait3A_209] : memref<100001x64xf32, #tpu.memory_space<hbm>> -> memref<100001x64xf32, #tpu.memory_space<hbm>>
      tpu.wait_indirect_dma semaphore(%arg8 : memref<!tpu.dma_semaphore, #tpu.memory_space<semaphore_mem>>) src(%dma_wait3A_210 : memref<100001x64xf32, #tpu.memory_space<hbm>>) dst(%dma_wait3A_204 : memref<128x64xf32, #tpu.memory_space<vmem>>)
      %add3A_211 = arith.constant 1 : i32
      %add3A_212 = arith.addi %add3A_199, %add3A_211 : i32
      %lt3A_213 = arith.constant 26 : i32
      %lt3A_214 = arith.cmpi slt, %add3A_212, %lt3A_213 : i32
      %convert_element_type3A_215 = arith.extui %lt3A_214 : i1 to i32
      %cond3A_216 = arith.constant 0 : i32
      %cond3A_217 = arith.cmpi ne, %convert_element_type3A_215, %cond3A_216 : i32
      scf.if %cond3A_217 {
        %add3A_244 = arith.constant 1 : i32
        %add3A_245 = arith.addi %add3A_199, %add3A_244 : i32
        %dma_start3A_246 = arith.constant 0 : i32
        %dma_start3A_247 = arith.constant 0 : i32
        %dma_start3A_248 = arith.constant 0 : i32
        %dma_start3A_249 = tpu.memref_slice %arg6[%dma_start3A_246, %dma_start3A_247, %dma_start3A_248] : memref<2x128x64xf32, #tpu.memory_space<vmem>> -> memref<1x128x64xf32, #tpu.memory_space<vmem>>
        %dma_start3A_250 = tpu.memref_squeeze %dma_start3A_249 : memref<1x128x64xf32, #tpu.memory_space<vmem>> -> memref<128x64xf32, #tpu.memory_space<vmem>>
        %dma_start3A_251 = arith.constant 0 : i32
        %dma_start3A_252 = tpu.memref_slice %arg5[%add3A_245, %dma_start3A_251] : memref<26x128xi32, #tpu.memory_space<vmem>> -> memref<1x128xi32, #tpu.memory_space<vmem>>
        %dma_start3A_253 = tpu.memref_squeeze %dma_start3A_252 : memref<1x128xi32, #tpu.memory_space<vmem>> -> memref<128xi32, #tpu.memory_space<vmem>>
        %dma_start3A_254 = arith.constant 0 : i32
        %dma_start3A_255 = arith.constant 0 : i32
        %dma_start3A_256 = tpu.memref_slice %arg3[%dma_start3A_254, %dma_start3A_255] : memref<100001x64xf32, #tpu.memory_space<hbm>> -> memref<100001x64xf32, #tpu.memory_space<hbm>>
        tpu.enqueue_indirect_dma source(%dma_start3A_256 : memref<100001x64xf32, #tpu.memory_space<hbm>>) target(%dma_start3A_250 : memref<128x64xf32, #tpu.memory_space<vmem>>) offsets(%dma_start3A_253 : memref<128xi32, #tpu.memory_space<vmem>>) semaphore(%arg8 : memref<!tpu.dma_semaphore, #tpu.memory_space<semaphore_mem>>)
      } else {
      }
      %ge3A_218 = arith.constant 2 : i32
      %ge3A_219 = arith.cmpi sge, %add3A_199, %ge3A_218 : i32
      %convert_element_type3A_220 = arith.extui %ge3A_219 : i1 to i32
      %cond3A_221 = arith.constant 0 : i32
      %cond3A_222 = arith.cmpi ne, %convert_element_type3A_220, %cond3A_221 : i32
      scf.if %cond3A_222 {
        %sub3A = arith.constant 2 : i32
        %sub3A_244 = arith.subi %add3A_199, %sub3A : i32
        %dma_wait3A_245 = arith.constant 1 : i32
        %dma_wait3A_246 = arith.constant 0 : i32
        %dma_wait3A_247 = arith.constant 0 : i32
        %dma_wait3A_248 = tpu.memref_slice %arg7[%dma_wait3A_245, %dma_wait3A_246, %dma_wait3A_247] : memref<2x64x128xf32, #tpu.memory_space<vmem>> -> memref<1x64x128xf32, #tpu.memory_space<vmem>>
        %dma_wait3A_249 = tpu.memref_squeeze %dma_wait3A_248 : memref<1x64x128xf32, #tpu.memory_space<vmem>> -> memref<64x128xf32, #tpu.memory_space<vmem>>
        %dma_wait3A_250 = arith.constant 0 : i32
        %dma_wait3A_251 = tpu.memref_slice %arg4[%sub3A_244, %dma_wait3A_250, %mul3A_2] : memref<26x64x4096xf32, #tpu.memory_space<hbm>> -> memref<1x64x128xf32, #tpu.memory_space<hbm>>
        %dma_wait3A_252 = tpu.memref_squeeze %dma_wait3A_251 : memref<1x64x128xf32, #tpu.memory_space<hbm>> -> memref<64x128xf32, #tpu.memory_space<hbm>>
        %dma_wait3A_253 = arith.constant 0 : i32
        %dma_wait3A_254 = tpu.memref_slice %arg4[%sub3A_244, %dma_wait3A_253, %mul3A_2] : memref<26x64x4096xf32, #tpu.memory_space<hbm>> -> memref<1x64x128xf32, #tpu.memory_space<hbm>>
        %dma_wait3A_255 = tpu.memref_squeeze %dma_wait3A_254 : memref<1x64x128xf32, #tpu.memory_space<hbm>> -> memref<64x128xf32, #tpu.memory_space<hbm>>
        %dma_wait3A_256 = arith.constant 0 : i32
        %dma_wait3A_257 = arith.constant 0 : i32
        %dma_wait3A_258 = tpu.memref_slice %arg7[%dma_wait3A_245, %dma_wait3A_256, %dma_wait3A_257] : memref<2x64x128xf32, #tpu.memory_space<vmem>> -> memref<1x64x128xf32, #tpu.memory_space<vmem>>
        %dma_wait3A_259 = tpu.memref_squeeze %dma_wait3A_258 : memref<1x64x128xf32, #tpu.memory_space<vmem>> -> memref<64x128xf32, #tpu.memory_space<vmem>>
        tpu.wait_dma2 semaphore(%arg10 : memref<!tpu.dma_semaphore, #tpu.memory_space<semaphore_mem>>) src(%dma_wait3A_259 : memref<64x128xf32, #tpu.memory_space<vmem>>) dst(%dma_wait3A_255 : memref<64x128xf32, #tpu.memory_space<hbm>>)
      } else {
      }
      %scan3A_223 = arith.constant 0 : i32
      %scan3A_224 = arith.constant 0 : i32
      %scan3A_225 = arith.constant 8 : i32
      %scan3A_226 = arith.addi %scan3A_224, %scan3A_225 : i32
      %scan3A_227 = arith.constant 1 : i32
      scf.for %scan3A_244 = %scan3A_224 to %scan3A_226 step %scan3A_227  : i32 {
        %mul3A_245 = arith.constant 16 : i32
        %mul3A_246 = arith.muli %scan3A_244, %mul3A_245 : i32
        %add3A_247 = vector.broadcast %mul3A_246 : i32 to vector<16xi32>
        %add3A_248 = arith.addi %iota3A, %add3A_247 : vector<16xi32>
        %add3A_249 = arith.constant 0 : i32
        %add3A_250 = vector.broadcast %add3A_249 : i32 to vector<16xi32>
        %add3A_251 = arith.addi %and3A_12, %add3A_250 : vector<16xi32>
        %gather3A = arith.constant 1 : i32
        %gather3A_252 = arith.constant 0 : i32
        %gather3A_253 = arith.constant 0 : i32
        %gather3A_254 = tpu.memref_slice %arg6[%gather3A, %gather3A_252, %gather3A_253] : memref<2x128x64xf32, #tpu.memory_space<vmem>> -> memref<1x128x64xf32, #tpu.memory_space<vmem>>
        %gather3A_255 = tpu.memref_squeeze %gather3A_254 : memref<1x128x64xf32, #tpu.memory_space<vmem>> -> memref<128x64xf32, #tpu.memory_space<vmem>>
        %gather3A_256 = tpu.vector_load_idx %gather3A_255[%add3A_248, %add3A_251] : memref<128x64xf32, #tpu.memory_space<vmem>>[vector<16xi32>, vector<16xi32>], vector<16xf32>,
        %add3A_257 = arith.constant 0 : i32
        %add3A_258 = vector.broadcast %add3A_257 : i32 to vector<16xi32>
        %add3A_259 = arith.addi %and3A_18, %add3A_258 : vector<16xi32>
        %gather3A_260 = arith.constant 1 : i32
        %gather3A_261 = arith.constant 0 : i32
        %gather3A_262 = arith.constant 0 : i32
        %gather3A_263 = tpu.memref_slice %arg6[%gather3A_260, %gather3A_261, %gather3A_262] : memref<2x128x64xf32, #tpu.memory_space<vmem>> -> memref<1x128x64xf32, #tpu.memory_space<vmem>>
        %gather3A_264 = tpu.memref_squeeze %gather3A_263 : memref<1x128x64xf32, #tpu.memory_space<vmem>> -> memref<128x64xf32, #tpu.memory_space<vmem>>
        %gather3A_265 = tpu.vector_load_idx %gather3A_264[%add3A_248, %add3A_259] : memref<128x64xf32, #tpu.memory_space<vmem>>[vector<16xi32>, vector<16xi32>], vector<16xf32>,
        %add3A_266 = arith.constant 0 : i32
        %add3A_267 = vector.broadcast %add3A_266 : i32 to vector<16xi32>
        %add3A_268 = arith.addi %and3A_24, %add3A_267 : vector<16xi32>
        %gather3A_269 = arith.constant 1 : i32
        %gather3A_270 = arith.constant 0 : i32
        %gather3A_271 = arith.constant 0 : i32
        %gather3A_272 = tpu.memref_slice %arg6[%gather3A_269, %gather3A_270, %gather3A_271] : memref<2x128x64xf32, #tpu.memory_space<vmem>> -> memref<1x128x64xf32, #tpu.memory_space<vmem>>
        %gather3A_273 = tpu.memref_squeeze %gather3A_272 : memref<1x128x64xf32, #tpu.memory_space<vmem>> -> memref<128x64xf32, #tpu.memory_space<vmem>>
        %gather3A_274 = tpu.vector_load_idx %gather3A_273[%add3A_248, %add3A_268] : memref<128x64xf32, #tpu.memory_space<vmem>>[vector<16xi32>, vector<16xi32>], vector<16xf32>,
        %add3A_275 = arith.constant 0 : i32
        %add3A_276 = vector.broadcast %add3A_275 : i32 to vector<16xi32>
        %add3A_277 = arith.addi %and3A_30, %add3A_276 : vector<16xi32>
        %gather3A_278 = arith.constant 1 : i32
        %gather3A_279 = arith.constant 0 : i32
        %gather3A_280 = arith.constant 0 : i32
        %gather3A_281 = tpu.memref_slice %arg6[%gather3A_278, %gather3A_279, %gather3A_280] : memref<2x128x64xf32, #tpu.memory_space<vmem>> -> memref<1x128x64xf32, #tpu.memory_space<vmem>>
        %gather3A_282 = tpu.memref_squeeze %gather3A_281 : memref<1x128x64xf32, #tpu.memory_space<vmem>> -> memref<128x64xf32, #tpu.memory_space<vmem>>
        %gather3A_283 = tpu.vector_load_idx %gather3A_282[%add3A_248, %add3A_277] : memref<128x64xf32, #tpu.memory_space<vmem>>[vector<16xi32>, vector<16xi32>], vector<16xf32>,
        %add3A_284 = arith.constant 0 : i32
        %add3A_285 = vector.broadcast %add3A_284 : i32 to vector<16xi32>
        %add3A_286 = arith.addi %and3A_36, %add3A_285 : vector<16xi32>
        %gather3A_287 = arith.constant 1 : i32
        %gather3A_288 = arith.constant 0 : i32
        %gather3A_289 = arith.constant 0 : i32
        %gather3A_290 = tpu.memref_slice %arg6[%gather3A_287, %gather3A_288, %gather3A_289] : memref<2x128x64xf32, #tpu.memory_space<vmem>> -> memref<1x128x64xf32, #tpu.memory_space<vmem>>
        %gather3A_291 = tpu.memref_squeeze %gather3A_290 : memref<1x128x64xf32, #tpu.memory_space<vmem>> -> memref<128x64xf32, #tpu.memory_space<vmem>>
        %gather3A_292 = tpu.vector_load_idx %gather3A_291[%add3A_248, %add3A_286] : memref<128x64xf32, #tpu.memory_space<vmem>>[vector<16xi32>, vector<16xi32>], vector<16xf32>,
        %add3A_293 = arith.constant 0 : i32
        %add3A_294 = vector.broadcast %add3A_293 : i32 to vector<16xi32>
        %add3A_295 = arith.addi %and3A_42, %add3A_294 : vector<16xi32>
        %gather3A_296 = arith.constant 1 : i32
        %gather3A_297 = arith.constant 0 : i32
        %gather3A_298 = arith.constant 0 : i32
        %gather3A_299 = tpu.memref_slice %arg6[%gather3A_296, %gather3A_297, %gather3A_298] : memref<2x128x64xf32, #tpu.memory_space<vmem>> -> memref<1x128x64xf32, #tpu.memory_space<vmem>>
        %gather3A_300 = tpu.memref_squeeze %gather3A_299 : memref<1x128x64xf32, #tpu.memory_space<vmem>> -> memref<128x64xf32, #tpu.memory_space<vmem>>
        %gather3A_301 = tpu.vector_load_idx %gather3A_300[%add3A_248, %add3A_295] : memref<128x64xf32, #tpu.memory_space<vmem>>[vector<16xi32>, vector<16xi32>], vector<16xf32>,
        %add3A_302 = arith.constant 0 : i32
        %add3A_303 = vector.broadcast %add3A_302 : i32 to vector<16xi32>
        %add3A_304 = arith.addi %and3A_48, %add3A_303 : vector<16xi32>
        %gather3A_305 = arith.constant 1 : i32
        %gather3A_306 = arith.constant 0 : i32
        %gather3A_307 = arith.constant 0 : i32
        %gather3A_308 = tpu.memref_slice %arg6[%gather3A_305, %gather3A_306, %gather3A_307] : memref<2x128x64xf32, #tpu.memory_space<vmem>> -> memref<1x128x64xf32, #tpu.memory_space<vmem>>
        %gather3A_309 = tpu.memref_squeeze %gather3A_308 : memref<1x128x64xf32, #tpu.memory_space<vmem>> -> memref<128x64xf32, #tpu.memory_space<vmem>>
        %gather3A_310 = tpu.vector_load_idx %gather3A_309[%add3A_248, %add3A_304] : memref<128x64xf32, #tpu.memory_space<vmem>>[vector<16xi32>, vector<16xi32>], vector<16xf32>,
        %add3A_311 = arith.constant 0 : i32
        %add3A_312 = vector.broadcast %add3A_311 : i32 to vector<16xi32>
        %add3A_313 = arith.addi %and3A_54, %add3A_312 : vector<16xi32>
        %gather3A_314 = arith.constant 1 : i32
        %gather3A_315 = arith.constant 0 : i32
        %gather3A_316 = arith.constant 0 : i32
        %gather3A_317 = tpu.memref_slice %arg6[%gather3A_314, %gather3A_315, %gather3A_316] : memref<2x128x64xf32, #tpu.memory_space<vmem>> -> memref<1x128x64xf32, #tpu.memory_space<vmem>>
        %gather3A_318 = tpu.memref_squeeze %gather3A_317 : memref<1x128x64xf32, #tpu.memory_space<vmem>> -> memref<128x64xf32, #tpu.memory_space<vmem>>
        %gather3A_319 = tpu.vector_load_idx %gather3A_318[%add3A_248, %add3A_313] : memref<128x64xf32, #tpu.memory_space<vmem>>[vector<16xi32>, vector<16xi32>], vector<16xf32>,
        %add3A_320 = arith.constant 0 : i32
        %add3A_321 = vector.broadcast %add3A_320 : i32 to vector<16xi32>
        %add3A_322 = arith.addi %and3A_60, %add3A_321 : vector<16xi32>
        %gather3A_323 = arith.constant 1 : i32
        %gather3A_324 = arith.constant 0 : i32
        %gather3A_325 = arith.constant 0 : i32
        %gather3A_326 = tpu.memref_slice %arg6[%gather3A_323, %gather3A_324, %gather3A_325] : memref<2x128x64xf32, #tpu.memory_space<vmem>> -> memref<1x128x64xf32, #tpu.memory_space<vmem>>
        %gather3A_327 = tpu.memref_squeeze %gather3A_326 : memref<1x128x64xf32, #tpu.memory_space<vmem>> -> memref<128x64xf32, #tpu.memory_space<vmem>>
        %gather3A_328 = tpu.vector_load_idx %gather3A_327[%add3A_248, %add3A_322] : memref<128x64xf32, #tpu.memory_space<vmem>>[vector<16xi32>, vector<16xi32>], vector<16xf32>,
        %add3A_329 = arith.constant 0 : i32
        %add3A_330 = vector.broadcast %add3A_329 : i32 to vector<16xi32>
        %add3A_331 = arith.addi %and3A_66, %add3A_330 : vector<16xi32>
        %gather3A_332 = arith.constant 1 : i32
        %gather3A_333 = arith.constant 0 : i32
        %gather3A_334 = arith.constant 0 : i32
        %gather3A_335 = tpu.memref_slice %arg6[%gather3A_332, %gather3A_333, %gather3A_334] : memref<2x128x64xf32, #tpu.memory_space<vmem>> -> memref<1x128x64xf32, #tpu.memory_space<vmem>>
        %gather3A_336 = tpu.memref_squeeze %gather3A_335 : memref<1x128x64xf32, #tpu.memory_space<vmem>> -> memref<128x64xf32, #tpu.memory_space<vmem>>
        %gather3A_337 = tpu.vector_load_idx %gather3A_336[%add3A_248, %add3A_331] : memref<128x64xf32, #tpu.memory_space<vmem>>[vector<16xi32>, vector<16xi32>], vector<16xf32>,
        %add3A_338 = arith.constant 0 : i32
        %add3A_339 = vector.broadcast %add3A_338 : i32 to vector<16xi32>
        %add3A_340 = arith.addi %and3A_72, %add3A_339 : vector<16xi32>
        %gather3A_341 = arith.constant 1 : i32
        %gather3A_342 = arith.constant 0 : i32
        %gather3A_343 = arith.constant 0 : i32
        %gather3A_344 = tpu.memref_slice %arg6[%gather3A_341, %gather3A_342, %gather3A_343] : memref<2x128x64xf32, #tpu.memory_space<vmem>> -> memref<1x128x64xf32, #tpu.memory_space<vmem>>
        %gather3A_345 = tpu.memref_squeeze %gather3A_344 : memref<1x128x64xf32, #tpu.memory_space<vmem>> -> memref<128x64xf32, #tpu.memory_space<vmem>>
        %gather3A_346 = tpu.vector_load_idx %gather3A_345[%add3A_248, %add3A_340] : memref<128x64xf32, #tpu.memory_space<vmem>>[vector<16xi32>, vector<16xi32>], vector<16xf32>,
        %add3A_347 = arith.constant 0 : i32
        %add3A_348 = vector.broadcast %add3A_347 : i32 to vector<16xi32>
        %add3A_349 = arith.addi %and3A_78, %add3A_348 : vector<16xi32>
        %gather3A_350 = arith.constant 1 : i32
        %gather3A_351 = arith.constant 0 : i32
        %gather3A_352 = arith.constant 0 : i32
        %gather3A_353 = tpu.memref_slice %arg6[%gather3A_350, %gather3A_351, %gather3A_352] : memref<2x128x64xf32, #tpu.memory_space<vmem>> -> memref<1x128x64xf32, #tpu.memory_space<vmem>>
        %gather3A_354 = tpu.memref_squeeze %gather3A_353 : memref<1x128x64xf32, #tpu.memory_space<vmem>> -> memref<128x64xf32, #tpu.memory_space<vmem>>
        %gather3A_355 = tpu.vector_load_idx %gather3A_354[%add3A_248, %add3A_349] : memref<128x64xf32, #tpu.memory_space<vmem>>[vector<16xi32>, vector<16xi32>], vector<16xf32>,
        %add3A_356 = arith.constant 0 : i32
        %add3A_357 = vector.broadcast %add3A_356 : i32 to vector<16xi32>
        %add3A_358 = arith.addi %and3A_84, %add3A_357 : vector<16xi32>
        %gather3A_359 = arith.constant 1 : i32
        %gather3A_360 = arith.constant 0 : i32
        %gather3A_361 = arith.constant 0 : i32
        %gather3A_362 = tpu.memref_slice %arg6[%gather3A_359, %gather3A_360, %gather3A_361] : memref<2x128x64xf32, #tpu.memory_space<vmem>> -> memref<1x128x64xf32, #tpu.memory_space<vmem>>
        %gather3A_363 = tpu.memref_squeeze %gather3A_362 : memref<1x128x64xf32, #tpu.memory_space<vmem>> -> memref<128x64xf32, #tpu.memory_space<vmem>>
        %gather3A_364 = tpu.vector_load_idx %gather3A_363[%add3A_248, %add3A_358] : memref<128x64xf32, #tpu.memory_space<vmem>>[vector<16xi32>, vector<16xi32>], vector<16xf32>,
        %add3A_365 = arith.constant 0 : i32
        %add3A_366 = vector.broadcast %add3A_365 : i32 to vector<16xi32>
        %add3A_367 = arith.addi %and3A_90, %add3A_366 : vector<16xi32>
        %gather3A_368 = arith.constant 1 : i32
        %gather3A_369 = arith.constant 0 : i32
        %gather3A_370 = arith.constant 0 : i32
        %gather3A_371 = tpu.memref_slice %arg6[%gather3A_368, %gather3A_369, %gather3A_370] : memref<2x128x64xf32, #tpu.memory_space<vmem>> -> memref<1x128x64xf32, #tpu.memory_space<vmem>>
        %gather3A_372 = tpu.memref_squeeze %gather3A_371 : memref<1x128x64xf32, #tpu.memory_space<vmem>> -> memref<128x64xf32, #tpu.memory_space<vmem>>
        %gather3A_373 = tpu.vector_load_idx %gather3A_372[%add3A_248, %add3A_367] : memref<128x64xf32, #tpu.memory_space<vmem>>[vector<16xi32>, vector<16xi32>], vector<16xf32>,
        %add3A_374 = arith.constant 0 : i32
        %add3A_375 = vector.broadcast %add3A_374 : i32 to vector<16xi32>
        %add3A_376 = arith.addi %and3A_96, %add3A_375 : vector<16xi32>
        %gather3A_377 = arith.constant 1 : i32
        %gather3A_378 = arith.constant 0 : i32
        %gather3A_379 = arith.constant 0 : i32
        %gather3A_380 = tpu.memref_slice %arg6[%gather3A_377, %gather3A_378, %gather3A_379] : memref<2x128x64xf32, #tpu.memory_space<vmem>> -> memref<1x128x64xf32, #tpu.memory_space<vmem>>
        %gather3A_381 = tpu.memref_squeeze %gather3A_380 : memref<1x128x64xf32, #tpu.memory_space<vmem>> -> memref<128x64xf32, #tpu.memory_space<vmem>>
        %gather3A_382 = tpu.vector_load_idx %gather3A_381[%add3A_248, %add3A_376] : memref<128x64xf32, #tpu.memory_space<vmem>>[vector<16xi32>, vector<16xi32>], vector<16xf32>,
        %add3A_383 = arith.constant 0 : i32
        %add3A_384 = vector.broadcast %add3A_383 : i32 to vector<16xi32>
        %add3A_385 = arith.addi %and3A_102, %add3A_384 : vector<16xi32>
        %gather3A_386 = arith.constant 1 : i32
        %gather3A_387 = arith.constant 0 : i32
        %gather3A_388 = arith.constant 0 : i32
        %gather3A_389 = tpu.memref_slice %arg6[%gather3A_386, %gather3A_387, %gather3A_388] : memref<2x128x64xf32, #tpu.memory_space<vmem>> -> memref<1x128x64xf32, #tpu.memory_space<vmem>>
        %gather3A_390 = tpu.memref_squeeze %gather3A_389 : memref<1x128x64xf32, #tpu.memory_space<vmem>> -> memref<128x64xf32, #tpu.memory_space<vmem>>
        %gather3A_391 = tpu.vector_load_idx %gather3A_390[%add3A_248, %add3A_385] : memref<128x64xf32, #tpu.memory_space<vmem>>[vector<16xi32>, vector<16xi32>], vector<16xf32>,
        %scatter3A = arith.constant 1 : i32
        %scatter3A_392 = arith.constant 0 : i32
        %scatter3A_393 = arith.constant 0 : i32
        %scatter3A_394 = tpu.memref_slice %arg7[%scatter3A, %scatter3A_392, %scatter3A_393] : memref<2x64x128xf32, #tpu.memory_space<vmem>> -> memref<1x64x128xf32, #tpu.memory_space<vmem>>
        %scatter3A_395 = tpu.memref_squeeze %scatter3A_394 : memref<1x64x128xf32, #tpu.memory_space<vmem>> -> memref<64x128xf32, #tpu.memory_space<vmem>>
        tpu.vector_store_idx %scatter3A_395[%add3A_251, %add3A_248], %gather3A_256 : memref<64x128xf32, #tpu.memory_space<vmem>>[vector<16xi32>, vector<16xi32>], vector<16xf32>,
        %scatter3A_396 = arith.constant 1 : i32
        %scatter3A_397 = arith.constant 0 : i32
        %scatter3A_398 = arith.constant 0 : i32
        %scatter3A_399 = tpu.memref_slice %arg7[%scatter3A_396, %scatter3A_397, %scatter3A_398] : memref<2x64x128xf32, #tpu.memory_space<vmem>> -> memref<1x64x128xf32, #tpu.memory_space<vmem>>
        %scatter3A_400 = tpu.memref_squeeze %scatter3A_399 : memref<1x64x128xf32, #tpu.memory_space<vmem>> -> memref<64x128xf32, #tpu.memory_space<vmem>>
        tpu.vector_store_idx %scatter3A_400[%add3A_259, %add3A_248], %gather3A_265 : memref<64x128xf32, #tpu.memory_space<vmem>>[vector<16xi32>, vector<16xi32>], vector<16xf32>,
        %scatter3A_401 = arith.constant 1 : i32
        %scatter3A_402 = arith.constant 0 : i32
        %scatter3A_403 = arith.constant 0 : i32
        %scatter3A_404 = tpu.memref_slice %arg7[%scatter3A_401, %scatter3A_402, %scatter3A_403] : memref<2x64x128xf32, #tpu.memory_space<vmem>> -> memref<1x64x128xf32, #tpu.memory_space<vmem>>
        %scatter3A_405 = tpu.memref_squeeze %scatter3A_404 : memref<1x64x128xf32, #tpu.memory_space<vmem>> -> memref<64x128xf32, #tpu.memory_space<vmem>>
        tpu.vector_store_idx %scatter3A_405[%add3A_268, %add3A_248], %gather3A_274 : memref<64x128xf32, #tpu.memory_space<vmem>>[vector<16xi32>, vector<16xi32>], vector<16xf32>,
        %scatter3A_406 = arith.constant 1 : i32
        %scatter3A_407 = arith.constant 0 : i32
        %scatter3A_408 = arith.constant 0 : i32
        %scatter3A_409 = tpu.memref_slice %arg7[%scatter3A_406, %scatter3A_407, %scatter3A_408] : memref<2x64x128xf32, #tpu.memory_space<vmem>> -> memref<1x64x128xf32, #tpu.memory_space<vmem>>
        %scatter3A_410 = tpu.memref_squeeze %scatter3A_409 : memref<1x64x128xf32, #tpu.memory_space<vmem>> -> memref<64x128xf32, #tpu.memory_space<vmem>>
        tpu.vector_store_idx %scatter3A_410[%add3A_277, %add3A_248], %gather3A_283 : memref<64x128xf32, #tpu.memory_space<vmem>>[vector<16xi32>, vector<16xi32>], vector<16xf32>,
        %scatter3A_411 = arith.constant 1 : i32
        %scatter3A_412 = arith.constant 0 : i32
        %scatter3A_413 = arith.constant 0 : i32
        %scatter3A_414 = tpu.memref_slice %arg7[%scatter3A_411, %scatter3A_412, %scatter3A_413] : memref<2x64x128xf32, #tpu.memory_space<vmem>> -> memref<1x64x128xf32, #tpu.memory_space<vmem>>
        %scatter3A_415 = tpu.memref_squeeze %scatter3A_414 : memref<1x64x128xf32, #tpu.memory_space<vmem>> -> memref<64x128xf32, #tpu.memory_space<vmem>>
        tpu.vector_store_idx %scatter3A_415[%add3A_286, %add3A_248], %gather3A_292 : memref<64x128xf32, #tpu.memory_space<vmem>>[vector<16xi32>, vector<16xi32>], vector<16xf32>,
        %scatter3A_416 = arith.constant 1 : i32
        %scatter3A_417 = arith.constant 0 : i32
        %scatter3A_418 = arith.constant 0 : i32
        %scatter3A_419 = tpu.memref_slice %arg7[%scatter3A_416, %scatter3A_417, %scatter3A_418] : memref<2x64x128xf32, #tpu.memory_space<vmem>> -> memref<1x64x128xf32, #tpu.memory_space<vmem>>
        %scatter3A_420 = tpu.memref_squeeze %scatter3A_419 : memref<1x64x128xf32, #tpu.memory_space<vmem>> -> memref<64x128xf32, #tpu.memory_space<vmem>>
        tpu.vector_store_idx %scatter3A_420[%add3A_295, %add3A_248], %gather3A_301 : memref<64x128xf32, #tpu.memory_space<vmem>>[vector<16xi32>, vector<16xi32>], vector<16xf32>,
        %scatter3A_421 = arith.constant 1 : i32
        %scatter3A_422 = arith.constant 0 : i32
        %scatter3A_423 = arith.constant 0 : i32
        %scatter3A_424 = tpu.memref_slice %arg7[%scatter3A_421, %scatter3A_422, %scatter3A_423] : memref<2x64x128xf32, #tpu.memory_space<vmem>> -> memref<1x64x128xf32, #tpu.memory_space<vmem>>
        %scatter3A_425 = tpu.memref_squeeze %scatter3A_424 : memref<1x64x128xf32, #tpu.memory_space<vmem>> -> memref<64x128xf32, #tpu.memory_space<vmem>>
        tpu.vector_store_idx %scatter3A_425[%add3A_304, %add3A_248], %gather3A_310 : memref<64x128xf32, #tpu.memory_space<vmem>>[vector<16xi32>, vector<16xi32>], vector<16xf32>,
        %scatter3A_426 = arith.constant 1 : i32
        %scatter3A_427 = arith.constant 0 : i32
        %scatter3A_428 = arith.constant 0 : i32
        %scatter3A_429 = tpu.memref_slice %arg7[%scatter3A_426, %scatter3A_427, %scatter3A_428] : memref<2x64x128xf32, #tpu.memory_space<vmem>> -> memref<1x64x128xf32, #tpu.memory_space<vmem>>
        %scatter3A_430 = tpu.memref_squeeze %scatter3A_429 : memref<1x64x128xf32, #tpu.memory_space<vmem>> -> memref<64x128xf32, #tpu.memory_space<vmem>>
        tpu.vector_store_idx %scatter3A_430[%add3A_313, %add3A_248], %gather3A_319 : memref<64x128xf32, #tpu.memory_space<vmem>>[vector<16xi32>, vector<16xi32>], vector<16xf32>,
        %scatter3A_431 = arith.constant 1 : i32
        %scatter3A_432 = arith.constant 0 : i32
        %scatter3A_433 = arith.constant 0 : i32
        %scatter3A_434 = tpu.memref_slice %arg7[%scatter3A_431, %scatter3A_432, %scatter3A_433] : memref<2x64x128xf32, #tpu.memory_space<vmem>> -> memref<1x64x128xf32, #tpu.memory_space<vmem>>
        %scatter3A_435 = tpu.memref_squeeze %scatter3A_434 : memref<1x64x128xf32, #tpu.memory_space<vmem>> -> memref<64x128xf32, #tpu.memory_space<vmem>>
        tpu.vector_store_idx %scatter3A_435[%add3A_322, %add3A_248], %gather3A_328 : memref<64x128xf32, #tpu.memory_space<vmem>>[vector<16xi32>, vector<16xi32>], vector<16xf32>,
        %scatter3A_436 = arith.constant 1 : i32
        %scatter3A_437 = arith.constant 0 : i32
        %scatter3A_438 = arith.constant 0 : i32
        %scatter3A_439 = tpu.memref_slice %arg7[%scatter3A_436, %scatter3A_437, %scatter3A_438] : memref<2x64x128xf32, #tpu.memory_space<vmem>> -> memref<1x64x128xf32, #tpu.memory_space<vmem>>
        %scatter3A_440 = tpu.memref_squeeze %scatter3A_439 : memref<1x64x128xf32, #tpu.memory_space<vmem>> -> memref<64x128xf32, #tpu.memory_space<vmem>>
        tpu.vector_store_idx %scatter3A_440[%add3A_331, %add3A_248], %gather3A_337 : memref<64x128xf32, #tpu.memory_space<vmem>>[vector<16xi32>, vector<16xi32>], vector<16xf32>,
        %scatter3A_441 = arith.constant 1 : i32
        %scatter3A_442 = arith.constant 0 : i32
        %scatter3A_443 = arith.constant 0 : i32
        %scatter3A_444 = tpu.memref_slice %arg7[%scatter3A_441, %scatter3A_442, %scatter3A_443] : memref<2x64x128xf32, #tpu.memory_space<vmem>> -> memref<1x64x128xf32, #tpu.memory_space<vmem>>
        %scatter3A_445 = tpu.memref_squeeze %scatter3A_444 : memref<1x64x128xf32, #tpu.memory_space<vmem>> -> memref<64x128xf32, #tpu.memory_space<vmem>>
        tpu.vector_store_idx %scatter3A_445[%add3A_340, %add3A_248], %gather3A_346 : memref<64x128xf32, #tpu.memory_space<vmem>>[vector<16xi32>, vector<16xi32>], vector<16xf32>,
        %scatter3A_446 = arith.constant 1 : i32
        %scatter3A_447 = arith.constant 0 : i32
        %scatter3A_448 = arith.constant 0 : i32
        %scatter3A_449 = tpu.memref_slice %arg7[%scatter3A_446, %scatter3A_447, %scatter3A_448] : memref<2x64x128xf32, #tpu.memory_space<vmem>> -> memref<1x64x128xf32, #tpu.memory_space<vmem>>
        %scatter3A_450 = tpu.memref_squeeze %scatter3A_449 : memref<1x64x128xf32, #tpu.memory_space<vmem>> -> memref<64x128xf32, #tpu.memory_space<vmem>>
        tpu.vector_store_idx %scatter3A_450[%add3A_349, %add3A_248], %gather3A_355 : memref<64x128xf32, #tpu.memory_space<vmem>>[vector<16xi32>, vector<16xi32>], vector<16xf32>,
        %scatter3A_451 = arith.constant 1 : i32
        %scatter3A_452 = arith.constant 0 : i32
        %scatter3A_453 = arith.constant 0 : i32
        %scatter3A_454 = tpu.memref_slice %arg7[%scatter3A_451, %scatter3A_452, %scatter3A_453] : memref<2x64x128xf32, #tpu.memory_space<vmem>> -> memref<1x64x128xf32, #tpu.memory_space<vmem>>
        %scatter3A_455 = tpu.memref_squeeze %scatter3A_454 : memref<1x64x128xf32, #tpu.memory_space<vmem>> -> memref<64x128xf32, #tpu.memory_space<vmem>>
        tpu.vector_store_idx %scatter3A_455[%add3A_358, %add3A_248], %gather3A_364 : memref<64x128xf32, #tpu.memory_space<vmem>>[vector<16xi32>, vector<16xi32>], vector<16xf32>,
        %scatter3A_456 = arith.constant 1 : i32
        %scatter3A_457 = arith.constant 0 : i32
        %scatter3A_458 = arith.constant 0 : i32
        %scatter3A_459 = tpu.memref_slice %arg7[%scatter3A_456, %scatter3A_457, %scatter3A_458] : memref<2x64x128xf32, #tpu.memory_space<vmem>> -> memref<1x64x128xf32, #tpu.memory_space<vmem>>
        %scatter3A_460 = tpu.memref_squeeze %scatter3A_459 : memref<1x64x128xf32, #tpu.memory_space<vmem>> -> memref<64x128xf32, #tpu.memory_space<vmem>>
        tpu.vector_store_idx %scatter3A_460[%add3A_367, %add3A_248], %gather3A_373 : memref<64x128xf32, #tpu.memory_space<vmem>>[vector<16xi32>, vector<16xi32>], vector<16xf32>,
        %scatter3A_461 = arith.constant 1 : i32
        %scatter3A_462 = arith.constant 0 : i32
        %scatter3A_463 = arith.constant 0 : i32
        %scatter3A_464 = tpu.memref_slice %arg7[%scatter3A_461, %scatter3A_462, %scatter3A_463] : memref<2x64x128xf32, #tpu.memory_space<vmem>> -> memref<1x64x128xf32, #tpu.memory_space<vmem>>
        %scatter3A_465 = tpu.memref_squeeze %scatter3A_464 : memref<1x64x128xf32, #tpu.memory_space<vmem>> -> memref<64x128xf32, #tpu.memory_space<vmem>>
        tpu.vector_store_idx %scatter3A_465[%add3A_376, %add3A_248], %gather3A_382 : memref<64x128xf32, #tpu.memory_space<vmem>>[vector<16xi32>, vector<16xi32>], vector<16xf32>,
        %scatter3A_466 = arith.constant 1 : i32
        %scatter3A_467 = arith.constant 0 : i32
        %scatter3A_468 = arith.constant 0 : i32
        %scatter3A_469 = tpu.memref_slice %arg7[%scatter3A_466, %scatter3A_467, %scatter3A_468] : memref<2x64x128xf32, #tpu.memory_space<vmem>> -> memref<1x64x128xf32, #tpu.memory_space<vmem>>
        %scatter3A_470 = tpu.memref_squeeze %scatter3A_469 : memref<1x64x128xf32, #tpu.memory_space<vmem>> -> memref<64x128xf32, #tpu.memory_space<vmem>>
        tpu.vector_store_idx %scatter3A_470[%add3A_385, %add3A_248], %gather3A_391 : memref<64x128xf32, #tpu.memory_space<vmem>>[vector<16xi32>, vector<16xi32>], vector<16xf32>,
        %add3A_471 = arith.constant 16 : i32
        %add3A_472 = vector.broadcast %add3A_471 : i32 to vector<16xi32>
        %add3A_473 = arith.addi %and3A_12, %add3A_472 : vector<16xi32>
        %gather3A_474 = arith.constant 1 : i32
        %gather3A_475 = arith.constant 0 : i32
        %gather3A_476 = arith.constant 0 : i32
        %gather3A_477 = tpu.memref_slice %arg6[%gather3A_474, %gather3A_475, %gather3A_476] : memref<2x128x64xf32, #tpu.memory_space<vmem>> -> memref<1x128x64xf32, #tpu.memory_space<vmem>>
        %gather3A_478 = tpu.memref_squeeze %gather3A_477 : memref<1x128x64xf32, #tpu.memory_space<vmem>> -> memref<128x64xf32, #tpu.memory_space<vmem>>
        %gather3A_479 = tpu.vector_load_idx %gather3A_478[%add3A_248, %add3A_473] : memref<128x64xf32, #tpu.memory_space<vmem>>[vector<16xi32>, vector<16xi32>], vector<16xf32>,
        %add3A_480 = arith.constant 16 : i32
        %add3A_481 = vector.broadcast %add3A_480 : i32 to vector<16xi32>
        %add3A_482 = arith.addi %and3A_18, %add3A_481 : vector<16xi32>
        %gather3A_483 = arith.constant 1 : i32
        %gather3A_484 = arith.constant 0 : i32
        %gather3A_485 = arith.constant 0 : i32
        %gather3A_486 = tpu.memref_slice %arg6[%gather3A_483, %gather3A_484, %gather3A_485] : memref<2x128x64xf32, #tpu.memory_space<vmem>> -> memref<1x128x64xf32, #tpu.memory_space<vmem>>
        %gather3A_487 = tpu.memref_squeeze %gather3A_486 : memref<1x128x64xf32, #tpu.memory_space<vmem>> -> memref<128x64xf32, #tpu.memory_space<vmem>>
        %gather3A_488 = tpu.vector_load_idx %gather3A_487[%add3A_248, %add3A_482] : memref<128x64xf32, #tpu.memory_space<vmem>>[vector<16xi32>, vector<16xi32>], vector<16xf32>,
        %add3A_489 = arith.constant 16 : i32
        %add3A_490 = vector.broadcast %add3A_489 : i32 to vector<16xi32>
        %add3A_491 = arith.addi %and3A_24, %add3A_490 : vector<16xi32>
        %gather3A_492 = arith.constant 1 : i32
        %gather3A_493 = arith.constant 0 : i32
        %gather3A_494 = arith.constant 0 : i32
        %gather3A_495 = tpu.memref_slice %arg6[%gather3A_492, %gather3A_493, %gather3A_494] : memref<2x128x64xf32, #tpu.memory_space<vmem>> -> memref<1x128x64xf32, #tpu.memory_space<vmem>>
        %gather3A_496 = tpu.memref_squeeze %gather3A_495 : memref<1x128x64xf32, #tpu.memory_space<vmem>> -> memref<128x64xf32, #tpu.memory_space<vmem>>
        %gather3A_497 = tpu.vector_load_idx %gather3A_496[%add3A_248, %add3A_491] : memref<128x64xf32, #tpu.memory_space<vmem>>[vector<16xi32>, vector<16xi32>], vector<16xf32>,
        %add3A_498 = arith.constant 16 : i32
        %add3A_499 = vector.broadcast %add3A_498 : i32 to vector<16xi32>
        %add3A_500 = arith.addi %and3A_30, %add3A_499 : vector<16xi32>
        %gather3A_501 = arith.constant 1 : i32
        %gather3A_502 = arith.constant 0 : i32
        %gather3A_503 = arith.constant 0 : i32
        %gather3A_504 = tpu.memref_slice %arg6[%gather3A_501, %gather3A_502, %gather3A_503] : memref<2x128x64xf32, #tpu.memory_space<vmem>> -> memref<1x128x64xf32, #tpu.memory_space<vmem>>
        %gather3A_505 = tpu.memref_squeeze %gather3A_504 : memref<1x128x64xf32, #tpu.memory_space<vmem>> -> memref<128x64xf32, #tpu.memory_space<vmem>>
        %gather3A_506 = tpu.vector_load_idx %gather3A_505[%add3A_248, %add3A_500] : memref<128x64xf32, #tpu.memory_space<vmem>>[vector<16xi32>, vector<16xi32>], vector<16xf32>,
        %add3A_507 = arith.constant 16 : i32
        %add3A_508 = vector.broadcast %add3A_507 : i32 to vector<16xi32>
        %add3A_509 = arith.addi %and3A_36, %add3A_508 : vector<16xi32>
        %gather3A_510 = arith.constant 1 : i32
        %gather3A_511 = arith.constant 0 : i32
        %gather3A_512 = arith.constant 0 : i32
        %gather3A_513 = tpu.memref_slice %arg6[%gather3A_510, %gather3A_511, %gather3A_512] : memref<2x128x64xf32, #tpu.memory_space<vmem>> -> memref<1x128x64xf32, #tpu.memory_space<vmem>>
        %gather3A_514 = tpu.memref_squeeze %gather3A_513 : memref<1x128x64xf32, #tpu.memory_space<vmem>> -> memref<128x64xf32, #tpu.memory_space<vmem>>
        %gather3A_515 = tpu.vector_load_idx %gather3A_514[%add3A_248, %add3A_509] : memref<128x64xf32, #tpu.memory_space<vmem>>[vector<16xi32>, vector<16xi32>], vector<16xf32>,
        %add3A_516 = arith.constant 16 : i32
        %add3A_517 = vector.broadcast %add3A_516 : i32 to vector<16xi32>
        %add3A_518 = arith.addi %and3A_42, %add3A_517 : vector<16xi32>
        %gather3A_519 = arith.constant 1 : i32
        %gather3A_520 = arith.constant 0 : i32
        %gather3A_521 = arith.constant 0 : i32
        %gather3A_522 = tpu.memref_slice %arg6[%gather3A_519, %gather3A_520, %gather3A_521] : memref<2x128x64xf32, #tpu.memory_space<vmem>> -> memref<1x128x64xf32, #tpu.memory_space<vmem>>
        %gather3A_523 = tpu.memref_squeeze %gather3A_522 : memref<1x128x64xf32, #tpu.memory_space<vmem>> -> memref<128x64xf32, #tpu.memory_space<vmem>>
        %gather3A_524 = tpu.vector_load_idx %gather3A_523[%add3A_248, %add3A_518] : memref<128x64xf32, #tpu.memory_space<vmem>>[vector<16xi32>, vector<16xi32>], vector<16xf32>,
        %add3A_525 = arith.constant 16 : i32
        %add3A_526 = vector.broadcast %add3A_525 : i32 to vector<16xi32>
        %add3A_527 = arith.addi %and3A_48, %add3A_526 : vector<16xi32>
        %gather3A_528 = arith.constant 1 : i32
        %gather3A_529 = arith.constant 0 : i32
        %gather3A_530 = arith.constant 0 : i32
        %gather3A_531 = tpu.memref_slice %arg6[%gather3A_528, %gather3A_529, %gather3A_530] : memref<2x128x64xf32, #tpu.memory_space<vmem>> -> memref<1x128x64xf32, #tpu.memory_space<vmem>>
        %gather3A_532 = tpu.memref_squeeze %gather3A_531 : memref<1x128x64xf32, #tpu.memory_space<vmem>> -> memref<128x64xf32, #tpu.memory_space<vmem>>
        %gather3A_533 = tpu.vector_load_idx %gather3A_532[%add3A_248, %add3A_527] : memref<128x64xf32, #tpu.memory_space<vmem>>[vector<16xi32>, vector<16xi32>], vector<16xf32>,
        %add3A_534 = arith.constant 16 : i32
        %add3A_535 = vector.broadcast %add3A_534 : i32 to vector<16xi32>
        %add3A_536 = arith.addi %and3A_54, %add3A_535 : vector<16xi32>
        %gather3A_537 = arith.constant 1 : i32
        %gather3A_538 = arith.constant 0 : i32
        %gather3A_539 = arith.constant 0 : i32
        %gather3A_540 = tpu.memref_slice %arg6[%gather3A_537, %gather3A_538, %gather3A_539] : memref<2x128x64xf32, #tpu.memory_space<vmem>> -> memref<1x128x64xf32, #tpu.memory_space<vmem>>
        %gather3A_541 = tpu.memref_squeeze %gather3A_540 : memref<1x128x64xf32, #tpu.memory_space<vmem>> -> memref<128x64xf32, #tpu.memory_space<vmem>>
        %gather3A_542 = tpu.vector_load_idx %gather3A_541[%add3A_248, %add3A_536] : memref<128x64xf32, #tpu.memory_space<vmem>>[vector<16xi32>, vector<16xi32>], vector<16xf32>,
        %add3A_543 = arith.constant 16 : i32
        %add3A_544 = vector.broadcast %add3A_543 : i32 to vector<16xi32>
        %add3A_545 = arith.addi %and3A_60, %add3A_544 : vector<16xi32>
        %gather3A_546 = arith.constant 1 : i32
        %gather3A_547 = arith.constant 0 : i32
        %gather3A_548 = arith.constant 0 : i32
        %gather3A_549 = tpu.memref_slice %arg6[%gather3A_546, %gather3A_547, %gather3A_548] : memref<2x128x64xf32, #tpu.memory_space<vmem>> -> memref<1x128x64xf32, #tpu.memory_space<vmem>>
        %gather3A_550 = tpu.memref_squeeze %gather3A_549 : memref<1x128x64xf32, #tpu.memory_space<vmem>> -> memref<128x64xf32, #tpu.memory_space<vmem>>
        %gather3A_551 = tpu.vector_load_idx %gather3A_550[%add3A_248, %add3A_545] : memref<128x64xf32, #tpu.memory_space<vmem>>[vector<16xi32>, vector<16xi32>], vector<16xf32>,
        %add3A_552 = arith.constant 16 : i32
        %add3A_553 = vector.broadcast %add3A_552 : i32 to vector<16xi32>
        %add3A_554 = arith.addi %and3A_66, %add3A_553 : vector<16xi32>
        %gather3A_555 = arith.constant 1 : i32
        %gather3A_556 = arith.constant 0 : i32
        %gather3A_557 = arith.constant 0 : i32
        %gather3A_558 = tpu.memref_slice %arg6[%gather3A_555, %gather3A_556, %gather3A_557] : memref<2x128x64xf32, #tpu.memory_space<vmem>> -> memref<1x128x64xf32, #tpu.memory_space<vmem>>
        %gather3A_559 = tpu.memref_squeeze %gather3A_558 : memref<1x128x64xf32, #tpu.memory_space<vmem>> -> memref<128x64xf32, #tpu.memory_space<vmem>>
        %gather3A_560 = tpu.vector_load_idx %gather3A_559[%add3A_248, %add3A_554] : memref<128x64xf32, #tpu.memory_space<vmem>>[vector<16xi32>, vector<16xi32>], vector<16xf32>,
        %add3A_561 = arith.constant 16 : i32
        %add3A_562 = vector.broadcast %add3A_561 : i32 to vector<16xi32>
        %add3A_563 = arith.addi %and3A_72, %add3A_562 : vector<16xi32>
        %gather3A_564 = arith.constant 1 : i32
        %gather3A_565 = arith.constant 0 : i32
        %gather3A_566 = arith.constant 0 : i32
        %gather3A_567 = tpu.memref_slice %arg6[%gather3A_564, %gather3A_565, %gather3A_566] : memref<2x128x64xf32, #tpu.memory_space<vmem>> -> memref<1x128x64xf32, #tpu.memory_space<vmem>>
        %gather3A_568 = tpu.memref_squeeze %gather3A_567 : memref<1x128x64xf32, #tpu.memory_space<vmem>> -> memref<128x64xf32, #tpu.memory_space<vmem>>
        %gather3A_569 = tpu.vector_load_idx %gather3A_568[%add3A_248, %add3A_563] : memref<128x64xf32, #tpu.memory_space<vmem>>[vector<16xi32>, vector<16xi32>], vector<16xf32>,
        %add3A_570 = arith.constant 16 : i32
        %add3A_571 = vector.broadcast %add3A_570 : i32 to vector<16xi32>
        %add3A_572 = arith.addi %and3A_78, %add3A_571 : vector<16xi32>
        %gather3A_573 = arith.constant 1 : i32
        %gather3A_574 = arith.constant 0 : i32
        %gather3A_575 = arith.constant 0 : i32
        %gather3A_576 = tpu.memref_slice %arg6[%gather3A_573, %gather3A_574, %gather3A_575] : memref<2x128x64xf32, #tpu.memory_space<vmem>> -> memref<1x128x64xf32, #tpu.memory_space<vmem>>
        %gather3A_577 = tpu.memref_squeeze %gather3A_576 : memref<1x128x64xf32, #tpu.memory_space<vmem>> -> memref<128x64xf32, #tpu.memory_space<vmem>>
        %gather3A_578 = tpu.vector_load_idx %gather3A_577[%add3A_248, %add3A_572] : memref<128x64xf32, #tpu.memory_space<vmem>>[vector<16xi32>, vector<16xi32>], vector<16xf32>,
        %add3A_579 = arith.constant 16 : i32
        %add3A_580 = vector.broadcast %add3A_579 : i32 to vector<16xi32>
        %add3A_581 = arith.addi %and3A_84, %add3A_580 : vector<16xi32>
        %gather3A_582 = arith.constant 1 : i32
        %gather3A_583 = arith.constant 0 : i32
        %gather3A_584 = arith.constant 0 : i32
        %gather3A_585 = tpu.memref_slice %arg6[%gather3A_582, %gather3A_583, %gather3A_584] : memref<2x128x64xf32, #tpu.memory_space<vmem>> -> memref<1x128x64xf32, #tpu.memory_space<vmem>>
        %gather3A_586 = tpu.memref_squeeze %gather3A_585 : memref<1x128x64xf32, #tpu.memory_space<vmem>> -> memref<128x64xf32, #tpu.memory_space<vmem>>
        %gather3A_587 = tpu.vector_load_idx %gather3A_586[%add3A_248, %add3A_581] : memref<128x64xf32, #tpu.memory_space<vmem>>[vector<16xi32>, vector<16xi32>], vector<16xf32>,
        %add3A_588 = arith.constant 16 : i32
        %add3A_589 = vector.broadcast %add3A_588 : i32 to vector<16xi32>
        %add3A_590 = arith.addi %and3A_90, %add3A_589 : vector<16xi32>
        %gather3A_591 = arith.constant 1 : i32
        %gather3A_592 = arith.constant 0 : i32
        %gather3A_593 = arith.constant 0 : i32
        %gather3A_594 = tpu.memref_slice %arg6[%gather3A_591, %gather3A_592, %gather3A_593] : memref<2x128x64xf32, #tpu.memory_space<vmem>> -> memref<1x128x64xf32, #tpu.memory_space<vmem>>
        %gather3A_595 = tpu.memref_squeeze %gather3A_594 : memref<1x128x64xf32, #tpu.memory_space<vmem>> -> memref<128x64xf32, #tpu.memory_space<vmem>>
        %gather3A_596 = tpu.vector_load_idx %gather3A_595[%add3A_248, %add3A_590] : memref<128x64xf32, #tpu.memory_space<vmem>>[vector<16xi32>, vector<16xi32>], vector<16xf32>,
        %add3A_597 = arith.constant 16 : i32
        %add3A_598 = vector.broadcast %add3A_597 : i32 to vector<16xi32>
        %add3A_599 = arith.addi %and3A_96, %add3A_598 : vector<16xi32>
        %gather3A_600 = arith.constant 1 : i32
        %gather3A_601 = arith.constant 0 : i32
        %gather3A_602 = arith.constant 0 : i32
        %gather3A_603 = tpu.memref_slice %arg6[%gather3A_600, %gather3A_601, %gather3A_602] : memref<2x128x64xf32, #tpu.memory_space<vmem>> -> memref<1x128x64xf32, #tpu.memory_space<vmem>>
        %gather3A_604 = tpu.memref_squeeze %gather3A_603 : memref<1x128x64xf32, #tpu.memory_space<vmem>> -> memref<128x64xf32, #tpu.memory_space<vmem>>
        %gather3A_605 = tpu.vector_load_idx %gather3A_604[%add3A_248, %add3A_599] : memref<128x64xf32, #tpu.memory_space<vmem>>[vector<16xi32>, vector<16xi32>], vector<16xf32>,
        %add3A_606 = arith.constant 16 : i32
        %add3A_607 = vector.broadcast %add3A_606 : i32 to vector<16xi32>
        %add3A_608 = arith.addi %and3A_102, %add3A_607 : vector<16xi32>
        %gather3A_609 = arith.constant 1 : i32
        %gather3A_610 = arith.constant 0 : i32
        %gather3A_611 = arith.constant 0 : i32
        %gather3A_612 = tpu.memref_slice %arg6[%gather3A_609, %gather3A_610, %gather3A_611] : memref<2x128x64xf32, #tpu.memory_space<vmem>> -> memref<1x128x64xf32, #tpu.memory_space<vmem>>
        %gather3A_613 = tpu.memref_squeeze %gather3A_612 : memref<1x128x64xf32, #tpu.memory_space<vmem>> -> memref<128x64xf32, #tpu.memory_space<vmem>>
        %gather3A_614 = tpu.vector_load_idx %gather3A_613[%add3A_248, %add3A_608] : memref<128x64xf32, #tpu.memory_space<vmem>>[vector<16xi32>, vector<16xi32>], vector<16xf32>,
        %scatter3A_615 = arith.constant 1 : i32
        %scatter3A_616 = arith.constant 0 : i32
        %scatter3A_617 = arith.constant 0 : i32
        %scatter3A_618 = tpu.memref_slice %arg7[%scatter3A_615, %scatter3A_616, %scatter3A_617] : memref<2x64x128xf32, #tpu.memory_space<vmem>> -> memref<1x64x128xf32, #tpu.memory_space<vmem>>
        %scatter3A_619 = tpu.memref_squeeze %scatter3A_618 : memref<1x64x128xf32, #tpu.memory_space<vmem>> -> memref<64x128xf32, #tpu.memory_space<vmem>>
        tpu.vector_store_idx %scatter3A_619[%add3A_473, %add3A_248], %gather3A_479 : memref<64x128xf32, #tpu.memory_space<vmem>>[vector<16xi32>, vector<16xi32>], vector<16xf32>,
        %scatter3A_620 = arith.constant 1 : i32
        %scatter3A_621 = arith.constant 0 : i32
        %scatter3A_622 = arith.constant 0 : i32
        %scatter3A_623 = tpu.memref_slice %arg7[%scatter3A_620, %scatter3A_621, %scatter3A_622] : memref<2x64x128xf32, #tpu.memory_space<vmem>> -> memref<1x64x128xf32, #tpu.memory_space<vmem>>
        %scatter3A_624 = tpu.memref_squeeze %scatter3A_623 : memref<1x64x128xf32, #tpu.memory_space<vmem>> -> memref<64x128xf32, #tpu.memory_space<vmem>>
        tpu.vector_store_idx %scatter3A_624[%add3A_482, %add3A_248], %gather3A_488 : memref<64x128xf32, #tpu.memory_space<vmem>>[vector<16xi32>, vector<16xi32>], vector<16xf32>,
        %scatter3A_625 = arith.constant 1 : i32
        %scatter3A_626 = arith.constant 0 : i32
        %scatter3A_627 = arith.constant 0 : i32
        %scatter3A_628 = tpu.memref_slice %arg7[%scatter3A_625, %scatter3A_626, %scatter3A_627] : memref<2x64x128xf32, #tpu.memory_space<vmem>> -> memref<1x64x128xf32, #tpu.memory_space<vmem>>
        %scatter3A_629 = tpu.memref_squeeze %scatter3A_628 : memref<1x64x128xf32, #tpu.memory_space<vmem>> -> memref<64x128xf32, #tpu.memory_space<vmem>>
        tpu.vector_store_idx %scatter3A_629[%add3A_491, %add3A_248], %gather3A_497 : memref<64x128xf32, #tpu.memory_space<vmem>>[vector<16xi32>, vector<16xi32>], vector<16xf32>,
        %scatter3A_630 = arith.constant 1 : i32
        %scatter3A_631 = arith.constant 0 : i32
        %scatter3A_632 = arith.constant 0 : i32
        %scatter3A_633 = tpu.memref_slice %arg7[%scatter3A_630, %scatter3A_631, %scatter3A_632] : memref<2x64x128xf32, #tpu.memory_space<vmem>> -> memref<1x64x128xf32, #tpu.memory_space<vmem>>
        %scatter3A_634 = tpu.memref_squeeze %scatter3A_633 : memref<1x64x128xf32, #tpu.memory_space<vmem>> -> memref<64x128xf32, #tpu.memory_space<vmem>>
        tpu.vector_store_idx %scatter3A_634[%add3A_500, %add3A_248], %gather3A_506 : memref<64x128xf32, #tpu.memory_space<vmem>>[vector<16xi32>, vector<16xi32>], vector<16xf32>,
        %scatter3A_635 = arith.constant 1 : i32
        %scatter3A_636 = arith.constant 0 : i32
        %scatter3A_637 = arith.constant 0 : i32
        %scatter3A_638 = tpu.memref_slice %arg7[%scatter3A_635, %scatter3A_636, %scatter3A_637] : memref<2x64x128xf32, #tpu.memory_space<vmem>> -> memref<1x64x128xf32, #tpu.memory_space<vmem>>
        %scatter3A_639 = tpu.memref_squeeze %scatter3A_638 : memref<1x64x128xf32, #tpu.memory_space<vmem>> -> memref<64x128xf32, #tpu.memory_space<vmem>>
        tpu.vector_store_idx %scatter3A_639[%add3A_509, %add3A_248], %gather3A_515 : memref<64x128xf32, #tpu.memory_space<vmem>>[vector<16xi32>, vector<16xi32>], vector<16xf32>,
        %scatter3A_640 = arith.constant 1 : i32
        %scatter3A_641 = arith.constant 0 : i32
        %scatter3A_642 = arith.constant 0 : i32
        %scatter3A_643 = tpu.memref_slice %arg7[%scatter3A_640, %scatter3A_641, %scatter3A_642] : memref<2x64x128xf32, #tpu.memory_space<vmem>> -> memref<1x64x128xf32, #tpu.memory_space<vmem>>
        %scatter3A_644 = tpu.memref_squeeze %scatter3A_643 : memref<1x64x128xf32, #tpu.memory_space<vmem>> -> memref<64x128xf32, #tpu.memory_space<vmem>>
        tpu.vector_store_idx %scatter3A_644[%add3A_518, %add3A_248], %gather3A_524 : memref<64x128xf32, #tpu.memory_space<vmem>>[vector<16xi32>, vector<16xi32>], vector<16xf32>,
        %scatter3A_645 = arith.constant 1 : i32
        %scatter3A_646 = arith.constant 0 : i32
        %scatter3A_647 = arith.constant 0 : i32
        %scatter3A_648 = tpu.memref_slice %arg7[%scatter3A_645, %scatter3A_646, %scatter3A_647] : memref<2x64x128xf32, #tpu.memory_space<vmem>> -> memref<1x64x128xf32, #tpu.memory_space<vmem>>
        %scatter3A_649 = tpu.memref_squeeze %scatter3A_648 : memref<1x64x128xf32, #tpu.memory_space<vmem>> -> memref<64x128xf32, #tpu.memory_space<vmem>>
        tpu.vector_store_idx %scatter3A_649[%add3A_527, %add3A_248], %gather3A_533 : memref<64x128xf32, #tpu.memory_space<vmem>>[vector<16xi32>, vector<16xi32>], vector<16xf32>,
        %scatter3A_650 = arith.constant 1 : i32
        %scatter3A_651 = arith.constant 0 : i32
        %scatter3A_652 = arith.constant 0 : i32
        %scatter3A_653 = tpu.memref_slice %arg7[%scatter3A_650, %scatter3A_651, %scatter3A_652] : memref<2x64x128xf32, #tpu.memory_space<vmem>> -> memref<1x64x128xf32, #tpu.memory_space<vmem>>
        %scatter3A_654 = tpu.memref_squeeze %scatter3A_653 : memref<1x64x128xf32, #tpu.memory_space<vmem>> -> memref<64x128xf32, #tpu.memory_space<vmem>>
        tpu.vector_store_idx %scatter3A_654[%add3A_536, %add3A_248], %gather3A_542 : memref<64x128xf32, #tpu.memory_space<vmem>>[vector<16xi32>, vector<16xi32>], vector<16xf32>,
        %scatter3A_655 = arith.constant 1 : i32
        %scatter3A_656 = arith.constant 0 : i32
        %scatter3A_657 = arith.constant 0 : i32
        %scatter3A_658 = tpu.memref_slice %arg7[%scatter3A_655, %scatter3A_656, %scatter3A_657] : memref<2x64x128xf32, #tpu.memory_space<vmem>> -> memref<1x64x128xf32, #tpu.memory_space<vmem>>
        %scatter3A_659 = tpu.memref_squeeze %scatter3A_658 : memref<1x64x128xf32, #tpu.memory_space<vmem>> -> memref<64x128xf32, #tpu.memory_space<vmem>>
        tpu.vector_store_idx %scatter3A_659[%add3A_545, %add3A_248], %gather3A_551 : memref<64x128xf32, #tpu.memory_space<vmem>>[vector<16xi32>, vector<16xi32>], vector<16xf32>,
        %scatter3A_660 = arith.constant 1 : i32
        %scatter3A_661 = arith.constant 0 : i32
        %scatter3A_662 = arith.constant 0 : i32
        %scatter3A_663 = tpu.memref_slice %arg7[%scatter3A_660, %scatter3A_661, %scatter3A_662] : memref<2x64x128xf32, #tpu.memory_space<vmem>> -> memref<1x64x128xf32, #tpu.memory_space<vmem>>
        %scatter3A_664 = tpu.memref_squeeze %scatter3A_663 : memref<1x64x128xf32, #tpu.memory_space<vmem>> -> memref<64x128xf32, #tpu.memory_space<vmem>>
        tpu.vector_store_idx %scatter3A_664[%add3A_554, %add3A_248], %gather3A_560 : memref<64x128xf32, #tpu.memory_space<vmem>>[vector<16xi32>, vector<16xi32>], vector<16xf32>,
        %scatter3A_665 = arith.constant 1 : i32
        %scatter3A_666 = arith.constant 0 : i32
        %scatter3A_667 = arith.constant 0 : i32
        %scatter3A_668 = tpu.memref_slice %arg7[%scatter3A_665, %scatter3A_666, %scatter3A_667] : memref<2x64x128xf32, #tpu.memory_space<vmem>> -> memref<1x64x128xf32, #tpu.memory_space<vmem>>
        %scatter3A_669 = tpu.memref_squeeze %scatter3A_668 : memref<1x64x128xf32, #tpu.memory_space<vmem>> -> memref<64x128xf32, #tpu.memory_space<vmem>>
        tpu.vector_store_idx %scatter3A_669[%add3A_563, %add3A_248], %gather3A_569 : memref<64x128xf32, #tpu.memory_space<vmem>>[vector<16xi32>, vector<16xi32>], vector<16xf32>,
        %scatter3A_670 = arith.constant 1 : i32
        %scatter3A_671 = arith.constant 0 : i32
        %scatter3A_672 = arith.constant 0 : i32
        %scatter3A_673 = tpu.memref_slice %arg7[%scatter3A_670, %scatter3A_671, %scatter3A_672] : memref<2x64x128xf32, #tpu.memory_space<vmem>> -> memref<1x64x128xf32, #tpu.memory_space<vmem>>
        %scatter3A_674 = tpu.memref_squeeze %scatter3A_673 : memref<1x64x128xf32, #tpu.memory_space<vmem>> -> memref<64x128xf32, #tpu.memory_space<vmem>>
        tpu.vector_store_idx %scatter3A_674[%add3A_572, %add3A_248], %gather3A_578 : memref<64x128xf32, #tpu.memory_space<vmem>>[vector<16xi32>, vector<16xi32>], vector<16xf32>,
        %scatter3A_675 = arith.constant 1 : i32
        %scatter3A_676 = arith.constant 0 : i32
        %scatter3A_677 = arith.constant 0 : i32
        %scatter3A_678 = tpu.memref_slice %arg7[%scatter3A_675, %scatter3A_676, %scatter3A_677] : memref<2x64x128xf32, #tpu.memory_space<vmem>> -> memref<1x64x128xf32, #tpu.memory_space<vmem>>
        %scatter3A_679 = tpu.memref_squeeze %scatter3A_678 : memref<1x64x128xf32, #tpu.memory_space<vmem>> -> memref<64x128xf32, #tpu.memory_space<vmem>>
        tpu.vector_store_idx %scatter3A_679[%add3A_581, %add3A_248], %gather3A_587 : memref<64x128xf32, #tpu.memory_space<vmem>>[vector<16xi32>, vector<16xi32>], vector<16xf32>,
        %scatter3A_680 = arith.constant 1 : i32
        %scatter3A_681 = arith.constant 0 : i32
        %scatter3A_682 = arith.constant 0 : i32
        %scatter3A_683 = tpu.memref_slice %arg7[%scatter3A_680, %scatter3A_681, %scatter3A_682] : memref<2x64x128xf32, #tpu.memory_space<vmem>> -> memref<1x64x128xf32, #tpu.memory_space<vmem>>
        %scatter3A_684 = tpu.memref_squeeze %scatter3A_683 : memref<1x64x128xf32, #tpu.memory_space<vmem>> -> memref<64x128xf32, #tpu.memory_space<vmem>>
        tpu.vector_store_idx %scatter3A_684[%add3A_590, %add3A_248], %gather3A_596 : memref<64x128xf32, #tpu.memory_space<vmem>>[vector<16xi32>, vector<16xi32>], vector<16xf32>,
        %scatter3A_685 = arith.constant 1 : i32
        %scatter3A_686 = arith.constant 0 : i32
        %scatter3A_687 = arith.constant 0 : i32
        %scatter3A_688 = tpu.memref_slice %arg7[%scatter3A_685, %scatter3A_686, %scatter3A_687] : memref<2x64x128xf32, #tpu.memory_space<vmem>> -> memref<1x64x128xf32, #tpu.memory_space<vmem>>
        %scatter3A_689 = tpu.memref_squeeze %scatter3A_688 : memref<1x64x128xf32, #tpu.memory_space<vmem>> -> memref<64x128xf32, #tpu.memory_space<vmem>>
        tpu.vector_store_idx %scatter3A_689[%add3A_599, %add3A_248], %gather3A_605 : memref<64x128xf32, #tpu.memory_space<vmem>>[vector<16xi32>, vector<16xi32>], vector<16xf32>,
        %scatter3A_690 = arith.constant 1 : i32
        %scatter3A_691 = arith.constant 0 : i32
        %scatter3A_692 = arith.constant 0 : i32
        %scatter3A_693 = tpu.memref_slice %arg7[%scatter3A_690, %scatter3A_691, %scatter3A_692] : memref<2x64x128xf32, #tpu.memory_space<vmem>> -> memref<1x64x128xf32, #tpu.memory_space<vmem>>
        %scatter3A_694 = tpu.memref_squeeze %scatter3A_693 : memref<1x64x128xf32, #tpu.memory_space<vmem>> -> memref<64x128xf32, #tpu.memory_space<vmem>>
        tpu.vector_store_idx %scatter3A_694[%add3A_608, %add3A_248], %gather3A_614 : memref<64x128xf32, #tpu.memory_space<vmem>>[vector<16xi32>, vector<16xi32>], vector<16xf32>,
        %add3A_695 = arith.constant 32 : i32
        %add3A_696 = vector.broadcast %add3A_695 : i32 to vector<16xi32>
        %add3A_697 = arith.addi %and3A_12, %add3A_696 : vector<16xi32>
        %gather3A_698 = arith.constant 1 : i32
        %gather3A_699 = arith.constant 0 : i32
        %gather3A_700 = arith.constant 0 : i32
        %gather3A_701 = tpu.memref_slice %arg6[%gather3A_698, %gather3A_699, %gather3A_700] : memref<2x128x64xf32, #tpu.memory_space<vmem>> -> memref<1x128x64xf32, #tpu.memory_space<vmem>>
        %gather3A_702 = tpu.memref_squeeze %gather3A_701 : memref<1x128x64xf32, #tpu.memory_space<vmem>> -> memref<128x64xf32, #tpu.memory_space<vmem>>
        %gather3A_703 = tpu.vector_load_idx %gather3A_702[%add3A_248, %add3A_697] : memref<128x64xf32, #tpu.memory_space<vmem>>[vector<16xi32>, vector<16xi32>], vector<16xf32>,
        %add3A_704 = arith.constant 32 : i32
        %add3A_705 = vector.broadcast %add3A_704 : i32 to vector<16xi32>
        %add3A_706 = arith.addi %and3A_18, %add3A_705 : vector<16xi32>
        %gather3A_707 = arith.constant 1 : i32
        %gather3A_708 = arith.constant 0 : i32
        %gather3A_709 = arith.constant 0 : i32
        %gather3A_710 = tpu.memref_slice %arg6[%gather3A_707, %gather3A_708, %gather3A_709] : memref<2x128x64xf32, #tpu.memory_space<vmem>> -> memref<1x128x64xf32, #tpu.memory_space<vmem>>
        %gather3A_711 = tpu.memref_squeeze %gather3A_710 : memref<1x128x64xf32, #tpu.memory_space<vmem>> -> memref<128x64xf32, #tpu.memory_space<vmem>>
        %gather3A_712 = tpu.vector_load_idx %gather3A_711[%add3A_248, %add3A_706] : memref<128x64xf32, #tpu.memory_space<vmem>>[vector<16xi32>, vector<16xi32>], vector<16xf32>,
        %add3A_713 = arith.constant 32 : i32
        %add3A_714 = vector.broadcast %add3A_713 : i32 to vector<16xi32>
        %add3A_715 = arith.addi %and3A_24, %add3A_714 : vector<16xi32>
        %gather3A_716 = arith.constant 1 : i32
        %gather3A_717 = arith.constant 0 : i32
        %gather3A_718 = arith.constant 0 : i32
        %gather3A_719 = tpu.memref_slice %arg6[%gather3A_716, %gather3A_717, %gather3A_718] : memref<2x128x64xf32, #tpu.memory_space<vmem>> -> memref<1x128x64xf32, #tpu.memory_space<vmem>>
        %gather3A_720 = tpu.memref_squeeze %gather3A_719 : memref<1x128x64xf32, #tpu.memory_space<vmem>> -> memref<128x64xf32, #tpu.memory_space<vmem>>
        %gather3A_721 = tpu.vector_load_idx %gather3A_720[%add3A_248, %add3A_715] : memref<128x64xf32, #tpu.memory_space<vmem>>[vector<16xi32>, vector<16xi32>], vector<16xf32>,
        %add3A_722 = arith.constant 32 : i32
        %add3A_723 = vector.broadcast %add3A_722 : i32 to vector<16xi32>
        %add3A_724 = arith.addi %and3A_30, %add3A_723 : vector<16xi32>
        %gather3A_725 = arith.constant 1 : i32
        %gather3A_726 = arith.constant 0 : i32
        %gather3A_727 = arith.constant 0 : i32
        %gather3A_728 = tpu.memref_slice %arg6[%gather3A_725, %gather3A_726, %gather3A_727] : memref<2x128x64xf32, #tpu.memory_space<vmem>> -> memref<1x128x64xf32, #tpu.memory_space<vmem>>
        %gather3A_729 = tpu.memref_squeeze %gather3A_728 : memref<1x128x64xf32, #tpu.memory_space<vmem>> -> memref<128x64xf32, #tpu.memory_space<vmem>>
        %gather3A_730 = tpu.vector_load_idx %gather3A_729[%add3A_248, %add3A_724] : memref<128x64xf32, #tpu.memory_space<vmem>>[vector<16xi32>, vector<16xi32>], vector<16xf32>,
        %add3A_731 = arith.constant 32 : i32
        %add3A_732 = vector.broadcast %add3A_731 : i32 to vector<16xi32>
        %add3A_733 = arith.addi %and3A_36, %add3A_732 : vector<16xi32>
        %gather3A_734 = arith.constant 1 : i32
        %gather3A_735 = arith.constant 0 : i32
        %gather3A_736 = arith.constant 0 : i32
        %gather3A_737 = tpu.memref_slice %arg6[%gather3A_734, %gather3A_735, %gather3A_736] : memref<2x128x64xf32, #tpu.memory_space<vmem>> -> memref<1x128x64xf32, #tpu.memory_space<vmem>>
        %gather3A_738 = tpu.memref_squeeze %gather3A_737 : memref<1x128x64xf32, #tpu.memory_space<vmem>> -> memref<128x64xf32, #tpu.memory_space<vmem>>
        %gather3A_739 = tpu.vector_load_idx %gather3A_738[%add3A_248, %add3A_733] : memref<128x64xf32, #tpu.memory_space<vmem>>[vector<16xi32>, vector<16xi32>], vector<16xf32>,
        %add3A_740 = arith.constant 32 : i32
        %add3A_741 = vector.broadcast %add3A_740 : i32 to vector<16xi32>
        %add3A_742 = arith.addi %and3A_42, %add3A_741 : vector<16xi32>
        %gather3A_743 = arith.constant 1 : i32
        %gather3A_744 = arith.constant 0 : i32
        %gather3A_745 = arith.constant 0 : i32
        %gather3A_746 = tpu.memref_slice %arg6[%gather3A_743, %gather3A_744, %gather3A_745] : memref<2x128x64xf32, #tpu.memory_space<vmem>> -> memref<1x128x64xf32, #tpu.memory_space<vmem>>
        %gather3A_747 = tpu.memref_squeeze %gather3A_746 : memref<1x128x64xf32, #tpu.memory_space<vmem>> -> memref<128x64xf32, #tpu.memory_space<vmem>>
        %gather3A_748 = tpu.vector_load_idx %gather3A_747[%add3A_248, %add3A_742] : memref<128x64xf32, #tpu.memory_space<vmem>>[vector<16xi32>, vector<16xi32>], vector<16xf32>,
        %add3A_749 = arith.constant 32 : i32
        %add3A_750 = vector.broadcast %add3A_749 : i32 to vector<16xi32>
        %add3A_751 = arith.addi %and3A_48, %add3A_750 : vector<16xi32>
        %gather3A_752 = arith.constant 1 : i32
        %gather3A_753 = arith.constant 0 : i32
        %gather3A_754 = arith.constant 0 : i32
        %gather3A_755 = tpu.memref_slice %arg6[%gather3A_752, %gather3A_753, %gather3A_754] : memref<2x128x64xf32, #tpu.memory_space<vmem>> -> memref<1x128x64xf32, #tpu.memory_space<vmem>>
        %gather3A_756 = tpu.memref_squeeze %gather3A_755 : memref<1x128x64xf32, #tpu.memory_space<vmem>> -> memref<128x64xf32, #tpu.memory_space<vmem>>
        %gather3A_757 = tpu.vector_load_idx %gather3A_756[%add3A_248, %add3A_751] : memref<128x64xf32, #tpu.memory_space<vmem>>[vector<16xi32>, vector<16xi32>], vector<16xf32>,
        %add3A_758 = arith.constant 32 : i32
        %add3A_759 = vector.broadcast %add3A_758 : i32 to vector<16xi32>
        %add3A_760 = arith.addi %and3A_54, %add3A_759 : vector<16xi32>
        %gather3A_761 = arith.constant 1 : i32
        %gather3A_762 = arith.constant 0 : i32
        %gather3A_763 = arith.constant 0 : i32
        %gather3A_764 = tpu.memref_slice %arg6[%gather3A_761, %gather3A_762, %gather3A_763] : memref<2x128x64xf32, #tpu.memory_space<vmem>> -> memref<1x128x64xf32, #tpu.memory_space<vmem>>
        %gather3A_765 = tpu.memref_squeeze %gather3A_764 : memref<1x128x64xf32, #tpu.memory_space<vmem>> -> memref<128x64xf32, #tpu.memory_space<vmem>>
        %gather3A_766 = tpu.vector_load_idx %gather3A_765[%add3A_248, %add3A_760] : memref<128x64xf32, #tpu.memory_space<vmem>>[vector<16xi32>, vector<16xi32>], vector<16xf32>,
        %add3A_767 = arith.constant 32 : i32
        %add3A_768 = vector.broadcast %add3A_767 : i32 to vector<16xi32>
        %add3A_769 = arith.addi %and3A_60, %add3A_768 : vector<16xi32>
        %gather3A_770 = arith.constant 1 : i32
        %gather3A_771 = arith.constant 0 : i32
        %gather3A_772 = arith.constant 0 : i32
        %gather3A_773 = tpu.memref_slice %arg6[%gather3A_770, %gather3A_771, %gather3A_772] : memref<2x128x64xf32, #tpu.memory_space<vmem>> -> memref<1x128x64xf32, #tpu.memory_space<vmem>>
        %gather3A_774 = tpu.memref_squeeze %gather3A_773 : memref<1x128x64xf32, #tpu.memory_space<vmem>> -> memref<128x64xf32, #tpu.memory_space<vmem>>
        %gather3A_775 = tpu.vector_load_idx %gather3A_774[%add3A_248, %add3A_769] : memref<128x64xf32, #tpu.memory_space<vmem>>[vector<16xi32>, vector<16xi32>], vector<16xf32>,
        %add3A_776 = arith.constant 32 : i32
        %add3A_777 = vector.broadcast %add3A_776 : i32 to vector<16xi32>
        %add3A_778 = arith.addi %and3A_66, %add3A_777 : vector<16xi32>
        %gather3A_779 = arith.constant 1 : i32
        %gather3A_780 = arith.constant 0 : i32
        %gather3A_781 = arith.constant 0 : i32
        %gather3A_782 = tpu.memref_slice %arg6[%gather3A_779, %gather3A_780, %gather3A_781] : memref<2x128x64xf32, #tpu.memory_space<vmem>> -> memref<1x128x64xf32, #tpu.memory_space<vmem>>
        %gather3A_783 = tpu.memref_squeeze %gather3A_782 : memref<1x128x64xf32, #tpu.memory_space<vmem>> -> memref<128x64xf32, #tpu.memory_space<vmem>>
        %gather3A_784 = tpu.vector_load_idx %gather3A_783[%add3A_248, %add3A_778] : memref<128x64xf32, #tpu.memory_space<vmem>>[vector<16xi32>, vector<16xi32>], vector<16xf32>,
        %add3A_785 = arith.constant 32 : i32
        %add3A_786 = vector.broadcast %add3A_785 : i32 to vector<16xi32>
        %add3A_787 = arith.addi %and3A_72, %add3A_786 : vector<16xi32>
        %gather3A_788 = arith.constant 1 : i32
        %gather3A_789 = arith.constant 0 : i32
        %gather3A_790 = arith.constant 0 : i32
        %gather3A_791 = tpu.memref_slice %arg6[%gather3A_788, %gather3A_789, %gather3A_790] : memref<2x128x64xf32, #tpu.memory_space<vmem>> -> memref<1x128x64xf32, #tpu.memory_space<vmem>>
        %gather3A_792 = tpu.memref_squeeze %gather3A_791 : memref<1x128x64xf32, #tpu.memory_space<vmem>> -> memref<128x64xf32, #tpu.memory_space<vmem>>
        %gather3A_793 = tpu.vector_load_idx %gather3A_792[%add3A_248, %add3A_787] : memref<128x64xf32, #tpu.memory_space<vmem>>[vector<16xi32>, vector<16xi32>], vector<16xf32>,
        %add3A_794 = arith.constant 32 : i32
        %add3A_795 = vector.broadcast %add3A_794 : i32 to vector<16xi32>
        %add3A_796 = arith.addi %and3A_78, %add3A_795 : vector<16xi32>
        %gather3A_797 = arith.constant 1 : i32
        %gather3A_798 = arith.constant 0 : i32
        %gather3A_799 = arith.constant 0 : i32
        %gather3A_800 = tpu.memref_slice %arg6[%gather3A_797, %gather3A_798, %gather3A_799] : memref<2x128x64xf32, #tpu.memory_space<vmem>> -> memref<1x128x64xf32, #tpu.memory_space<vmem>>
        %gather3A_801 = tpu.memref_squeeze %gather3A_800 : memref<1x128x64xf32, #tpu.memory_space<vmem>> -> memref<128x64xf32, #tpu.memory_space<vmem>>
        %gather3A_802 = tpu.vector_load_idx %gather3A_801[%add3A_248, %add3A_796] : memref<128x64xf32, #tpu.memory_space<vmem>>[vector<16xi32>, vector<16xi32>], vector<16xf32>,
        %add3A_803 = arith.constant 32 : i32
        %add3A_804 = vector.broadcast %add3A_803 : i32 to vector<16xi32>
        %add3A_805 = arith.addi %and3A_84, %add3A_804 : vector<16xi32>
        %gather3A_806 = arith.constant 1 : i32
        %gather3A_807 = arith.constant 0 : i32
        %gather3A_808 = arith.constant 0 : i32
        %gather3A_809 = tpu.memref_slice %arg6[%gather3A_806, %gather3A_807, %gather3A_808] : memref<2x128x64xf32, #tpu.memory_space<vmem>> -> memref<1x128x64xf32, #tpu.memory_space<vmem>>
        %gather3A_810 = tpu.memref_squeeze %gather3A_809 : memref<1x128x64xf32, #tpu.memory_space<vmem>> -> memref<128x64xf32, #tpu.memory_space<vmem>>
        %gather3A_811 = tpu.vector_load_idx %gather3A_810[%add3A_248, %add3A_805] : memref<128x64xf32, #tpu.memory_space<vmem>>[vector<16xi32>, vector<16xi32>], vector<16xf32>,
        %add3A_812 = arith.constant 32 : i32
        %add3A_813 = vector.broadcast %add3A_812 : i32 to vector<16xi32>
        %add3A_814 = arith.addi %and3A_90, %add3A_813 : vector<16xi32>
        %gather3A_815 = arith.constant 1 : i32
        %gather3A_816 = arith.constant 0 : i32
        %gather3A_817 = arith.constant 0 : i32
        %gather3A_818 = tpu.memref_slice %arg6[%gather3A_815, %gather3A_816, %gather3A_817] : memref<2x128x64xf32, #tpu.memory_space<vmem>> -> memref<1x128x64xf32, #tpu.memory_space<vmem>>
        %gather3A_819 = tpu.memref_squeeze %gather3A_818 : memref<1x128x64xf32, #tpu.memory_space<vmem>> -> memref<128x64xf32, #tpu.memory_space<vmem>>
        %gather3A_820 = tpu.vector_load_idx %gather3A_819[%add3A_248, %add3A_814] : memref<128x64xf32, #tpu.memory_space<vmem>>[vector<16xi32>, vector<16xi32>], vector<16xf32>,
        %add3A_821 = arith.constant 32 : i32
        %add3A_822 = vector.broadcast %add3A_821 : i32 to vector<16xi32>
        %add3A_823 = arith.addi %and3A_96, %add3A_822 : vector<16xi32>
        %gather3A_824 = arith.constant 1 : i32
        %gather3A_825 = arith.constant 0 : i32
        %gather3A_826 = arith.constant 0 : i32
        %gather3A_827 = tpu.memref_slice %arg6[%gather3A_824, %gather3A_825, %gather3A_826] : memref<2x128x64xf32, #tpu.memory_space<vmem>> -> memref<1x128x64xf32, #tpu.memory_space<vmem>>
        %gather3A_828 = tpu.memref_squeeze %gather3A_827 : memref<1x128x64xf32, #tpu.memory_space<vmem>> -> memref<128x64xf32, #tpu.memory_space<vmem>>
        %gather3A_829 = tpu.vector_load_idx %gather3A_828[%add3A_248, %add3A_823] : memref<128x64xf32, #tpu.memory_space<vmem>>[vector<16xi32>, vector<16xi32>], vector<16xf32>,
        %add3A_830 = arith.constant 32 : i32
        %add3A_831 = vector.broadcast %add3A_830 : i32 to vector<16xi32>
        %add3A_832 = arith.addi %and3A_102, %add3A_831 : vector<16xi32>
        %gather3A_833 = arith.constant 1 : i32
        %gather3A_834 = arith.constant 0 : i32
        %gather3A_835 = arith.constant 0 : i32
        %gather3A_836 = tpu.memref_slice %arg6[%gather3A_833, %gather3A_834, %gather3A_835] : memref<2x128x64xf32, #tpu.memory_space<vmem>> -> memref<1x128x64xf32, #tpu.memory_space<vmem>>
        %gather3A_837 = tpu.memref_squeeze %gather3A_836 : memref<1x128x64xf32, #tpu.memory_space<vmem>> -> memref<128x64xf32, #tpu.memory_space<vmem>>
        %gather3A_838 = tpu.vector_load_idx %gather3A_837[%add3A_248, %add3A_832] : memref<128x64xf32, #tpu.memory_space<vmem>>[vector<16xi32>, vector<16xi32>], vector<16xf32>,
        %scatter3A_839 = arith.constant 1 : i32
        %scatter3A_840 = arith.constant 0 : i32
        %scatter3A_841 = arith.constant 0 : i32
        %scatter3A_842 = tpu.memref_slice %arg7[%scatter3A_839, %scatter3A_840, %scatter3A_841] : memref<2x64x128xf32, #tpu.memory_space<vmem>> -> memref<1x64x128xf32, #tpu.memory_space<vmem>>
        %scatter3A_843 = tpu.memref_squeeze %scatter3A_842 : memref<1x64x128xf32, #tpu.memory_space<vmem>> -> memref<64x128xf32, #tpu.memory_space<vmem>>
        tpu.vector_store_idx %scatter3A_843[%add3A_697, %add3A_248], %gather3A_703 : memref<64x128xf32, #tpu.memory_space<vmem>>[vector<16xi32>, vector<16xi32>], vector<16xf32>,
        %scatter3A_844 = arith.constant 1 : i32
        %scatter3A_845 = arith.constant 0 : i32
        %scatter3A_846 = arith.constant 0 : i32
        %scatter3A_847 = tpu.memref_slice %arg7[%scatter3A_844, %scatter3A_845, %scatter3A_846] : memref<2x64x128xf32, #tpu.memory_space<vmem>> -> memref<1x64x128xf32, #tpu.memory_space<vmem>>
        %scatter3A_848 = tpu.memref_squeeze %scatter3A_847 : memref<1x64x128xf32, #tpu.memory_space<vmem>> -> memref<64x128xf32, #tpu.memory_space<vmem>>
        tpu.vector_store_idx %scatter3A_848[%add3A_706, %add3A_248], %gather3A_712 : memref<64x128xf32, #tpu.memory_space<vmem>>[vector<16xi32>, vector<16xi32>], vector<16xf32>,
        %scatter3A_849 = arith.constant 1 : i32
        %scatter3A_850 = arith.constant 0 : i32
        %scatter3A_851 = arith.constant 0 : i32
        %scatter3A_852 = tpu.memref_slice %arg7[%scatter3A_849, %scatter3A_850, %scatter3A_851] : memref<2x64x128xf32, #tpu.memory_space<vmem>> -> memref<1x64x128xf32, #tpu.memory_space<vmem>>
        %scatter3A_853 = tpu.memref_squeeze %scatter3A_852 : memref<1x64x128xf32, #tpu.memory_space<vmem>> -> memref<64x128xf32, #tpu.memory_space<vmem>>
        tpu.vector_store_idx %scatter3A_853[%add3A_715, %add3A_248], %gather3A_721 : memref<64x128xf32, #tpu.memory_space<vmem>>[vector<16xi32>, vector<16xi32>], vector<16xf32>,
        %scatter3A_854 = arith.constant 1 : i32
        %scatter3A_855 = arith.constant 0 : i32
        %scatter3A_856 = arith.constant 0 : i32
        %scatter3A_857 = tpu.memref_slice %arg7[%scatter3A_854, %scatter3A_855, %scatter3A_856] : memref<2x64x128xf32, #tpu.memory_space<vmem>> -> memref<1x64x128xf32, #tpu.memory_space<vmem>>
        %scatter3A_858 = tpu.memref_squeeze %scatter3A_857 : memref<1x64x128xf32, #tpu.memory_space<vmem>> -> memref<64x128xf32, #tpu.memory_space<vmem>>
        tpu.vector_store_idx %scatter3A_858[%add3A_724, %add3A_248], %gather3A_730 : memref<64x128xf32, #tpu.memory_space<vmem>>[vector<16xi32>, vector<16xi32>], vector<16xf32>,
        %scatter3A_859 = arith.constant 1 : i32
        %scatter3A_860 = arith.constant 0 : i32
        %scatter3A_861 = arith.constant 0 : i32
        %scatter3A_862 = tpu.memref_slice %arg7[%scatter3A_859, %scatter3A_860, %scatter3A_861] : memref<2x64x128xf32, #tpu.memory_space<vmem>> -> memref<1x64x128xf32, #tpu.memory_space<vmem>>
        %scatter3A_863 = tpu.memref_squeeze %scatter3A_862 : memref<1x64x128xf32, #tpu.memory_space<vmem>> -> memref<64x128xf32, #tpu.memory_space<vmem>>
        tpu.vector_store_idx %scatter3A_863[%add3A_733, %add3A_248], %gather3A_739 : memref<64x128xf32, #tpu.memory_space<vmem>>[vector<16xi32>, vector<16xi32>], vector<16xf32>,
        %scatter3A_864 = arith.constant 1 : i32
        %scatter3A_865 = arith.constant 0 : i32
        %scatter3A_866 = arith.constant 0 : i32
        %scatter3A_867 = tpu.memref_slice %arg7[%scatter3A_864, %scatter3A_865, %scatter3A_866] : memref<2x64x128xf32, #tpu.memory_space<vmem>> -> memref<1x64x128xf32, #tpu.memory_space<vmem>>
        %scatter3A_868 = tpu.memref_squeeze %scatter3A_867 : memref<1x64x128xf32, #tpu.memory_space<vmem>> -> memref<64x128xf32, #tpu.memory_space<vmem>>
        tpu.vector_store_idx %scatter3A_868[%add3A_742, %add3A_248], %gather3A_748 : memref<64x128xf32, #tpu.memory_space<vmem>>[vector<16xi32>, vector<16xi32>], vector<16xf32>,
        %scatter3A_869 = arith.constant 1 : i32
        %scatter3A_870 = arith.constant 0 : i32
        %scatter3A_871 = arith.constant 0 : i32
        %scatter3A_872 = tpu.memref_slice %arg7[%scatter3A_869, %scatter3A_870, %scatter3A_871] : memref<2x64x128xf32, #tpu.memory_space<vmem>> -> memref<1x64x128xf32, #tpu.memory_space<vmem>>
        %scatter3A_873 = tpu.memref_squeeze %scatter3A_872 : memref<1x64x128xf32, #tpu.memory_space<vmem>> -> memref<64x128xf32, #tpu.memory_space<vmem>>
        tpu.vector_store_idx %scatter3A_873[%add3A_751, %add3A_248], %gather3A_757 : memref<64x128xf32, #tpu.memory_space<vmem>>[vector<16xi32>, vector<16xi32>], vector<16xf32>,
        %scatter3A_874 = arith.constant 1 : i32
        %scatter3A_875 = arith.constant 0 : i32
        %scatter3A_876 = arith.constant 0 : i32
        %scatter3A_877 = tpu.memref_slice %arg7[%scatter3A_874, %scatter3A_875, %scatter3A_876] : memref<2x64x128xf32, #tpu.memory_space<vmem>> -> memref<1x64x128xf32, #tpu.memory_space<vmem>>
        %scatter3A_878 = tpu.memref_squeeze %scatter3A_877 : memref<1x64x128xf32, #tpu.memory_space<vmem>> -> memref<64x128xf32, #tpu.memory_space<vmem>>
        tpu.vector_store_idx %scatter3A_878[%add3A_760, %add3A_248], %gather3A_766 : memref<64x128xf32, #tpu.memory_space<vmem>>[vector<16xi32>, vector<16xi32>], vector<16xf32>,
        %scatter3A_879 = arith.constant 1 : i32
        %scatter3A_880 = arith.constant 0 : i32
        %scatter3A_881 = arith.constant 0 : i32
        %scatter3A_882 = tpu.memref_slice %arg7[%scatter3A_879, %scatter3A_880, %scatter3A_881] : memref<2x64x128xf32, #tpu.memory_space<vmem>> -> memref<1x64x128xf32, #tpu.memory_space<vmem>>
        %scatter3A_883 = tpu.memref_squeeze %scatter3A_882 : memref<1x64x128xf32, #tpu.memory_space<vmem>> -> memref<64x128xf32, #tpu.memory_space<vmem>>
        tpu.vector_store_idx %scatter3A_883[%add3A_769, %add3A_248], %gather3A_775 : memref<64x128xf32, #tpu.memory_space<vmem>>[vector<16xi32>, vector<16xi32>], vector<16xf32>,
        %scatter3A_884 = arith.constant 1 : i32
        %scatter3A_885 = arith.constant 0 : i32
        %scatter3A_886 = arith.constant 0 : i32
        %scatter3A_887 = tpu.memref_slice %arg7[%scatter3A_884, %scatter3A_885, %scatter3A_886] : memref<2x64x128xf32, #tpu.memory_space<vmem>> -> memref<1x64x128xf32, #tpu.memory_space<vmem>>
        %scatter3A_888 = tpu.memref_squeeze %scatter3A_887 : memref<1x64x128xf32, #tpu.memory_space<vmem>> -> memref<64x128xf32, #tpu.memory_space<vmem>>
        tpu.vector_store_idx %scatter3A_888[%add3A_778, %add3A_248], %gather3A_784 : memref<64x128xf32, #tpu.memory_space<vmem>>[vector<16xi32>, vector<16xi32>], vector<16xf32>,
        %scatter3A_889 = arith.constant 1 : i32
        %scatter3A_890 = arith.constant 0 : i32
        %scatter3A_891 = arith.constant 0 : i32
        %scatter3A_892 = tpu.memref_slice %arg7[%scatter3A_889, %scatter3A_890, %scatter3A_891] : memref<2x64x128xf32, #tpu.memory_space<vmem>> -> memref<1x64x128xf32, #tpu.memory_space<vmem>>
        %scatter3A_893 = tpu.memref_squeeze %scatter3A_892 : memref<1x64x128xf32, #tpu.memory_space<vmem>> -> memref<64x128xf32, #tpu.memory_space<vmem>>
        tpu.vector_store_idx %scatter3A_893[%add3A_787, %add3A_248], %gather3A_793 : memref<64x128xf32, #tpu.memory_space<vmem>>[vector<16xi32>, vector<16xi32>], vector<16xf32>,
        %scatter3A_894 = arith.constant 1 : i32
        %scatter3A_895 = arith.constant 0 : i32
        %scatter3A_896 = arith.constant 0 : i32
        %scatter3A_897 = tpu.memref_slice %arg7[%scatter3A_894, %scatter3A_895, %scatter3A_896] : memref<2x64x128xf32, #tpu.memory_space<vmem>> -> memref<1x64x128xf32, #tpu.memory_space<vmem>>
        %scatter3A_898 = tpu.memref_squeeze %scatter3A_897 : memref<1x64x128xf32, #tpu.memory_space<vmem>> -> memref<64x128xf32, #tpu.memory_space<vmem>>
        tpu.vector_store_idx %scatter3A_898[%add3A_796, %add3A_248], %gather3A_802 : memref<64x128xf32, #tpu.memory_space<vmem>>[vector<16xi32>, vector<16xi32>], vector<16xf32>,
        %scatter3A_899 = arith.constant 1 : i32
        %scatter3A_900 = arith.constant 0 : i32
        %scatter3A_901 = arith.constant 0 : i32
        %scatter3A_902 = tpu.memref_slice %arg7[%scatter3A_899, %scatter3A_900, %scatter3A_901] : memref<2x64x128xf32, #tpu.memory_space<vmem>> -> memref<1x64x128xf32, #tpu.memory_space<vmem>>
        %scatter3A_903 = tpu.memref_squeeze %scatter3A_902 : memref<1x64x128xf32, #tpu.memory_space<vmem>> -> memref<64x128xf32, #tpu.memory_space<vmem>>
        tpu.vector_store_idx %scatter3A_903[%add3A_805, %add3A_248], %gather3A_811 : memref<64x128xf32, #tpu.memory_space<vmem>>[vector<16xi32>, vector<16xi32>], vector<16xf32>,
        %scatter3A_904 = arith.constant 1 : i32
        %scatter3A_905 = arith.constant 0 : i32
        %scatter3A_906 = arith.constant 0 : i32
        %scatter3A_907 = tpu.memref_slice %arg7[%scatter3A_904, %scatter3A_905, %scatter3A_906] : memref<2x64x128xf32, #tpu.memory_space<vmem>> -> memref<1x64x128xf32, #tpu.memory_space<vmem>>
        %scatter3A_908 = tpu.memref_squeeze %scatter3A_907 : memref<1x64x128xf32, #tpu.memory_space<vmem>> -> memref<64x128xf32, #tpu.memory_space<vmem>>
        tpu.vector_store_idx %scatter3A_908[%add3A_814, %add3A_248], %gather3A_820 : memref<64x128xf32, #tpu.memory_space<vmem>>[vector<16xi32>, vector<16xi32>], vector<16xf32>,
        %scatter3A_909 = arith.constant 1 : i32
        %scatter3A_910 = arith.constant 0 : i32
        %scatter3A_911 = arith.constant 0 : i32
        %scatter3A_912 = tpu.memref_slice %arg7[%scatter3A_909, %scatter3A_910, %scatter3A_911] : memref<2x64x128xf32, #tpu.memory_space<vmem>> -> memref<1x64x128xf32, #tpu.memory_space<vmem>>
        %scatter3A_913 = tpu.memref_squeeze %scatter3A_912 : memref<1x64x128xf32, #tpu.memory_space<vmem>> -> memref<64x128xf32, #tpu.memory_space<vmem>>
        tpu.vector_store_idx %scatter3A_913[%add3A_823, %add3A_248], %gather3A_829 : memref<64x128xf32, #tpu.memory_space<vmem>>[vector<16xi32>, vector<16xi32>], vector<16xf32>,
        %scatter3A_914 = arith.constant 1 : i32
        %scatter3A_915 = arith.constant 0 : i32
        %scatter3A_916 = arith.constant 0 : i32
        %scatter3A_917 = tpu.memref_slice %arg7[%scatter3A_914, %scatter3A_915, %scatter3A_916] : memref<2x64x128xf32, #tpu.memory_space<vmem>> -> memref<1x64x128xf32, #tpu.memory_space<vmem>>
        %scatter3A_918 = tpu.memref_squeeze %scatter3A_917 : memref<1x64x128xf32, #tpu.memory_space<vmem>> -> memref<64x128xf32, #tpu.memory_space<vmem>>
        tpu.vector_store_idx %scatter3A_918[%add3A_832, %add3A_248], %gather3A_838 : memref<64x128xf32, #tpu.memory_space<vmem>>[vector<16xi32>, vector<16xi32>], vector<16xf32>,
        %add3A_919 = arith.constant 48 : i32
        %add3A_920 = vector.broadcast %add3A_919 : i32 to vector<16xi32>
        %add3A_921 = arith.addi %and3A_12, %add3A_920 : vector<16xi32>
        %gather3A_922 = arith.constant 1 : i32
        %gather3A_923 = arith.constant 0 : i32
        %gather3A_924 = arith.constant 0 : i32
        %gather3A_925 = tpu.memref_slice %arg6[%gather3A_922, %gather3A_923, %gather3A_924] : memref<2x128x64xf32, #tpu.memory_space<vmem>> -> memref<1x128x64xf32, #tpu.memory_space<vmem>>
        %gather3A_926 = tpu.memref_squeeze %gather3A_925 : memref<1x128x64xf32, #tpu.memory_space<vmem>> -> memref<128x64xf32, #tpu.memory_space<vmem>>
        %gather3A_927 = tpu.vector_load_idx %gather3A_926[%add3A_248, %add3A_921] : memref<128x64xf32, #tpu.memory_space<vmem>>[vector<16xi32>, vector<16xi32>], vector<16xf32>,
        %add3A_928 = arith.constant 48 : i32
        %add3A_929 = vector.broadcast %add3A_928 : i32 to vector<16xi32>
        %add3A_930 = arith.addi %and3A_18, %add3A_929 : vector<16xi32>
        %gather3A_931 = arith.constant 1 : i32
        %gather3A_932 = arith.constant 0 : i32
        %gather3A_933 = arith.constant 0 : i32
        %gather3A_934 = tpu.memref_slice %arg6[%gather3A_931, %gather3A_932, %gather3A_933] : memref<2x128x64xf32, #tpu.memory_space<vmem>> -> memref<1x128x64xf32, #tpu.memory_space<vmem>>
        %gather3A_935 = tpu.memref_squeeze %gather3A_934 : memref<1x128x64xf32, #tpu.memory_space<vmem>> -> memref<128x64xf32, #tpu.memory_space<vmem>>
        %gather3A_936 = tpu.vector_load_idx %gather3A_935[%add3A_248, %add3A_930] : memref<128x64xf32, #tpu.memory_space<vmem>>[vector<16xi32>, vector<16xi32>], vector<16xf32>,
        %add3A_937 = arith.constant 48 : i32
        %add3A_938 = vector.broadcast %add3A_937 : i32 to vector<16xi32>
        %add3A_939 = arith.addi %and3A_24, %add3A_938 : vector<16xi32>
        %gather3A_940 = arith.constant 1 : i32
        %gather3A_941 = arith.constant 0 : i32
        %gather3A_942 = arith.constant 0 : i32
        %gather3A_943 = tpu.memref_slice %arg6[%gather3A_940, %gather3A_941, %gather3A_942] : memref<2x128x64xf32, #tpu.memory_space<vmem>> -> memref<1x128x64xf32, #tpu.memory_space<vmem>>
        %gather3A_944 = tpu.memref_squeeze %gather3A_943 : memref<1x128x64xf32, #tpu.memory_space<vmem>> -> memref<128x64xf32, #tpu.memory_space<vmem>>
        %gather3A_945 = tpu.vector_load_idx %gather3A_944[%add3A_248, %add3A_939] : memref<128x64xf32, #tpu.memory_space<vmem>>[vector<16xi32>, vector<16xi32>], vector<16xf32>,
        %add3A_946 = arith.constant 48 : i32
        %add3A_947 = vector.broadcast %add3A_946 : i32 to vector<16xi32>
        %add3A_948 = arith.addi %and3A_30, %add3A_947 : vector<16xi32>
        %gather3A_949 = arith.constant 1 : i32
        %gather3A_950 = arith.constant 0 : i32
        %gather3A_951 = arith.constant 0 : i32
        %gather3A_952 = tpu.memref_slice %arg6[%gather3A_949, %gather3A_950, %gather3A_951] : memref<2x128x64xf32, #tpu.memory_space<vmem>> -> memref<1x128x64xf32, #tpu.memory_space<vmem>>
        %gather3A_953 = tpu.memref_squeeze %gather3A_952 : memref<1x128x64xf32, #tpu.memory_space<vmem>> -> memref<128x64xf32, #tpu.memory_space<vmem>>
        %gather3A_954 = tpu.vector_load_idx %gather3A_953[%add3A_248, %add3A_948] : memref<128x64xf32, #tpu.memory_space<vmem>>[vector<16xi32>, vector<16xi32>], vector<16xf32>,
        %add3A_955 = arith.constant 48 : i32
        %add3A_956 = vector.broadcast %add3A_955 : i32 to vector<16xi32>
        %add3A_957 = arith.addi %and3A_36, %add3A_956 : vector<16xi32>
        %gather3A_958 = arith.constant 1 : i32
        %gather3A_959 = arith.constant 0 : i32
        %gather3A_960 = arith.constant 0 : i32
        %gather3A_961 = tpu.memref_slice %arg6[%gather3A_958, %gather3A_959, %gather3A_960] : memref<2x128x64xf32, #tpu.memory_space<vmem>> -> memref<1x128x64xf32, #tpu.memory_space<vmem>>
        %gather3A_962 = tpu.memref_squeeze %gather3A_961 : memref<1x128x64xf32, #tpu.memory_space<vmem>> -> memref<128x64xf32, #tpu.memory_space<vmem>>
        %gather3A_963 = tpu.vector_load_idx %gather3A_962[%add3A_248, %add3A_957] : memref<128x64xf32, #tpu.memory_space<vmem>>[vector<16xi32>, vector<16xi32>], vector<16xf32>,
        %add3A_964 = arith.constant 48 : i32
        %add3A_965 = vector.broadcast %add3A_964 : i32 to vector<16xi32>
        %add3A_966 = arith.addi %and3A_42, %add3A_965 : vector<16xi32>
        %gather3A_967 = arith.constant 1 : i32
        %gather3A_968 = arith.constant 0 : i32
        %gather3A_969 = arith.constant 0 : i32
        %gather3A_970 = tpu.memref_slice %arg6[%gather3A_967, %gather3A_968, %gather3A_969] : memref<2x128x64xf32, #tpu.memory_space<vmem>> -> memref<1x128x64xf32, #tpu.memory_space<vmem>>
        %gather3A_971 = tpu.memref_squeeze %gather3A_970 : memref<1x128x64xf32, #tpu.memory_space<vmem>> -> memref<128x64xf32, #tpu.memory_space<vmem>>
        %gather3A_972 = tpu.vector_load_idx %gather3A_971[%add3A_248, %add3A_966] : memref<128x64xf32, #tpu.memory_space<vmem>>[vector<16xi32>, vector<16xi32>], vector<16xf32>,
        %add3A_973 = arith.constant 48 : i32
        %add3A_974 = vector.broadcast %add3A_973 : i32 to vector<16xi32>
        %add3A_975 = arith.addi %and3A_48, %add3A_974 : vector<16xi32>
        %gather3A_976 = arith.constant 1 : i32
        %gather3A_977 = arith.constant 0 : i32
        %gather3A_978 = arith.constant 0 : i32
        %gather3A_979 = tpu.memref_slice %arg6[%gather3A_976, %gather3A_977, %gather3A_978] : memref<2x128x64xf32, #tpu.memory_space<vmem>> -> memref<1x128x64xf32, #tpu.memory_space<vmem>>
        %gather3A_980 = tpu.memref_squeeze %gather3A_979 : memref<1x128x64xf32, #tpu.memory_space<vmem>> -> memref<128x64xf32, #tpu.memory_space<vmem>>
        %gather3A_981 = tpu.vector_load_idx %gather3A_980[%add3A_248, %add3A_975] : memref<128x64xf32, #tpu.memory_space<vmem>>[vector<16xi32>, vector<16xi32>], vector<16xf32>,
        %add3A_982 = arith.constant 48 : i32
        %add3A_983 = vector.broadcast %add3A_982 : i32 to vector<16xi32>
        %add3A_984 = arith.addi %and3A_54, %add3A_983 : vector<16xi32>
        %gather3A_985 = arith.constant 1 : i32
        %gather3A_986 = arith.constant 0 : i32
        %gather3A_987 = arith.constant 0 : i32
        %gather3A_988 = tpu.memref_slice %arg6[%gather3A_985, %gather3A_986, %gather3A_987] : memref<2x128x64xf32, #tpu.memory_space<vmem>> -> memref<1x128x64xf32, #tpu.memory_space<vmem>>
        %gather3A_989 = tpu.memref_squeeze %gather3A_988 : memref<1x128x64xf32, #tpu.memory_space<vmem>> -> memref<128x64xf32, #tpu.memory_space<vmem>>
        %gather3A_990 = tpu.vector_load_idx %gather3A_989[%add3A_248, %add3A_984] : memref<128x64xf32, #tpu.memory_space<vmem>>[vector<16xi32>, vector<16xi32>], vector<16xf32>,
        %add3A_991 = arith.constant 48 : i32
        %add3A_992 = vector.broadcast %add3A_991 : i32 to vector<16xi32>
        %add3A_993 = arith.addi %and3A_60, %add3A_992 : vector<16xi32>
        %gather3A_994 = arith.constant 1 : i32
        %gather3A_995 = arith.constant 0 : i32
        %gather3A_996 = arith.constant 0 : i32
        %gather3A_997 = tpu.memref_slice %arg6[%gather3A_994, %gather3A_995, %gather3A_996] : memref<2x128x64xf32, #tpu.memory_space<vmem>> -> memref<1x128x64xf32, #tpu.memory_space<vmem>>
        %gather3A_998 = tpu.memref_squeeze %gather3A_997 : memref<1x128x64xf32, #tpu.memory_space<vmem>> -> memref<128x64xf32, #tpu.memory_space<vmem>>
        %gather3A_999 = tpu.vector_load_idx %gather3A_998[%add3A_248, %add3A_993] : memref<128x64xf32, #tpu.memory_space<vmem>>[vector<16xi32>, vector<16xi32>], vector<16xf32>,
        %add3A_1000 = arith.constant 48 : i32
        %add3A_1001 = vector.broadcast %add3A_1000 : i32 to vector<16xi32>
        %add3A_1002 = arith.addi %and3A_66, %add3A_1001 : vector<16xi32>
        %gather3A_1003 = arith.constant 1 : i32
        %gather3A_1004 = arith.constant 0 : i32
        %gather3A_1005 = arith.constant 0 : i32
        %gather3A_1006 = tpu.memref_slice %arg6[%gather3A_1003, %gather3A_1004, %gather3A_1005] : memref<2x128x64xf32, #tpu.memory_space<vmem>> -> memref<1x128x64xf32, #tpu.memory_space<vmem>>
        %gather3A_1007 = tpu.memref_squeeze %gather3A_1006 : memref<1x128x64xf32, #tpu.memory_space<vmem>> -> memref<128x64xf32, #tpu.memory_space<vmem>>
        %gather3A_1008 = tpu.vector_load_idx %gather3A_1007[%add3A_248, %add3A_1002] : memref<128x64xf32, #tpu.memory_space<vmem>>[vector<16xi32>, vector<16xi32>], vector<16xf32>,
        %add3A_1009 = arith.constant 48 : i32
        %add3A_1010 = vector.broadcast %add3A_1009 : i32 to vector<16xi32>
        %add3A_1011 = arith.addi %and3A_72, %add3A_1010 : vector<16xi32>
        %gather3A_1012 = arith.constant 1 : i32
        %gather3A_1013 = arith.constant 0 : i32
        %gather3A_1014 = arith.constant 0 : i32
        %gather3A_1015 = tpu.memref_slice %arg6[%gather3A_1012, %gather3A_1013, %gather3A_1014] : memref<2x128x64xf32, #tpu.memory_space<vmem>> -> memref<1x128x64xf32, #tpu.memory_space<vmem>>
        %gather3A_1016 = tpu.memref_squeeze %gather3A_1015 : memref<1x128x64xf32, #tpu.memory_space<vmem>> -> memref<128x64xf32, #tpu.memory_space<vmem>>
        %gather3A_1017 = tpu.vector_load_idx %gather3A_1016[%add3A_248, %add3A_1011] : memref<128x64xf32, #tpu.memory_space<vmem>>[vector<16xi32>, vector<16xi32>], vector<16xf32>,
        %add3A_1018 = arith.constant 48 : i32
        %add3A_1019 = vector.broadcast %add3A_1018 : i32 to vector<16xi32>
        %add3A_1020 = arith.addi %and3A_78, %add3A_1019 : vector<16xi32>
        %gather3A_1021 = arith.constant 1 : i32
        %gather3A_1022 = arith.constant 0 : i32
        %gather3A_1023 = arith.constant 0 : i32
        %gather3A_1024 = tpu.memref_slice %arg6[%gather3A_1021, %gather3A_1022, %gather3A_1023] : memref<2x128x64xf32, #tpu.memory_space<vmem>> -> memref<1x128x64xf32, #tpu.memory_space<vmem>>
        %gather3A_1025 = tpu.memref_squeeze %gather3A_1024 : memref<1x128x64xf32, #tpu.memory_space<vmem>> -> memref<128x64xf32, #tpu.memory_space<vmem>>
        %gather3A_1026 = tpu.vector_load_idx %gather3A_1025[%add3A_248, %add3A_1020] : memref<128x64xf32, #tpu.memory_space<vmem>>[vector<16xi32>, vector<16xi32>], vector<16xf32>,
        %add3A_1027 = arith.constant 48 : i32
        %add3A_1028 = vector.broadcast %add3A_1027 : i32 to vector<16xi32>
        %add3A_1029 = arith.addi %and3A_84, %add3A_1028 : vector<16xi32>
        %gather3A_1030 = arith.constant 1 : i32
        %gather3A_1031 = arith.constant 0 : i32
        %gather3A_1032 = arith.constant 0 : i32
        %gather3A_1033 = tpu.memref_slice %arg6[%gather3A_1030, %gather3A_1031, %gather3A_1032] : memref<2x128x64xf32, #tpu.memory_space<vmem>> -> memref<1x128x64xf32, #tpu.memory_space<vmem>>
        %gather3A_1034 = tpu.memref_squeeze %gather3A_1033 : memref<1x128x64xf32, #tpu.memory_space<vmem>> -> memref<128x64xf32, #tpu.memory_space<vmem>>
        %gather3A_1035 = tpu.vector_load_idx %gather3A_1034[%add3A_248, %add3A_1029] : memref<128x64xf32, #tpu.memory_space<vmem>>[vector<16xi32>, vector<16xi32>], vector<16xf32>,
        %add3A_1036 = arith.constant 48 : i32
        %add3A_1037 = vector.broadcast %add3A_1036 : i32 to vector<16xi32>
        %add3A_1038 = arith.addi %and3A_90, %add3A_1037 : vector<16xi32>
        %gather3A_1039 = arith.constant 1 : i32
        %gather3A_1040 = arith.constant 0 : i32
        %gather3A_1041 = arith.constant 0 : i32
        %gather3A_1042 = tpu.memref_slice %arg6[%gather3A_1039, %gather3A_1040, %gather3A_1041] : memref<2x128x64xf32, #tpu.memory_space<vmem>> -> memref<1x128x64xf32, #tpu.memory_space<vmem>>
        %gather3A_1043 = tpu.memref_squeeze %gather3A_1042 : memref<1x128x64xf32, #tpu.memory_space<vmem>> -> memref<128x64xf32, #tpu.memory_space<vmem>>
        %gather3A_1044 = tpu.vector_load_idx %gather3A_1043[%add3A_248, %add3A_1038] : memref<128x64xf32, #tpu.memory_space<vmem>>[vector<16xi32>, vector<16xi32>], vector<16xf32>,
        %add3A_1045 = arith.constant 48 : i32
        %add3A_1046 = vector.broadcast %add3A_1045 : i32 to vector<16xi32>
        %add3A_1047 = arith.addi %and3A_96, %add3A_1046 : vector<16xi32>
        %gather3A_1048 = arith.constant 1 : i32
        %gather3A_1049 = arith.constant 0 : i32
        %gather3A_1050 = arith.constant 0 : i32
        %gather3A_1051 = tpu.memref_slice %arg6[%gather3A_1048, %gather3A_1049, %gather3A_1050] : memref<2x128x64xf32, #tpu.memory_space<vmem>> -> memref<1x128x64xf32, #tpu.memory_space<vmem>>
        %gather3A_1052 = tpu.memref_squeeze %gather3A_1051 : memref<1x128x64xf32, #tpu.memory_space<vmem>> -> memref<128x64xf32, #tpu.memory_space<vmem>>
        %gather3A_1053 = tpu.vector_load_idx %gather3A_1052[%add3A_248, %add3A_1047] : memref<128x64xf32, #tpu.memory_space<vmem>>[vector<16xi32>, vector<16xi32>], vector<16xf32>,
        %add3A_1054 = arith.constant 48 : i32
        %add3A_1055 = vector.broadcast %add3A_1054 : i32 to vector<16xi32>
        %add3A_1056 = arith.addi %and3A_102, %add3A_1055 : vector<16xi32>
        %gather3A_1057 = arith.constant 1 : i32
        %gather3A_1058 = arith.constant 0 : i32
        %gather3A_1059 = arith.constant 0 : i32
        %gather3A_1060 = tpu.memref_slice %arg6[%gather3A_1057, %gather3A_1058, %gather3A_1059] : memref<2x128x64xf32, #tpu.memory_space<vmem>> -> memref<1x128x64xf32, #tpu.memory_space<vmem>>
        %gather3A_1061 = tpu.memref_squeeze %gather3A_1060 : memref<1x128x64xf32, #tpu.memory_space<vmem>> -> memref<128x64xf32, #tpu.memory_space<vmem>>
        %gather3A_1062 = tpu.vector_load_idx %gather3A_1061[%add3A_248, %add3A_1056] : memref<128x64xf32, #tpu.memory_space<vmem>>[vector<16xi32>, vector<16xi32>], vector<16xf32>,
        %scatter3A_1063 = arith.constant 1 : i32
        %scatter3A_1064 = arith.constant 0 : i32
        %scatter3A_1065 = arith.constant 0 : i32
        %scatter3A_1066 = tpu.memref_slice %arg7[%scatter3A_1063, %scatter3A_1064, %scatter3A_1065] : memref<2x64x128xf32, #tpu.memory_space<vmem>> -> memref<1x64x128xf32, #tpu.memory_space<vmem>>
        %scatter3A_1067 = tpu.memref_squeeze %scatter3A_1066 : memref<1x64x128xf32, #tpu.memory_space<vmem>> -> memref<64x128xf32, #tpu.memory_space<vmem>>
        tpu.vector_store_idx %scatter3A_1067[%add3A_921, %add3A_248], %gather3A_927 : memref<64x128xf32, #tpu.memory_space<vmem>>[vector<16xi32>, vector<16xi32>], vector<16xf32>,
        %scatter3A_1068 = arith.constant 1 : i32
        %scatter3A_1069 = arith.constant 0 : i32
        %scatter3A_1070 = arith.constant 0 : i32
        %scatter3A_1071 = tpu.memref_slice %arg7[%scatter3A_1068, %scatter3A_1069, %scatter3A_1070] : memref<2x64x128xf32, #tpu.memory_space<vmem>> -> memref<1x64x128xf32, #tpu.memory_space<vmem>>
        %scatter3A_1072 = tpu.memref_squeeze %scatter3A_1071 : memref<1x64x128xf32, #tpu.memory_space<vmem>> -> memref<64x128xf32, #tpu.memory_space<vmem>>
        tpu.vector_store_idx %scatter3A_1072[%add3A_930, %add3A_248], %gather3A_936 : memref<64x128xf32, #tpu.memory_space<vmem>>[vector<16xi32>, vector<16xi32>], vector<16xf32>,
        %scatter3A_1073 = arith.constant 1 : i32
        %scatter3A_1074 = arith.constant 0 : i32
        %scatter3A_1075 = arith.constant 0 : i32
        %scatter3A_1076 = tpu.memref_slice %arg7[%scatter3A_1073, %scatter3A_1074, %scatter3A_1075] : memref<2x64x128xf32, #tpu.memory_space<vmem>> -> memref<1x64x128xf32, #tpu.memory_space<vmem>>
        %scatter3A_1077 = tpu.memref_squeeze %scatter3A_1076 : memref<1x64x128xf32, #tpu.memory_space<vmem>> -> memref<64x128xf32, #tpu.memory_space<vmem>>
        tpu.vector_store_idx %scatter3A_1077[%add3A_939, %add3A_248], %gather3A_945 : memref<64x128xf32, #tpu.memory_space<vmem>>[vector<16xi32>, vector<16xi32>], vector<16xf32>,
        %scatter3A_1078 = arith.constant 1 : i32
        %scatter3A_1079 = arith.constant 0 : i32
        %scatter3A_1080 = arith.constant 0 : i32
        %scatter3A_1081 = tpu.memref_slice %arg7[%scatter3A_1078, %scatter3A_1079, %scatter3A_1080] : memref<2x64x128xf32, #tpu.memory_space<vmem>> -> memref<1x64x128xf32, #tpu.memory_space<vmem>>
        %scatter3A_1082 = tpu.memref_squeeze %scatter3A_1081 : memref<1x64x128xf32, #tpu.memory_space<vmem>> -> memref<64x128xf32, #tpu.memory_space<vmem>>
        tpu.vector_store_idx %scatter3A_1082[%add3A_948, %add3A_248], %gather3A_954 : memref<64x128xf32, #tpu.memory_space<vmem>>[vector<16xi32>, vector<16xi32>], vector<16xf32>,
        %scatter3A_1083 = arith.constant 1 : i32
        %scatter3A_1084 = arith.constant 0 : i32
        %scatter3A_1085 = arith.constant 0 : i32
        %scatter3A_1086 = tpu.memref_slice %arg7[%scatter3A_1083, %scatter3A_1084, %scatter3A_1085] : memref<2x64x128xf32, #tpu.memory_space<vmem>> -> memref<1x64x128xf32, #tpu.memory_space<vmem>>
        %scatter3A_1087 = tpu.memref_squeeze %scatter3A_1086 : memref<1x64x128xf32, #tpu.memory_space<vmem>> -> memref<64x128xf32, #tpu.memory_space<vmem>>
        tpu.vector_store_idx %scatter3A_1087[%add3A_957, %add3A_248], %gather3A_963 : memref<64x128xf32, #tpu.memory_space<vmem>>[vector<16xi32>, vector<16xi32>], vector<16xf32>,
        %scatter3A_1088 = arith.constant 1 : i32
        %scatter3A_1089 = arith.constant 0 : i32
        %scatter3A_1090 = arith.constant 0 : i32
        %scatter3A_1091 = tpu.memref_slice %arg7[%scatter3A_1088, %scatter3A_1089, %scatter3A_1090] : memref<2x64x128xf32, #tpu.memory_space<vmem>> -> memref<1x64x128xf32, #tpu.memory_space<vmem>>
        %scatter3A_1092 = tpu.memref_squeeze %scatter3A_1091 : memref<1x64x128xf32, #tpu.memory_space<vmem>> -> memref<64x128xf32, #tpu.memory_space<vmem>>
        tpu.vector_store_idx %scatter3A_1092[%add3A_966, %add3A_248], %gather3A_972 : memref<64x128xf32, #tpu.memory_space<vmem>>[vector<16xi32>, vector<16xi32>], vector<16xf32>,
        %scatter3A_1093 = arith.constant 1 : i32
        %scatter3A_1094 = arith.constant 0 : i32
        %scatter3A_1095 = arith.constant 0 : i32
        %scatter3A_1096 = tpu.memref_slice %arg7[%scatter3A_1093, %scatter3A_1094, %scatter3A_1095] : memref<2x64x128xf32, #tpu.memory_space<vmem>> -> memref<1x64x128xf32, #tpu.memory_space<vmem>>
        %scatter3A_1097 = tpu.memref_squeeze %scatter3A_1096 : memref<1x64x128xf32, #tpu.memory_space<vmem>> -> memref<64x128xf32, #tpu.memory_space<vmem>>
        tpu.vector_store_idx %scatter3A_1097[%add3A_975, %add3A_248], %gather3A_981 : memref<64x128xf32, #tpu.memory_space<vmem>>[vector<16xi32>, vector<16xi32>], vector<16xf32>,
        %scatter3A_1098 = arith.constant 1 : i32
        %scatter3A_1099 = arith.constant 0 : i32
        %scatter3A_1100 = arith.constant 0 : i32
        %scatter3A_1101 = tpu.memref_slice %arg7[%scatter3A_1098, %scatter3A_1099, %scatter3A_1100] : memref<2x64x128xf32, #tpu.memory_space<vmem>> -> memref<1x64x128xf32, #tpu.memory_space<vmem>>
        %scatter3A_1102 = tpu.memref_squeeze %scatter3A_1101 : memref<1x64x128xf32, #tpu.memory_space<vmem>> -> memref<64x128xf32, #tpu.memory_space<vmem>>
        tpu.vector_store_idx %scatter3A_1102[%add3A_984, %add3A_248], %gather3A_990 : memref<64x128xf32, #tpu.memory_space<vmem>>[vector<16xi32>, vector<16xi32>], vector<16xf32>,
        %scatter3A_1103 = arith.constant 1 : i32
        %scatter3A_1104 = arith.constant 0 : i32
        %scatter3A_1105 = arith.constant 0 : i32
        %scatter3A_1106 = tpu.memref_slice %arg7[%scatter3A_1103, %scatter3A_1104, %scatter3A_1105] : memref<2x64x128xf32, #tpu.memory_space<vmem>> -> memref<1x64x128xf32, #tpu.memory_space<vmem>>
        %scatter3A_1107 = tpu.memref_squeeze %scatter3A_1106 : memref<1x64x128xf32, #tpu.memory_space<vmem>> -> memref<64x128xf32, #tpu.memory_space<vmem>>
        tpu.vector_store_idx %scatter3A_1107[%add3A_993, %add3A_248], %gather3A_999 : memref<64x128xf32, #tpu.memory_space<vmem>>[vector<16xi32>, vector<16xi32>], vector<16xf32>,
        %scatter3A_1108 = arith.constant 1 : i32
        %scatter3A_1109 = arith.constant 0 : i32
        %scatter3A_1110 = arith.constant 0 : i32
        %scatter3A_1111 = tpu.memref_slice %arg7[%scatter3A_1108, %scatter3A_1109, %scatter3A_1110] : memref<2x64x128xf32, #tpu.memory_space<vmem>> -> memref<1x64x128xf32, #tpu.memory_space<vmem>>
        %scatter3A_1112 = tpu.memref_squeeze %scatter3A_1111 : memref<1x64x128xf32, #tpu.memory_space<vmem>> -> memref<64x128xf32, #tpu.memory_space<vmem>>
        tpu.vector_store_idx %scatter3A_1112[%add3A_1002, %add3A_248], %gather3A_1008 : memref<64x128xf32, #tpu.memory_space<vmem>>[vector<16xi32>, vector<16xi32>], vector<16xf32>,
        %scatter3A_1113 = arith.constant 1 : i32
        %scatter3A_1114 = arith.constant 0 : i32
        %scatter3A_1115 = arith.constant 0 : i32
        %scatter3A_1116 = tpu.memref_slice %arg7[%scatter3A_1113, %scatter3A_1114, %scatter3A_1115] : memref<2x64x128xf32, #tpu.memory_space<vmem>> -> memref<1x64x128xf32, #tpu.memory_space<vmem>>
        %scatter3A_1117 = tpu.memref_squeeze %scatter3A_1116 : memref<1x64x128xf32, #tpu.memory_space<vmem>> -> memref<64x128xf32, #tpu.memory_space<vmem>>
        tpu.vector_store_idx %scatter3A_1117[%add3A_1011, %add3A_248], %gather3A_1017 : memref<64x128xf32, #tpu.memory_space<vmem>>[vector<16xi32>, vector<16xi32>], vector<16xf32>,
        %scatter3A_1118 = arith.constant 1 : i32
        %scatter3A_1119 = arith.constant 0 : i32
        %scatter3A_1120 = arith.constant 0 : i32
        %scatter3A_1121 = tpu.memref_slice %arg7[%scatter3A_1118, %scatter3A_1119, %scatter3A_1120] : memref<2x64x128xf32, #tpu.memory_space<vmem>> -> memref<1x64x128xf32, #tpu.memory_space<vmem>>
        %scatter3A_1122 = tpu.memref_squeeze %scatter3A_1121 : memref<1x64x128xf32, #tpu.memory_space<vmem>> -> memref<64x128xf32, #tpu.memory_space<vmem>>
        tpu.vector_store_idx %scatter3A_1122[%add3A_1020, %add3A_248], %gather3A_1026 : memref<64x128xf32, #tpu.memory_space<vmem>>[vector<16xi32>, vector<16xi32>], vector<16xf32>,
        %scatter3A_1123 = arith.constant 1 : i32
        %scatter3A_1124 = arith.constant 0 : i32
        %scatter3A_1125 = arith.constant 0 : i32
        %scatter3A_1126 = tpu.memref_slice %arg7[%scatter3A_1123, %scatter3A_1124, %scatter3A_1125] : memref<2x64x128xf32, #tpu.memory_space<vmem>> -> memref<1x64x128xf32, #tpu.memory_space<vmem>>
        %scatter3A_1127 = tpu.memref_squeeze %scatter3A_1126 : memref<1x64x128xf32, #tpu.memory_space<vmem>> -> memref<64x128xf32, #tpu.memory_space<vmem>>
        tpu.vector_store_idx %scatter3A_1127[%add3A_1029, %add3A_248], %gather3A_1035 : memref<64x128xf32, #tpu.memory_space<vmem>>[vector<16xi32>, vector<16xi32>], vector<16xf32>,
        %scatter3A_1128 = arith.constant 1 : i32
        %scatter3A_1129 = arith.constant 0 : i32
        %scatter3A_1130 = arith.constant 0 : i32
        %scatter3A_1131 = tpu.memref_slice %arg7[%scatter3A_1128, %scatter3A_1129, %scatter3A_1130] : memref<2x64x128xf32, #tpu.memory_space<vmem>> -> memref<1x64x128xf32, #tpu.memory_space<vmem>>
        %scatter3A_1132 = tpu.memref_squeeze %scatter3A_1131 : memref<1x64x128xf32, #tpu.memory_space<vmem>> -> memref<64x128xf32, #tpu.memory_space<vmem>>
        tpu.vector_store_idx %scatter3A_1132[%add3A_1038, %add3A_248], %gather3A_1044 : memref<64x128xf32, #tpu.memory_space<vmem>>[vector<16xi32>, vector<16xi32>], vector<16xf32>,
        %scatter3A_1133 = arith.constant 1 : i32
        %scatter3A_1134 = arith.constant 0 : i32
        %scatter3A_1135 = arith.constant 0 : i32
        %scatter3A_1136 = tpu.memref_slice %arg7[%scatter3A_1133, %scatter3A_1134, %scatter3A_1135] : memref<2x64x128xf32, #tpu.memory_space<vmem>> -> memref<1x64x128xf32, #tpu.memory_space<vmem>>
        %scatter3A_1137 = tpu.memref_squeeze %scatter3A_1136 : memref<1x64x128xf32, #tpu.memory_space<vmem>> -> memref<64x128xf32, #tpu.memory_space<vmem>>
        tpu.vector_store_idx %scatter3A_1137[%add3A_1047, %add3A_248], %gather3A_1053 : memref<64x128xf32, #tpu.memory_space<vmem>>[vector<16xi32>, vector<16xi32>], vector<16xf32>,
        %scatter3A_1138 = arith.constant 1 : i32
        %scatter3A_1139 = arith.constant 0 : i32
        %scatter3A_1140 = arith.constant 0 : i32
        %scatter3A_1141 = tpu.memref_slice %arg7[%scatter3A_1138, %scatter3A_1139, %scatter3A_1140] : memref<2x64x128xf32, #tpu.memory_space<vmem>> -> memref<1x64x128xf32, #tpu.memory_space<vmem>>
        %scatter3A_1142 = tpu.memref_squeeze %scatter3A_1141 : memref<1x64x128xf32, #tpu.memory_space<vmem>> -> memref<64x128xf32, #tpu.memory_space<vmem>>
        tpu.vector_store_idx %scatter3A_1142[%add3A_1056, %add3A_248], %gather3A_1062 : memref<64x128xf32, #tpu.memory_space<vmem>>[vector<16xi32>, vector<16xi32>], vector<16xf32>,
      }
      %scan3A_228 = arith.constant 8 : i32
      %dma_start3A_229 = arith.constant 1 : i32
      %dma_start3A_230 = arith.constant 0 : i32
      %dma_start3A_231 = arith.constant 0 : i32
      %dma_start3A_232 = tpu.memref_slice %arg7[%dma_start3A_229, %dma_start3A_230, %dma_start3A_231] : memref<2x64x128xf32, #tpu.memory_space<vmem>> -> memref<1x64x128xf32, #tpu.memory_space<vmem>>
      %dma_start3A_233 = tpu.memref_squeeze %dma_start3A_232 : memref<1x64x128xf32, #tpu.memory_space<vmem>> -> memref<64x128xf32, #tpu.memory_space<vmem>>
      %dma_start3A_234 = arith.constant 0 : i32
      %dma_start3A_235 = tpu.memref_slice %arg4[%add3A_199, %dma_start3A_234, %mul3A_2] : memref<26x64x4096xf32, #tpu.memory_space<hbm>> -> memref<1x64x128xf32, #tpu.memory_space<hbm>>
      %dma_start3A_236 = tpu.memref_squeeze %dma_start3A_235 : memref<1x64x128xf32, #tpu.memory_space<hbm>> -> memref<64x128xf32, #tpu.memory_space<hbm>>
      %dma_start3A_237 = arith.constant 0 : i32
      %dma_start3A_238 = tpu.memref_slice %arg4[%add3A_199, %dma_start3A_237, %mul3A_2] : memref<26x64x4096xf32, #tpu.memory_space<hbm>> -> memref<1x64x128xf32, #tpu.memory_space<hbm>>
      %dma_start3A_239 = tpu.memref_squeeze %dma_start3A_238 : memref<1x64x128xf32, #tpu.memory_space<hbm>> -> memref<64x128xf32, #tpu.memory_space<hbm>>
      %dma_start3A_240 = arith.constant 0 : i32
      %dma_start3A_241 = arith.constant 0 : i32
      %dma_start3A_242 = tpu.memref_slice %arg7[%dma_start3A_229, %dma_start3A_240, %dma_start3A_241] : memref<2x64x128xf32, #tpu.memory_space<vmem>> -> memref<1x64x128xf32, #tpu.memory_space<vmem>>
      %dma_start3A_243 = tpu.memref_squeeze %dma_start3A_242 : memref<1x64x128xf32, #tpu.memory_space<vmem>> -> memref<64x128xf32, #tpu.memory_space<vmem>>
      tpu.enqueue_dma source(%dma_start3A_243 : memref<64x128xf32, #tpu.memory_space<vmem>>) target(%dma_start3A_239 : memref<64x128xf32, #tpu.memory_space<hbm>>) target_semaphore(%arg10 : memref<!tpu.dma_semaphore, #tpu.memory_space<semaphore_mem>>)
    }
    %scan3A_119 = arith.constant 13 : i32
    %dma_wait3A = arith.constant 0 : i32
    %dma_wait3A_120 = arith.constant 24 : i32
    %dma_wait3A_121 = arith.constant 0 : i32
    %dma_wait3A_122 = arith.constant 0 : i32
    %dma_wait3A_123 = tpu.memref_slice %arg7[%dma_wait3A, %dma_wait3A_121, %dma_wait3A_122] : memref<2x64x128xf32, #tpu.memory_space<vmem>> -> memref<1x64x128xf32, #tpu.memory_space<vmem>>
    %dma_wait3A_124 = tpu.memref_squeeze %dma_wait3A_123 : memref<1x64x128xf32, #tpu.memory_space<vmem>> -> memref<64x128xf32, #tpu.memory_space<vmem>>
    %dma_wait3A_125 = arith.constant 0 : i32
    %dma_wait3A_126 = tpu.memref_slice %arg4[%dma_wait3A_120, %dma_wait3A_125, %mul3A_2] : memref<26x64x4096xf32, #tpu.memory_space<hbm>> -> memref<1x64x128xf32, #tpu.memory_space<hbm>>
    %dma_wait3A_127 = tpu.memref_squeeze %dma_wait3A_126 : memref<1x64x128xf32, #tpu.memory_space<hbm>> -> memref<64x128xf32, #tpu.memory_space<hbm>>
    %dma_wait3A_128 = arith.constant 0 : i32
    %dma_wait3A_129 = tpu.memref_slice %arg4[%dma_wait3A_120, %dma_wait3A_128, %mul3A_2] : memref<26x64x4096xf32, #tpu.memory_space<hbm>> -> memref<1x64x128xf32, #tpu.memory_space<hbm>>
    %dma_wait3A_130 = tpu.memref_squeeze %dma_wait3A_129 : memref<1x64x128xf32, #tpu.memory_space<hbm>> -> memref<64x128xf32, #tpu.memory_space<hbm>>
    %dma_wait3A_131 = arith.constant 0 : i32
    %dma_wait3A_132 = arith.constant 0 : i32
    %dma_wait3A_133 = tpu.memref_slice %arg7[%dma_wait3A, %dma_wait3A_131, %dma_wait3A_132] : memref<2x64x128xf32, #tpu.memory_space<vmem>> -> memref<1x64x128xf32, #tpu.memory_space<vmem>>
    %dma_wait3A_134 = tpu.memref_squeeze %dma_wait3A_133 : memref<1x64x128xf32, #tpu.memory_space<vmem>> -> memref<64x128xf32, #tpu.memory_space<vmem>>
    tpu.wait_dma2 semaphore(%arg9 : memref<!tpu.dma_semaphore, #tpu.memory_space<semaphore_mem>>) src(%dma_wait3A_134 : memref<64x128xf32, #tpu.memory_space<vmem>>) dst(%dma_wait3A_130 : memref<64x128xf32, #tpu.memory_space<hbm>>)
    %dma_wait3A_135 = arith.constant 1 : i32
    %dma_wait3A_136 = arith.constant 25 : i32
    %dma_wait3A_137 = arith.constant 0 : i32
    %dma_wait3A_138 = arith.constant 0 : i32
    %dma_wait3A_139 = tpu.memref_slice %arg7[%dma_wait3A_135, %dma_wait3A_137, %dma_wait3A_138] : memref<2x64x128xf32, #tpu.memory_space<vmem>> -> memref<1x64x128xf32, #tpu.memory_space<vmem>>
    %dma_wait3A_140 = tpu.memref_squeeze %dma_wait3A_139 : memref<1x64x128xf32, #tpu.memory_space<vmem>> -> memref<64x128xf32, #tpu.memory_space<vmem>>
    %dma_wait3A_141 = arith.constant 0 : i32
    %dma_wait3A_142 = tpu.memref_slice %arg4[%dma_wait3A_136, %dma_wait3A_141, %mul3A_2] : memref<26x64x4096xf32, #tpu.memory_space<hbm>> -> memref<1x64x128xf32, #tpu.memory_space<hbm>>
    %dma_wait3A_143 = tpu.memref_squeeze %dma_wait3A_142 : memref<1x64x128xf32, #tpu.memory_space<hbm>> -> memref<64x128xf32, #tpu.memory_space<hbm>>
    %dma_wait3A_144 = arith.constant 0 : i32
    %dma_wait3A_145 = tpu.memref_slice %arg4[%dma_wait3A_136, %dma_wait3A_144, %mul3A_2] : memref<26x64x4096xf32, #tpu.memory_space<hbm>> -> memref<1x64x128xf32, #tpu.memory_space<hbm>>
    %dma_wait3A_146 = tpu.memref_squeeze %dma_wait3A_145 : memref<1x64x128xf32, #tpu.memory_space<hbm>> -> memref<64x128xf32, #tpu.memory_space<hbm>>
    %dma_wait3A_147 = arith.constant 0 : i32
    %dma_wait3A_148 = arith.constant 0 : i32
    %dma_wait3A_149 = tpu.memref_slice %arg7[%dma_wait3A_135, %dma_wait3A_147, %dma_wait3A_148] : memref<2x64x128xf32, #tpu.memory_space<vmem>> -> memref<1x64x128xf32, #tpu.memory_space<vmem>>
    %dma_wait3A_150 = tpu.memref_squeeze %dma_wait3A_149 : memref<1x64x128xf32, #tpu.memory_space<vmem>> -> memref<64x128xf32, #tpu.memory_space<vmem>>
    tpu.wait_dma2 semaphore(%arg10 : memref<!tpu.dma_semaphore, #tpu.memory_space<semaphore_mem>>) src(%dma_wait3A_150 : memref<64x128xf32, #tpu.memory_space<vmem>>) dst(%dma_wait3A_146 : memref<64x128xf32, #tpu.memory_space<hbm>>)
    return
  }
}

</mosaic_0001>

<sc_bundles>
// kernel: kernel.3.cloned.1.call-start
scs
__scs_entry_jumppad:
0x0: {  	(pc) =	sbr.rel $0x88, $3  }
0x1: {  	(tag) =	ssettag $0x0;
	lr =	simm.s32 $0x1  }
0x2: {  	[smem:$0x3F9F] =	sst lr;
	_ =	strace $0xD0000000  }
0x3: {  	_ = 	snop  }
0x4: {  	_ = 	snop  }
0x5: {  	_ = 	snop  }
0x6: {  	_ = 	snop  }
0x7: {  	_ = 	snop  }
__scs_overlays_trampoline_lowered:
0x8: {  	[smem:$0x3FAE] =	sst s0  }
0x9: {  	[smem:$0x3FAF] =	sst s1  }
0xa: {  	[smem:$0x3FB0] =	sst s2  }
0xb: {  	[smem:$0x3FB1] =	sst s3  }
0xc: {  	[smem:$0x3FB2] =	sst s4  }
0xd: {  	[smem:$0x3FB3] =	sst s5  }
0xe: {  	[smem:$0x3FB4] =	sst s6  }
0xf: {  	[smem:$0x3FB5] =	sst s7  }
0x10: {  	[smem:$0x3FB6] =	sst s8  }
0x11: {  	[smem:$0x3FB7] =	sst s9;
	s0 =	simm.s32 @!p0 $0x0  }
0x12: {  	s1 =	sld [smem:$0x3F9D];
	s0 =	simm.s32 @p0 $0x1  }
0x13: {  	[smem:$0x3FB8] =	sst s0;
	s0 =	simm.s32 @!p1 $0x0  }
0x14: {  	s2 =	sld [smem:$0x3F9C];
	s0 =	simm.s32 @p1 $0x1  }
0x15: {  	[smem:$0x3FB9] =	sst s0;
	s0 =	simm.s32 @!p2 $0x0  }
0x16: {  	s3 =	sld [smem:$0x3FDB];
	s0 =	simm.s32 @p2 $0x1  }
0x17: {  	s4 =	simm.s32 $0x1BF5;
	[smem:$0x3FBB] =	sst s0  }
0x18: {  	s0 =	sld [smem:$0x3F9E];
	_ =	swait.ge [sflag:s4], $0x0  }
0x19: {  	s7 =	sld [smem:$0x3F9F]  }
0x1a: {  	s8 =	sadd.s32 $0xFFFFE003, lr  }
0x1b: {  	s9 =	sadd.s32 $0xFFFFFEF7, lr;
	s5 =	simm.s32 $0xFFFFFFFF;
	p2 =	slt.u32 s8, $0xFFFFF086  }
0x1c: {  	p1 =	slt.u32 s9, $0xF7A;
	s5 =	simm.s32 @!p2 $0x0  }
0x1d: {  	s5 =	simm.s32 @p1 $0x1;
	p0 =	seq.s32 s7, s2  }
0x1e: {  	s7 =	smul.u32 @!p0 $0xF7A, s2;
	p2 =	seq.s32 @!p0 s5, $0x0  }
0x1f: {  	s9 =	smul.u32 $0xF7A, s1;
	s8 =	simm.s32 @!p0 $0x1BF5;
	p2 =	por !p2, p0  }
0x20: {  	[sflag:s8] =	ssyncset.s32 @!p0 $0xFFFFF086;
	s6 =	sadd.s32 @!p0 s3, s7;
	s7 =	simm.s32 @!p0 $0x108  }
0x21: {  	s3 =	sadd.s32 s3, s9;
	s6 =	sadd.s32 @!p0 $0x88, s6;
	s7 =	simm.s32 @p2 $0x1082  }
0x22: {  	[simem:s7], [sflag:s8] =	dma.local @!p0 [hbm:s6], $0xF7A  }
0x23: {  	s9 =	sor.u32 $0xD0000000, s2;
	s6 =	simm.s32 $0x108;
	_ =	swait.ge @!p0 [sflag:s8], $0x0  }
0x24: {  	s3 =	sadd.s32 $0x88, s3;
	s6 =	simm.s32 @!p1 $0x1082;
	[sflag:s4] =	ssyncset.s32 $0xFFFFF086  }
0x25: {  	[simem:s6], [sflag:s4] =	dma.local [hbm:s3], $0xF7A  }
0x26: {  	[smem:$0x3F9F] =	sst s1;
	(tag) =	ssettag s2;
	_ =	strace s9  }
0x27: {  	s1 =	sld [smem:$0x3FAF]  }
0x28: {  	s2 =	sld [smem:$0x3FB0]  }
0x29: {  	s4 =	sld [smem:$0x3FB2]  }
0x2a: {  	p0 =	seq.s32 s5, $0x0;
	s5 =	sld [smem:$0x3FB3]  }
0x2b: {  	s6 =	sld [smem:$0x3FB4]  }
0x2c: {  	s7 =	sld [smem:$0x3FB5]  }
0x2d: {  	s3 =	simm.s32 $0x108;
	s8 =	sld [smem:$0x3FB6]  }
0x2e: {  	s3 =	simm.s32 @!p0 $0x1082;
	s9 =	sld [smem:$0x3FB7]  }
0x2f: {  	lr =	sadd.s32 s0, s3;
	s0 =	sld [smem:$0x3FAE]  }
0x30: {  	s3 =	sld [smem:$0x3FB1]  }
0x31: {  	[smem:$0x3FBA] =	sst s10  }
0x32: {  	s10 =	sld [smem:$0x3FB8];
	_ =	sdelay $0x3  }
0x33: {  	p0 =	seq.s32 s10, $0x1;
	s10 =	sld [smem:$0x3FBA];
	_ =	sdelay $0x3  }
0x34: {  	[smem:$0x3FBA] =	sst s10  }
0x35: {  	s10 =	sld [smem:$0x3FB9];
	_ =	sdelay $0x3  }
0x36: {  	p1 =	seq.s32 s10, $0x1;
	s10 =	sld [smem:$0x3FBA];
	_ =	sdelay $0x3  }
0x37: {  	[smem:$0x3FBA] =	sst s10  }
0x38: {  	s10 =	sld [smem:$0x3FBB]  }
0x39: {  	_ = 	snop;
	(pc) =	sbr.ind lr, $3  }
0x3a: {  	_ = 	snop  }
0x3b: {  	_ = 	snop  }
0x3c: {  	p2 =	seq.s32 s10, $0x1;
	s10 =	sld [smem:$0x3FBA]  }
0x3d: {  	_ =	shalt  }
0x3e: {  	_ =	shalt  }
0x3f: {  	_ =	shalt  }
0x40: {  	_ =	shalt  }
0x41: {  	_ =	shalt  }
0x42: {  	_ =	shalt  }
0x43: {  	_ =	shalt  }
0x44: {  	_ =	shalt  }
0x45: {  	_ =	shalt  }
0x46: {  	_ =	shalt  }
0x47: {  	_ =	shalt  }
0x48: {  	_ =	shalt  }
0x49: {  	_ =	shalt  }
0x4a: {  	_ =	shalt  }
0x4b: {  	_ =	shalt  }
0x4c: {  	_ =	shalt  }
0x4d: {  	_ =	shalt  }
0x4e: {  	_ =	shalt  }
0x4f: {  	_ =	shalt  }
0x50: {  	_ =	shalt  }
0x51: {  	_ =	shalt  }
0x52: {  	_ =	shalt  }
0x53: {  	_ =	shalt  }
0x54: {  	_ =	shalt  }
0x55: {  	_ =	shalt  }
0x56: {  	_ =	shalt  }
0x57: {  	_ =	shalt  }
0x58: {  	_ =	shalt  }
0x59: {  	_ =	shalt  }
0x5a: {  	_ =	shalt  }
0x5b: {  	_ =	shalt  }
0x5c: {  	_ =	shalt  }
0x5d: {  	_ =	shalt  }
0x5e: {  	_ =	shalt  }
0x5f: {  	_ =	shalt  }
0x60: {  	_ =	shalt  }
0x61: {  	_ =	shalt  }
0x62: {  	_ =	shalt  }
0x63: {  	_ =	shalt  }
0x64: {  	_ =	shalt  }
0x65: {  	_ =	shalt  }
0x66: {  	_ =	shalt  }
0x67: {  	_ =	shalt  }
0x68: {  	_ =	shalt  }
0x69: {  	_ =	shalt  }
0x6a: {  	_ =	shalt  }
0x6b: {  	_ =	shalt  }
0x6c: {  	_ =	shalt  }
0x6d: {  	_ =	shalt  }
0x6e: {  	_ =	shalt  }
0x6f: {  	_ =	shalt  }
0x70: {  	_ =	shalt  }
0x71: {  	_ =	shalt  }
0x72: {  	_ =	shalt  }
0x73: {  	_ =	shalt  }
0x74: {  	_ =	shalt  }
0x75: {  	_ =	shalt  }
0x76: {  	_ =	shalt  }
0x77: {  	_ =	shalt  }
0x78: {  	_ =	shalt  }
0x79: {  	_ =	shalt  }
0x7a: {  	_ =	shalt  }
0x7b: {  	_ =	shalt  }
0x7c: {  	_ =	shalt  }
0x7d: {  	_ =	shalt  }
0x7e: {  	_ =	shalt  }
0x7f: {  	_ =	shalt  }
0x80: {  	_ =	shalt  }
0x81: {  	_ =	shalt  }
0x82: {  	_ =	shalt  }
0x83: {  	_ =	shalt  }
0x84: {  	_ =	shalt  }
0x85: {  	_ =	shalt  }
0x86: {  	_ =	shalt  }
0x87: {  	_ =	shalt  }
.Lfunc_end0:
.L_simem_size_0:
called_computation_lowered:
.L_overlay_start_0:
0x88: {  	s2 =	sld [smem:$0x3FD9]  }
0x89: {  	s3 =	sld [smem:$0x3FFE];
	_ =	sdelay $0x1  }
0x8a: {  	s1 =	srdreg.scid  }
0x8b: {  	s0 =	sand.u32 $0x1, s1  }
0x8c: {  	s17 =	sshll.u32 s0, $0xA;
	s2 =	sadd.s32 s3, s2  }
0x8d: {  	s2 =	sadd.s32 s2, s17  }
0x8e: {  	[smem:$0x3FC6] =	sst s2  }
0x8f: {  	_ = 	snop  }
0x90: {  	s2 =	sld [smem:$0x3FD0];
	(tm) =	ssettm $0x1  }
0x91: {  	s18 =	sld [smem:$0x3FFB];
	_ =	sdelay $0x3  }
0x92: {  	_ =	strace s18  }
0x93: {  	s3 =	sld [smem:$0x3FFC];
	_ =	sdelay $0x3  }
0x94: {  	_ =	strace s3  }
0x95: {  	s3 =	sld [smem:$0x3FFD];
	_ =	sdelay $0x3  }
0x96: {  	_ =	strace s3  }
0x97: {  	_ =	strace $0x8FFFFFFF  }
0x98: {  	s19 =	sld [smem:$0x3FDB];
	_ =	sdelay $0x1  }
0x99: {  	s4 =	simm.s32 $_scs_section_size  }
0x9a: {  	s5 =	simm.s32 $_size__tile_overlayer_lowered;
	s6 =	simm.s32 $_tile_overlayer_lowered  }
0x9b: {  	s22 =	simm.s32 $0x1BFF;
	s21 =	sshll.u32 s6, $0x1;
	s3 =	sadd.s32 s4, s19  }
0x9c: {  	s7 =	simm.s32 $0x0;
	s20 =	sshll.u32 s5, $0x1;
	s5 =	sadd.s32 s21, s3  }
0x9d: {  	[timem:s7], [sflag:s22] =	dma.local [hbm:s5], s20  }
0x9e: {  	_ =	swait.ge [sflag:s22], s20  }
0x9f: {  	s4 =	ssub.s32 $0x0, s20;
	[sflag:s22] =	ssyncset.done $0x0  }
0xa0: {  	[sflag:s22] =	ssyncadd.s32 s4;
	_ =	sdelay $0x1  }
0xa1: {  	s23 =	simm.s32 $0x1B8B  }
0xa2: {  	_ =	swait.ge [sflag:s23], $0x1  }
0xa3: {  	[sflag:s23] =	ssyncset.done $0x0  }
0xa4: {  	s25 =	simm.s32 $0x1B8E;
	s24 =	sld [smem:$0x3FFE];
	[sflag:s23] =	ssyncadd.s32 $0xFFFFFFFF  }
0xa5: {  	s26 =	simm.s32 $execute0_lowered;
	[smem:$0x3FD2] =	sst s25  }
0xa6: {  	s5 =	sshll.u32 s26, $0x1;
	_ =	strace $0x80000046;
	[dreg:$0x1] =	wrdreg $0xFFFFFFFF  }
0xa7: {  	s28 =	simm.s32 $_size_execute0_lowered;
	s3 =	sadd.s32 s3, s5;
	[dreg:$0x0] =	wrdreg $0x0  }
0xa8: {  	s5 =	sshll.u32 s28, $0x1;
	[dreg:$0x2] =	wrdreg s3  }
0xa9: {  	[dreg:$0x3] =	wrdreg s5  }
0xaa: {  	[dreg:$0x4] =	wrdreg $0xC0  }
0xab: {  	_ =	task [dreg:s7], $0x5FFFF  }
0xac: {  	[dreg:$0x1] =	wrdreg $0xFFFFFFFF  }
0xad: {  	[dreg:$0x0] =	wrdreg $0x60  }
0xae: {  	[dreg:$0x2] =	wrdreg s24  }
0xaf: {  	[dreg:$0x3] =	wrdreg s2  }
0xb0: {  	[dreg:$0x4] =	wrdreg $0x9  }
0xb1: {  	_ =	task.clear_ibuf [dreg:s7], $0x5FFFF;
	_ =	strace $0x90000046  }
0xb2: {  	s29 =	simm.s32 $0x9;
	_ =	strace $0x80000048  }
0xb3: {  	_ =	swait.ge [sflag:s29], $0x1  }
0xb4: {  	[sflag:s29] =	ssyncadd.s32 $0xFFFFFFFF  }
0xb5: {  	_ =	strace $0x90000048  }
0xb6: {  	_ =	sfence  }
0xb7: {  	s30 =	sld [smem:$0x0];
	_ =	sdelay $0x2  }
0xb8: {  	s31 =	sshll.u32 s1, $0xD;
	s1 =	sshrl.u32 s1, $0x2  }
0xb9: {  	s3 =	sand.u32 $0x4000, s31;
	s1 =	sadd.s32 s1, s30  }
0xba: {  	s0 =	sor.u32 s3, s0;
	s1 =	sshll.u32 s1, $0x11  }
0xbb: {  	s0 =	sor.u32 s1, s0  }
0xbc: {  	s0 =	sadd.s32 $0x8F2B, s0  }
0xbd: {  	[sflag:s0] =	ssyncadd.remote.s32 $0x1  }
0xbe: {  	_ =	sfence.sel $0xFFFF  }
0xbf: {  	[dreg:$0x0] =	wrdreg $0xFFFFFFFF;
	(pc) =	sbr.abs _section_cstart, $3  }
0xc0: {  	[dreg:$0x1] =	wrdreg $0xFFFFFFFF  }
0xc1: {  	_ =	task.clear_ibuf [dreg:s7], $0x2FFFF;
	_ =	strace $0x9FFFFFFF  }
0xc2: {  	(tm) =	ssettm $0x7FFFFFFF  }
0xc3: {  	_ =	shalt  }
tec
execute0_lowered:
.L_overlay_start_1:
0x0: {  	(tag) =	ssettag $0x1  }
0x1: {  	v0 =	vimm.s32 $0xFEDCBA9;
	v1 =	vimm.s32 $0x87654321  }
0x2: {  	v2 =	vimm.s32 $0x10FEDCBA;
	v3 =	vimm.s32 $0x98765432;
	v4 =	vimm.s32 $0x210FEDCB  }
0x3: {  	v5 =	vimm.s32 $0xA9876543;
	v6 =	vimm.s32 $0x3210FEDC;
	v7 =	vimm.s32 $0xBA987654  }
0x4: {  	v11 =	vimm.s32 $0x543210FE;
	v12 =	vimm.s32 $0xDCBA9876;
	v13 =	vimm.s32 $0x6543210F  }
0x5: {  	v14 =	vimm.s32 $0xEDCBA987;
	v15 =	vimm.s32 $0xFEDCBA98;
	v17 =	vimm.s32 $0x76543210  }
0x6: {  	vm12 =	vcmask $0x300;
	v63 =	vimm.s32 $0x787;
	vm13 =	vcmask $0x704  }
0x7: {  	vm14 =	vcmask $0xB08;
	vm9 =	vcmask $0xF0C;
	vm10 =	vcmask $0x1310  }
0x8: {  	vm11 =	vcmask $0x1714;
	vm6 =	vcmask $0x1B18;
	vm7 =	vcmask $0x1F1C  }
0x9: {  	vm8 =	vcmask $0x2320;
	vm3 =	vcmask $0x2724;
	vm4 =	vcmask $0x2B28  }
0xa: {  	vm5 =	vcmask $0x2F2C;
	vm0 =	vcmask $0x3330;
	vm1 =	vcmask $0x3734  }
0xb: {  	vm2 =	vcmask $0x3B38;
	v39 =	vimm.s32 $0x7;
	v40 =	vimm.s32 $0x87  }
0xc: {  	v43 =	vimm.s32 $0x107;
	v45 =	vimm.s32 $0x187;
	v46 =	vimm.s32 $0x207  }
0xd: {  	v49 =	vimm.s32 $0x287;
	v58 =	vimm.s32 $0x307;
	v59 =	vimm.s32 $0x387  }
0xe: {  	v20 =	vimm.s32 $0x1187;
	v21 =	vimm.s32 $0x1207;
	v22 =	vimm.s32 $0x1287  }
0xf: {  	v23 =	vimm.s32 $0x1307;
	v24 =	vimm.s32 $0x1387;
	v25 =	vimm.s32 $0x1407  }
0x10: {  	v26 =	vimm.s32 $0x1487;
	v27 =	vimm.s32 $0x1507;
	v28 =	vimm.s32 $0x1587  }
0x11: {  	v29 =	vimm.s32 $0x1607;
	v30 =	vimm.s32 $0x1687;
	v31 =	vimm.s32 $0x1707  }
0x12: {  	v0 =	vunpack.c.l.s4.s8 v0;
	v1 =	vunpack.c.l.s4.s8 v1;
	v2 =	vunpack.c.l.s4.s8 v2  }
0x13: {  	v3 =	vunpack.c.l.s4.s8 v3;
	v4 =	vunpack.c.l.s4.s8 v4;
	v5 =	vunpack.c.l.s4.s8 v5  }
0x14: {  	v6 =	vunpack.c.l.s4.s8 v6;
	v7 =	vunpack.c.l.s4.s8 v7;
	v11 =	vunpack.c.l.s4.s8 v11  }
0x15: {  	v12 =	vunpack.c.l.s4.s8 v12;
	v13 =	vunpack.c.l.s4.s8 v13;
	v14 =	vunpack.c.l.s4.s8 v14  }
0x16: {  	v15 =	vunpack.c.l.s4.s8 v15;
	v17 =	vunpack.c.l.s4.s8 v17;
	v41 =	vsel vm12, $0x80, v39  }
0x17: {  	v42 =	vsel vm12, $0x100, v40;
	v47 =	vsel vm12, $0x200, v45;
	v48 =	vsel vm12, $0x280, v46  }
0x18: {  	v39 =	vimm.s32 $0x101F1E1D;
	v45 =	vimm.s32 $0xD87;
	v46 =	vimm.s32 $0xE07  }
0x19: {  	v20 =	vsel vm12, $0x1200, v20;
	v21 =	vsel vm12, $0x1280, v21;
	v22 =	vsel vm12, $0x1300, v22  }
0x1a: {  	v23 =	vsel vm12, $0x1380, v23;
	v24 =	vsel vm12, $0x1400, v24;
	v25 =	vsel vm12, $0x1480, v25  }
0x1b: {  	v26 =	vsel vm12, $0x1500, v26;
	v27 =	vsel vm12, $0x1580, v27;
	v28 =	vsel vm12, $0x1600, v28  }
0x1c: {  	v29 =	vsel vm12, $0x1680, v29;
	v30 =	vsel vm12, $0x1700, v30;
	v31 =	vsel vm12, $0x1780, v31  }
0x1d: {  	v20 =	vsel vm13, $0x1281, v20;
	v21 =	vsel vm13, $0x1301, v21;
	v22 =	vsel vm13, $0x1381, v22  }
0x1e: {  	v23 =	vsel vm13, $0x1401, v23;
	v24 =	vsel vm13, $0x1481, v24;
	v25 =	vsel vm13, $0x1501, v25  }
0x1f: {  	v26 =	vsel vm13, $0x1581, v26;
	v27 =	vsel vm13, $0x1601, v27;
	v28 =	vsel vm13, $0x1681, v28  }
0x20: {  	v29 =	vsel vm13, $0x1701, v29;
	v30 =	vsel vm13, $0x1781, v30;
	v31 =	vsel vm13, $0x1001, v31  }
0x21: {  	v0 =	vunpack.c.0.s8.s32 v0;
	v1 =	vunpack.c.0.s8.s32 v1;
	v2 =	vunpack.c.0.s8.s32 v2  }
0x22: {  	v3 =	vunpack.c.0.s8.s32 v3;
	v4 =	vunpack.c.0.s8.s32 v4;
	v5 =	vunpack.c.0.s8.s32 v5  }
0x23: {  	v6 =	vunpack.c.0.s8.s32 v6;
	v7 =	vunpack.c.0.s8.s32 v7;
	v11 =	vunpack.c.0.s8.s32 v11  }
0x24: {  	v12 =	vunpack.c.0.s8.s32 v12;
	v13 =	vunpack.c.0.s8.s32 v13;
	v14 =	vunpack.c.0.s8.s32 v14  }
0x25: {  	v62 =	vunpack.c.0.s8.s32 v17;
	v17 =	vimm.s32 $0x587;
	v20 =	vsel vm14, $0x1302, v20  }
0x26: {  	v21 =	vsel vm14, $0x1382, v21;
	v22 =	vsel vm14, $0x1402, v22;
	v23 =	vsel vm14, $0x1482, v23  }
0x27: {  	v24 =	vsel vm14, $0x1502, v24;
	v25 =	vsel vm14, $0x1582, v25;
	v26 =	vsel vm14, $0x1602, v26  }
0x28: {  	v27 =	vsel vm14, $0x1682, v27;
	v28 =	vsel vm14, $0x1702, v28;
	v29 =	vsel vm14, $0x1782, v29  }
0x29: {  	v30 =	vsel vm14, $0x1002, v30;
	v31 =	vsel vm14, $0x1082, v31;
	v20 =	vsel vm9, $0x1383, v20  }
0x2a: {  	v21 =	vsel vm9, $0x1403, v21;
	v22 =	vsel vm9, $0x1483, v22;
	v23 =	vsel vm9, $0x1503, v23  }
0x2b: {  	v24 =	vsel vm9, $0x1583, v24;
	v25 =	vsel vm9, $0x1603, v25;
	v26 =	vsel vm9, $0x1683, v26  }
0x2c: {  	v27 =	vsel vm9, $0x1703, v27;
	v8 =	vcombine.low v1, v0;
	v9 =	vcombine.low v3, v2  }
0x2d: {  	v28 =	vsel vm9, $0x1783, v28;
	v10 =	vcombine.low v5, v4;
	v18 =	vcombine.low v12, v11  }
0x2e: {  	v29 =	vsel vm9, $0x1003, v29;
	v19 =	vcombine.low v14, v13;
	v0 =	vcombine.low v0, v1  }
0x2f: {  	v30 =	vsel vm9, $0x1083, v30;
	v2 =	vcombine.low v2, v3;
	v33 =	vcombine.low v4, v5  }
0x30: {  	v31 =	vsel vm9, $0x1103, v31;
	v34 =	vcombine.low v6, v7;
	v36 =	vcombine.low v11, v12  }
0x31: {  	v3 =	vcombine.low v13, v14;
	v13 =	vimm.s32 $0x487;
	v14 =	vimm.s32 $0x507  }
0x32: {  	v4 =	vimm.s32 $0x987;
	v5 =	vimm.s32 $0xA07;
	v11 =	vimm.s32 $0xD07  }
0x33: {  	v20 =	vsel vm10, $0x1404, v20;
	v21 =	vsel vm10, $0x1484, v21;
	v22 =	vsel vm10, $0x1504, v22  }
0x34: {  	v23 =	vsel vm10, $0x1584, v23;
	v24 =	vsel vm10, $0x1604, v24;
	v25 =	vsel vm10, $0x1684, v25  }
0x35: {  	v26 =	vsel vm10, $0x1704, v26;
	v27 =	vsel vm10, $0x1784, v27;
	v28 =	vsel vm10, $0x1004, v28  }
0x36: {  	v29 =	vsel vm10, $0x1084, v29;
	v30 =	vsel vm10, $0x1104, v30;
	v31 =	vsel vm10, $0x1184, v31  }
0x37: {  	v4 =	vsel vm12, $0xA00, v4;
	v5 =	vsel vm12, $0xA80, v5;
	v11 =	vsel vm12, $0xD80, v11  }
0x38: {  	v20 =	vsel vm11, $0x1485, v20;
	v21 =	vsel vm11, $0x1505, v21;
	v22 =	vsel vm11, $0x1585, v22  }
0x39: {  	v23 =	vsel vm11, $0x1605, v23;
	v24 =	vsel vm11, $0x1685, v24;
	v25 =	vsel vm11, $0x1705, v25  }
0x3a: {  	v26 =	vsel vm11, $0x1785, v26;
	v27 =	vsel vm11, $0x1005, v27;
	v28 =	vsel vm11, $0x1085, v28  }
0x3b: {  	v29 =	vsel vm11, $0x1105, v29;
	v30 =	vsel vm11, $0x1185, v30;
	v31 =	vsel vm11, $0x1205, v31  }
0x3c: {  	v8 =	vand.u32 $0xF, v8;
	v60 =	vand.u32 $0xF, v18;
	v61 =	vand.u32 $0xF, v19  }
0x3d: {  	v0 =	vand.u32 $0xF, v0;
	v32 =	vand.u32 $0xF, v2;
	v54 =	vand.u32 $0xF, v33  }
0x3e: {  	v53 =	vand.u32 $0xF, v34;
	v37 =	vand.u32 $0xF, v36;
	v38 =	vand.u32 $0xF, v3  }
0x3f: {  	v2 =	vsel vm12, $0x180, v43;
	v43 =	vimm.s32 $0x807;
	v3 =	vimm.s32 $0x907  }
0x40: {  	v4 =	vsel vm13, $0xA81, v4;
	v5 =	vsel vm13, $0xB01, v5;
	v11 =	vsel vm13, $0xE01, v11  }
0x41: {  	v20 =	vsel vm6, $0x1506, v20;
	v21 =	vsel vm6, $0x1586, v21;
	v22 =	vsel vm6, $0x1606, v22  }
0x42: {  	v23 =	vsel vm6, $0x1686, v23;
	v24 =	vsel vm6, $0x1706, v24;
	v25 =	vsel vm6, $0x1786, v25  }
0x43: {  	v26 =	vsel vm6, $0x1006, v26;
	v27 =	vsel vm6, $0x1086, v27;
	v28 =	vsel vm6, $0x1106, v28;
	[tilespmem:$0x1F970] =	vst v8  }
0x44: {  	v29 =	vsel vm6, $0x1186, v29;
	v30 =	vsel vm6, $0x1206, v30;
	v31 =	vsel vm6, $0x1286, v31;
	[tilespmem:$0x1FA30] =	vst v60  }
0x45: {  	v8 =	vand.u32 $0xF, v9;
	v9 =	vimm.s32 $0x43210FED;
	[tilespmem:$0x1FA70] =	vst v61;
	v2 =	vsel vm13, $0x201, v2  }
0x46: {  	[tilespmem:$0x1FC10] =	vst v32;
	v60 =	vsel vm12, $0x380, v58;
	v61 =	vsel vm12, $0x400, v59;
	v32 =	vimm.s32 $0x687  }
0x47: {  	[tilespmem:$0x1F9A0] =	vst v38;
	v38 =	vimm.s32 $0x1C1B1A19;
	v3 =	vsel vm12, $0x980, v3;
	v4 =	vsel vm14, $0xB02, v4  }
0x48: {  	v5 =	vsel vm14, $0xB82, v5;
	v11 =	vsel vm14, $0xE82, v11;
	v58 =	vimm.s32 $0x1107  }
0x49: {  	v20 =	vsel vm7, $0x1587, v20;
	v21 =	vsel vm7, $0x1607, v21;
	v22 =	vsel vm7, $0x1687, v22  }
0x4a: {  	v23 =	vsel vm7, $0x1707, v23;
	v24 =	vsel vm7, $0x1787, v24;
	v25 =	vsel vm7, $0x1007, v25  }
0x4b: {  	v26 =	vsel vm7, $0x1087, v26;
	v27 =	vsel vm7, $0x1107, v27;
	v28 =	vsel vm7, $0x1187, v28  }
0x4c: {  	v29 =	vsel vm7, $0x1207, v29;
	v30 =	vsel vm7, $0x1287, v30;
	v31 =	vsel vm7, $0x1307, v31  }
0x4d: {  	[tilespmem:$0x1F990] =	vst v8;
	v8 =	vand.u32 $0xF, v10;
	v9 =	vunpack.c.l.s4.s8 v9;
	v10 =	vimm.s32 $0xCBA98765  }
0x4e: {  	v2 =	vsel vm14, $0x282, v2;
	v34 =	vsel vm12, $0x700, v32;
	v40 =	vunpack.c.0.s8.s32 v38  }
0x4f: {  	v3 =	vsel vm13, $0xA01, v3;
	v32 =	vimm.s32 $0x1F87;
	v38 =	vimm.s32 $0x1A87  }
0x50: {  	v4 =	vsel vm9, $0xB83, v4;
	v5 =	vsel vm9, $0xC03, v5;
	v11 =	vsel vm9, $0xF03, v11  }
0x51: {  	v20 =	vsel vm8, $0x1600, v20;
	v21 =	vsel vm8, $0x1680, v21;
	v22 =	vsel vm8, $0x1700, v22  }
0x52: {  	v23 =	vsel vm8, $0x1780, v23;
	v24 =	vsel vm8, $0x1000, v24;
	v25 =	vsel vm8, $0x1080, v25  }
0x53: {  	v26 =	vsel vm8, $0x1100, v26;
	v27 =	vsel vm8, $0x1180, v27;
	v28 =	vsel vm8, $0x1200, v28  }
0x54: {  	v29 =	vsel vm8, $0x1280, v29;
	v30 =	vsel vm8, $0x1300, v30;
	v31 =	vsel vm8, $0x1380, v31  }
0x55: {  	[tilespmem:$0x1F9B0] =	vst v8;
	v8 =	vcombine.low v7, v6;
	v10 =	vunpack.c.l.s4.s8 v10;
	v2 =	vsel vm9, $0x303, v2  }
0x56: {  	v3 =	vsel vm14, $0xA82, v3;
	v6 =	vimm.s32 $0xA87;
	v7 =	vimm.s32 $0xB07  }
0x57: {  	v32 =	vsel vm12, $0x1800, v32;
	v38 =	vsel vm12, $0x1B00, v38;
	v4 =	vsel vm10, $0xC04, v4  }
0x58: {  	v5 =	vsel vm10, $0xC84, v5;
	v11 =	vsel vm10, $0xF84, v11;
	v20 =	vsel vm3, $0x1681, v20  }
0x59: {  	v21 =	vsel vm3, $0x1701, v21;
	v22 =	vsel vm3, $0x1781, v22;
	v23 =	vsel vm3, $0x1001, v23  }
0x5a: {  	v24 =	vsel vm3, $0x1081, v24;
	v25 =	vsel vm3, $0x1101, v25;
	v26 =	vsel vm3, $0x1181, v26  }
0x5b: {  	v27 =	vsel vm3, $0x1201, v27;
	v28 =	vsel vm3, $0x1281, v28;
	v29 =	vsel vm3, $0x1301, v29  }
0x5c: {  	v30 =	vsel vm3, $0x1381, v30;
	v31 =	vsel vm3, $0x1401, v31;
	v9 =	vunpack.c.0.s8.s32 v9  }
0x5d: {  	v2 =	vsel vm10, $0x384, v2;
	v6 =	vsel vm12, $0xB00, v6;
	v7 =	vsel vm12, $0xB80, v7  }
0x5e: {  	[tilespmem:$0x1FAF0] =	vst v40;
	v32 =	vsel vm13, $0x1881, v32;
	v38 =	vsel vm13, $0x1B81, v38;
	v40 =	vimm.s32 $0x1B87  }
0x5f: {  	v3 =	vsel vm9, $0xB03, v3;
	v4 =	vsel vm11, $0xC85, v4;
	v5 =	vsel vm11, $0xD05, v5  }
0x60: {  	v11 =	vsel vm11, $0x805, v11;
	v20 =	vsel vm4, $0x1702, v20;
	v21 =	vsel vm4, $0x1782, v21  }
0x61: {  	v22 =	vsel vm4, $0x1002, v22;
	v23 =	vsel vm4, $0x1082, v23;
	v24 =	vsel vm4, $0x1102, v24  }
0x62: {  	v25 =	vsel vm4, $0x1182, v25;
	v26 =	vsel vm4, $0x1202, v26;
	v27 =	vsel vm4, $0x1282, v27  }
0x63: {  	v28 =	vsel vm4, $0x1302, v28;
	v29 =	vsel vm4, $0x1382, v29;
	v30 =	vsel vm4, $0x1402, v30  }
0x64: {  	v31 =	vsel vm4, $0x1482, v31;
	v10 =	vunpack.c.0.s8.s32 v10;
	v8 =	vand.u32 $0xF, v8  }
0x65: {  	v2 =	vsel vm11, $0x405, v2;
	v6 =	vsel vm13, $0xB81, v6;
	v7 =	vsel vm13, $0xC01, v7  }
0x66: {  	v32 =	vsel vm14, $0x1902, v32;
	v38 =	vsel vm14, $0x1C02, v38;
	v40 =	vsel vm12, $0x1C00, v40  }
0x67: {  	v3 =	vsel vm10, $0xB84, v3;
	v4 =	vsel vm6, $0xD06, v4;
	v5 =	vsel vm6, $0xD86, v5  }
0x68: {  	v11 =	vsel vm6, $0x886, v11;
	v20 =	vsel vm5, $0x1783, v20;
	v21 =	vsel vm5, $0x1003, v21  }
0x69: {  	v22 =	vsel vm5, $0x1083, v22;
	v23 =	vsel vm5, $0x1103, v23;
	v24 =	vsel vm5, $0x1183, v24  }
0x6a: {  	v25 =	vsel vm5, $0x1203, v25;
	v26 =	vsel vm5, $0x1283, v26;
	v27 =	vsel vm5, $0x1303, v27  }
0x6b: {  	v28 =	vsel vm5, $0x1383, v28;
	v29 =	vsel vm5, $0x1403, v29;
	v30 =	vsel vm5, $0x1483, v30  }
0x6c: {  	v2 =	vsel vm6, $0x486, v2;
	v6 =	vsel vm14, $0xC02, v6;
	v7 =	vsel vm14, $0xC82, v7  }
0x6d: {  	v40 =	vsel vm13, $0x1C81, v40;
	v3 =	vsel vm11, $0xC05, v3;
	v32 =	vsel vm9, $0x1983, v32  }
0x6e: {  	v38 =	vsel vm9, $0x1C83, v38;
	v4 =	vsel vm7, $0xD87, v4;
	v5 =	vsel vm7, $0xE07, v5  }
0x6f: {  	v11 =	vsel vm7, $0x907, v11;
	v16 =	vcombine.low v10, v9;
	v35 =	vcombine.low v9, v10  }
0x70: {  	v2 =	vsel vm7, $0x507, v2;
	v9 =	vimm.s32 $0xC07;
	v10 =	vimm.s32 $0xC87  }
0x71: {  	v40 =	vsel vm14, $0x1D02, v40;
	v6 =	vsel vm9, $0xC83, v6;
	v7 =	vsel vm9, $0xD03, v7  }
0x72: {  	v32 =	vsel vm10, $0x1A04, v32;
	v38 =	vsel vm10, $0x1D04, v38;
	v3 =	vsel vm6, $0xC86, v3  }
0x73: {  	v4 =	vsel vm8, $0xE00, v4;
	v5 =	vsel vm8, $0xE80, v5;
	v11 =	vsel vm8, $0x980, v11  }
0x74: {  	v2 =	vsel vm8, $0x580, v2;
	v9 =	vsel vm12, $0xC80, v9;
	v10 =	vsel vm12, $0xD00, v10  }
0x75: {  	v6 =	vsel vm10, $0xD04, v6;
	v7 =	vsel vm10, $0xD84, v7;
	v32 =	vsel vm11, $0x1A85, v32  }
0x76: {  	v38 =	vsel vm11, $0x1D85, v38;
	v40 =	vsel vm9, $0x1D83, v40;
	v3 =	vsel vm7, $0xD07, v3  }
0x77: {  	v4 =	vsel vm3, $0xE81, v4;
	v5 =	vsel vm3, $0xF01, v5;
	v11 =	vsel vm3, $0xA01, v11  }
0x78: {  	[tilespmem:$0x1FA00] =	vst v8;
	v8 =	vand.u32 $0xF, v16;
	v52 =	vand.u32 $0xF, v35;
	v2 =	vsel vm3, $0x601, v2  }
0x79: {  	v16 =	vsel vm12, $0x580, v14;
	v35 =	vimm.s32 $0x707;
	v9 =	vsel vm13, $0xD01, v9  }
0x7a: {  	v10 =	vsel vm13, $0xD81, v10;
	v6 =	vsel vm11, $0xD85, v6;
	v7 =	vsel vm11, $0xE05, v7  }
0x7b: {  	v40 =	vsel vm10, $0x1E04, v40;
	v3 =	vsel vm8, $0xD80, v3;
	v32 =	vsel vm6, $0x1B06, v32  }
0x7c: {  	v38 =	vsel vm6, $0x1E06, v38;
	v4 =	vsel vm4, $0xF02, v4;
	v5 =	vsel vm4, $0xF82, v5  }
0x7d: {  	v11 =	vsel vm4, $0xA82, v11;
	[tilespmem:$0x1FA20] =	vst v8;
	v8 =	vunpack.c.0.s8.s32 v15;
	v2 =	vsel vm4, $0x682, v2  }
0x7e: {  	v15 =	vsel vm12, $0x500, v13;
	v9 =	vsel vm14, $0xD82, v9;
	v10 =	vsel vm14, $0xE02, v10  }
0x7f: {  	v13 =	vsel vm12, $0xE80, v46;
	v46 =	vimm.s32 $0x1E87;
	v40 =	vsel vm11, $0x1E85, v40  }
0x80: {  	v6 =	vsel vm6, $0xE06, v6;
	v7 =	vsel vm6, $0xE86, v7;
	v32 =	vsel vm7, $0x1B87, v32  }
0x81: {  	v38 =	vsel vm7, $0x1E87, v38;
	v3 =	vsel vm3, $0xE01, v3;
	v4 =	vsel vm5, $0xF83, v4  }
0x82: {  	v5 =	vsel vm5, $0x803, v5;
	v11 =	vsel vm5, $0xB03, v11;
	v2 =	vsel vm5, $0x703, v2  }
0x83: {  	v13 =	vsel vm13, $0xF01, v13;
	v46 =	vsel vm12, $0x1F00, v46;
	v9 =	vsel vm9, $0xE03, v9  }
0x84: {  	v10 =	vsel vm9, $0xE83, v10;
	v6 =	vsel vm7, $0xE87, v6;
	v7 =	vsel vm7, $0xF07, v7  }
0x85: {  	v32 =	vsel vm8, $0x1C00, v32;
	v38 =	vsel vm8, $0x1F00, v38;
	v40 =	vsel vm6, $0x1F06, v40  }
0x86: {  	v3 =	vsel vm4, $0xE82, v3;
	v8 =	vand.u32 $0xF, v8;
	v44 =	vsel vm0, $0x784, v2  }
0x87: {  	v2 =	vsel vm12, $0x300, v49;
	v13 =	vsel vm14, $0xF82, v13;
	v49 =	vimm.s32 $0x1787  }
0x88: {  	v46 =	vsel vm13, $0x1F81, v46;
	v9 =	vsel vm10, $0xE84, v9;
	v10 =	vsel vm10, $0xF04, v10  }
0x89: {  	v6 =	vsel vm8, $0xF00, v6;
	v7 =	vsel vm8, $0xF80, v7;
	v40 =	vsel vm7, $0x1F87, v40  }
0x8a: {  	v3 =	vsel vm5, $0xF03, v3;
	v32 =	vsel vm3, $0x1C81, v32;
	v38 =	vsel vm3, $0x1F81, v38  }
0x8b: {  	v8 =	vcombine.low v8, v62;
	v2 =	vsel vm13, $0x381, v2;
	v62 =	vimm.s32 $0x407  }
0x8c: {  	v46 =	vsel vm14, $0x1802, v46;
	v9 =	vsel vm11, $0xF05, v9;
	v10 =	vsel vm11, $0xF85, v10  }
0x8d: {  	v13 =	vsel vm9, $0x803, v13;
	v40 =	vsel vm8, $0x1800, v40;
	v6 =	vsel vm3, $0xF81, v6  }
0x8e: {  	v7 =	vsel vm3, $0x801, v7;
	v32 =	vsel vm4, $0x1D02, v32;
	v38 =	vsel vm4, $0x1802, v38  }
0x8f: {  	v2 =	vsel vm14, $0x402, v2;
	v13 =	vsel vm10, $0x884, v13;
	v46 =	vsel vm9, $0x1883, v46  }
0x90: {  	v9 =	vsel vm6, $0xF86, v9;
	v10 =	vsel vm6, $0x806, v10;
	v6 =	vsel vm4, $0x802, v6  }
0x91: {  	v7 =	vsel vm4, $0x882, v7;
	v32 =	vsel vm5, $0x1D83, v32;
	v40 =	vsel vm3, $0x1881, v40  }
0x92: {  	[tilespmem:$0x1FBF0] =	vst v8;
	v8 =	vsel vm12, $0x0, v63;
	v2 =	vsel vm9, $0x483, v2;
	v13 =	vsel vm11, $0x905, v13  }
0x93: {  	v46 =	vsel vm10, $0x1904, v46;
	v9 =	vsel vm7, $0x807, v9;
	v10 =	vsel vm7, $0x887, v10  }
0x94: {  	v6 =	vsel vm5, $0x883, v6;
	v7 =	vsel vm5, $0x903, v7;
	v40 =	vsel vm4, $0x1902, v40  }
0x95: {  	v18 =	vsel vm13, $0x81, v8;
	v2 =	vsel vm10, $0x504, v2;
	v8 =	vimm.s32 $0xB87  }
0x96: {  	v46 =	vsel vm11, $0x1985, v46;
	v9 =	vsel vm8, $0x880, v9;
	v10 =	vsel vm8, $0x900, v10  }
0x97: {  	v13 =	vsel vm6, $0x986, v13;
	v40 =	vsel vm5, $0x1983, v40;
	v1 =	vsel vm14, $0x102, v18  }
0x98: {  	v2 =	vsel vm11, $0x585, v2;
	v8 =	vsel vm12, $0xC00, v8;
	v13 =	vsel vm7, $0xA07, v13  }
0x99: {  	v46 =	vsel vm6, $0x1A06, v46;
	v9 =	vsel vm3, $0x901, v9;
	v10 =	vsel vm3, $0x981, v10  }
0x9a: {  	v19 =	vsel vm9, $0x183, v1;
	v1 =	vsel vm13, $0x181, v42;
	v2 =	vsel vm6, $0x606, v2  }
0x9b: {  	v42 =	vimm.s32 $0xF87;
	v8 =	vsel vm13, $0xC81, v8;
	v13 =	vsel vm8, $0xA80, v13  }
0x9c: {  	v46 =	vsel vm7, $0x1A87, v46;
	v9 =	vsel vm4, $0x982, v9;
	v10 =	vsel vm4, $0xA02, v10  }
0x9d: {  	[tilespmem:$0x1FC00] =	vst v0;
	v0 =	vsel vm10, $0x204, v19;
	v1 =	vsel vm14, $0x202, v1;
	v2 =	vsel vm7, $0x687, v2  }
0x9e: {  	v19 =	vimm.s32 $0x607;
	v8 =	vsel vm14, $0xD02, v8;
	v46 =	vsel vm8, $0x1B00, v46  }
0x9f: {  	v9 =	vsel vm5, $0xA03, v9;
	v10 =	vsel vm5, $0xA83, v10;
	v13 =	vsel vm3, $0xB01, v13  }
0xa0: {  	v0 =	vsel vm11, $0x285, v0;
	v1 =	vsel vm9, $0x283, v1;
	v2 =	vsel vm8, $0x700, v2  }
0xa1: {  	v33 =	vsel vm12, $0x680, v19;
	v19 =	vsel vm12, $0x1180, v58;
	v8 =	vsel vm9, $0xD83, v8  }
0xa2: {  	v58 =	vimm.s32 $0x15141312;
	v13 =	vsel vm4, $0xB82, v13;
	v46 =	vsel vm3, $0x1B81, v46  }
0xa3: {  	v0 =	vsel vm6, $0x306, v0;
	v1 =	vsel vm10, $0x304, v1;
	v2 =	vsel vm3, $0x781, v2  }
0xa4: {  	v19 =	vsel vm13, $0x1201, v19;
	v8 =	vsel vm10, $0xE04, v8;
	v13 =	vsel vm5, $0xC03, v13  }
0xa5: {  	v46 =	vsel vm4, $0x1C02, v46;
	v0 =	vsel vm7, $0x387, v0;
	v1 =	vsel vm11, $0x385, v1  }
0xa6: {  	v2 =	vsel vm4, $0x2, v2;
	v19 =	vsel vm14, $0x1282, v19;
	v8 =	vsel vm11, $0xE85, v8  }
0xa7: {  	v46 =	vsel vm5, $0x1C83, v46;
	v0 =	vsel vm8, $0x400, v0;
	v1 =	vsel vm6, $0x406, v1  }
0xa8: {  	v2 =	vsel vm5, $0x83, v2;
	v19 =	vsel vm9, $0x1303, v19;
	v8 =	vsel vm6, $0xF06, v8  }
0xa9: {  	v0 =	vsel vm3, $0x481, v0;
	v1 =	vsel vm7, $0x487, v1;
	v51 =	vsel vm0, $0x104, v2  }
0xaa: {  	v2 =	vsel vm12, $0x480, v62;
	v19 =	vsel vm10, $0x1384, v19;
	v8 =	vsel vm7, $0xF87, v8  }
0xab: {  	v0 =	vsel vm4, $0x502, v0;
	v1 =	vsel vm8, $0x500, v1;
	v2 =	vsel vm13, $0x501, v2  }
0xac: {  	v19 =	vsel vm11, $0x1405, v19;
	v8 =	vsel vm8, $0x800, v8;
	v0 =	vsel vm5, $0x583, v0  }
0xad: {  	v1 =	vsel vm3, $0x581, v1;
	v2 =	vsel vm14, $0x582, v2;
	v19 =	vsel vm6, $0x1486, v19  }
0xae: {  	v8 =	vsel vm3, $0x881, v8;
	v0 =	vsel vm0, $0x604, v0;
	v1 =	vsel vm4, $0x602, v1  }
0xaf: {  	v2 =	vsel vm9, $0x603, v2;
	v19 =	vsel vm7, $0x1507, v19;
	v8 =	vsel vm4, $0x902, v8  }
0xb0: {  	v0 =	vsel vm1, $0x685, v0;
	v1 =	vsel vm5, $0x683, v1;
	v2 =	vsel vm10, $0x684, v2  }
0xb1: {  	v19 =	vsel vm8, $0x1580, v19;
	v8 =	vsel vm5, $0x983, v8;
	v0 =	vsel vm2, $0x706, v0  }
0xb2: {  	v1 =	vsel vm0, $0x704, v1;
	v2 =	vsel vm11, $0x705, v2;
	v19 =	vsel vm3, $0x1601, v19  }
0xb3: {  	[tilespmem:$0x1F9C0] =	vst v0;
	v0 =	vsel vm13, $0x101, v41;
	v1 =	vsel vm1, $0x785, v1;
	v2 =	vsel vm6, $0x786, v2  }
0xb4: {  	v41 =	vunpack.c.0.s8.s32 v39;
	v39 =	vimm.s32 $0x1B07;
	v19 =	vsel vm4, $0x1682, v19  }
0xb5: {  	v0 =	vsel vm14, $0x182, v0;
	v55 =	vsel vm2, $0x6, v1;
	v1 =	vsel vm13, $0x301, v48  }
0xb6: {  	v2 =	vsel vm7, $0x7, v2;
	v48 =	vimm.s32 $0xF07;
	v39 =	vsel vm12, $0x1B80, v39  }
0xb7: {  	v19 =	vsel vm5, $0x1703, v19;
	v0 =	vsel vm9, $0x203, v0;
	v1 =	vsel vm14, $0x382, v1  }
0xb8: {  	v2 =	vsel vm8, $0x80, v2;
	[tilespmem:$0x1FAE0] =	vst v41;
	v41 =	vimm.s32 $0x1C07;
	v39 =	vsel vm13, $0x1C01, v39  }
0xb9: {  	v0 =	vsel vm10, $0x284, v0;
	v1 =	vsel vm9, $0x403, v1;
	v2 =	vsel vm3, $0x101, v2  }
0xba: {  	v41 =	vsel vm12, $0x1C80, v41;
	v39 =	vsel vm14, $0x1C82, v39;
	v0 =	vsel vm11, $0x305, v0  }
0xbb: {  	v1 =	vsel vm10, $0x484, v1;
	v2 =	vsel vm4, $0x182, v2;
	v41 =	vsel vm13, $0x1D01, v41  }
0xbc: {  	v39 =	vsel vm9, $0x1D03, v39;
	v0 =	vsel vm6, $0x386, v0;
	v1 =	vsel vm11, $0x505, v1  }
0xbd: {  	v2 =	vsel vm5, $0x203, v2;
	v41 =	vsel vm14, $0x1D82, v41;
	v39 =	vsel vm10, $0x1D84, v39  }
0xbe: {  	v0 =	vsel vm7, $0x407, v0;
	v1 =	vsel vm6, $0x586, v1;
	v12 =	vsel vm0, $0x284, v2  }
0xbf: {  	v2 =	vsel vm12, $0x600, v17;
	v41 =	vsel vm9, $0x1E03, v41;
	v39 =	vsel vm11, $0x1E05, v39  }
0xc0: {  	v0 =	vsel vm8, $0x480, v0;
	v1 =	vsel vm7, $0x607, v1;
	v2 =	vsel vm13, $0x681, v2  }
0xc1: {  	v41 =	vsel vm10, $0x1E84, v41;
	v39 =	vsel vm6, $0x1E86, v39;
	v0 =	vsel vm3, $0x501, v0  }
0xc2: {  	v1 =	vsel vm8, $0x680, v1;
	v2 =	vsel vm14, $0x702, v2;
	v41 =	vsel vm11, $0x1F05, v41  }
0xc3: {  	v39 =	vsel vm7, $0x1F07, v39;
	v0 =	vsel vm4, $0x582, v0;
	v1 =	vsel vm3, $0x701, v1  }
0xc4: {  	v2 =	vsel vm9, $0x783, v2;
	v41 =	vsel vm6, $0x1F86, v41;
	v39 =	vsel vm8, $0x1F80, v39  }
0xc5: {  	v0 =	vsel vm5, $0x603, v0;
	v1 =	vsel vm4, $0x782, v1;
	v2 =	vsel vm10, $0x4, v2  }
0xc6: {  	v41 =	vsel vm7, $0x1807, v41;
	v39 =	vsel vm3, $0x1801, v39;
	v0 =	vsel vm0, $0x684, v0  }
0xc7: {  	v1 =	vsel vm5, $0x3, v1;
	v2 =	vsel vm11, $0x85, v2;
	v41 =	vsel vm8, $0x1880, v41  }
0xc8: {  	v39 =	vsel vm4, $0x1882, v39;
	v0 =	vsel vm1, $0x705, v0;
	v1 =	vsel vm0, $0x84, v1  }
0xc9: {  	v2 =	vsel vm6, $0x106, v2;
	v41 =	vsel vm3, $0x1901, v41;
	v39 =	vsel vm5, $0x1903, v39  }
0xca: {  	v0 =	vsel vm2, $0x786, v0;
	v1 =	vsel vm1, $0x105, v1;
	v2 =	vsel vm7, $0x187, v2  }
0xcb: {  	v41 =	vsel vm4, $0x1982, v41;
	[tilespmem:$0x1FA10] =	vst v0;
	v0 =	vsel vm1, $0x5, v44;
	v50 =	vsel vm2, $0x186, v1  }
0xcc: {  	v1 =	vsel vm13, $0x481, v61;
	v2 =	vsel vm8, $0x200, v2;
	v44 =	vimm.s32 $0x887  }
0xcd: {  	v41 =	vsel vm5, $0x1A03, v41;
	v56 =	vsel vm2, $0x86, v0;
	v0 =	vsel vm13, $0x281, v47  }
0xce: {  	v1 =	vsel vm14, $0x502, v1;
	v2 =	vsel vm3, $0x281, v2;
	v47 =	vimm.s32 $0xE87  }
0xcf: {  	[tilespmem:$0x1FA80] =	vst v50;
	v50 =	vimm.s32 $0x1007;
	v0 =	vsel vm14, $0x302, v0;
	v1 =	vsel vm9, $0x583, v1  }
0xd0: {  	v2 =	vsel vm4, $0x302, v2;
	v14 =	vsel vm12, $0xF00, v47;
	v17 =	vsel vm12, $0x1080, v50  }
0xd1: {  	v47 =	vimm.s32 $0x1F07;
	v50 =	vimm.s32 $0x1D1C1B1A;
	v0 =	vsel vm9, $0x383, v0  }
0xd2: {  	v1 =	vsel vm10, $0x604, v1;
	v2 =	vsel vm5, $0x383, v2;
	v14 =	vsel vm13, $0xF81, v14  }
0xd3: {  	v17 =	vsel vm13, $0x1101, v17;
	v47 =	vsel vm12, $0x1F80, v47;
	v62 =	vunpack.c.0.s8.s32 v50  }
0xd4: {  	v0 =	vsel vm10, $0x404, v0;
	v1 =	vsel vm11, $0x685, v1;
	v18 =	vsel vm0, $0x404, v2  }
0xd5: {  	v2 =	vsel vm12, $0x780, v35;
	v14 =	vsel vm14, $0x802, v14;
	v17 =	vsel vm14, $0x1182, v17  }
0xd6: {  	v35 =	vimm.s32 $0x1907;
	v47 =	vsel vm13, $0x1801, v47;
	v0 =	vsel vm11, $0x485, v0  }
0xd7: {  	v1 =	vsel vm6, $0x706, v1;
	v2 =	vsel vm13, $0x1, v2;
	v35 =	vsel vm12, $0x1980, v35  }
0xd8: {  	v47 =	vsel vm14, $0x1882, v47;
	v14 =	vsel vm9, $0x883, v14;
	v17 =	vsel vm9, $0x1203, v17  }
0xd9: {  	[tilespmem:$0x1FBC0] =	vst v62;
	v62 =	vimm.s32 $0x16151413;
	v0 =	vsel vm6, $0x506, v0;
	v1 =	vsel vm7, $0x787, v1  }
0xda: {  	v2 =	vsel vm14, $0x82, v2;
	v35 =	vsel vm13, $0x1A01, v35;
	v14 =	vsel vm10, $0x904, v14  }
0xdb: {  	v17 =	vsel vm10, $0x1284, v17;
	v47 =	vsel vm9, $0x1903, v47;
	v62 =	vunpack.c.0.s8.s32 v62  }
0xdc: {  	v0 =	vsel vm7, $0x587, v0;
	v1 =	vsel vm8, $0x0, v1;
	v2 =	vsel vm9, $0x103, v2  }
0xdd: {  	v35 =	vsel vm14, $0x1A82, v35;
	v14 =	vsel vm11, $0x985, v14;
	v17 =	vsel vm11, $0x1305, v17  }
0xde: {  	v47 =	vsel vm10, $0x1984, v47;
	v0 =	vsel vm8, $0x600, v0;
	v1 =	vsel vm3, $0x81, v1  }
0xdf: {  	v2 =	vsel vm10, $0x184, v2;
	v35 =	vsel vm9, $0x1B03, v35;
	v47 =	vsel vm11, $0x1A05, v47  }
0xe0: {  	v14 =	vsel vm6, $0xA06, v14;
	v17 =	vsel vm6, $0x1386, v17;
	v0 =	vsel vm3, $0x681, v0  }
0xe1: {  	v1 =	vsel vm4, $0x102, v1;
	v2 =	vsel vm11, $0x205, v2;
	v35 =	vsel vm10, $0x1B84, v35  }
0xe2: {  	v14 =	vsel vm7, $0xA87, v14;
	v17 =	vsel vm7, $0x1407, v17;
	v47 =	vsel vm6, $0x1A86, v47  }
0xe3: {  	v0 =	vsel vm4, $0x702, v0;
	v1 =	vsel vm5, $0x183, v1;
	v2 =	vsel vm6, $0x286, v2  }
0xe4: {  	v35 =	vsel vm11, $0x1C05, v35;
	v14 =	vsel vm8, $0xB00, v14;
	v17 =	vsel vm8, $0x1480, v17  }
0xe5: {  	v47 =	vsel vm7, $0x1B07, v47;
	v0 =	vsel vm5, $0x783, v0;
	v1 =	vsel vm0, $0x204, v1  }
0xe6: {  	v2 =	vsel vm7, $0x307, v2;
	v35 =	vsel vm6, $0x1C86, v35;
	v47 =	vsel vm8, $0x1B80, v47  }
0xe7: {  	v14 =	vsel vm3, $0xB81, v14;
	v17 =	vsel vm3, $0x1501, v17;
	v0 =	vsel vm0, $0x4, v0  }
0xe8: {  	v1 =	vsel vm1, $0x285, v1;
	v2 =	vsel vm8, $0x380, v2;
	v35 =	vsel vm7, $0x1D07, v35  }
0xe9: {  	v14 =	vsel vm4, $0xC02, v14;
	v17 =	vsel vm4, $0x1582, v17;
	v47 =	vsel vm3, $0x1C01, v47  }
0xea: {  	v0 =	vsel vm1, $0x85, v0;
	v63 =	vsel vm2, $0x306, v1;
	v1 =	vsel vm13, $0x601, v16  }
0xeb: {  	v2 =	vsel vm3, $0x401, v2;
	v16 =	vsel vm12, $0x1000, v49;
	v49 =	vimm.s32 $0x18171615  }
0xec: {  	v35 =	vsel vm8, $0x1D80, v35;
	v14 =	vsel vm5, $0xC83, v14;
	v17 =	vsel vm5, $0x1603, v17  }
0xed: {  	v47 =	vsel vm4, $0x1C82, v47;
	v57 =	vsel vm2, $0x106, v0;
	v0 =	vsel vm1, $0x185, v51  }
0xee: {  	v1 =	vsel vm14, $0x682, v1;
	v2 =	vsel vm4, $0x482, v2;
	v16 =	vsel vm13, $0x1081, v16  }
0xef: {  	v51 =	vimm.s32 $0x1087;
	v59 =	vunpack.c.0.s8.s32 v49;
	v35 =	vsel vm3, $0x1E01, v35  }
0xf0: {  	v47 =	vsel vm5, $0x1D03, v47;
	v0 =	vsel vm2, $0x206, v0;
	v1 =	vsel vm9, $0x703, v1  }
0xf1: {  	[tilespmem:$0x1F980] =	vst v37;
	v2 =	vsel vm5, $0x503, v2;
	v16 =	vsel vm14, $0x1102, v16;
	v35 =	vsel vm4, $0x1E82, v35  }
0xf2: {  	[tilespmem:$0x1FAA0] =	vst v0;
	v0 =	vsel vm13, $0x401, v60;
	v1 =	vsel vm10, $0x784, v1;
	v37 =	vsel vm0, $0x584, v2  }
0xf3: {  	v2 =	vsel vm12, $0x900, v44;
	v44 =	vimm.s32 $0x1D87;
	v16 =	vsel vm9, $0x1183, v16  }
0xf4: {  	[tilespmem:$0x1FB40] =	vst v59;
	v59 =	vimm.s32 $0x19181716;
	v35 =	vsel vm5, $0x1F03, v35;
	v0 =	vsel vm14, $0x482, v0  }
0xf5: {  	v1 =	vsel vm11, $0x5, v1;
	v2 =	vsel vm13, $0x981, v2;
	v44 =	vsel vm12, $0x1E00, v44  }
0xf6: {  	v16 =	vsel vm10, $0x1204, v16;
	v0 =	vsel vm9, $0x503, v0;
	v1 =	vsel vm6, $0x86, v1  }
0xf7: {  	v2 =	vsel vm14, $0xA02, v2;
	v44 =	vsel vm13, $0x1E81, v44;
	v16 =	vsel vm11, $0x1285, v16  }
0xf8: {  	v0 =	vsel vm10, $0x584, v0;
	v1 =	vsel vm7, $0x107, v1;
	v44 =	vsel vm14, $0x1F02, v44  }
0xf9: {  	v2 =	vsel vm9, $0xA83, v2;
	v16 =	vsel vm6, $0x1306, v16;
	v0 =	vsel vm11, $0x605, v0  }
0xfa: {  	v1 =	vsel vm8, $0x180, v1;
	v2 =	vsel vm10, $0xB04, v2;
	v44 =	vsel vm9, $0x1F83, v44  }
0xfb: {  	v16 =	vsel vm7, $0x1387, v16;
	v0 =	vsel vm6, $0x686, v0;
	v1 =	vsel vm3, $0x201, v1  }
0xfc: {  	v2 =	vsel vm11, $0xB85, v2;
	v44 =	vsel vm10, $0x1804, v44;
	v16 =	vsel vm8, $0x1400, v16  }
0xfd: {  	v0 =	vsel vm7, $0x707, v0;
	v1 =	vsel vm4, $0x282, v1;
	v44 =	vsel vm11, $0x1885, v44  }
0xfe: {  	v2 =	vsel vm6, $0xC06, v2;
	v16 =	vsel vm3, $0x1481, v16;
	v0 =	vsel vm8, $0x780, v0  }
0xff: {  	v1 =	vsel vm5, $0x303, v1;
	v2 =	vsel vm7, $0xC87, v2;
	v44 =	vsel vm6, $0x1906, v44  }
0x100: {  	v16 =	vsel vm4, $0x1502, v16;
	v0 =	vsel vm3, $0x1, v0;
	v1 =	vsel vm0, $0x384, v1  }
0x101: {  	v2 =	vsel vm8, $0xD00, v2;
	v44 =	vsel vm7, $0x1987, v44;
	v16 =	vsel vm5, $0x1583, v16  }
0x102: {  	v0 =	vsel vm4, $0x82, v0;
	v1 =	vsel vm1, $0x405, v1;
	v44 =	vsel vm8, $0x1A00, v44  }
0x103: {  	v2 =	vsel vm3, $0xD81, v2;
	v0 =	vsel vm5, $0x103, v0;
	v61 =	vsel vm2, $0x486, v1  }
0x104: {  	v1 =	vsel vm13, $0x781, v34;
	v34 =	vimm.s32 $0x1887;
	v2 =	vsel vm4, $0xE02, v2  }
0x105: {  	v44 =	vsel vm3, $0x1A81, v44;
	v0 =	vsel vm0, $0x184, v0;
	v1 =	vsel vm14, $0x2, v1  }
0x106: {  	v34 =	vsel vm12, $0x1900, v34;
	v2 =	vsel vm5, $0xE83, v2;
	v44 =	vsel vm4, $0x1B02, v44  }
0x107: {  	v0 =	vsel vm1, $0x205, v0;
	v1 =	vsel vm9, $0x83, v1;
	v34 =	vsel vm13, $0x1981, v34  }
0x108: {  	v44 =	vsel vm5, $0x1B83, v44;
	v2 =	vsel vm0, $0xF04, v2;
	v0 =	vsel vm2, $0x286, v0  }
0x109: {  	v1 =	vsel vm10, $0x104, v1;
	v34 =	vsel vm14, $0x1A02, v34;
	v2 =	vsel vm1, $0xF85, v2  }
0x10a: {  	[tilespmem:$0x1FAB0] =	vst v0;
	v0 =	vsel vm1, $0x305, v12;
	v1 =	vsel vm11, $0x185, v1;
	v12 =	vsel vm12, $0xE00, v45  }
0x10b: {  	v45 =	vimm.s32 $0x1E07;
	v34 =	vsel vm9, $0x1A83, v34;
	v0 =	vsel vm2, $0x386, v0  }
0x10c: {  	v1 =	vsel vm6, $0x206, v1;
	v12 =	vsel vm13, $0xE81, v12;
	v45 =	vsel vm12, $0x1E80, v45  }
0x10d: {  	v34 =	vsel vm10, $0x1B04, v34;
	[tilespmem:$0x1FAC0] =	vst v0;
	v0 =	vsel vm13, $0x581, v15;
	v1 =	vsel vm7, $0x287, v1  }
0x10e: {  	v12 =	vsel vm14, $0xF02, v12;
	v15 =	vsel vm12, $0xF80, v48;
	v45 =	vsel vm13, $0x1F01, v45  }
0x10f: {  	v48 =	vimm.s32 $0x14131211;
	v34 =	vsel vm11, $0x1B85, v34;
	v0 =	vsel vm14, $0x602, v0  }
0x110: {  	v1 =	vsel vm8, $0x300, v1;
	v15 =	vsel vm13, $0x801, v15;
	v45 =	vsel vm14, $0x1F82, v45  }
0x111: {  	v48 =	vunpack.c.0.s8.s32 v48;
	v12 =	vsel vm9, $0xF83, v12;
	v34 =	vsel vm6, $0x1C06, v34  }
0x112: {  	v0 =	vsel vm9, $0x683, v0;
	v1 =	vsel vm3, $0x381, v1;
	v15 =	vsel vm14, $0x882, v15  }
0x113: {  	v12 =	vsel vm10, $0x804, v12;
	v45 =	vsel vm9, $0x1803, v45;
	v34 =	vsel vm7, $0x1C87, v34  }
0x114: {  	v0 =	vsel vm10, $0x704, v0;
	v1 =	vsel vm4, $0x402, v1;
	v12 =	vsel vm11, $0x885, v12  }
0x115: {  	v15 =	vsel vm9, $0x903, v15;
	v45 =	vsel vm10, $0x1884, v45;
	v34 =	vsel vm8, $0x1D00, v34  }
0x116: {  	[tilespmem:$0x1FB30] =	vst v48;
	v48 =	vimm.s32 $0x1E1D1C1B;
	v0 =	vsel vm11, $0x785, v0;
	v1 =	vsel vm5, $0x483, v1  }
0x117: {  	v15 =	vsel vm10, $0x984, v15;
	v45 =	vsel vm11, $0x1905, v45;
	v12 =	vsel vm6, $0x906, v12  }
0x118: {  	v48 =	vunpack.c.0.s8.s32 v48;
	v34 =	vsel vm3, $0x1D81, v34;
	v0 =	vsel vm6, $0x6, v0  }
0x119: {  	v1 =	vsel vm0, $0x504, v1;
	v15 =	vsel vm11, $0xA05, v15;
	v12 =	vsel vm7, $0x987, v12  }
0x11a: {  	v45 =	vsel vm6, $0x1986, v45;
	v34 =	vsel vm4, $0x1E02, v34;
	v0 =	vsel vm7, $0x87, v0  }
0x11b: {  	v1 =	vsel vm1, $0x585, v1;
	v12 =	vsel vm8, $0xA00, v12;
	v15 =	vsel vm6, $0xA86, v15  }
0x11c: {  	v45 =	vsel vm7, $0x1A07, v45;
	[tilespmem:$0x1FB50] =	vst v48;
	v34 =	vsel vm5, $0x1E83, v34;
	v48 =	vimm.s32 $0x1A191817  }
0x11d: {  	v0 =	vsel vm8, $0x100, v0;
	v36 =	vsel vm2, $0x606, v1;
	v1 =	vsel vm12, $0x880, v43  }
0x11e: {  	v43 =	vimm.s32 $0x1D07;
	v15 =	vsel vm7, $0xB07, v15;
	v45 =	vsel vm8, $0x1A80, v45  }
0x11f: {  	v12 =	vsel vm3, $0xA81, v12;
	v48 =	vunpack.c.0.s8.s32 v48;
	v0 =	vsel vm3, $0x181, v0  }
0x120: {  	[tilespmem:$0x1FBA0] =	vst v36;
	v1 =	vsel vm13, $0x901, v1;
	v36 =	vimm.s32 $0x1987;
	v43 =	vsel vm12, $0x1D80, v43  }
0x121: {  	v15 =	vsel vm8, $0xB80, v15;
	v12 =	vsel vm4, $0xB02, v12;
	v45 =	vsel vm3, $0x1B01, v45  }
0x122: {  	v0 =	vsel vm4, $0x202, v0;
	v1 =	vsel vm14, $0x982, v1;
	v36 =	vsel vm12, $0x1A00, v36  }
0x123: {  	v43 =	vsel vm13, $0x1E01, v43;
	v12 =	vsel vm5, $0xB83, v12;
	v15 =	vsel vm3, $0xC01, v15  }
0x124: {  	v45 =	vsel vm4, $0x1B82, v45;
	v0 =	vsel vm5, $0x283, v0;
	v36 =	vsel vm13, $0x1A81, v36  }
0x125: {  	v43 =	vsel vm14, $0x1E82, v43;
	v1 =	vsel vm9, $0xA03, v1;
	v15 =	vsel vm4, $0xC82, v15  }
0x126: {  	v45 =	vsel vm5, $0x1C03, v45;
	v0 =	vsel vm0, $0x304, v0;
	v36 =	vsel vm14, $0x1B02, v36  }
0x127: {  	v1 =	vsel vm10, $0xA84, v1;
	v43 =	vsel vm9, $0x1F03, v43;
	v15 =	vsel vm5, $0xD03, v15  }
0x128: {  	[tilespmem:$0x1F820] =	vst v48;
	v48 =	vmovc v54;
	v54 =	vsel vm0, $0x804, v4;
	v0 =	vsel vm1, $0x385, v0;
	v1 =	vsel vm11, $0xB05, v1  }
0x129: {  	v36 =	vsel vm9, $0x1B83, v36;
	v43 =	vsel vm10, $0x1F84, v43;
	v60 =	vsel vm2, $0x406, v0  }
0x12a: {  	v0 =	vsel vm1, $0x485, v18;
	v18 =	vsel vm12, $0x1100, v51;
	v36 =	vsel vm10, $0x1C04, v36  }
0x12b: {  	v43 =	vsel vm11, $0x1805, v43;
	v51 =	vunpack.c.0.s8.s32 v58;
	v1 =	vsel vm6, $0xB86, v1  }
0x12c: {  	v58 =	vimm.s32 $0x1211101F;
	v0 =	vsel vm2, $0x506, v0;
	v18 =	vsel vm13, $0x1181, v18  }
0x12d: {  	v36 =	vsel vm11, $0x1C85, v36;
	v1 =	vsel vm7, $0xC07, v1;
	v43 =	vsel vm6, $0x1886, v43  }
0x12e: {  	v58 =	vunpack.c.0.s8.s32 v58;
	[tilespmem:$0x1FB80] =	vst v0;
	v0 =	vsel vm13, $0x701, v33;
	v18 =	vsel vm14, $0x1202, v18  }
0x12f: {  	v33 =	vimm.s32 $0x1807;
	v1 =	vsel vm8, $0xC80, v1;
	v36 =	vsel vm6, $0x1D06, v36  }
0x130: {  	v43 =	vsel vm7, $0x1907, v43;
	v0 =	vsel vm14, $0x782, v0;
	v33 =	vsel vm12, $0x1880, v33  }
0x131: {  	v18 =	vsel vm9, $0x1283, v18;
	v36 =	vsel vm7, $0x1D87, v36;
	v43 =	vsel vm8, $0x1980, v43  }
0x132: {  	[tilespmem:$0x1FEE0] =	vst v58;
	v1 =	vsel vm3, $0xD01, v1;
	v58 =	vsel vm5, $0x1503, v31;
	v31 =	vsel vm5, $0x1883, v38  }
0x133: {  	v38 =	vimm.s32 $0x1F1E1D1C;
	v0 =	vsel vm9, $0x3, v0;
	v33 =	vsel vm13, $0x1901, v33  }
0x134: {  	v18 =	vsel vm10, $0x1304, v18;
	v36 =	vsel vm8, $0x1E00, v36;
	v1 =	vsel vm4, $0xD82, v1  }
0x135: {  	v43 =	vsel vm3, $0x1A01, v43;
	v49 =	vunpack.c.0.s8.s32 v38;
	v38 =	vsel vm0, $0x884, v5  }
0x136: {  	v0 =	vsel vm10, $0x84, v0;
	v33 =	vsel vm14, $0x1982, v33;
	v18 =	vsel vm11, $0x1385, v18  }
0x137: {  	v1 =	vsel vm5, $0xE03, v1;
	v36 =	vsel vm3, $0x1E81, v36;
	v43 =	vsel vm4, $0x1A82, v43  }
0x138: {  	v0 =	vsel vm11, $0x105, v0;
	v33 =	vsel vm9, $0x1A03, v33;
	v18 =	vsel vm6, $0x1406, v18  }
0x139: {  	[tilespmem:$0x1F810] =	vst v62;
	v36 =	vsel vm4, $0x1F02, v36;
	v62 =	vsel vm5, $0x1B03, v43;
	v43 =	vimm.s32 $0x13121110  }
0x13a: {  	v1 =	vsel vm0, $0xE84, v1;
	v0 =	vsel vm6, $0x186, v0;
	v33 =	vsel vm10, $0x1A84, v33  }
0x13b: {  	v18 =	vsel vm7, $0x1487, v18;
	v36 =	vsel vm5, $0x1F83, v36;
	v0 =	vsel vm7, $0x207, v0  }
0x13c: {  	v50 =	vunpack.c.0.s8.s32 v43;
	v1 =	vsel vm1, $0xF05, v1;
	v0 =	vsel vm8, $0x280, v0  }
0x13d: {  	v43 =	vsel vm2, $0x806, v2;
	v2 =	vsel vm1, $0x905, v38;
	v0 =	vsel vm3, $0x301, v0  }
0x13e: {  	v38 =	vsel vm0, $0x984, v7;
	v33 =	vsel vm11, $0x1B05, v33;
	v0 =	vsel vm4, $0x382, v0  }
0x13f: {  	[tilespmem:$0x1F830] =	vst v49;
	v18 =	vsel vm8, $0x1500, v18;
	v49 =	vmovc v53;
	v53 =	vsel vm0, $0xF84, v3;
	v0 =	vsel vm5, $0x403, v0  }
0x140: {  	v33 =	vsel vm6, $0x1B86, v33;
	v18 =	vsel vm3, $0x1581, v18;
	v0 =	vsel vm0, $0x484, v0  }
0x141: {  	v33 =	vsel vm7, $0x1C07, v33;
	v18 =	vsel vm4, $0x1602, v18;
	v0 =	vsel vm1, $0x505, v0  }
0x142: {  	[tilespmem:$0x1F840] =	vst v50;
	v33 =	vsel vm8, $0x1C80, v33;
	v18 =	vsel vm5, $0x1683, v18;
	v0 =	vsel vm2, $0x586, v0  }
0x143: {  	v50 =	vmovc v52;
	v52 =	vsel vm2, $0xF86, v1;
	v1 =	vsel vm1, $0x885, v54;
	[tilespmem:$0x1FB90] =	vst v0;
	v0 =	vsel vm1, $0x605, v37  }
0x144: {  	v54 =	vsel vm0, $0x904, v6;
	v33 =	vsel vm3, $0x1D01, v33;
	[tilespmem:$0x1F860] =	vst v52;
	v0 =	vsel vm2, $0x686, v0  }
0x145: {  	v52 =	vsel vm2, $0x906, v1;
	v1 =	vsel vm1, $0xA05, v38;
	[tilespmem:$0x1FBB0] =	vst v0;
	v0 =	vsel vm12, $0x800, v42  }
0x146: {  	v38 =	vsel vm0, $0xA84, v9;
	v33 =	vsel vm4, $0x1D82, v33;
	v0 =	vsel vm13, $0x881, v0  }
0x147: {  	[tilespmem:$0x1F880] =	vst v52;
	v52 =	vsel vm0, $0xA04, v8;
	v37 =	vimm.s32 $0x1A07;
	v0 =	vsel vm14, $0x902, v0  }
0x148: {  	v33 =	vsel vm5, $0x1E03, v33;
	v37 =	vsel vm12, $0x1A80, v37;
	v0 =	vsel vm9, $0x983, v0  }
0x149: {  	v37 =	vsel vm13, $0x1B01, v37;
	v42 =	vimm.s32 $0x1C87;
	v0 =	vsel vm10, $0xA04, v0  }
0x14a: {  	v37 =	vsel vm14, $0x1B82, v37;
	v42 =	vsel vm12, $0x1D00, v42;
	v0 =	vsel vm11, $0xA85, v0  }
0x14b: {  	v42 =	vsel vm13, $0x1D81, v42;
	v37 =	vsel vm9, $0x1C03, v37;
	v0 =	vsel vm6, $0xB06, v0  }
0x14c: {  	v42 =	vsel vm14, $0x1E02, v42;
	v37 =	vsel vm10, $0x1C84, v37;
	v0 =	vsel vm7, $0xB87, v0  }
0x14d: {  	v37 =	vsel vm11, $0x1D05, v37;
	v42 =	vsel vm9, $0x1E83, v42;
	v0 =	vsel vm8, $0xC00, v0  }
0x14e: {  	v42 =	vsel vm10, $0x1F04, v42;
	v37 =	vsel vm6, $0x1D86, v37;
	v0 =	vsel vm3, $0xC81, v0  }
0x14f: {  	v42 =	vsel vm11, $0x1F85, v42;
	v37 =	vsel vm7, $0x1E07, v37;
	v0 =	vsel vm4, $0xD02, v0  }
0x150: {  	v37 =	vsel vm8, $0x1E80, v37;
	v42 =	vsel vm6, $0x1806, v42;
	v0 =	vsel vm5, $0xD83, v0  }
0x151: {  	v42 =	vsel vm7, $0x1887, v42;
	v37 =	vsel vm3, $0x1F01, v37;
	v0 =	vsel vm0, $0xE04, v0  }
0x152: {  	v42 =	vsel vm8, $0x1900, v42;
	v37 =	vsel vm4, $0x1F82, v37;
	v0 =	vsel vm1, $0xE85, v0  }
0x153: {  	v37 =	vsel vm5, $0x1803, v37;
	v42 =	vsel vm3, $0x1981, v42;
	v0 =	vsel vm2, $0xF06, v0  }
0x154: {  	v42 =	vsel vm4, $0x1A02, v42;
	[tilespmem:$0x1F850] =	vst v0;
	v0 =	vsel vm1, $0x805, v53;
	v53 =	vsel vm2, $0x986, v2  }
0x155: {  	v2 =	vsel vm1, $0xA85, v52;
	v52 =	vsel vm0, $0xB04, v10;
	v0 =	vsel vm2, $0x886, v0;
	[tilespmem:$0x1F890] =	vst v53  }
0x156: {  	v42 =	vsel vm5, $0x1A83, v42;
	v53 =	vsel vm2, $0xA86, v1;
	v1 =	vsel vm1, $0xB85, v52;
	[tilespmem:$0x1F870] =	vst v0  }
0x157: {  	v0 =	vsel vm1, $0x985, v54;
	[tilespmem:$0x1F8B0] =	vst v53;
	v54 =	vsel vm2, $0xB06, v2;
	v53 =	vsel vm0, $0xB84, v11  }
0x158: {  	v52 =	vsel vm0, $0xC04, v12;
	v0 =	vsel vm2, $0xA06, v0;
	[tilespmem:$0x1F8C0] =	vst v54;
	v2 =	vsel vm1, $0xC05, v53  }
0x159: {  	v54 =	vsel vm2, $0xC06, v1;
	v53 =	vsel vm0, $0xC84, v13;
	[tilespmem:$0x1F8A0] =	vst v0;
	v0 =	vsel vm1, $0xB05, v38  }
0x15a: {  	[tilespmem:$0x1F8E0] =	vst v54;
	v38 =	vsel vm2, $0xC86, v2;
	v54 =	vsel vm0, $0xD04, v14;
	v1 =	vsel vm1, $0xD05, v53  }
0x15b: {  	v14 =	vsel vm0, $0xD84, v15;
	v15 =	vsel vm0, $0x1604, v16;
	v16 =	vsel vm0, $0x1684, v17  }
0x15c: {  	v17 =	vsel vm0, $0x1704, v18;
	v18 =	vsel vm0, $0x1784, v19;
	v19 =	vsel vm0, $0x1004, v20  }
0x15d: {  	v53 =	vsel vm0, $0x1104, v22;
	v0 =	vsel vm2, $0xB86, v0;
	v2 =	vsel vm1, $0xD85, v54  }
0x15e: {  	v12 =	vsel vm2, $0xD86, v1;
	v1 =	vsel vm1, $0x1685, v15;
	v54 =	vsel vm0, $0x1184, v23  }
0x15f: {  	v15 =	vsel vm0, $0x1384, v27;
	[tilespmem:$0x1F8D0] =	vst v0;
	v0 =	vsel vm1, $0xC85, v52;
	v13 =	vsel vm2, $0xE06, v2  }
0x160: {  	v2 =	vsel vm1, $0x1705, v16;
	v4 =	vsel vm2, $0x1706, v1;
	v1 =	vsel vm1, $0x1005, v18  }
0x161: {  	v52 =	vsel vm0, $0x1084, v21;
	v18 =	vsel vm0, $0x1204, v24;
	v0 =	vsel vm2, $0xD06, v0  }
0x162: {  	v5 =	vsel vm2, $0x1786, v2;
	v2 =	vsel vm1, $0x1085, v19;
	v7 =	vsel vm2, $0x1086, v1  }
0x163: {  	v1 =	vsel vm1, $0x1185, v53;
	v19 =	vsel vm0, $0x1284, v25;
	[tilespmem:$0x1F900] =	vst v0;
	v0 =	vsel vm1, $0xE05, v14  }
0x164: {  	[tilespmem:$0x1F8F0] =	vst v38;
	v38 =	vsel vm2, $0x1106, v2;
	v2 =	vsel vm1, $0x1205, v54;
	v16 =	vsel vm2, $0x1206, v1  }
0x165: {  	[tilespmem:$0x1F920] =	vst v13;
	v1 =	vsel vm1, $0x1305, v19;
	v3 =	vsel vm2, $0xE86, v0;
	v0 =	vsel vm1, $0x1785, v17  }
0x166: {  	[tilespmem:$0x1F930] =	vst v38;
	v17 =	vsel vm2, $0x1286, v2;
	v38 =	vsel vm0, $0x1304, v26;
	v13 =	vsel vm2, $0x1386, v1  }
0x167: {  	[tilespmem:$0x1F950] =	vst v16;
	v16 =	vsel vm0, $0x1404, v28;
	v6 =	vsel vm2, $0x1006, v0;
	v0 =	vsel vm1, $0x1105, v52  }
0x168: {  	[tilespmem:$0x1F960] =	vst v17;
	v2 =	vsel vm1, $0x1385, v38;
	v17 =	vsel vm0, $0x1484, v29;
	v1 =	vsel vm1, $0x1485, v16  }
0x169: {  	[tilespmem:$0x1F9E0] =	vst v13;
	v38 =	vsel vm0, $0x1504, v30;
	v13 =	vsel vm0, $0x1584, v58;
	v0 =	vsel vm2, $0x1186, v0  }
0x16a: {  	v16 =	vsel vm0, $0x1E84, v33;
	v14 =	vsel vm2, $0x1406, v2;
	v2 =	vsel vm1, $0x1505, v17;
	[tilespmem:$0x1F940] =	vst v0  }
0x16b: {  	v0 =	vsel vm1, $0x1285, v18;
	[tilespmem:$0x1F9F0] =	vst v14;
	v18 =	vsel vm2, $0x1506, v1;
	v19 =	vsel vm2, $0x1586, v2  }
0x16c: {  	v14 =	vsel vm0, $0x1E04, v32;
	v1 =	vsel vm1, $0x1605, v13;
	v0 =	vsel vm2, $0x1306, v0;
	[tilespmem:$0x1FA50] =	vst v18  }
0x16d: {  	[tilespmem:$0x1FA60] =	vst v19;
	v2 =	vsel vm1, $0x1E85, v14;
	v17 =	vsel vm2, $0x1686, v1;
	v18 =	vsel vm0, $0x1F04, v34  }
0x16e: {  	v19 =	vsel vm0, $0x1F84, v35;
	[tilespmem:$0x1F9D0] =	vst v0;
	v0 =	vsel vm1, $0x1405, v15;
	v15 =	vsel vm2, $0x1F06, v2  }
0x16f: {  	v1 =	vsel vm1, $0x1F85, v18;
	v2 =	vsel vm1, $0x1805, v19;
	v0 =	vsel vm2, $0x1486, v0;
	[tilespmem:$0x1FA90] =	vst v15  }
0x170: {  	v18 =	vsel vm0, $0x1904, v31;
	v13 =	vsel vm2, $0x1806, v1;
	v14 =	vsel vm2, $0x1886, v2;
	[tilespmem:$0x1FA40] =	vst v0  }
0x171: {  	v15 =	vsel vm0, $0x1804, v36;
	v2 =	vsel vm1, $0x1985, v18;
	v0 =	vsel vm1, $0x1585, v38;
	[tilespmem:$0x1FB10] =	vst v13  }
0x172: {  	[tilespmem:$0x1FB20] =	vst v14;
	v18 =	vsel vm2, $0x1A06, v2;
	v13 =	vsel vm0, $0x1984, v39;
	v14 =	vsel vm0, $0x1A04, v40  }
0x173: {  	v38 =	vsel vm2, $0x1606, v0;
	v0 =	vsel vm1, $0x1F05, v16;
	v16 =	vsel vm0, $0x1884, v37  }
0x174: {  	v0 =	vsel vm2, $0x1F86, v0;
	v1 =	vsel vm1, $0x1905, v16;
	v16 =	vsel vm0, $0x1B04, v42  }
0x175: {  	[tilespmem:$0x1FB00] =	vst v0;
	v0 =	vsel vm1, $0x1885, v15;
	v19 =	vsel vm2, $0x1986, v1;
	v15 =	vsel vm0, $0x1A84, v41  }
0x176: {  	v1 =	vsel vm1, $0x1A85, v14;
	v14 =	vsel vm0, $0x1C04, v44;
	v0 =	vsel vm2, $0x1906, v0  }
0x177: {  	v2 =	vsel vm1, $0x1B05, v15;
	v20 =	vsel vm2, $0x1B06, v1;
	[tilespmem:$0x1FB60] =	vst v0;
	v0 =	vsel vm1, $0x1A05, v13  }
0x178: {  	[tilespmem:$0x1FAD0] =	vst v63;
	v21 =	vsel vm2, $0x1B86, v2;
	v13 =	vsel vm0, $0x1B84, v62;
	v2 =	vsel vm1, $0x1C85, v14  }
0x179: {  	[tilespmem:$0x1FB70] =	vst v19;
	v14 =	vsel vm0, $0x1D04, v46;
	v19 =	vsel vm2, $0x1A86, v0;
	v0 =	vsel vm1, $0x1B85, v16  }
0x17a: {  	[tilespmem:$0x1F910] =	vst v12;
	v1 =	vsel vm1, $0x1C05, v13;
	v16 =	vsel vm2, $0x1D06, v2;
	v13 =	vsel vm0, $0x1C84, v45  }
0x17b: {  	v44 =	vsel vm2, $0x1C06, v0;
	v15 =	vsel vm2, $0x1C86, v1;
	[tilespmem:$0x1FBE0] =	vst v16;
	v0 =	vsel vm1, $0x1D05, v13  }
0x17c: {  	v1 =	vsel vm1, $0x1D85, v14;
	[tilespmem:$0x1FBD0] =	vst v15;
	v15 =	vsel vm0, $0x1D84, v47;
	v0 =	vsel vm2, $0x1D86, v0  }
0x17d: {  	v14 =	vimm.s32 $0x17161514;
	v16 =	vsel vm2, $0x1E06, v1;
	v2 =	vsel vm1, $0x1E05, v15;
	[tilespmem:$0x1FC20] =	vst v0  }
0x17e: {  	[tilespmem:$0x1FC30] =	vst v16;
	v16 =	vimm.s32 $0x2C2B2A29;
	v0 =	vunpack.c.0.s8.s32 v14;
	v13 =	vsel vm2, $0x1E86, v2  }
0x17f: {  	v59 =	vunpack.c.0.s8.s32 v59;
	v9 =	vld [tilespmem:$0x1FB30];
	v15 =	vimm.s32 $0x1B1A1918;
	v14 =	vunpack.c.0.s8.s32 v16;
	[tilespmem:$0x1FC40] =	vst v13  }
0x180: {  	v8 =	vld [tilespmem:$0x1FAE0];
	[tilespmem:$0x1FC50] =	vst v0;
	v13 =	vunpack.c.0.s8.s32 v15;
	v15 =	vimm.s32 $0x202F2E2D  }
0x181: {  	v10 =	vmov v59;
	v59 =	vld [tilespmem:$0x1FAC0];
	v16 =	vimm.s32 $0x24232221;
	[tilespmem:$0x1FC70] =	vst v14;
	v0 =	vunpack.c.0.s8.s32 v15  }
0x182: {  	v27 =	vld [tilespmem:$0x1FA00];
	v14 =	vunpack.c.0.s8.s32 v16;
	[tilespmem:$0x1FC60] =	vst v13;
	v13 =	vimm.s32 $0x28272625  }
0x183: {  	v24 =	vld [tilespmem:$0x1F970];
	v16 =	vimm.s32 $0x2D2C2B2A;
	[tilespmem:$0x1FC80] =	vst v0;
	v15 =	vunpack.c.0.s8.s32 v13  }
0x184: {  	v25 =	vld [tilespmem:$0x1F990];
	[tilespmem:$0x1FC90] =	vst v14;
	v14 =	vimm.s32 $0x25242322;
	v0 =	vunpack.c.0.s8.s32 v16  }
0x185: {  	v53 =	vld [tilespmem:$0x1F9C0];
	v13 =	vimm.s32 $0x21202F2E;
	v16 =	vunpack.c.0.s8.s32 v14;
	[tilespmem:$0x1FCA0] =	vst v15  }
0x186: {  	v12 =	vmov v51;
	v51 =	vld [tilespmem:$0x1F980];
	[tilespmem:$0x1FCB0] =	vst v0;
	v15 =	vunpack.c.0.s8.s32 v13;
	v13 =	vimm.s32 $0x29282726  }
0x187: {  	v54 =	vld [tilespmem:$0x1FA10];
	v14 =	vimm.s32 $0x2E2D2C2B;
	[tilespmem:$0x1FCD0] =	vst v16;
	v0 =	vunpack.c.0.s8.s32 v13  }
0x188: {  	v26 =	vld [tilespmem:$0x1F9B0];
	v16 =	vunpack.c.0.s8.s32 v14;
	[tilespmem:$0x1FCC0] =	vst v15;
	v15 =	vimm.s32 $0x2221202F  }
0x189: {  	v28 =	vld [tilespmem:$0x1FA20];
	v14 =	vimm.s32 $0x26252423;
	[tilespmem:$0x1FCE0] =	vst v0;
	v13 =	vunpack.c.0.s8.s32 v15  }
0x18a: {  	v52 =	vld [tilespmem:$0x1F9A0];
	[tilespmem:$0x1FCF0] =	vst v16;
	v16 =	vimm.s32 $0x2F2E2D2C;
	v0 =	vunpack.c.0.s8.s32 v14  }
0x18b: {  	v29 =	vld [tilespmem:$0x1FA30];
	v15 =	vimm.s32 $0x2A292827;
	v14 =	vunpack.c.0.s8.s32 v16;
	[tilespmem:$0x1FD00] =	vst v13  }
0x18c: {  	v30 =	vld [tilespmem:$0x1FA70];
	[tilespmem:$0x1FD10] =	vst v0;
	v13 =	vunpack.c.0.s8.s32 v15;
	v15 =	vimm.s32 $0x23222120  }
0x18d: {  	v33 =	vld [tilespmem:$0x1FAA0];
	v16 =	vimm.s32 $0x27262524;
	[tilespmem:$0x1FD30] =	vst v14;
	v0 =	vunpack.c.0.s8.s32 v15  }
0x18e: {  	v58 =	vld [tilespmem:$0x1FAD0];
	v14 =	vunpack.c.0.s8.s32 v16;
	[tilespmem:$0x1FD20] =	vst v13;
	v13 =	vimm.s32 $0x2B2A2928  }
0x18f: {  	v32 =	vld [tilespmem:$0x1FA80];
	v16 =	vimm.s32 $0x3C3B3A39;
	[tilespmem:$0x1FD40] =	vst v0;
	v15 =	vunpack.c.0.s8.s32 v13  }
0x190: {  	v63 =	vimm.s32 $0x11101F1E;
	v35 =	vmovc v4;
	v4 =	vld [tilespmem:$0x1FAF0];
	[tilespmem:$0x1FD50] =	vst v14;
	v14 =	vimm.s32 $0x34333231;
	v0 =	vunpack.c.0.s8.s32 v16  }
0x191: {  	v63 =	vunpack.c.0.s8.s32 v63;
	v34 =	vld [tilespmem:$0x1FAB0];
	v13 =	vimm.s32 $0x303F3E3D;
	v16 =	vunpack.c.0.s8.s32 v14;
	[tilespmem:$0x1FD60] =	vst v15  }
0x192: {  	v39 =	vld [tilespmem:$0x1FB80];
	[tilespmem:$0x1FD70] =	vst v0;
	v15 =	vunpack.c.0.s8.s32 v13;
	v13 =	vimm.s32 $0x38373635  }
0x193: {  	v40 =	vld [tilespmem:$0x1FB90];
	v14 =	vimm.s32 $0x3D3C3B3A;
	[tilespmem:$0x1FD90] =	vst v16;
	v0 =	vunpack.c.0.s8.s32 v13  }
0x194: {  	v36 =	vmovc v5;
	v37 =	vmov v6;
	v6 =	vld [tilespmem:$0x1FB40];
	v16 =	vunpack.c.0.s8.s32 v14;
	[tilespmem:$0x1FD80] =	vst v15;
	v15 =	vimm.s32 $0x31303F3E  }
0x195: {  	v5 =	vmovc v63;
	v63 =	vmovc v7;
	v7 =	vmov v4;
	v4 =	vld [tilespmem:$0x1FB50];
	v14 =	vimm.s32 $0x35343332;
	[tilespmem:$0x1FDA0] =	vst v0;
	v13 =	vunpack.c.0.s8.s32 v15  }
0x196: {  	v42 =	vld [tilespmem:$0x1FBB0];
	[tilespmem:$0x1FDB0] =	vst v16;
	v16 =	vimm.s32 $0x3E3D3C3B;
	v0 =	vunpack.c.0.s8.s32 v14  }
0x197: {  	v41 =	vld [tilespmem:$0x1FBA0];
	v15 =	vimm.s32 $0x39383736;
	v14 =	vunpack.c.0.s8.s32 v16;
	[tilespmem:$0x1FDC0] =	vst v13  }
0x198: {  	s5 =	rddreg [dreg:$0x0];
	v62 =	vmov v3;
	v3 =	vld [tilespmem:$0x1FBC0];
	[tilespmem:$0x1FDD0] =	vst v0;
	v13 =	vunpack.c.0.s8.s32 v15;
	v15 =	vimm.s32 $0x3231303F  }
0x199: {  	s0 =	rddreg [dreg:$0x1];
	s2 =	simm.s32 $0x0;
	v46 =	vld [tilespmem:$0x1FC00];
	v16 =	vimm.s32 $0x36353433;
	[tilespmem:$0x1FDF0] =	vst v14;
	v0 =	vunpack.c.0.s8.s32 v15  }
0x19a: {  	s3 =	srdreg.scid;
	[smem:$0x7FF] =	sst s2;
	v45 =	vld [tilespmem:$0x1FBF0];
	v14 =	vunpack.c.0.s8.s32 v16;
	[tilespmem:$0x1FDE0] =	vst v13  }
0x19b: {  	s6 =	sand.u32 $0x1, s3;
	s3 =	rddreg [dreg:$0x2];
	v47 =	vld [tilespmem:$0x1FC10];
	_ =	strace $0x80000047;
	[tilespmem:$0x1FE00] =	vst v0  }
0x19c: {  	[tilespmem:$0x1FE10] =	vst v14  }
0x19d: {  	[tilespmem:$0x1FF00] =	vst v5  }
0x19e: {  	[tilespmem:$0x1FF10] =	vst v12  }
0x19f: {  	[tilespmem:$0x1FF20] =	vst v10  }
0x1a0: {  	[tilespmem:$0x1FF30] =	vst v43  }
0x1a1: {  	[tilespmem:$0x1FF40] =	vst v62  }
0x1a2: {  	[tilespmem:$0x1FF50] =	vst v35  }
0x1a3: {  	[tilespmem:$0x1FF60] =	vst v36  }
0x1a4: {  	[tilespmem:$0x1FF70] =	vst v37  }
0x1a5: {  	[tilespmem:$0x1FF80] =	vst v63  }
0x1a6: {  	[tilespmem:$0x1FF90] =	vst v38  }
0x1a7: {  	[tilespmem:$0x1FFA0] =	vst v17  }
0x1a8: {  	[tilespmem:$0x1FFB0] =	vst v44  }
0x1a9: {  	[tilespmem:$0x1FFC0] =	vst v18  }
0x1aa: {  	v13 =	vimm.s32 $0x3A393837;
	[tilespmem:$0x1FFD0] =	vst v19  }
0x1ab: {  	v16 =	vimm.s32 $0x3F3E3D3C;
	v15 =	vunpack.c.0.s8.s32 v13;
	[tilespmem:$0x1FFE0] =	vst v20  }
0x1ac: {  	v14 =	vimm.s32 $0x37363534;
	v0 =	vunpack.c.0.s8.s32 v16;
	[tilespmem:$0x1FFF0] =	vst v21  }
0x1ad: {  	v16 =	vunpack.c.0.s8.s32 v14;
	[tilespmem:$0x1FE20] =	vst v15  }
0x1ae: {  	vm0 =	vcmask $0x1F10;
	v13 =	vimm.s32 $0x33323130;
	v14 =	vimm.s32 $0x3B3A3938;
	[tilespmem:$0x1FE30] =	vst v0  }
0x1af: {  	v15 =	vunpack.c.0.s8.s32 v13;
	v0 =	vunpack.c.0.s8.s32 v14;
	v14 =	vsel vm0, v5, v3;
	[tilespmem:$0x1FE50] =	vst v16  }
0x1b0: {  	[tilespmem:$0x1FEB0] =	vst v14  }
0x1b1: {  	v13 =	vlaneseq.u32;
	[tilespmem:$0x1FE40] =	vst v15  }
0x1b2: {  	s1 =	stileid.u32;
	s9 =	simm.s32 $0x1000;
	v16 =	vsel vm0, v8, v7;
	[tilespmem:$0x1FE60] =	vst v0;
	v15 =	vor.u32 $0x10, v13;
	v13 =	vsel vm0, v6, v9  }
0x1b3: {  	s10 =	simm.s32 $0x4;
	s11 =	simm.s32 $0xD00;
	s12 =	simm.s32 $0x1;
	v3 =	vsel vm0, v10, v12;
	[tilespmem:$0x1FE80] =	vst v16;
	v0 =	vcombine.low v13, v16;
	v16 =	vld [tilespmem:$0x1FEE0]  }
0x1b4: {  	s13 =	simm.s32 $0x2D00;
	s14 =	simm.s32 $0x4D00;
	s15 =	simm.s32 $0x6D00;
	[tilespmem:$0x1FEC0] =	vst v3  }
0x1b5: {  	s16 =	simm.s32 $0x2;
	s4 =	sshll.u32 s1, $0x8;
	s7 =	sshll.u32 s6, $0x7;
	[tilespmem:$0x1FE70] =	vst v15  }
0x1b6: {  	s17 =	simm.s32 $0x3;
	s6 =	ssub.s32 $0x2, s6;
	s4 =	sor.u32 s7, s4;
	[tilespmem:$0x1FE90] =	vst v13;
	v15 =	vcombine.low v3, v14  }
0x1b7: {  	s18 =	simm.s32 $0x0;
	s8 =	sshrl.u32 s6, $0x1;
	s7 =	sshrl.u32 s4, $0x3;
	[tilespmem:$0x1FEA0] =	vst v0  }
0x1b8: {  	s8 =	ssub.s32 s6, s8;
	s7 =	sadd.s32 s7, s5;
	s5 =	sadd.s32 $0x3A00, s5;
	[tilespmem:$0x1FED0] =	vst v15;
	v0 =	vsel vm0, v16, v4  }
0x1b9: {  	s6 =	sadd.s32 $0x600, s7;
	s7 =	smax.u32 s8, $0x1;
	s8 =	simm.s32 $0x80;
	v23 =	vmov v10;
	v11 =	vmov v12;
	[tilespmem:$0x1FEF0] =	vst v0  }
.LBB2_1:
0x1ba: {  	[tilespmem:s2], [sflag:$0x4] =	stream.strided.gather [hbm4b:s6+s8], $0xD00, s9, s8, $0x38;
	[tilespmem:$0x8D00] =	vst v63  }
0x1bb: {  	_ =	swait.ge [sflag:s10], $0xD00  }
0x1bc: {  	[sflag:s10] =	ssyncset.done $0x0  }
0x1bd: {  	s19 =	simm.s32 $0x0;
	[sflag:s10] =	ssyncadd.s32 $0xFFFFF300  }
0x1be: {  	v2 =	vld [tilespmem:s19+$0x0]  }
0x1bf: {  	v10 =	vmov v4;
	v4 =	vld [tilespmem:s19+$0x10]  }
0x1c0: {  	v3 =	vld [tilespmem:s19+$0x20]  }
0x1c1: {  	v1 =	vld [tilespmem:s19+$0x30]  }
0x1c2: {  	v0 =	vld [tilespmem:s19+$0x40]  }
0x1c3: {  	v5 =	vmin.u32 v2, $0x186A0;
	v2 =	vld [tilespmem:s19+$0x50]  }
0x1c4: {  	s20 =	simm.s32 $0x200;
	[tilespmem:s19+$0x0] =	vst v5;
	v5 =	vmin.u32 v4, $0x186A0;
	v4 =	vld [tilespmem:s19+$0x60]  }
.LBB2_2:
0x1c5: {  	s21 =	sshra.s32 s20, $0x2;
	p0 =	sne.s32 s20, $0x3200;
	[tilespmem:s19+$0x10] =	vst v5;
	v3 =	vmin.u32 v3, $0x186A0;
	v5 =	vld [tilespmem:s19+$0x70]  }
0x1c6: {  	v6 =	vld [tilespmem:s21+$0x0];
	[tilespmem:s19+$0x20] =	vst v3;
	v1 =	vmin.u32 v1, $0x186A0  }
0x1c7: {  	v7 =	vld [tilespmem:s21+$0x10];
	[tilespmem:s19+$0x30] =	vst v1;
	v0 =	vmin.u32 v0, $0x186A0  }
.Ltmp0:
0x1c8: {  	v3 =	vld [tilespmem:s21+$0x20];
	[tilespmem:s19+$0x40] =	vst v0;
	v0 =	vmin.u32 v2, $0x186A0;
	(pc) =	sbr.rel @p0 .LBB2_2-.Ltmp0, $4  }
0x1c9: {  	v1 =	vld [tilespmem:s21+$0x30];
	[tilespmem:s19+$0x50] =	vst v0;
	v2 =	vmin.u32 v4, $0x186A0  }
0x1ca: {  	v0 =	vld [tilespmem:s21+$0x40];
	[tilespmem:s19+$0x60] =	vst v2;
	v4 =	vmin.u32 v5, $0x186A0  }
0x1cb: {  	v5 =	vmin.u32 v6, $0x186A0;
	v2 =	vld [tilespmem:s21+$0x50];
	[tilespmem:s19+$0x70] =	vst v4;
	s19 =	smov.u32 s21  }
0x1cc: {  	s20 =	sadd.s32 $0x200, s20;
	[tilespmem:s19+$0x0] =	vst v5;
	v5 =	vmin.u32 v7, $0x186A0;
	v4 =	vld [tilespmem:s19+$0x60]  }
0x1cd: {  	[tilespmem:s19+$0x10] =	vst v5;
	v5 =	vld [tilespmem:s19+$0x70]  }
0x1ce: {  	v3 =	vmin.u32 v3, $0x186A0  }
0x1cf: {  	[tilespmem:s19+$0x20] =	vst v3;
	v0 =	vmin.u32 v0, $0x186A0  }
0x1d0: {  	[tilespmem:s19+$0x40] =	vst v0;
	v0 =	vmin.u32 v2, $0x186A0  }
0x1d1: {  	[tilespmem:s19+$0x50] =	vst v0;
	v0 =	vmin.u32 v4, $0x186A0  }
0x1d2: {  	v1 =	vmin.u32 v1, $0x186A0;
	[tilespmem:s19+$0x60] =	vst v0;
	v0 =	vmin.u32 v5, $0x186A0  }
0x1d3: {  	[tilespmem:s19+$0x30] =	vst v1  }
0x1d4: {  	[tilespmem:s19+$0x70] =	vst v0;
	s19 =	simm.s32 $0x0  }
0x1d5: {  	v1 =	vmov v11;
	v4 =	vmov v10;
	[tilespmem:s11], [sflag:$0x1] =	stream.indirect.gather [hbm4b:s0+s8], $0x40, s19, s8, $0xb8;
	v0 =	vmov v23;
	[tilespmem:$0x8D00] =	vst v63  }
.LBB2_4:
0x1d6: {  	_ =	swait.ge [sflag:s12], $0x2000;
	s20 =	sshllo.u32 s19, $0x1  }
0x1d7: {  	[sflag:s12] =	ssyncset.done $0x0;
	s21 =	sshll.u32 s20, $0x7  }
0x1d8: {  	p0 =	seq.s32 s19, $0x0;
	[sflag:s12] =	ssyncadd.s32 $0xFFFFE000;
	s21 =	sand.u32 $0x3FFFFF80, s21  }
0x1d9: {  	[tilespmem:s13], [sflag:$0x1] =	stream.indirect.gather [hbm4b:s0+s8], $0x40, s21, s8, $0xb8;
	[tilespmem:$0x8D00] =	vst v63  }
0x1da: {  	s21 =	simm.s32 @!p0 $0x2  }
0x1db: {  	_ =	swait.ge @!p0 [sflag:s21], $0x2000  }
0x1dc: {  	[sflag:s21] =	ssyncset.done @!p0 $0x0  }
0x1dd: {  	[sflag:s21] =	ssyncadd.s32 @!p0 $0xFFFFE000;
	s21 =	simm.s32 $0x0  }
.LBB2_5:
0x1de: {  	_ =	sdelay $0x2  }
0x1df: {  	v2 =	vlaneseq.u32  }
0x1e0: {  	v23 =	vmov v0;
	v0 =	vor.u32 s21, v2  }
0x1e1: {  	v31 =	vmov v1;
	v1 =	vshll.u32 v0, $0x6  }
0x1e2: {  	v2 =	vor.u32 v2, v1  }
0x1e3: {  	v3 =	vor.u32 v24, v1  }
0x1e4: {  	v35 =	vmov v4;
	v4 =	vor.u32 v25, v1  }
0x1e5: {  	v5 =	vor.u32 v26, v1  }
0x1e6: {  	v6 =	vor.u32 v27, v1  }
0x1e7: {  	v7 =	vor.u32 v28, v1;
	v2 =	vld.idx.msk [tilespmem:v2+s11+$0x0], $0xffff  }
0x1e8: {  	v8 =	vor.u32 v29, v1;
	v3 =	vld.idx.msk [tilespmem:v3+s11+$0x0], $0xffff  }
0x1e9: {  	v9 =	vor.u32 v30, v1;
	v4 =	vld.idx.msk [tilespmem:v4+s11+$0x0], $0xffff  }
0x1ea: {  	v10 =	vor.u32 v45, v1;
	v5 =	vld.idx.msk [tilespmem:v5+s11+$0x0], $0xffff  }
0x1eb: {  	v11 =	vor.u32 v46, v1;
	v6 =	vld.idx.msk [tilespmem:v6+s11+$0x0], $0xffff  }
0x1ec: {  	v12 =	vor.u32 v47, v1;
	v7 =	vld.idx.msk [tilespmem:v7+s11+$0x0], $0xffff  }
0x1ed: {  	v13 =	vor.u32 v48, v1;
	v8 =	vld.idx.msk [tilespmem:v8+s11+$0x0], $0xffff  }
0x1ee: {  	v14 =	vor.u32 v49, v1;
	v9 =	vld.idx.msk [tilespmem:v9+s11+$0x0], $0xffff  }
0x1ef: {  	v15 =	vor.u32 v50, v1;
	v10 =	vld.idx.msk [tilespmem:v10+s11+$0x0], $0xffff  }
0x1f0: {  	v0 =	vand.u32 $0x78, v0;
	v16 =	vor.u32 v51, v1;
	v11 =	vld.idx.msk [tilespmem:v11+s11+$0x0], $0xffff  }
0x1f1: {  	v17 =	vor.u32 v52, v1;
	v18 =	vor.u32 v53, v0;
	v12 =	vld.idx.msk [tilespmem:v12+s11+$0x0], $0xffff  }
0x1f2: {  	v19 =	vor.u32 v54, v0;
	v13 =	vld.idx.msk [tilespmem:v13+s11+$0x0], $0xffff  }
0x1f3: {  	v20 =	vor.u32 v55, v0;
	v14 =	vld.idx.msk [tilespmem:v14+s11+$0x0], $0xffff  }
0x1f4: {  	v21 =	vor.u32 v56, v0;
	v15 =	vld.idx.msk [tilespmem:v15+s11+$0x0], $0xffff  }
0x1f5: {  	v22 =	vor.u32 v57, v0;
	v16 =	vld.idx.msk [tilespmem:v16+s11+$0x0], $0xffff  }
0x1f6: {  	v17 =	vld.idx.msk [tilespmem:v17+s11+$0x0], $0xffff;
	[tilespmem:v18+s14+$0x0] =	vst.idx.msk $0xffff, v2;
	v2 =	vor.u32 v32, v0  }
0x1f7: {  	v43 =	vld [tilespmem:$0x1F810];
	[tilespmem:v19+s14+$0x0] =	vst.idx.msk $0xffff, v3;
	v3 =	vor.u32 v33, v0  }
0x1f8: {  	v44 =	vld [tilespmem:$0x1F820];
	[tilespmem:v20+s14+$0x0] =	vst.idx.msk $0xffff, v4;
	v4 =	vor.u32 v34, v0  }
0x1f9: {  	v36 =	vld [tilespmem:$0x1FEF0];
	[tilespmem:v21+s14+$0x0] =	vst.idx.msk $0xffff, v5;
	v5 =	vor.u32 v58, v0  }
0x1fa: {  	v62 =	vld [tilespmem:$0x1F830];
	[tilespmem:v22+s14+$0x0] =	vst.idx.msk $0xffff, v6;
	v6 =	vor.u32 v59, v0  }
0x1fb: {  	v20 =	vld [tilespmem:$0x1F840];
	[tilespmem:v2+s14+$0x0] =	vst.idx.msk $0xffff, v7;
	v2 =	vor.u32 v60, v0  }
0x1fc: {  	v7 =	vld [tilespmem:$0x1FAE0];
	[tilespmem:v3+s14+$0x0] =	vst.idx.msk $0xffff, v8;
	v3 =	vor.u32 v61, v0  }
0x1fd: {  	v8 =	vld [tilespmem:$0x1FB30];
	[tilespmem:v4+s14+$0x0] =	vst.idx.msk $0xffff, v9  }
0x1fe: {  	v21 =	vld [tilespmem:$0x1FC50];
	[tilespmem:v5+s14+$0x0] =	vst.idx.msk $0xffff, v10  }
0x1ff: {  	v22 =	vld [tilespmem:$0x1FC60];
	v4 =	vor.u32 v39, v0;
	[tilespmem:v6+s14+$0x0] =	vst.idx.msk $0xffff, v11  }
0x200: {  	v9 =	vld [tilespmem:$0x1FB40];
	v5 =	vor.u32 v40, v0;
	[tilespmem:v2+s14+$0x0] =	vst.idx.msk $0xffff, v12  }
0x201: {  	v6 =	vor.u32 v41, v0;
	[tilespmem:v3+s14+$0x0] =	vst.idx.msk $0xffff, v13;
	v3 =	vld [tilespmem:$0x1FE70]  }
0x202: {  	v2 =	vor.u32 v42, v0;
	v7 =	vsel vm0, v8, v7;
	v8 =	vld [tilespmem:$0x1FAF0]  }
0x203: {  	v13 =	vld [tilespmem:$0x1FF00]  }
0x204: {  	v63 =	vsel vm0, v21, v20;
	[tilespmem:v4+s14+$0x0] =	vst.idx.msk $0xffff, v14;
	v14 =	vld [tilespmem:$0x1FBC0]  }
0x205: {  	v4 =	vsel vm0, v44, v43;
	[tilespmem:v5+s14+$0x0] =	vst.idx.msk $0xffff, v15;
	v5 =	vsel vm0, v20, v62;
	v20 =	vld [tilespmem:$0x1FE90]  }
0x206: {  	v10 =	vcombine.low v4, v36;
	[tilespmem:v6+s14+$0x0] =	vst.idx.msk $0xffff, v16;
	v16 =	vsel vm0, v35, v44;
	v44 =	vld [tilespmem:$0x1FE80]  }
0x207: {  	v15 =	vld [tilespmem:$0x1FEE0];
	v35 =	vsel vm0, v62, v22;
	[tilespmem:v2+s14+$0x0] =	vst.idx.msk $0xffff, v17  }
0x208: {  	v6 =	vsel vm0, v22, v21;
	v2 =	vld [tilespmem:$0x1FEA0];
	[tilespmem:$0x1F5D0] =	vst v10;
	v10 =	vor.u32 v10, v1;
	v21 =	vcombine.low v35, v63  }
0x209: {  	v8 =	vsel vm0, v8, v9;
	v9 =	vld [tilespmem:$0x1FED0]  }
0x20a: {  	v11 =	vcombine.low v6, v5;
	v3 =	vor.u32 v3, v1;
	[tilespmem:$0x1F620] =	vst v21;
	v62 =	vor.u32 v21, v1;
	v21 =	vld [tilespmem:$0x1FEC0]  }
0x20b: {  	v13 =	vsel vm0, v31, v13;
	v14 =	vsel vm0, v14, v23;
	v22 =	vcombine.low v44, v20;
	v20 =	vld [tilespmem:$0x1FEB0]  }
0x20c: {  	[tilespmem:$0x1F5E0] =	vst v11;
	v11 =	vor.u32 v11, v1;
	v23 =	vcombine.low v14, v13;
	v44 =	vld [tilespmem:$0x1F850]  }
0x20d: {  	v12 =	vcombine.low v8, v7;
	v15 =	vsel vm0, v43, v15;
	v10 =	vld.idx.msk [tilespmem:v10+s11+$0x0], $0xffff  }
0x20e: {  	v63 =	vcombine.low v7, v8;
	v31 =	vcombine.low v16, v15;
	[tilespmem:$0x1F600] =	vst v23;
	v38 =	vor.u32 v23, v1;
	v23 =	vld [tilespmem:$0x1FD00]  }
0x20f: {  	[tilespmem:$0x1F5F0] =	vst v12;
	v12 =	vor.u32 v12, v1;
	v3 =	vld.idx.msk [tilespmem:v3+s11+$0x0], $0xffff  }
0x210: {  	v35 =	vcombine.low v13, v14;
	v14 =	vor.u32 v63, v1;
	[tilespmem:$0x1F610] =	vst v31;
	v43 =	vor.u32 v31, v1;
	v31 =	vld [tilespmem:$0x1FD10]  }
0x211: {  	v2 =	vor.u32 v2, v1;
	v11 =	vld.idx.msk [tilespmem:v11+s11+$0x0], $0xffff  }
0x212: {  	v9 =	vor.u32 v9, v1;
	v13 =	vld.idx.msk [tilespmem:v62+s11+$0x0], $0xffff  }
0x213: {  	[tilespmem:$0x1F630] =	vst v22;
	v62 =	vld [tilespmem:$0x1F860]  }
0x214: {  	v21 =	vcombine.low v20, v21;
	v20 =	vor.u32 v22, v1;
	v22 =	vcombine.low v36, v4;
	v4 =	vld.idx.msk [tilespmem:v12+s11+$0x0], $0xffff  }
0x215: {  	v14 =	vld.idx.msk [tilespmem:v14+s11+$0x0], $0xffff  }
0x216: {  	v2 =	vld.idx.msk [tilespmem:v2+s11+$0x0], $0xffff  }
0x217: {  	v9 =	vld.idx.msk [tilespmem:v9+s11+$0x0], $0xffff  }
0x218: {  	[tilespmem:$0x1F640] =	vst v21;
	v12 =	vor.u32 v21, v1;
	v21 =	vcombine.low v5, v6;
	v5 =	vld.idx.msk [tilespmem:v38+s11+$0x0], $0xffff  }
0x219: {  	v7 =	vld.idx.msk [tilespmem:v43+s11+$0x0], $0xffff  }
0x21a: {  	v36 =	vcombine.low v15, v16;
	[tilespmem:$0x1F650] =	vst v22;
	v6 =	vor.u32 v22, v1;
	v22 =	vld [tilespmem:$0x1F880]  }
0x21b: {  	v38 =	vor.u32 v35, v1;
	[tilespmem:$0x1F660] =	vst v21;
	v8 =	vor.u32 v21, v1;
	v21 =	vld [tilespmem:$0x1F870]  }
0x21c: {  	v43 =	vor.u32 v36, v1;
	v15 =	vld.idx.msk [tilespmem:v20+s11+$0x0], $0xffff  }
0x21d: {  	v20 =	vld [tilespmem:$0x1FF30]  }
0x21e: {  	v18 =	vor.u32 v44, v0;
	v12 =	vld.idx.msk [tilespmem:v12+s11+$0x0], $0xffff  }
0x21f: {  	v19 =	vor.u32 v62, v0;
	v6 =	vld.idx.msk [tilespmem:v6+s11+$0x0], $0xffff  }
0x220: {  	v16 =	vld.idx.msk [tilespmem:v38+s11+$0x0], $0xffff  }
0x221: {  	v44 =	vld.idx.msk [tilespmem:v43+s11+$0x0], $0xffff  }
0x222: {  	v8 =	vld.idx.msk [tilespmem:v8+s11+$0x0], $0xffff  }
0x223: {  	[tilespmem:v18+s14+$0x0] =	vst.idx.msk $0xffff, v3;
	v3 =	vld [tilespmem:$0x1F890]  }
0x224: {  	v20 =	vor.u32 v20, v0;
	[tilespmem:v19+s14+$0x0] =	vst.idx.msk $0xffff, v2;
	v2 =	vld [tilespmem:$0x1F8A0]  }
0x225: {  	[tilespmem:$0x1F680] =	vst v35;
	v35 =	vld [tilespmem:$0x1FD20]  }
0x226: {  	v38 =	vld [tilespmem:$0x1FD50];
	v21 =	vor.u32 v21, v0  }
0x227: {  	v22 =	vor.u32 v22, v0;
	v43 =	vld [tilespmem:$0x1FD60]  }
0x228: {  	v18 =	vld [tilespmem:$0x1FCC0];
	v3 =	vor.u32 v3, v0  }
0x229: {  	v2 =	vor.u32 v2, v0;
	[tilespmem:v20+s14+$0x0] =	vst.idx.msk $0xffff, v9;
	v9 =	vld [tilespmem:$0x1F8B0]  }
0x22a: {  	v19 =	vld [tilespmem:$0x1FCB0]  }
0x22b: {  	[tilespmem:v21+s14+$0x0] =	vst.idx.msk $0xffff, v10;
	v10 =	vld [tilespmem:$0x1F8C0]  }
0x22c: {  	[tilespmem:v22+s14+$0x0] =	vst.idx.msk $0xffff, v11;
	v11 =	vld [tilespmem:$0x1F8D0]  }
0x22d: {  	[tilespmem:v3+s14+$0x0] =	vst.idx.msk $0xffff, v4;
	v3 =	vld [tilespmem:$0x1F8E0]  }
0x22e: {  	v9 =	vor.u32 v9, v0;
	[tilespmem:v2+s14+$0x0] =	vst.idx.msk $0xffff, v5;
	v2 =	vld [tilespmem:$0x1F8F0]  }
0x22f: {  	v20 =	vld [tilespmem:$0x1FCD0]  }
0x230: {  	v4 =	vld [tilespmem:$0x1F900];
	v10 =	vor.u32 v10, v0  }
0x231: {  	v5 =	vld [tilespmem:$0x1F910];
	v11 =	vor.u32 v11, v0  }
0x232: {  	v21 =	vld [tilespmem:$0x1FCE0];
	v3 =	vor.u32 v3, v0  }
0x233: {  	v2 =	vor.u32 v2, v0;
	[tilespmem:v9+s14+$0x0] =	vst.idx.msk $0xffff, v7;
	v7 =	vld [tilespmem:$0x1F920]  }
0x234: {  	[tilespmem:$0x1F690] =	vst v36;
	v22 =	vld [tilespmem:$0x1FCF0]  }
0x235: {  	v4 =	vor.u32 v4, v0;
	[tilespmem:v10+s14+$0x0] =	vst.idx.msk $0xffff, v13;
	v13 =	vld [tilespmem:$0x1FC70]  }
0x236: {  	v5 =	vor.u32 v5, v0;
	[tilespmem:v11+s14+$0x0] =	vst.idx.msk $0xffff, v15;
	v15 =	vld [tilespmem:$0x1FCA0]  }
0x237: {  	v37 =	vlaneseq.u32;
	[tilespmem:v3+s14+$0x0] =	vst.idx.msk $0xffff, v12;
	v12 =	vld [tilespmem:$0x1FC80]  }
0x238: {  	v3 =	vor.u32 $0x20, v37;
	v7 =	vor.u32 v7, v0;
	[tilespmem:v2+s14+$0x0] =	vst.idx.msk $0xffff, v6;
	v2 =	vld [tilespmem:$0x1FF40]  }
0x239: {  	v9 =	vsel vm0, v35, v31;
	v11 =	vsel vm0, v43, v38;
	v37 =	vld [tilespmem:$0x1FD40];
	[tilespmem:$0x1F6A0] =	vst v3;
	v3 =	vor.u32 v3, v1  }
0x23a: {  	v36 =	vld [tilespmem:$0x1FD30];
	v6 =	vsel vm0, v18, v19;
	v18 =	vsel vm0, v20, v18;
	[tilespmem:v4+s14+$0x0] =	vst.idx.msk $0xffff, v8  }
0x23b: {  	v19 =	vsel vm0, v19, v21;
	v8 =	vsel vm0, v23, v22;
	[tilespmem:v5+s14+$0x0] =	vst.idx.msk $0xffff, v14;
	v14 =	vld [tilespmem:$0x1FC90]  }
0x23c: {  	[tilespmem:$0x1F670] =	vst v63;
	v63 =	vcombine.low v9, v8;
	v4 =	vsel vm0, v12, v13;
	v13 =	vsel vm0, v13, v15  }
0x23d: {  	[tilespmem:v7+s14+$0x0] =	vst.idx.msk $0xffff, v16;
	v17 =	vor.u32 v2, v0;
	v7 =	vsel vm0, v21, v20  }
0x23e: {  	v20 =	vsel vm0, v31, v23;
	v21 =	vsel vm0, v22, v35;
	v22 =	vsel vm0, v38, v37  }
0x23f: {  	v23 =	vsel vm0, v36, v43;
	v62 =	vcombine.low v7, v6;
	v35 =	vcombine.low v21, v20  }
0x240: {  	[tilespmem:$0x1F6D0] =	vst v63;
	v38 =	vcombine.low v20, v21;
	v5 =	vsel vm0, v15, v14;
	v15 =	vor.u32 v63, v1  }
0x241: {  	v20 =	vld [tilespmem:$0x1FF70];
	v12 =	vsel vm0, v14, v12;
	[tilespmem:$0x1F6C0] =	vst v62;
	v14 =	vor.u32 v62, v1;
	v62 =	vcombine.low v19, v18  }
0x242: {  	v23 =	vcombine.low v23, v22;
	v21 =	vld [tilespmem:$0x1FF80];
	[tilespmem:v17+s14+$0x0] =	vst.idx.msk $0xffff, v44  }
0x243: {  	v10 =	vsel vm0, v37, v36;
	v22 =	vor.u32 v35, v1;
	[tilespmem:$0x1F700] =	vst v62;
	v31 =	vor.u32 v62, v1;
	v62 =	vld [tilespmem:$0x1FF50]  }
0x244: {  	v16 =	vcombine.low v5, v4;
	v63 =	vcombine.low v4, v5;
	v5 =	vor.u32 v23, v1;
	v3 =	vld.idx.msk [tilespmem:v3+s11+$0x0], $0xffff  }
0x245: {  	v2 =	vcombine.low v11, v10;
	v4 =	vld.idx.msk [tilespmem:v15+s11+$0x0], $0xffff  }
0x246: {  	v44 =	vor.u32 v16, v1;
	[tilespmem:$0x1F730] =	vst v63;
	v15 =	vcombine.low v6, v7;
	v7 =	vor.u32 v63, v1;
	v63 =	vld [tilespmem:$0x1FF60]  }
0x247: {  	v37 =	vcombine.low v18, v19;
	[tilespmem:$0x1F6B0] =	vst v16;
	v16 =	vor.u32 v2, v1;
	v14 =	vld.idx.msk [tilespmem:v14+s11+$0x0], $0xffff  }
0x248: {  	v36 =	vcombine.low v12, v13;
	v17 =	vcombine.low v13, v12;
	v12 =	vld.idx.msk [tilespmem:v22+s11+$0x0], $0xffff  }
0x249: {  	[tilespmem:$0x1F6E0] =	vst v2;
	v43 =	vor.u32 v37, v1;
	v5 =	vld.idx.msk [tilespmem:v5+s11+$0x0], $0xffff  }
0x24a: {  	[tilespmem:$0x1F6F0] =	vst v17;
	v17 =	vor.u32 v17, v1;
	v22 =	vld [tilespmem:$0x1F930]  }
0x24b: {  	[tilespmem:$0x1F710] =	vst v35;
	v35 =	vcombine.low v8, v9;
	v2 =	vld.idx.msk [tilespmem:v44+s11+$0x0], $0xffff  }
0x24c: {  	v9 =	vor.u32 v15, v1;
	v6 =	vld.idx.msk [tilespmem:v16+s11+$0x0], $0xffff  }
0x24d: {  	[tilespmem:$0x1F740] =	vst v15;
	v15 =	vcombine.low v10, v11;
	v11 =	vor.u32 v35, v1;
	v10 =	vld.idx.msk [tilespmem:v31+s11+$0x0], $0xffff  }
0x24e: {  	v44 =	vor.u32 v38, v1;
	v16 =	vld.idx.msk [tilespmem:v43+s11+$0x0], $0xffff  }
0x24f: {  	v13 =	vor.u32 v15, v1;
	v8 =	vld.idx.msk [tilespmem:v17+s11+$0x0], $0xffff  }
0x250: {  	[tilespmem:$0x1F760] =	vst v15;
	v15 =	vor.u32 v36, v1;
	v7 =	vld.idx.msk [tilespmem:v7+s11+$0x0], $0xffff  }
0x251: {  	v18 =	vor.u32 v62, v0;
	v9 =	vld.idx.msk [tilespmem:v9+s11+$0x0], $0xffff  }
0x252: {  	v19 =	vor.u32 v63, v0;
	v11 =	vld.idx.msk [tilespmem:v11+s11+$0x0], $0xffff  }
0x253: {  	v31 =	vld.idx.msk [tilespmem:v44+s11+$0x0], $0xffff  }
0x254: {  	v13 =	vld.idx.msk [tilespmem:v13+s11+$0x0], $0xffff  }
0x255: {  	v20 =	vor.u32 v20, v0;
	v15 =	vld.idx.msk [tilespmem:v15+s11+$0x0], $0xffff  }
0x256: {  	v21 =	vor.u32 v21, v0;
	[tilespmem:v18+s14+$0x0] =	vst.idx.msk $0xffff, v3;
	v3 =	vld [tilespmem:$0x1F940]  }
0x257: {  	[tilespmem:v19+s14+$0x0] =	vst.idx.msk $0xffff, v2;
	v2 =	vld [tilespmem:$0x1F950];
	_ =	sdelay $0x2  }
0x258: {  	v22 =	vor.u32 v22, v0;
	[tilespmem:v20+s14+$0x0] =	vst.idx.msk $0xffff, v14;
	v14 =	vld [tilespmem:$0x1F960]  }
0x259: {  	[tilespmem:v21+s14+$0x0] =	vst.idx.msk $0xffff, v4;
	v4 =	vld [tilespmem:$0x1F9D0];
	v3 =	vor.u32 v3, v0  }
0x25a: {  	v2 =	vor.u32 v2, v0;
	_ =	sdelay $0x2  }
0x25b: {  	[tilespmem:v22+s14+$0x0] =	vst.idx.msk $0xffff, v6;
	v6 =	vld [tilespmem:$0x1F9E0];
	v14 =	vor.u32 v14, v0  }
0x25c: {  	v4 =	vor.u32 v4, v0;
	[tilespmem:v3+s14+$0x0] =	vst.idx.msk $0xffff, v8;
	v3 =	vld [tilespmem:$0x1F9F0]  }
0x25d: {  	[tilespmem:v2+s14+$0x0] =	vst.idx.msk $0xffff, v10;
	v2 =	vld [tilespmem:$0x1FA40]  }
0x25e: {  	v43 =	vld [tilespmem:$0x1FE30]  }
0x25f: {  	v62 =	vld [tilespmem:$0x1FE50]  }
0x260: {  	v6 =	vor.u32 v6, v0;
	v8 =	vld [tilespmem:$0x1FA50];
	[tilespmem:v14+s14+$0x0] =	vst.idx.msk $0xffff, v12  }
0x261: {  	[tilespmem:v4+s14+$0x0] =	vst.idx.msk $0xffff, v5;
	v4 =	vld [tilespmem:$0x1FA60];
	v3 =	vor.u32 v3, v0  }
0x262: {  	[tilespmem:$0x1F770] =	vst v36;
	v36 =	vld [tilespmem:$0x1FE60];
	v2 =	vor.u32 v2, v0  }
0x263: {  	v44 =	vld [tilespmem:$0x1FE40]  }
0x264: {  	v18 =	vld [tilespmem:$0x1FDC0]  }
0x265: {  	v5 =	vld [tilespmem:$0x1FF90];
	[tilespmem:v6+s14+$0x0] =	vst.idx.msk $0xffff, v7;
	v8 =	vor.u32 v8, v0  }
0x266: {  	v19 =	vld [tilespmem:$0x1FDB0];
	v4 =	vor.u32 v4, v0;
	[tilespmem:v3+s14+$0x0] =	vst.idx.msk $0xffff, v9  }
0x267: {  	[tilespmem:v2+s14+$0x0] =	vst.idx.msk $0xffff, v11;
	v2 =	vld [tilespmem:$0x1FFA0]  }
0x268: {  	v12 =	vld [tilespmem:$0x1FD80]  }
0x269: {  	v14 =	vld [tilespmem:$0x1FD90]  }
0x26a: {  	v5 =	vor.u32 v5, v0;
	[tilespmem:v8+s14+$0x0] =	vst.idx.msk $0xffff, v13;
	v13 =	vld [tilespmem:$0x1FD70]  }
0x26b: {  	[tilespmem:v4+s14+$0x0] =	vst.idx.msk $0xffff, v15;
	v15 =	vld [tilespmem:$0x1FDA0]  }
0x26c: {  	v20 =	vld [tilespmem:$0x1FDD0];
	v2 =	vor.u32 v2, v0  }
0x26d: {  	[tilespmem:$0x1F720] =	vst v23;
	v21 =	vld [tilespmem:$0x1FDE0]  }
0x26e: {  	[tilespmem:$0x1F790] =	vst v38;
	v10 =	vsel vm0, v44, v43;
	v11 =	vsel vm0, v36, v62  }
0x26f: {  	v23 =	vld [tilespmem:$0x1FE00];
	v17 =	vcombine.low v11, v10;
	[tilespmem:v5+s14+$0x0] =	vst.idx.msk $0xffff, v16;
	v4 =	vsel vm0, v12, v13  }
0x270: {  	[tilespmem:$0x1F750] =	vst v35;
	v35 =	vld [tilespmem:$0x1FE10];
	v12 =	vsel vm0, v14, v12;
	v5 =	vsel vm0, v15, v14;
	v13 =	vsel vm0, v13, v15  }
0x271: {  	v38 =	vld [tilespmem:$0x1FE20];
	v16 =	vcombine.low v5, v4;
	[tilespmem:v2+s14+$0x0] =	vst.idx.msk $0xffff, v31;
	v31 =	vcombine.low v13, v12  }
0x272: {  	v22 =	vld [tilespmem:$0x1FDF0];
	v6 =	vsel vm0, v18, v19;
	v7 =	vsel vm0, v21, v20;
	[tilespmem:$0x1F7E0] =	vst v17  }
0x273: {  	[tilespmem:$0x1F7B0] =	vst v16;
	v2 =	vor.u32 v16, v1;
	v16 =	vor.u32 v17, v1;
	v17 =	vor.u32 v31, v1  }
0x274: {  	[tilespmem:$0x1F780] =	vst v37;
	v37 =	vcombine.low v7, v6  }
0x275: {  	v18 =	vsel vm0, v20, v18;
	v19 =	vsel vm0, v19, v21  }
0x276: {  	v20 =	vsel vm0, v35, v23;
	[tilespmem:$0x1F7C0] =	vst v37;
	v14 =	vor.u32 v37, v1;
	v37 =	vcombine.low v19, v18  }
0x277: {  	v9 =	vsel vm0, v38, v35;
	v8 =	vsel vm0, v23, v22;
	v23 =	vsel vm0, v43, v36  }
0x278: {  	v63 =	vcombine.low v9, v8;
	v43 =	vcombine.low v8, v9;
	v35 =	vor.u32 v37, v1;
	v8 =	vld.idx.msk [tilespmem:v17+s11+$0x0], $0xffff  }
0x279: {  	v21 =	vsel vm0, v22, v38;
	v3 =	vlaneseq.u32  }
0x27a: {  	v3 =	vor.u32 $0x30, v3;
	v22 =	vsel vm0, v62, v44;
	v44 =	vcombine.low v6, v7  }
0x27b: {  	v38 =	vcombine.low v20, v21;
	[tilespmem:$0x1F7A0] =	vst v3;
	v3 =	vor.u32 v3, v1  }
0x27c: {  	v9 =	vor.u32 v44, v1;
	[tilespmem:$0x1F7D0] =	vst v63;
	v15 =	vor.u32 v63, v1;
	v63 =	vcombine.low v21, v20;
	v20 =	vld [tilespmem:$0x1FB20]  }
0x27d: {  	v10 =	vcombine.low v10, v11;
	v11 =	vor.u32 v43, v1;
	[tilespmem:$0x1F7F0] =	vst v8;
	v8 =	vld.idx.msk [tilespmem:v35+s11+$0x0], $0xffff  }
0x27e: {  	v35 =	vld [tilespmem:$0x1FA90]  }
0x27f: {  	v23 =	vcombine.low v23, v22;
	v21 =	vld [tilespmem:$0x1FB60]  }
0x280: {  	v3 =	vld.idx.msk [tilespmem:v3+s11+$0x0], $0xffff  }
0x281: {  	v62 =	vcombine.low v4, v5;
	v5 =	vor.u32 v23, v1;
	v9 =	vld.idx.msk [tilespmem:v9+s11+$0x0], $0xffff  }
0x282: {  	v22 =	vor.u32 v63, v1;
	v11 =	vld.idx.msk [tilespmem:v11+s11+$0x0], $0xffff  }
0x283: {  	v17 =	vor.u32 v35, v0;
	v35 =	vld [tilespmem:$0x1FB00]  }
0x284: {  	v14 =	vld.idx.msk [tilespmem:v14+s11+$0x0], $0xffff  }
0x285: {  	v4 =	vld.idx.msk [tilespmem:v15+s11+$0x0], $0xffff  }
0x286: {  	v7 =	vor.u32 v62, v1;
	v5 =	vld.idx.msk [tilespmem:v5+s11+$0x0], $0xffff  }
0x287: {  	v12 =	vcombine.low v12, v13;
	v13 =	vor.u32 v10, v1;
	[tilespmem:$0x1F800] =	vst v8;
	v8 =	vld.idx.msk [tilespmem:v22+s11+$0x0], $0xffff  }
0x288: {  	v22 =	vcombine.low v18, v19;
	v18 =	vor.u32 v35, v0;
	v35 =	vld [tilespmem:$0x1FB10]  }
0x289: {  	v15 =	vor.u32 v12, v1;
	v2 =	vld.idx.msk [tilespmem:v2+s11+$0x0], $0xffff  }
0x28a: {  	v6 =	vld.idx.msk [tilespmem:v16+s11+$0x0], $0xffff;
	v16 =	vor.u32 v22, v1  }
0x28b: {  	v7 =	vld.idx.msk [tilespmem:v7+s11+$0x0], $0xffff;
	v1 =	vor.u32 v38, v1  }
0x28c: {  	v13 =	vld.idx.msk [tilespmem:v13+s11+$0x0], $0xffff  }
0x28d: {  	v19 =	vor.u32 v35, v0;
	v35 =	vld [tilespmem:$0x1FFC0]  }
0x28e: {  	v15 =	vld.idx.msk [tilespmem:v15+s11+$0x0], $0xffff  }
0x28f: {  	v16 =	vld.idx.msk [tilespmem:v16+s11+$0x0], $0xffff  }
0x290: {  	v1 =	vld.idx.msk [tilespmem:v1+s11+$0x0], $0xffff  }
0x291: {  	[tilespmem:v17+s14+$0x0] =	vst.idx.msk $0xffff, v3;
	v3 =	vld [tilespmem:$0x1FB70]  }
0x292: {  	[tilespmem:v18+s14+$0x0] =	vst.idx.msk $0xffff, v2;
	v2 =	vor.u32 v35, v0;
	v35 =	vld [tilespmem:$0x1FFD0];
	_ =	sdelay $0x1  }
0x293: {  	v20 =	vor.u32 v20, v0;
	_ =	sdelay $0x1  }
0x294: {  	v21 =	vor.u32 v21, v0  }
0x295: {  	v3 =	vor.u32 v3, v0;
	[tilespmem:v19+s14+$0x0] =	vst.idx.msk $0xffff, v14;
	v14 =	vor.u32 v35, v0;
	v35 =	vld [tilespmem:$0x1F7F0];
	_ =	sdelay $0x1  }
0x296: {  	[tilespmem:v20+s14+$0x0] =	vst.idx.msk $0xffff, v4;
	v20 =	vld [tilespmem:$0x1FFE0];
	_ =	sdelay $0x1  }
0x297: {  	[tilespmem:v21+s14+$0x0] =	vst.idx.msk $0xffff, v6;
	v21 =	vld [tilespmem:$0x1FFF0]  }
0x298: {  	[tilespmem:v3+s14+$0x0] =	vst.idx.msk $0xffff, v35;
	v35 =	vld [tilespmem:$0x1F800];
	_ =	sdelay $0x1  }
0x299: {  	v4 =	vor.u32 v20, v0;
	_ =	sdelay $0x1  }
0x29a: {  	v6 =	vor.u32 v21, v0;
	v3 =	vld [tilespmem:$0x1FFB0]  }
0x29b: {  	[tilespmem:v2+s14+$0x0] =	vst.idx.msk $0xffff, v35;
	v2 =	vld [tilespmem:$0x1FBD0]  }
0x29c: {  	[tilespmem:v14+s14+$0x0] =	vst.idx.msk $0xffff, v8;
	v8 =	vld [tilespmem:$0x1FBE0]  }
0x29d: {  	[tilespmem:v4+s14+$0x0] =	vst.idx.msk $0xffff, v5;
	v4 =	vld [tilespmem:$0x1FC20]  }
0x29e: {  	v5 =	vld [tilespmem:$0x1FC30]  }
0x29f: {  	v3 =	vor.u32 v3, v0;
	[tilespmem:v6+s14+$0x0] =	vst.idx.msk $0xffff, v7;
	v6 =	vld [tilespmem:$0x1FC40]  }
0x2a0: {  	v2 =	vor.u32 v2, v0  }
0x2a1: {  	v8 =	vor.u32 v8, v0  }
0x2a2: {  	v4 =	vor.u32 v4, v0  }
0x2a3: {  	v5 =	vor.u32 v5, v0  }
0x2a4: {  	p0 =	sne.s32 s21, $0x70;
	v36 =	vld [tilespmem:$0x1FF10];
	[tilespmem:v3+s14+$0x0] =	vst.idx.msk $0xffff, v9;
	v0 =	vor.u32 v6, v0  }
.Ltmp1:
0x2a5: {  	[tilespmem:v2+s14+$0x0] =	vst.idx.msk $0xffff, v11;
	(pc) =	sbr.rel @p0 .LBB2_5-.Ltmp1, $4  }
0x2a6: {  	[tilespmem:v8+s14+$0x0] =	vst.idx.msk $0xffff, v13  }
0x2a7: {  	[tilespmem:v4+s14+$0x0] =	vst.idx.msk $0xffff, v15  }
0x2a8: {  	v4 =	vld [tilespmem:$0x1FB50];
	[tilespmem:v5+s14+$0x0] =	vst.idx.msk $0xffff, v16  }
0x2a9: {  	s21 =	sadd.s32 $0x10, s21;
	[tilespmem:v0+s14+$0x0] =	vst.idx.msk $0xffff, v1;
	v1 =	vmov v36;
	v0 =	vld [tilespmem:$0x1FF20]  }
0x2aa: {  	[tilespmem:$0x1F520] =	vst v22  }
0x2ab: {  	[tilespmem:$0x1F530] =	vst v12  }
0x2ac: {  	[tilespmem:$0x1F540] =	vst v10  }
0x2ad: {  	[tilespmem:$0x1F550] =	vst v43  }
0x2ae: {  	[tilespmem:$0x1F580] =	vst v38;
	v38 =	vld [tilespmem:$0x1F690]  }
0x2af: {  	[tilespmem:$0x1F5C0] =	vst v31;
	v31 =	vld [tilespmem:$0x1F680]  }
0x2b0: {  	[tilespmem:$0x1F570] =	vst v62;
	v62 =	vld [tilespmem:$0x1F630]  }
0x2b1: {  	[tilespmem:$0x1F5A0] =	vst v63;
	v63 =	vld [tilespmem:$0x1F620];
	s21 =	sshll.u32 s19, $0x13  }
0x2b2: {  	[tilespmem:$0x1F5B0] =	vst v37;
	v37 =	vld [tilespmem:$0x1F610];
	s21 =	sor.u32 s4, s21  }
0x2b3: {  	[tilespmem:$0x1F560] =	vst v44;
	v36 =	vld [tilespmem:$0x1F600];
	s21 =	sshrl.u32 s21, $0x3  }
0x2b4: {  	[tilespmem:$0x1F590] =	vst v23;
	v35 =	vld [tilespmem:$0x1F5F0];
	p0 =	seq.s32 s19, $0xC;
	s31 =	simm.s32 $0x0;
	s21 =	sadd.s32 s5, s21  }
0x2b5: {  	v43 =	vld [tilespmem:$0x1F5E0];
	[hbm4b:s21+s8] =	stream.strided.scatter [tilespmem:s14], [sflag:$0x2], $0x2000, s9, s8, $0x38  }
0x2b6: {  	v44 =	vld [tilespmem:$0x1F5D0];
	v0 =	vlaneseq.u32;
	p1 =	seq.s32 @!p0 s19, $0x0;
	s21 =	sshll.u32 @!p0 s19, $0x8;
	_ =	swait.ge [sflag:s12], $0x2000  }
0x2b7: {  	s22 =	simm.s32 @!p0 $0x80;
	v0 =	vor.u32 s31, v0;
	s21 =	sand.u32 @!p0 $0x3FFFFF00, s21;
	[sflag:s12] =	ssyncset.done $0x0  }
0x2b8: {  	s23 =	simm.s32 @!p0 $0xD00;
	v1 =	vshll.u32 v0, $0x6;
	s21 =	sadd.s32 @!p0 $0x100, s21;
	[sflag:s12] =	ssyncadd.s32 $0xFFFFE000  }
0x2b9: {  	v2 =	vor.u32 v47, v1;
	[tilespmem:s23], [sflag:$0x1] =	stream.indirect.gather @!p0 [hbm4b:s0+s22], $0x40, s21, s22, $0xb8;
	[tilespmem:$0x8D00] =	vst v63  }
0x2ba: {  	v3 =	vor.u32 v29, v1;
	p0 =	por p0, !p1  }
0x2bb: {  	v4 =	vor.u32 v27, v1;
	_ =	swait.ge @p0 [sflag:s17], $0x2000  }
0x2bc: {  	v5 =	vor.u32 v26, v1;
	[sflag:s17] =	ssyncset.done @p0 $0x0  }
0x2bd: {  	v6 =	vor.u32 v28, v1;
	[sflag:s17] =	ssyncadd.s32 @p0 $0xFFFFE000  }
0x2be: {  	v7 =	vor.u32 v30, v1;
	v2 =	vld.idx.msk [tilespmem:v2+s13+$0x0], $0xffff  }
0x2bf: {  	v8 =	vor.u32 v49, v1;
	v3 =	vld.idx.msk [tilespmem:v3+s13+$0x0], $0xffff  }
0x2c0: {  	v10 =	vlaneseq.u32;
	v9 =	vor.u32 v25, v1;
	v4 =	vld.idx.msk [tilespmem:v4+s13+$0x0], $0xffff  }
0x2c1: {  	v10 =	vor.u32 v10, v1;
	v5 =	vld.idx.msk [tilespmem:v5+s13+$0x0], $0xffff  }
0x2c2: {  	v11 =	vor.u32 v24, v1;
	v6 =	vld.idx.msk [tilespmem:v6+s13+$0x0], $0xffff  }
0x2c3: {  	v12 =	vor.u32 v52, v1;
	v7 =	vld.idx.msk [tilespmem:v7+s13+$0x0], $0xffff  }
0x2c4: {  	v13 =	vor.u32 v50, v1;
	v8 =	vld.idx.msk [tilespmem:v8+s13+$0x0], $0xffff  }
0x2c5: {  	v14 =	vor.u32 v48, v1;
	v9 =	vld.idx.msk [tilespmem:v9+s13+$0x0], $0xffff  }
0x2c6: {  	v15 =	vor.u32 v45, v1;
	v10 =	vld.idx.msk [tilespmem:v10+s13+$0x0], $0xffff  }
0x2c7: {  	v0 =	vand.u32 $0x78, v0;
	v16 =	vor.u32 v46, v1;
	v11 =	vld.idx.msk [tilespmem:v11+s13+$0x0], $0xffff  }
0x2c8: {  	v17 =	vor.u32 v51, v1;
	v18 =	vor.u32 v53, v0;
	v12 =	vld.idx.msk [tilespmem:v12+s13+$0x0], $0xffff  }
0x2c9: {  	v19 =	vor.u32 v54, v0;
	v13 =	vld.idx.msk [tilespmem:v13+s13+$0x0], $0xffff  }
0x2ca: {  	v20 =	vor.u32 v55, v0;
	v14 =	vld.idx.msk [tilespmem:v14+s13+$0x0], $0xffff  }
0x2cb: {  	v21 =	vor.u32 v56, v0;
	v15 =	vld.idx.msk [tilespmem:v15+s13+$0x0], $0xffff  }
0x2cc: {  	v22 =	vor.u32 v57, v0;
	v16 =	vld.idx.msk [tilespmem:v16+s13+$0x0], $0xffff  }
0x2cd: {  	v23 =	vor.u32 v32, v0;
	v17 =	vld.idx.msk [tilespmem:v17+s13+$0x0], $0xffff;
	[tilespmem:v18+s15+$0x0] =	vst.idx.msk $0xffff, v10  }
0x2ce: {  	v10 =	vor.u32 v33, v0;
	[tilespmem:v19+s15+$0x0] =	vst.idx.msk $0xffff, v11  }
0x2cf: {  	v11 =	vor.u32 v34, v0;
	[tilespmem:v20+s15+$0x0] =	vst.idx.msk $0xffff, v9  }
0x2d0: {  	v9 =	vor.u32 v58, v0;
	[tilespmem:v21+s15+$0x0] =	vst.idx.msk $0xffff, v5  }
0x2d1: {  	v18 =	vld [tilespmem:$0x1F850];
	v5 =	vor.u32 v59, v0;
	[tilespmem:v22+s15+$0x0] =	vst.idx.msk $0xffff, v4  }
0x2d2: {  	v19 =	vld [tilespmem:$0x1F860];
	v4 =	vor.u32 v60, v0;
	[tilespmem:v23+s15+$0x0] =	vst.idx.msk $0xffff, v6  }
0x2d3: {  	v21 =	vld [tilespmem:$0x1F870];
	v6 =	vor.u32 v61, v0;
	[tilespmem:v10+s15+$0x0] =	vst.idx.msk $0xffff, v3  }
0x2d4: {  	v22 =	vld [tilespmem:$0x1F880];
	v3 =	vor.u32 v39, v0;
	[tilespmem:v11+s15+$0x0] =	vst.idx.msk $0xffff, v7  }
0x2d5: {  	v23 =	vld [tilespmem:$0x1F890];
	v7 =	vor.u32 v40, v0;
	[tilespmem:v9+s15+$0x0] =	vst.idx.msk $0xffff, v15  }
0x2d6: {  	v9 =	vor.u32 v41, v0;
	v15 =	vld [tilespmem:$0x1F660];
	[tilespmem:v5+s15+$0x0] =	vst.idx.msk $0xffff, v16  }
0x2d7: {  	v5 =	vor.u32 v42, v0;
	v16 =	vld [tilespmem:$0x1F640];
	[tilespmem:v4+s15+$0x0] =	vst.idx.msk $0xffff, v2  }
0x2d8: {  	[tilespmem:v6+s15+$0x0] =	vst.idx.msk $0xffff, v14;
	v6 =	vld [tilespmem:$0x1FED0]  }
0x2d9: {  	v2 =	vor.u32 v62, v1;
	v14 =	vld [tilespmem:$0x1F670];
	[tilespmem:v3+s15+$0x0] =	vst.idx.msk $0xffff, v8  }
0x2da: {  	v4 =	vor.u32 v37, v1;
	v3 =	vld [tilespmem:$0x1FEA0];
	[tilespmem:v7+s15+$0x0] =	vst.idx.msk $0xffff, v13  }
0x2db: {  	v10 =	vor.u32 v63, v1;
	[tilespmem:v9+s15+$0x0] =	vst.idx.msk $0xffff, v17;
	v17 =	vld [tilespmem:$0x1F650]  }
0x2dc: {  	v11 =	vor.u32 v44, v1;
	[tilespmem:v5+s15+$0x0] =	vst.idx.msk $0xffff, v12;
	v12 =	vld [tilespmem:$0x1FE70]  }
0x2dd: {  	v8 =	vor.u32 v36, v1;
	v5 =	vor.u32 v43, v1;
	v43 =	vld [tilespmem:$0x1FF30]  }
0x2de: {  	v7 =	vor.u32 v38, v1;
	v2 =	vld.idx.msk [tilespmem:v2+s13+$0x0], $0xffff  }
0x2df: {  	v13 =	vor.u32 v31, v1;
	v4 =	vld.idx.msk [tilespmem:v4+s13+$0x0], $0xffff  }
0x2e0: {  	v15 =	vor.u32 v15, v1;
	v10 =	vld.idx.msk [tilespmem:v10+s13+$0x0], $0xffff  }
0x2e1: {  	v9 =	vor.u32 v35, v1;
	v11 =	vld.idx.msk [tilespmem:v11+s13+$0x0], $0xffff  }
0x2e2: {  	v16 =	vor.u32 v16, v1;
	v8 =	vld.idx.msk [tilespmem:v8+s13+$0x0], $0xffff  }
0x2e3: {  	v7 =	vld.idx.msk [tilespmem:v7+s13+$0x0], $0xffff  }
0x2e4: {  	v13 =	vld.idx.msk [tilespmem:v13+s13+$0x0], $0xffff;
	v12 =	vor.u32 v12, v1  }
0x2e5: {  	v3 =	vor.u32 v3, v1;
	v15 =	vld.idx.msk [tilespmem:v15+s13+$0x0], $0xffff  }
0x2e6: {  	v6 =	vor.u32 v6, v1;
	v9 =	vld.idx.msk [tilespmem:v9+s13+$0x0], $0xffff  }
0x2e7: {  	v14 =	vor.u32 v14, v1;
	v16 =	vld.idx.msk [tilespmem:v16+s13+$0x0], $0xffff  }
0x2e8: {  	v17 =	vor.u32 v17, v1;
	v5 =	vld.idx.msk [tilespmem:v5+s13+$0x0], $0xffff  }
0x2e9: {  	v18 =	vor.u32 v18, v0;
	v12 =	vld.idx.msk [tilespmem:v12+s13+$0x0], $0xffff  }
0x2ea: {  	v19 =	vor.u32 v19, v0;
	v3 =	vld.idx.msk [tilespmem:v3+s13+$0x0], $0xffff  }
0x2eb: {  	v20 =	vor.u32 v43, v0;
	v6 =	vld.idx.msk [tilespmem:v6+s13+$0x0], $0xffff  }
0x2ec: {  	v21 =	vor.u32 v21, v0;
	v14 =	vld.idx.msk [tilespmem:v14+s13+$0x0], $0xffff  }
0x2ed: {  	v17 =	vld.idx.msk [tilespmem:v17+s13+$0x0], $0xffff  }
0x2ee: {  	[tilespmem:v18+s15+$0x0] =	vst.idx.msk $0xffff, v12;
	v12 =	vld [tilespmem:$0x1F8A0]  }
0x2ef: {  	[tilespmem:v19+s15+$0x0] =	vst.idx.msk $0xffff, v3;
	v3 =	vld [tilespmem:$0x1F8B0]  }
0x2f0: {  	[tilespmem:v20+s15+$0x0] =	vst.idx.msk $0xffff, v6;
	v6 =	vld [tilespmem:$0x1F8C0]  }
0x2f1: {  	v22 =	vor.u32 v22, v0;
	[tilespmem:v21+s15+$0x0] =	vst.idx.msk $0xffff, v11;
	v11 =	vld [tilespmem:$0x1F8D0]  }
0x2f2: {  	v23 =	vor.u32 v23, v0  }
0x2f3: {  	v12 =	vor.u32 v12, v0  }
0x2f4: {  	v3 =	vor.u32 v3, v0  }
0x2f5: {  	v6 =	vor.u32 v6, v0  }
0x2f6: {  	[tilespmem:v22+s15+$0x0] =	vst.idx.msk $0xffff, v5;
	v11 =	vor.u32 v11, v0  }
0x2f7: {  	v5 =	vld [tilespmem:$0x1F8E0];
	[tilespmem:v23+s15+$0x0] =	vst.idx.msk $0xffff, v9  }
0x2f8: {  	v9 =	vld [tilespmem:$0x1F8F0];
	[tilespmem:v12+s15+$0x0] =	vst.idx.msk $0xffff, v8  }
0x2f9: {  	v8 =	vld [tilespmem:$0x1F900];
	[tilespmem:v3+s15+$0x0] =	vst.idx.msk $0xffff, v4  }
0x2fa: {  	v3 =	vld [tilespmem:$0x1F910];
	[tilespmem:v6+s15+$0x0] =	vst.idx.msk $0xffff, v10  }
0x2fb: {  	[tilespmem:v11+s15+$0x0] =	vst.idx.msk $0xffff, v2;
	v2 =	vld [tilespmem:$0x1F920]  }
0x2fc: {  	v5 =	vor.u32 v5, v0;
	v4 =	vld [tilespmem:$0x1FF40]  }
0x2fd: {  	v9 =	vor.u32 v9, v0  }
0x2fe: {  	v8 =	vor.u32 v8, v0  }
0x2ff: {  	v3 =	vor.u32 v3, v0  }
0x300: {  	v2 =	vor.u32 v2, v0  }
0x301: {  	[tilespmem:v5+s15+$0x0] =	vst.idx.msk $0xffff, v16;
	v4 =	vor.u32 v4, v0  }
0x302: {  	[tilespmem:v9+s15+$0x0] =	vst.idx.msk $0xffff, v17  }
0x303: {  	[tilespmem:v8+s15+$0x0] =	vst.idx.msk $0xffff, v15  }
0x304: {  	[tilespmem:v3+s15+$0x0] =	vst.idx.msk $0xffff, v14  }
0x305: {  	v5 =	vld [tilespmem:$0x1F710];
	[tilespmem:v2+s15+$0x0] =	vst.idx.msk $0xffff, v13  }
0x306: {  	[tilespmem:v4+s15+$0x0] =	vst.idx.msk $0xffff, v7;
	v4 =	vld [tilespmem:$0x1F6F0];
	_ =	sdelay $0x4  }
0x307: {  	v5 =	vor.u32 v5, v1;
	v9 =	vor.u32 v4, v1;
	v4 =	vld [tilespmem:$0x1F6E0];
	_ =	sdelay $0x4  }
0x308: {  	v10 =	vor.u32 v4, v1;
	v4 =	vld.idx.msk [tilespmem:v5+s13+$0x0], $0xffff  }
0x309: {  	v5 =	vld [tilespmem:$0x1F6B0];
	_ =	sdelay $0x4  }
0x30a: {  	v5 =	vor.u32 v5, v1;
	_ =	sdelay $0x1  }
0x30b: {  	v2 =	vld [tilespmem:$0x1F700];
	_ =	sdelay $0x2  }
0x30c: {  	v16 =	vld.idx.msk [tilespmem:v5+s13+$0x0], $0xffff  }
0x30d: {  	v5 =	vld [tilespmem:$0x1F760]  }
0x30e: {  	v2 =	vor.u32 v2, v1;
	_ =	sdelay $0x1  }
0x30f: {  	v12 =	vld [tilespmem:$0x1F6A0]  }
0x310: {  	v13 =	vld.idx.msk [tilespmem:v10+s13+$0x0], $0xffff  }
0x311: {  	v10 =	vor.u32 v5, v1;
	v5 =	vld [tilespmem:$0x1F750]  }
0x312: {  	v7 =	vld.idx.msk [tilespmem:v2+s13+$0x0], $0xffff  }
0x313: {  	v2 =	vld [tilespmem:$0x1F780];
	_ =	sdelay $0x2  }
0x314: {  	v14 =	vor.u32 v5, v1;
	v5 =	vld [tilespmem:$0x1F740]  }
0x315: {  	v12 =	vor.u32 v12, v1  }
0x316: {  	v2 =	vor.u32 v2, v1;
	_ =	sdelay $0x2  }
0x317: {  	v17 =	vor.u32 v5, v1  }
0x318: {  	v15 =	vld.idx.msk [tilespmem:v12+s13+$0x0], $0xffff  }
0x319: {  	v5 =	vld.idx.msk [tilespmem:v2+s13+$0x0], $0xffff  }
0x31a: {  	v2 =	vld [tilespmem:$0x1F730]  }
0x31b: {  	v12 =	vld.idx.msk [tilespmem:v14+s13+$0x0], $0xffff  }
0x31c: {  	v14 =	vld.idx.msk [tilespmem:v17+s13+$0x0], $0xffff  }
0x31d: {  	v17 =	vld [tilespmem:$0x1FF50];
	_ =	sdelay $0x1  }
0x31e: {  	v6 =	vld [tilespmem:$0x1F6C0];
	_ =	sdelay $0x1  }
0x31f: {  	v3 =	vld [tilespmem:$0x1F6D0]  }
0x320: {  	v18 =	vor.u32 v2, v1;
	v22 =	vor.u32 v17, v0;
	v17 =	vld [tilespmem:$0x1FF60];
	_ =	sdelay $0x1  }
0x321: {  	v6 =	vor.u32 v6, v1;
	_ =	sdelay $0x1  }
0x322: {  	v3 =	vor.u32 v3, v1;
	v2 =	vld [tilespmem:$0x1F720]  }
0x323: {  	v19 =	vor.u32 v17, v0;
	v17 =	vld.idx.msk [tilespmem:v18+s13+$0x0], $0xffff  }
0x324: {  	v18 =	vld [tilespmem:$0x1FF70]  }
0x325: {  	v11 =	vld.idx.msk [tilespmem:v6+s13+$0x0], $0xffff  }
0x326: {  	v6 =	vld [tilespmem:$0x1F770]  }
0x327: {  	v8 =	vld.idx.msk [tilespmem:v3+s13+$0x0], $0xffff  }
0x328: {  	v3 =	vld [tilespmem:$0x1F790]  }
0x329: {  	v21 =	vor.u32 v2, v1;
	v23 =	vor.u32 v18, v0;
	v18 =	vld [tilespmem:$0x1FF80];
	_ =	sdelay $0x3  }
0x32a: {  	v6 =	vor.u32 v6, v1;
	v2 =	vld [tilespmem:$0x1F940]  }
0x32b: {  	v3 =	vor.u32 v3, v1;
	v20 =	vor.u32 v18, v0;
	v18 =	vld.idx.msk [tilespmem:v21+s13+$0x0], $0xffff  }
0x32c: {  	v21 =	vld [tilespmem:$0x1F930];
	_ =	sdelay $0x1  }
0x32d: {  	v9 =	vld.idx.msk [tilespmem:v9+s13+$0x0], $0xffff  }
0x32e: {  	v6 =	vld.idx.msk [tilespmem:v6+s13+$0x0], $0xffff  }
0x32f: {  	v3 =	vld.idx.msk [tilespmem:v3+s13+$0x0], $0xffff  }
0x330: {  	s21 =	simm.s32 $0x10;
	v10 =	vld.idx.msk [tilespmem:v10+s13+$0x0], $0xffff;
	v2 =	vor.u32 v2, v0;
	v44 =	vmov v21;
	v21 =	vor.u32 v21, v0  }
.LBB2_7:
0x331: {  	_ =	sdelay $0x2  }
0x332: {  	[tilespmem:v22+s15+$0x0] =	vst.idx.msk $0xffff, v15;
	v15 =	vld [tilespmem:$0x1F950];
	_ =	sdelay $0x1  }
0x333: {  	[tilespmem:v19+s15+$0x0] =	vst.idx.msk $0xffff, v16  }
0x334: {  	[tilespmem:v23+s15+$0x0] =	vst.idx.msk $0xffff, v11;
	v11 =	vld [tilespmem:$0x1F960]  }
0x335: {  	v16 =	vld [tilespmem:$0x1F590]  }
0x336: {  	[tilespmem:v20+s15+$0x0] =	vst.idx.msk $0xffff, v8;
	v8 =	vld [tilespmem:$0x1F9D0];
	v15 =	vor.u32 v15, v0  }
0x337: {  	v19 =	vld [tilespmem:$0x1FB10]  }
0x338: {  	[tilespmem:v21+s15+$0x0] =	vst.idx.msk $0xffff, v13;
	v13 =	vld [tilespmem:$0x1F9E0]  }
0x339: {  	v20 =	vld [tilespmem:$0x1FB20];
	v11 =	vor.u32 v11, v0  }
0x33a: {  	[tilespmem:v2+s15+$0x0] =	vst.idx.msk $0xffff, v9;
	v2 =	vld [tilespmem:$0x1F9F0]  }
0x33b: {  	v8 =	vor.u32 v8, v0;
	[tilespmem:v15+s15+$0x0] =	vst.idx.msk $0xffff, v7;
	v7 =	vld [tilespmem:$0x1FA40]  }
0x33c: {  	v9 =	vld [tilespmem:$0x1FF90]  }
0x33d: {  	v13 =	vor.u32 v13, v0;
	v15 =	vld [tilespmem:$0x1F5A0]  }
0x33e: {  	[tilespmem:v11+s15+$0x0] =	vst.idx.msk $0xffff, v4;
	v4 =	vld [tilespmem:$0x1FA50]  }
0x33f: {  	v2 =	vor.u32 v2, v0;
	v11 =	vld [tilespmem:$0x1F7D0]  }
0x340: {  	[tilespmem:v8+s15+$0x0] =	vst.idx.msk $0xffff, v18;
	v8 =	vld [tilespmem:$0x1FA60];
	v7 =	vor.u32 v7, v0  }
0x341: {  	v18 =	vld [tilespmem:$0x1FB00]  }
0x342: {  	[tilespmem:v13+s15+$0x0] =	vst.idx.msk $0xffff, v17;
	v13 =	vld [tilespmem:$0x1F5C0]  }
0x343: {  	v17 =	vld [tilespmem:$0x1F580];
	v4 =	vor.u32 v4, v0  }
0x344: {  	[tilespmem:v2+s15+$0x0] =	vst.idx.msk $0xffff, v14;
	v2 =	vld [tilespmem:$0x1FFA0]  }
0x345: {  	v8 =	vor.u32 v8, v0;
	[tilespmem:v7+s15+$0x0] =	vst.idx.msk $0xffff, v12;
	v7 =	vld [tilespmem:$0x1F570]  }
0x346: {  	v14 =	vld [tilespmem:$0x1F5B0]  }
0x347: {  	v9 =	vor.u32 v9, v0;
	v12 =	vld [tilespmem:$0x1F7E0]  }
0x348: {  	[tilespmem:v4+s15+$0x0] =	vst.idx.msk $0xffff, v10;
	v4 =	vld [tilespmem:$0x1F560]  }
0x349: {  	v2 =	vor.u32 v2, v0;
	v10 =	vld [tilespmem:$0x1F7C0]  }
0x34a: {  	[tilespmem:v8+s15+$0x0] =	vst.idx.msk $0xffff, v6;
	v6 =	vld [tilespmem:$0x1F550];
	v7 =	vor.u32 v7, v1  }
0x34b: {  	v8 =	vld [tilespmem:$0x1F7A0]  }
0x34c: {  	v11 =	vor.u32 v11, v1;
	[tilespmem:v9+s15+$0x0] =	vst.idx.msk $0xffff, v5;
	v5 =	vld [tilespmem:$0x1F540]  }
0x34d: {  	v13 =	vor.u32 v13, v1;
	v9 =	vld [tilespmem:$0x1F7B0]  }
0x34e: {  	v14 =	vor.u32 v14, v1;
	[tilespmem:v2+s15+$0x0] =	vst.idx.msk $0xffff, v3;
	v2 =	vld [tilespmem:$0x1F530]  }
0x34f: {  	v15 =	vor.u32 v15, v1;
	v3 =	vld.idx.msk [tilespmem:v7+s13+$0x0], $0xffff  }
0x350: {  	v16 =	vor.u32 v16, v1;
	v7 =	vld [tilespmem:$0x1F520]  }
0x351: {  	v12 =	vor.u32 v12, v1;
	v11 =	vld.idx.msk [tilespmem:v11+s13+$0x0], $0xffff  }
0x352: {  	v13 =	vld.idx.msk [tilespmem:v13+s13+$0x0], $0xffff  }
0x353: {  	v14 =	vld.idx.msk [tilespmem:v14+s13+$0x0], $0xffff;
	v4 =	vor.u32 v4, v1;
	v10 =	vor.u32 v10, v1;
	v6 =	vor.u32 v6, v1  }
0x354: {  	v15 =	vld.idx.msk [tilespmem:v15+s13+$0x0], $0xffff;
	v8 =	vor.u32 v8, v1;
	v5 =	vor.u32 v5, v1;
	v9 =	vor.u32 v9, v1  }
0x355: {  	v16 =	vld.idx.msk [tilespmem:v16+s13+$0x0], $0xffff;
	v2 =	vor.u32 v2, v1;
	v7 =	vor.u32 v7, v1;
	v1 =	vor.u32 v17, v1  }
0x356: {  	v12 =	vld.idx.msk [tilespmem:v12+s13+$0x0], $0xffff  }
0x357: {  	v17 =	vld [tilespmem:$0x1FA90]  }
0x358: {  	v4 =	vld.idx.msk [tilespmem:v4+s13+$0x0], $0xffff  }
0x359: {  	v10 =	vld.idx.msk [tilespmem:v10+s13+$0x0], $0xffff  }
0x35a: {  	v21 =	vld.idx.msk [tilespmem:v1+s13+$0x0], $0xffff  }
0x35b: {  	v1 =	vld [tilespmem:$0x1FB60]  }
0x35c: {  	v8 =	vld.idx.msk [tilespmem:v8+s13+$0x0], $0xffff;
	v17 =	vor.u32 v17, v0  }
0x35d: {  	v18 =	vor.u32 v18, v0;
	v9 =	vld.idx.msk [tilespmem:v9+s13+$0x0], $0xffff  }
0x35e: {  	v19 =	vor.u32 v19, v0;
	v6 =	vld.idx.msk [tilespmem:v6+s13+$0x0], $0xffff  }
0x35f: {  	v20 =	vor.u32 v20, v0;
	v5 =	vld.idx.msk [tilespmem:v5+s13+$0x0], $0xffff  }
0x360: {  	v2 =	vld.idx.msk [tilespmem:v2+s13+$0x0], $0xffff;
	v1 =	vor.u32 v1, v0  }
0x361: {  	v7 =	vld.idx.msk [tilespmem:v7+s13+$0x0], $0xffff;
	[tilespmem:v17+s15+$0x0] =	vst.idx.msk $0xffff, v8  }
0x362: {  	[tilespmem:v18+s15+$0x0] =	vst.idx.msk $0xffff, v9  }
0x363: {  	[tilespmem:v19+s15+$0x0] =	vst.idx.msk $0xffff, v10  }
0x364: {  	v8 =	vld [tilespmem:$0x1FB70];
	[tilespmem:v20+s15+$0x0] =	vst.idx.msk $0xffff, v11  }
0x365: {  	[tilespmem:v1+s15+$0x0] =	vst.idx.msk $0xffff, v12;
	v1 =	vld [tilespmem:$0x1FFF0];
	_ =	sdelay $0x4  }
0x366: {  	v8 =	vor.u32 v8, v0;
	v12 =	vor.u32 v1, v0;
	v1 =	vld [tilespmem:$0x1FFB0];
	_ =	sdelay $0x1  }
0x367: {  	v9 =	vld [tilespmem:$0x1FFC0]  }
0x368: {  	v10 =	vld [tilespmem:$0x1FFD0];
	_ =	sdelay $0x1  }
0x369: {  	[tilespmem:v8+s15+$0x0] =	vst.idx.msk $0xffff, v13;
	v8 =	vor.u32 v1, v0;
	v1 =	vld [tilespmem:$0x1FC40];
	_ =	sdelay $0x1  }
0x36a: {  	v9 =	vor.u32 v9, v0  }
0x36b: {  	v10 =	vor.u32 v10, v0  }
0x36c: {  	v11 =	vld [tilespmem:$0x1FFE0]  }
0x36d: {  	v13 =	vor.u32 v1, v0;
	v1 =	vld [tilespmem:$0x1FBD0];
	_ =	sdelay $0x1  }
0x36e: {  	[tilespmem:v9+s15+$0x0] =	vst.idx.msk $0xffff, v14  }
0x36f: {  	[tilespmem:v10+s15+$0x0] =	vst.idx.msk $0xffff, v15;
	v10 =	vld [tilespmem:$0x1FBE0]  }
0x370: {  	v15 =	vld [tilespmem:$0x1FC20]  }
0x371: {  	v11 =	vor.u32 v11, v0;
	v9 =	vor.u32 v1, v0;
	v1 =	vld [tilespmem:$0x1FC30];
	_ =	sdelay $0x3  }
0x372: {  	v10 =	vor.u32 v10, v0  }
0x373: {  	s22 =	smov.u32 s21;
	v18 =	vlaneseq.u32;
	[tilespmem:v11+s15+$0x0] =	vst.idx.msk $0xffff, v16;
	v14 =	vor.u32 v1, v0;
	v0 =	vor.u32 v15, v0  }
0x374: {  	v17 =	vor.u32 s22, v18;
	[tilespmem:v12+s15+$0x0] =	vst.idx.msk $0xffff, v3  }
0x375: {  	[tilespmem:v8+s15+$0x0] =	vst.idx.msk $0xffff, v4;
	v1 =	vshll.u32 v17, $0x6  }
0x376: {  	[tilespmem:v9+s15+$0x0] =	vst.idx.msk $0xffff, v6;
	v8 =	vor.u32 v47, v1  }
0x377: {  	v3 =	vor.u32 v29, v1;
	[tilespmem:v10+s15+$0x0] =	vst.idx.msk $0xffff, v5  }
0x378: {  	v16 =	vor.u32 v27, v1;
	[tilespmem:v0+s15+$0x0] =	vst.idx.msk $0xffff, v2  }
0x379: {  	v11 =	vor.u32 v26, v1;
	[tilespmem:v14+s15+$0x0] =	vst.idx.msk $0xffff, v7  }
0x37a: {  	v10 =	vor.u32 v28, v1;
	[tilespmem:v13+s15+$0x0] =	vst.idx.msk $0xffff, v21  }
0x37b: {  	v12 =	vor.u32 v30, v1;
	v7 =	vld.idx.msk [tilespmem:v8+s13+$0x0], $0xffff  }
0x37c: {  	v6 =	vor.u32 v49, v1;
	v3 =	vld.idx.msk [tilespmem:v3+s13+$0x0], $0xffff  }
0x37d: {  	v5 =	vor.u32 v25, v1;
	v16 =	vld.idx.msk [tilespmem:v16+s13+$0x0], $0xffff  }
0x37e: {  	v15 =	vor.u32 v18, v1;
	v11 =	vld.idx.msk [tilespmem:v11+s13+$0x0], $0xffff  }
0x37f: {  	v18 =	vor.u32 v24, v1;
	v10 =	vld.idx.msk [tilespmem:v10+s13+$0x0], $0xffff  }
0x380: {  	v20 =	vor.u32 v45, v1;
	v12 =	vld.idx.msk [tilespmem:v12+s13+$0x0], $0xffff  }
0x381: {  	v4 =	vor.u32 v46, v1;
	v6 =	vld.idx.msk [tilespmem:v6+s13+$0x0], $0xffff  }
0x382: {  	v9 =	vor.u32 v51, v1;
	v5 =	vld.idx.msk [tilespmem:v5+s13+$0x0], $0xffff  }
0x383: {  	v0 =	vand.u32 $0x78, v17;
	v14 =	vor.u32 v50, v1;
	v15 =	vld.idx.msk [tilespmem:v15+s13+$0x0], $0xffff  }
0x384: {  	v63 =	vmov v55;
	v19 =	vor.u32 v55, v0;
	v13 =	vor.u32 v52, v1;
	v18 =	vld.idx.msk [tilespmem:v18+s13+$0x0], $0xffff  }
0x385: {  	v55 =	vmovc v47;
	v47 =	vmov v25;
	v25 =	vor.u32 v53, v0;
	v8 =	vor.u32 v48, v1;
	v20 =	vld.idx.msk [tilespmem:v20+s13+$0x0], $0xffff  }
0x386: {  	v17 =	vor.u32 v54, v0;
	v4 =	vld.idx.msk [tilespmem:v4+s13+$0x0], $0xffff  }
0x387: {  	v9 =	vld.idx.msk [tilespmem:v9+s13+$0x0], $0xffff  }
0x388: {  	v21 =	vor.u32 v56, v0;
	v14 =	vld.idx.msk [tilespmem:v14+s13+$0x0], $0xffff  }
0x389: {  	v22 =	vor.u32 v57, v0;
	v13 =	vld.idx.msk [tilespmem:v13+s13+$0x0], $0xffff  }
0x38a: {  	v8 =	vld.idx.msk [tilespmem:v8+s13+$0x0], $0xffff;
	[tilespmem:v25+s15+$0x0] =	vst.idx.msk $0xffff, v15  }
0x38b: {  	v23 =	vor.u32 v32, v0;
	[tilespmem:v17+s15+$0x0] =	vst.idx.msk $0xffff, v18;
	v18 =	vld [tilespmem:$0x1F600]  }
0x38c: {  	[tilespmem:v19+s15+$0x0] =	vst.idx.msk $0xffff, v5;
	v19 =	vld [tilespmem:$0x1F8B0]  }
0x38d: {  	v62 =	vmovc v54;
	v54 =	vmov v46;
	v46 =	vmov v24;
	v24 =	vor.u32 v33, v0;
	[tilespmem:v21+s15+$0x0] =	vst.idx.msk $0xffff, v11;
	v21 =	vld [tilespmem:$0x1F8C0]  }
0x38e: {  	v31 =	vmovc v48;
	v35 =	vmov v34;
	v36 =	vmov v58;
	v37 =	vmov v51;
	[tilespmem:v22+s15+$0x0] =	vst.idx.msk $0xffff, v16;
	v16 =	vld [tilespmem:$0x1FE70]  }
0x38f: {  	v38 =	vmovc v52;
	v51 =	vmovc v29;
	v29 =	vor.u32 v60, v0;
	v48 =	vmov v26;
	v26 =	vor.u32 v34, v0;
	v22 =	vld [tilespmem:$0x1F620]  }
0x390: {  	v52 =	vmovc v30;
	v30 =	vor.u32 v61, v0;
	v34 =	vmov v33;
	v33 =	vmov v32;
	[tilespmem:v23+s15+$0x0] =	vst.idx.msk $0xffff, v10;
	v10 =	vld [tilespmem:$0x1F5D0]  }
0x391: {  	v32 =	vmovc v57;
	v57 =	vmovc v49;
	v49 =	vmov v27;
	v27 =	vor.u32 v58, v0;
	v58 =	vmov v50;
	v23 =	vld [tilespmem:$0x1F8D0]  }
0x392: {  	v50 =	vmov v28;
	v28 =	vor.u32 v59, v0;
	v15 =	vor.u32 v39, v0;
	[tilespmem:v24+s15+$0x0] =	vst.idx.msk $0xffff, v3;
	v3 =	vld [tilespmem:$0x1FED0]  }
0x393: {  	v17 =	vor.u32 v40, v0;
	v5 =	vor.u32 v41, v0;
	v11 =	vor.u32 v42, v0;
	v24 =	vld [tilespmem:$0x1F8E0]  }
0x394: {  	[tilespmem:v26+s15+$0x0] =	vst.idx.msk $0xffff, v12;
	v12 =	vor.u32 v43, v0;
	v26 =	vld [tilespmem:$0x1F680];
	v43 =	vmov v42;
	v42 =	vmov v41  }
0x395: {  	v41 =	vmovc v40;
	v40 =	vmovc v39;
	v39 =	vmov v61;
	v61 =	vmov v53;
	v53 =	vmov v45;
	v45 =	vld [tilespmem:$0x1F650]  }
0x396: {  	[tilespmem:v27+s15+$0x0] =	vst.idx.msk $0xffff, v20;
	v20 =	vld [tilespmem:$0x1F5F0]  }
0x397: {  	[tilespmem:v28+s15+$0x0] =	vst.idx.msk $0xffff, v4;
	v4 =	vld [tilespmem:$0x1F850]  }
0x398: {  	v28 =	vld [tilespmem:$0x1F670]  }
0x399: {  	[tilespmem:v29+s15+$0x0] =	vst.idx.msk $0xffff, v7;
	v7 =	vld [tilespmem:$0x1F630]  }
0x39a: {  	v29 =	vld [tilespmem:$0x1F660]  }
0x39b: {  	[tilespmem:v30+s15+$0x0] =	vst.idx.msk $0xffff, v8;
	v8 =	vld [tilespmem:$0x1F860]  }
0x39c: {  	v30 =	vld [tilespmem:$0x1F640]  }
0x39d: {  	[tilespmem:v15+s15+$0x0] =	vst.idx.msk $0xffff, v6;
	v6 =	vld [tilespmem:$0x1FEA0]  }
0x39e: {  	v15 =	vld [tilespmem:$0x1F870]  }
0x39f: {  	[tilespmem:v17+s15+$0x0] =	vst.idx.msk $0xffff, v14;
	v14 =	vld [tilespmem:$0x1F610]  }
0x3a0: {  	v3 =	vor.u32 v3, v1;
	v17 =	vld [tilespmem:$0x1F8A0]  }
0x3a1: {  	v18 =	vor.u32 v18, v1;
	[tilespmem:v5+s15+$0x0] =	vst.idx.msk $0xffff, v9;
	v5 =	vld [tilespmem:$0x1F880]  }
0x3a2: {  	v22 =	vor.u32 v22, v1;
	v9 =	vld [tilespmem:$0x1F5E0]  }
0x3a3: {  	v10 =	vor.u32 v10, v1;
	[tilespmem:v11+s15+$0x0] =	vst.idx.msk $0xffff, v13;
	v11 =	vld [tilespmem:$0x1F890]  }
0x3a4: {  	v16 =	vor.u32 v16, v1;
	v13 =	vld [tilespmem:$0x1F690]  }
0x3a5: {  	v26 =	vor.u32 v26, v1;
	v3 =	vld.idx.msk [tilespmem:v3+s13+$0x0], $0xffff  }
0x3a6: {  	v45 =	vor.u32 v45, v1;
	v18 =	vld.idx.msk [tilespmem:v18+s13+$0x0], $0xffff  }
0x3a7: {  	v20 =	vor.u32 v20, v1;
	v22 =	vld.idx.msk [tilespmem:v22+s13+$0x0], $0xffff  }
0x3a8: {  	v28 =	vor.u32 v28, v1;
	v10 =	vld.idx.msk [tilespmem:v10+s13+$0x0], $0xffff  }
0x3a9: {  	v7 =	vor.u32 v7, v1;
	v16 =	vld.idx.msk [tilespmem:v16+s13+$0x0], $0xffff  }
0x3aa: {  	v29 =	vor.u32 v29, v1;
	v26 =	vld.idx.msk [tilespmem:v26+s13+$0x0], $0xffff  }
0x3ab: {  	v6 =	vor.u32 v6, v1;
	v45 =	vld.idx.msk [tilespmem:v45+s13+$0x0], $0xffff  }
0x3ac: {  	v30 =	vor.u32 v30, v1;
	v20 =	vld.idx.msk [tilespmem:v20+s13+$0x0], $0xffff  }
0x3ad: {  	v14 =	vor.u32 v14, v1;
	v28 =	vld.idx.msk [tilespmem:v28+s13+$0x0], $0xffff  }
0x3ae: {  	v9 =	vor.u32 v9, v1;
	v7 =	vld.idx.msk [tilespmem:v7+s13+$0x0], $0xffff  }
0x3af: {  	v4 =	vor.u32 v4, v0;
	v13 =	vor.u32 v13, v1;
	v29 =	vld.idx.msk [tilespmem:v29+s13+$0x0], $0xffff  }
0x3b0: {  	v8 =	vor.u32 v8, v0;
	v6 =	vld.idx.msk [tilespmem:v6+s13+$0x0], $0xffff  }
0x3b1: {  	v30 =	vld.idx.msk [tilespmem:v30+s13+$0x0], $0xffff  }
0x3b2: {  	v15 =	vor.u32 v15, v0;
	v14 =	vld.idx.msk [tilespmem:v14+s13+$0x0], $0xffff  }
0x3b3: {  	v5 =	vor.u32 v5, v0;
	v9 =	vld.idx.msk [tilespmem:v9+s13+$0x0], $0xffff  }
0x3b4: {  	v11 =	vor.u32 v11, v0;
	v13 =	vld.idx.msk [tilespmem:v13+s13+$0x0], $0xffff;
	[tilespmem:v4+s15+$0x0] =	vst.idx.msk $0xffff, v16  }
0x3b5: {  	v25 =	vld [tilespmem:$0x1F8F0];
	v17 =	vor.u32 v17, v0;
	[tilespmem:v8+s15+$0x0] =	vst.idx.msk $0xffff, v6  }
0x3b6: {  	v19 =	vor.u32 v19, v0;
	v27 =	vld [tilespmem:$0x1F900];
	[tilespmem:v12+s15+$0x0] =	vst.idx.msk $0xffff, v3  }
0x3b7: {  	v21 =	vor.u32 v21, v0;
	v3 =	vld [tilespmem:$0x1F910];
	[tilespmem:v15+s15+$0x0] =	vst.idx.msk $0xffff, v10  }
0x3b8: {  	v23 =	vor.u32 v23, v0;
	v4 =	vld [tilespmem:$0x1F920];
	[tilespmem:v5+s15+$0x0] =	vst.idx.msk $0xffff, v9  }
0x3b9: {  	v24 =	vor.u32 v24, v0;
	[tilespmem:v11+s15+$0x0] =	vst.idx.msk $0xffff, v20  }
0x3ba: {  	v25 =	vor.u32 v25, v0;
	[tilespmem:v17+s15+$0x0] =	vst.idx.msk $0xffff, v18  }
0x3bb: {  	v27 =	vor.u32 v27, v0;
	[tilespmem:v19+s15+$0x0] =	vst.idx.msk $0xffff, v14  }
0x3bc: {  	v3 =	vor.u32 v3, v0;
	[tilespmem:v21+s15+$0x0] =	vst.idx.msk $0xffff, v22  }
0x3bd: {  	v4 =	vor.u32 v4, v0;
	[tilespmem:v23+s15+$0x0] =	vst.idx.msk $0xffff, v7  }
0x3be: {  	[tilespmem:v24+s15+$0x0] =	vst.idx.msk $0xffff, v30  }
0x3bf: {  	[tilespmem:v25+s15+$0x0] =	vst.idx.msk $0xffff, v45  }
0x3c0: {  	v30 =	vmov v52;
	v52 =	vmov v38;
	v38 =	vld [tilespmem:$0x1FF40];
	[tilespmem:v27+s15+$0x0] =	vst.idx.msk $0xffff, v29  }
0x3c1: {  	v7 =	vld [tilespmem:$0x1F6C0];
	[tilespmem:v3+s15+$0x0] =	vst.idx.msk $0xffff, v28  }
0x3c2: {  	[tilespmem:v4+s15+$0x0] =	vst.idx.msk $0xffff, v26;
	v4 =	vld [tilespmem:$0x1F700];
	_ =	sdelay $0x2  }
0x3c3: {  	v5 =	vor.u32 v38, v0  }
0x3c4: {  	v7 =	vor.u32 v7, v1  }
0x3c5: {  	v9 =	vor.u32 v4, v1  }
0x3c6: {  	v4 =	vld [tilespmem:$0x1F6F0];
	_ =	sdelay $0x1  }
0x3c7: {  	[tilespmem:v5+s15+$0x0] =	vst.idx.msk $0xffff, v13  }
0x3c8: {  	v11 =	vld.idx.msk [tilespmem:v7+s13+$0x0], $0xffff  }
0x3c9: {  	v7 =	vld.idx.msk [tilespmem:v9+s13+$0x0], $0xffff  }
0x3ca: {  	v5 =	vor.u32 v4, v1;
	v9 =	vld [tilespmem:$0x1F780];
	_ =	sdelay $0x4  }
0x3cb: {  	v12 =	vor.u32 v9, v1;
	v9 =	vld.idx.msk [tilespmem:v5+s13+$0x0], $0xffff  }
0x3cc: {  	v5 =	vld [tilespmem:$0x1F770];
	_ =	sdelay $0x1  }
0x3cd: {  	v6 =	vld [tilespmem:$0x1F710];
	_ =	sdelay $0x1  }
0x3ce: {  	v4 =	vld [tilespmem:$0x1F6E0]  }
0x3cf: {  	v14 =	vor.u32 v5, v1;
	v5 =	vld [tilespmem:$0x1F6A0];
	_ =	sdelay $0x1  }
0x3d0: {  	v6 =	vor.u32 v6, v1  }
0x3d1: {  	v3 =	vld [tilespmem:$0x1F6D0]  }
0x3d2: {  	v10 =	vor.u32 v4, v1  }
0x3d3: {  	v15 =	vor.u32 v5, v1;
	v5 =	vld [tilespmem:$0x1F760];
	_ =	sdelay $0x1  }
0x3d4: {  	v4 =	vld.idx.msk [tilespmem:v6+s13+$0x0], $0xffff  }
0x3d5: {  	v3 =	vor.u32 v3, v1;
	v6 =	vld [tilespmem:$0x1F6B0]  }
0x3d6: {  	v13 =	vld.idx.msk [tilespmem:v10+s13+$0x0], $0xffff  }
0x3d7: {  	v10 =	vor.u32 v5, v1;
	v5 =	vld [tilespmem:$0x1F750]  }
0x3d8: {  	v2 =	vld [tilespmem:$0x1F940]  }
0x3d9: {  	v24 =	vmov v46;
	v46 =	vmov v54;
	v54 =	vmov v62;
	v62 =	vld [tilespmem:$0x1FF60]  }
0x3da: {  	v8 =	vld.idx.msk [tilespmem:v3+s13+$0x0], $0xffff;
	v6 =	vor.u32 v6, v1  }
0x3db: {  	v3 =	vld [tilespmem:$0x1F790]  }
0x3dc: {  	v45 =	vmov v53;
	v53 =	vmov v61;
	v17 =	vor.u32 v5, v1;
	v5 =	vld [tilespmem:$0x1F740]  }
0x3dd: {  	v61 =	vmovc v39;
	v39 =	vmovc v40;
	v40 =	vmov v41;
	v41 =	vmov v42;
	v42 =	vmov v43;
	v43 =	vld [tilespmem:$0x1FF30]  }
0x3de: {  	v25 =	vmov v47;
	v47 =	vmov v55;
	v55 =	vmov v63;
	v63 =	vld [tilespmem:$0x1FF80]  }
0x3df: {  	v16 =	vld.idx.msk [tilespmem:v6+s13+$0x0], $0xffff  }
0x3e0: {  	v3 =	vor.u32 v3, v1;
	v6 =	vld [tilespmem:$0x1F730]  }
0x3e1: {  	v18 =	vor.u32 v5, v1;
	v5 =	vld.idx.msk [tilespmem:v12+s13+$0x0], $0xffff  }
0x3e2: {  	v12 =	vld [tilespmem:$0x1F720]  }
0x3e3: {  	v29 =	vmov v51;
	v51 =	vmov v37;
	v37 =	vld [tilespmem:$0x1FF70];
	v27 =	vmov v49  }
0x3e4: {  	v49 =	vmovc v57;
	v57 =	vmovc v32;
	v32 =	vmov v33;
	v33 =	vmov v34;
	v34 =	vmov v35;
	v35 =	vld [tilespmem:$0x1FF50]  }
0x3e5: {  	v3 =	vld.idx.msk [tilespmem:v3+s13+$0x0], $0xffff  }
0x3e6: {  	v20 =	vor.u32 v6, v1;
	v6 =	vld.idx.msk [tilespmem:v14+s13+$0x0], $0xffff  }
0x3e7: {  	p0 =	sne.s32 s21, $0x70;
	v15 =	vld.idx.msk [tilespmem:v15+s13+$0x0], $0xffff;
	v21 =	vor.u32 v12, v1  }
.Ltmp2:
0x3e8: {  	v10 =	vld.idx.msk [tilespmem:v10+s13+$0x0], $0xffff;
	(pc) =	sbr.rel @p0 .LBB2_7-.Ltmp2, $4  }
0x3e9: {  	v12 =	vld.idx.msk [tilespmem:v17+s13+$0x0], $0xffff  }
0x3ea: {  	v2 =	vor.u32 v2, v0;
	v28 =	vmovc v50;
	v50 =	vmov v58;
	v58 =	vmov v36;
	v14 =	vld.idx.msk [tilespmem:v18+s13+$0x0], $0xffff  }
0x3eb: {  	v26 =	vmovc v48;
	v48 =	vmov v31;
	v19 =	vor.u32 v62, v0;
	v22 =	vor.u32 v35, v0;
	v17 =	vld.idx.msk [tilespmem:v20+s13+$0x0], $0xffff  }
0x3ec: {  	s21 =	sadd.s32 $0x10, s21;
	v23 =	vor.u32 v37, v0;
	v20 =	vor.u32 v63, v0;
	v18 =	vld.idx.msk [tilespmem:v21+s13+$0x0], $0xffff;
	v21 =	vor.u32 v44, v0  }
0x3ed: {  	v43 =	vld [tilespmem:$0x1F950]  }
0x3ee: {  	v44 =	vld [tilespmem:$0x1F960];
	_ =	sdelay $0x2  }
0x3ef: {  	[tilespmem:v22+s15+$0x0] =	vst.idx.msk $0xffff, v15  }
0x3f0: {  	[tilespmem:v19+s15+$0x0] =	vst.idx.msk $0xffff, v16;
	v15 =	vor.u32 v43, v0  }
0x3f1: {  	[tilespmem:v23+s15+$0x0] =	vst.idx.msk $0xffff, v11;
	v11 =	vor.u32 v44, v0  }
0x3f2: {  	v62 =	vld [tilespmem:$0x1F9D0];
	[tilespmem:v20+s15+$0x0] =	vst.idx.msk $0xffff, v8  }
0x3f3: {  	v63 =	vld [tilespmem:$0x1F9E0];
	[tilespmem:v21+s15+$0x0] =	vst.idx.msk $0xffff, v13  }
0x3f4: {  	[tilespmem:v2+s15+$0x0] =	vst.idx.msk $0xffff, v9;
	v2 =	vld [tilespmem:$0x1F9F0]  }
0x3f5: {  	[tilespmem:v15+s15+$0x0] =	vst.idx.msk $0xffff, v7;
	v7 =	vld [tilespmem:$0x1FA40]  }
0x3f6: {  	[tilespmem:v11+s15+$0x0] =	vst.idx.msk $0xffff, v4;
	v4 =	vld [tilespmem:$0x1FA50]  }
0x3f7: {  	v8 =	vor.u32 v62, v0  }
0x3f8: {  	v13 =	vor.u32 v63, v0  }
0x3f9: {  	v2 =	vor.u32 v2, v0  }
0x3fa: {  	v7 =	vor.u32 v7, v0  }
0x3fb: {  	v4 =	vor.u32 v4, v0  }
0x3fc: {  	[tilespmem:v8+s15+$0x0] =	vst.idx.msk $0xffff, v18  }
0x3fd: {  	v16 =	vld [tilespmem:$0x1FA60];
	[tilespmem:v13+s15+$0x0] =	vst.idx.msk $0xffff, v17  }
0x3fe: {  	v38 =	vld [tilespmem:$0x1FF90];
	[tilespmem:v2+s15+$0x0] =	vst.idx.msk $0xffff, v14  }
0x3ff: {  	v19 =	vld [tilespmem:$0x1FFA0];
	[tilespmem:v7+s15+$0x0] =	vst.idx.msk $0xffff, v12  }
0x400: {  	[tilespmem:v4+s15+$0x0] =	vst.idx.msk $0xffff, v10;
	v4 =	vld [tilespmem:$0x1F560];
	_ =	sdelay $0x1  }
0x401: {  	v8 =	vor.u32 v16, v0  }
0x402: {  	v18 =	vor.u32 v38, v0  }
0x403: {  	v2 =	vor.u32 v19, v0  }
0x404: {  	v22 =	vld [tilespmem:$0x1F7A0];
	v4 =	vor.u32 v4, v1;
	_ =	sdelay $0x1  }
0x405: {  	[tilespmem:v8+s15+$0x0] =	vst.idx.msk $0xffff, v6  }
0x406: {  	[tilespmem:v18+s15+$0x0] =	vst.idx.msk $0xffff, v5  }
0x407: {  	[tilespmem:v2+s15+$0x0] =	vst.idx.msk $0xffff, v3  }
0x408: {  	v8 =	vor.u32 v22, v1;
	v22 =	vld.idx.msk [tilespmem:v4+s13+$0x0], $0xffff  }
0x409: {  	v4 =	vld [tilespmem:$0x1F7B0];
	_ =	sdelay $0x3  }
0x40a: {  	v2 =	vld [tilespmem:$0x1F530]  }
0x40b: {  	v23 =	vor.u32 v4, v1;
	v4 =	vld [tilespmem:$0x1F7C0];
	_ =	sdelay $0x4  }
0x40c: {  	v2 =	vor.u32 v2, v1;
	v35 =	vor.u32 v4, v1;
	v4 =	vld [tilespmem:$0x1F7D0];
	_ =	sdelay $0x4  }
0x40d: {  	v36 =	vor.u32 v4, v1;
	v4 =	vld.idx.msk [tilespmem:v2+s13+$0x0], $0xffff  }
0x40e: {  	v2 =	vld [tilespmem:$0x1F7E0];
	_ =	sdelay $0x4  }
0x40f: {  	v37 =	vor.u32 v2, v1;
	v2 =	vld [tilespmem:$0x1F5C0]  }
0x410: {  	v7 =	vld [tilespmem:$0x1F570];
	_ =	sdelay $0x1  }
0x411: {  	v6 =	vld [tilespmem:$0x1F550]  }
0x412: {  	v5 =	vld [tilespmem:$0x1F540]  }
0x413: {  	v38 =	vor.u32 v2, v1;
	v2 =	vld [tilespmem:$0x1F5B0]  }
0x414: {  	v7 =	vor.u32 v7, v1;
	_ =	sdelay $0x1  }
0x415: {  	v17 =	vld [tilespmem:$0x1FFE0];
	v6 =	vor.u32 v6, v1  }
0x416: {  	v8 =	vld.idx.msk [tilespmem:v8+s13+$0x0], $0xffff;
	v5 =	vor.u32 v5, v1  }
0x417: {  	v43 =	vor.u32 v2, v1;
	v2 =	vld [tilespmem:$0x1F5A0]  }
0x418: {  	v3 =	vld.idx.msk [tilespmem:v7+s13+$0x0], $0xffff  }
0x419: {  	v7 =	vld [tilespmem:$0x1F520]  }
0x41a: {  	v6 =	vld.idx.msk [tilespmem:v6+s13+$0x0], $0xffff  }
0x41b: {  	v5 =	vld.idx.msk [tilespmem:v5+s13+$0x0], $0xffff  }
0x41c: {  	v44 =	vor.u32 v2, v1;
	v2 =	vld [tilespmem:$0x1F590]  }
0x41d: {  	v9 =	vld.idx.msk [tilespmem:v23+s13+$0x0], $0xffff  }
0x41e: {  	v10 =	vld.idx.msk [tilespmem:v35+s13+$0x0], $0xffff  }
0x41f: {  	v35 =	vld [tilespmem:$0x1FB00]  }
0x420: {  	v11 =	vld.idx.msk [tilespmem:v36+s13+$0x0], $0xffff  }
0x421: {  	v62 =	vor.u32 v2, v1;
	v2 =	vld [tilespmem:$0x1F580]  }
0x422: {  	v36 =	vld [tilespmem:$0x1FB10]  }
0x423: {  	v12 =	vld.idx.msk [tilespmem:v37+s13+$0x0], $0xffff  }
0x424: {  	v37 =	vld [tilespmem:$0x1FB20]  }
0x425: {  	v13 =	vld.idx.msk [tilespmem:v38+s13+$0x0], $0xffff  }
0x426: {  	v7 =	vor.u32 v7, v1;
	v1 =	vor.u32 v2, v1;
	v2 =	vld [tilespmem:$0x1FA90]  }
0x427: {  	v38 =	vld [tilespmem:$0x1FB60]  }
0x428: {  	v14 =	vld.idx.msk [tilespmem:v43+s13+$0x0], $0xffff  }
0x429: {  	v43 =	vld [tilespmem:$0x1FB70]  }
0x42a: {  	v15 =	vld.idx.msk [tilespmem:v44+s13+$0x0], $0xffff  }
0x42b: {  	v44 =	vld [tilespmem:$0x1FFC0];
	v63 =	vor.u32 v2, v0  }
0x42c: {  	v18 =	vor.u32 v35, v0;
	v16 =	vld.idx.msk [tilespmem:v62+s13+$0x0], $0xffff  }
0x42d: {  	v19 =	vor.u32 v36, v0;
	v62 =	vld [tilespmem:$0x1FFD0]  }
0x42e: {  	v7 =	vld.idx.msk [tilespmem:v7+s13+$0x0], $0xffff;
	v20 =	vor.u32 v37, v0  }
0x42f: {  	v36 =	vld [tilespmem:$0x1FFF0];
	v21 =	vor.u32 v38, v0  }
0x430: {  	v1 =	vld.idx.msk [tilespmem:v1+s13+$0x0], $0xffff;
	[tilespmem:v63+s15+$0x0] =	vst.idx.msk $0xffff, v8;
	v8 =	vor.u32 v43, v0  }
0x431: {  	[tilespmem:v18+s15+$0x0] =	vst.idx.msk $0xffff, v9;
	v9 =	vor.u32 v44, v0  }
0x432: {  	v63 =	vor.u32 v62, v0;
	v44 =	vld [tilespmem:$0x1FFB0];
	[tilespmem:v19+s15+$0x0] =	vst.idx.msk $0xffff, v10  }
0x433: {  	v35 =	vor.u32 v17, v0;
	[tilespmem:v20+s15+$0x0] =	vst.idx.msk $0xffff, v11  }
0x434: {  	v37 =	vor.u32 v36, v0;
	[tilespmem:v21+s15+$0x0] =	vst.idx.msk $0xffff, v12  }
0x435: {  	[tilespmem:v8+s15+$0x0] =	vst.idx.msk $0xffff, v13  }
0x436: {  	v43 =	vld [tilespmem:$0x1FBD0];
	[tilespmem:v9+s15+$0x0] =	vst.idx.msk $0xffff, v14  }
0x437: {  	v38 =	vor.u32 v44, v0;
	v44 =	vld [tilespmem:$0x1FBE0];
	[tilespmem:v63+s15+$0x0] =	vst.idx.msk $0xffff, v15  }
0x438: {  	v62 =	vld [tilespmem:$0x1FC20];
	[tilespmem:v35+s15+$0x0] =	vst.idx.msk $0xffff, v16  }
0x439: {  	[tilespmem:v37+s15+$0x0] =	vst.idx.msk $0xffff, v3;
	v3 =	vld [tilespmem:$0x1FC30]  }
0x43a: {  	v63 =	vld [tilespmem:$0x1FC40]  }
0x43b: {  	v9 =	vor.u32 v43, v0  }
0x43c: {  	v10 =	vor.u32 v44, v0  }
0x43d: {  	v11 =	vor.u32 v62, v0  }
0x43e: {  	v3 =	vor.u32 v3, v0  }
0x43f: {  	s19 =	sadd.s32 $0x1, s19;
	[tilespmem:v38+s15+$0x0] =	vst.idx.msk $0xffff, v22;
	v0 =	vor.u32 v63, v0  }
0x440: {  	p0 =	sne.s32 s19, $0xD;
	[tilespmem:v9+s15+$0x0] =	vst.idx.msk $0xffff, v6  }
.Ltmp3:
0x441: {  	s20 =	sshll.u32 s20, $0x12;
	[tilespmem:v10+s15+$0x0] =	vst.idx.msk $0xffff, v5;
	(pc) =	sbr.rel @p0 .LBB2_4-.Ltmp3, $4  }
0x442: {  	s20 =	sor.u32 s4, s20;
	[tilespmem:v11+s15+$0x0] =	vst.idx.msk $0xffff, v4  }
0x443: {  	s20 =	sshrl.u32 s20, $0x3;
	v4 =	vld [tilespmem:$0x1FB50];
	[tilespmem:v3+s15+$0x0] =	vst.idx.msk $0xffff, v7  }
0x444: {  	s20 =	sadd.s32 s5, s20;
	[tilespmem:v0+s15+$0x0] =	vst.idx.msk $0xffff, v1;
	v1 =	vld [tilespmem:$0x1FF10]  }
0x445: {  	v0 =	vld [tilespmem:$0x1FF20];
	[hbm4b:s20+s8] =	stream.strided.scatter [tilespmem:s15], [sflag:$0x3], $0x2000, s9, s8, $0x38  }
0x446: {  	s18 =	sadd.s32 $0x1, s18  }
0x447: {  	_ =	swait.ge [sflag:s16], $0x2000;
	p0 =	sne.s32 s18, s7  }
.Ltmp4:
0x448: {  	[sflag:s16] =	ssyncset.done $0x0;
	(pc) =	sbr.rel @p0 .LBB2_1-.Ltmp4, $4  }
0x449: {  	[sflag:s16] =	ssyncadd.s32 $0xFFFFE000  }
0x44a: {  	_ =	swait.ge [sflag:s17], $0x2000  }
0x44b: {  	[sflag:s17] =	ssyncset.done $0x0  }
0x44c: {  	v11 =	vmov v1;
	v23 =	vmov v0;
	[sflag:s17] =	ssyncadd.s32 $0xFFFFE000  }
0x44d: {  	_ =	sfence.sel $0x180000  }
0x44e: {  	[bflag:$0x0] =	sbarrier.arrive $0xFFFF  }
0x44f: {  	p0 =	sne.s32 s1, $0x0;
	_ =	strace $0x90000047  }
0x450: {  	s0 =	sadd.s32 @!p0 $0x100000, s3;
	[bflag:$0x2] =	sbarrier.arrive $0xFFFF  }
0x451: {  	[sflag:s0] =	ssyncadd.tile.s32 @!p0 $0x1;
	_ =	shalt  }
.Lfunc_end2:
_tile_overlayer_lowered:
.L_overlay_start_2:
0x452: {  	(tag) =	ssettag $0x2  }
0x453: {  	s0 =	rddreg [dreg:$0x0];
	s2 =	stileid.u32  }
0x454: {  	s1 =	rddreg [dreg:$0x1];
	p0 =	sne.s32 s2, $0x0  }
0x455: {  	s3 =	rddreg [dreg:$0x2];
	[bflag:$0x3] =	sbarrier.arrive $0xFFFF;
	s2 =	simm.s32 @!p0 $0x1C04  }
0x456: {  	[timem:s3], [sflag:s2] =	dma.local @!p0 [hbm:s0], s1  }
0x457: {  	s0 =	simm.s32 @!p0 $0x4  }
0x458: {  	_ =	swait.ge @!p0 [sflag:s0], s1  }
0x459: {  	s1 =	ssub.s32 @!p0 $0x0, s1;
	[sflag:s0] =	ssyncset.done @!p0 $0x0  }
0x45a: {  	[sflag:s0] =	ssyncadd.s32 @!p0 s1  }
0x45b: {  	[bflag:$0x3] =	sbarrier.arrive $0xFFFF  }
0x45c: {  	_ =	shalt  }

</sc_bundles>
